<compile_context>
chip_gen: v7x
topology: tpu7x:2x2x1
jax: 0.10.2.dev20260603
libtpu: 0.0.44.dev20260713+nightly
codegen_flags: <defaults>
</compile_context>

<pallas_src>
import functools

import jax
import jax.numpy as jnp
from jax import lax
from jax.experimental import pallas as pl
from jax.experimental.pallas import tpu as pltpu
from jax.experimental.pallas import tpu_sc as plsc

B = 4096
S = 200
D_F0 = 64
NUM_PHONES = 100
NUM_MIDI = 128
D_OUT = 192
MIDI_BASE = D_F0 * NUM_PHONES

NUM_WORKERS = 32
BC = B // NUM_WORKERS
NBCH = BC // 16
HALVES = ((0, 96), (96, 104))
SH_MAX = 104
DBLK = 2
NDBLK = D_F0 // DBLK


def _sc_encoder(f0t_hbm, pht_hbm, mdt_hbm, tbl_hbm, wb_hbm, out_hbm,
                tbl_v, wb_v, f0_v, ph_v, md_v, sl0, sl1, sem0, sem1):
    wid = lax.axis_index("s") * 2 + lax.axis_index("c")
    bc0 = wid * BC

    pltpu.sync_copy(tbl_hbm, tbl_v)
    pltpu.sync_copy(wb_hbm, wb_v)

    slabs = (sl0, sl1)
    sems = (sem0, sem1)

    for sh0, sh in HALVES:
        pltpu.sync_copy(f0t_hbm.at[pl.ds(sh0, sh), pl.ds(bc0, BC)],
                        f0_v.at[pl.ds(0, sh), :])
        pltpu.sync_copy(pht_hbm.at[pl.ds(sh0, sh), pl.ds(bc0, BC)],
                        ph_v.at[pl.ds(0, sh), :])
        pltpu.sync_copy(mdt_hbm.at[pl.ds(sh0, sh), pl.ds(bc0, BC)],
                        md_v.at[pl.ds(0, sh), :])

        for sec in range(3):
            dbase = sec * D_F0

            def blk_body(i2, c, sec=sec, dbase=dbase, sh0=sh0, sh=sh):
                for j in (0, 1):
                    dblk = i2 * 2 + j
                    d0 = dbase + dblk * DBLK
                    slab = slabs[j]
                    sem = sems[j]

                    @pl.when(dblk >= 2)
                    def _():
                        pltpu.make_async_copy(
                            slab.at[:, pl.ds(0, sh), :],
                            out_hbm.at[pl.ds(d0 - 2 * DBLK, DBLK),
                                       pl.ds(sh0, sh), pl.ds(bc0, BC)],
                            sem,
                        ).wait()

                    if sec == 0:
                        wvs, bvs = [], []
                        for p in range(DBLK):
                            dv = jnp.full((16,), d0 + p, dtype=jnp.int32)
                            wvs.append(plsc.load_gather(wb_v, [dv]))
                            bvs.append(plsc.load_gather(wb_v, [dv + D_F0]))

                        def row_f0(si, c2, wvs=wvs, bvs=bvs, slab=slab):
                            fcs = [f0_v[si, pl.ds(k * 16, 16)]
                                   for k in range(NBCH)]
                            for p in range(DBLK):
                                for k in range(NBCH):
                                    slab[p, si, pl.ds(k * 16, 16)] = (
                                        fcs[k] * wvs[p] + bvs[p]
                                    )
                            return c2

                        lax.fori_loop(0, sh, row_f0, 0)
                    else:
                        lbl_v = ph_v if sec == 1 else md_v
                        stride = NUM_PHONES if sec == 1 else NUM_MIDI
                        tb = 0 if sec == 1 else MIDI_BASE
                        drel0 = d0 - dbase

                        def row_tbl(si, c2, lbl_v=lbl_v, stride=stride,
                                    tb=tb, drel0=drel0, slab=slab):
                            lcs = [lbl_v[si, pl.ds(k * 16, 16)]
                                   for k in range(NBCH)]
                            gs = []
                            for p in range(DBLK):
                                off = tb + (drel0 + p) * stride
                                for k in range(NBCH):
                                    gs.append(plsc.load_gather(
                                        tbl_v, [lcs[k] + off]))
                            for p in range(DBLK):
                                for k in range(NBCH):
                                    slab[p, si, pl.ds(k * 16, 16)] = (
                                        gs[p * NBCH + k]
                                    )
                            return c2

                        lax.fori_loop(0, sh, row_tbl, 0)

                    pltpu.async_copy(
                        slab.at[:, pl.ds(0, sh), :],
                        out_hbm.at[pl.ds(d0, DBLK), pl.ds(sh0, sh),
                                   pl.ds(bc0, BC)],
                        sem,
                    )
                return c

            lax.fori_loop(0, NDBLK // 2, blk_body, 0)

            for j in (0, 1):
                dlast = dbase + (NDBLK - 2 + j) * DBLK
                pltpu.make_async_copy(
                    slabs[j].at[:, pl.ds(0, sh), :],
                    out_hbm.at[pl.ds(dlast, DBLK), pl.ds(sh0, sh),
                               pl.ds(bc0, BC)],
                    sems[j],
                ).wait()


def kernel(f0, phone_label, phone_duration, midi_label, W_f0, b_f0,
           phone_table, midi_table):
    del phone_duration
    tbl = jnp.concatenate([
        phone_table.T.reshape(-1),
        midi_table.T.reshape(-1),
    ]).astype(jnp.float32)
    wb = jnp.concatenate([W_f0[:, 0], b_f0]).astype(jnp.float32)
    f0t = f0.astype(jnp.float32).T
    pht = phone_label.astype(jnp.int32).T
    mdt = midi_label.astype(jnp.int32).T

    mesh = plsc.VectorSubcoreMesh(core_axis_name="c", subcore_axis_name="s")
    run = functools.partial(
        pl.kernel,
        mesh=mesh,
        compiler_params=pltpu.CompilerParams(needs_layout_passes=False),
        out_type=jax.ShapeDtypeStruct((D_OUT, S, B), jnp.float32),
        scratch_types=[
            pltpu.VMEM((D_F0 * NUM_PHONES + D_F0 * NUM_MIDI,), jnp.float32),
            pltpu.VMEM((2 * D_F0,), jnp.float32),
            pltpu.VMEM((SH_MAX, BC), jnp.float32),
            pltpu.VMEM((SH_MAX, BC), jnp.int32),
            pltpu.VMEM((SH_MAX, BC), jnp.int32),
            pltpu.VMEM((DBLK, SH_MAX, BC), jnp.float32),
            pltpu.VMEM((DBLK, SH_MAX, BC), jnp.float32),
            pltpu.SemaphoreType.DMA,
            pltpu.SemaphoreType.DMA,
        ],
    )(_sc_encoder)
    out = run(f0t, pht, mdt, tbl, wb)
    return jnp.transpose(out, (2, 0, 1))

# --- scband reference (transcript-rebuilt; emitter-appended) ---
"""Pipeline reference for scband-feature-encoder-369367187869 (READ-ONLY COPY).

The authoritative reference and input builder live on the scoring server;
editing this copy changes nothing except your own understanding.
"""

import jax, jax.numpy as jnp
import numpy as np

B = 4096
S = 200
F0_DIM = 64
PHONE_DIM = 64
MIDI_DIM = 64
NUM_PHONES = 100
NUM_MIDI = 128

def setup_inputs(seed: int = 0) -> dict:
    key = jax.random.key(seed)
    k1, k2, k3, k4, k5, k6, k7, k8 = jax.random.split(key, 8)
    f0 = jax.random.uniform(k1, (B, S), dtype=jnp.float32)
    phone_label = jax.random.randint(k2, (B, S), 0, NUM_PHONES, dtype=jnp.int64 if jax.config.jax_enable_x64 else jnp.int32)
    phone_duration = jax.random.uniform(k3, (B, S), dtype=jnp.float32)
    midi_label = jax.random.randint(k4, (B, S), 0, NUM_MIDI, dtype=jnp.int64 if jax.config.jax_enable_x64 else jnp.int32)
    # Learned parameters
    W_f0 = jax.random.normal(k5, (F0_DIM, 1), dtype=jnp.float32) * (1.0)  # Linear(1, f0_embed_dim) weight [out, in]
    b_f0 = jax.random.normal(k6, (F0_DIM,), dtype=jnp.float32) * 0.01
    phone_table = jax.random.normal(k7, (NUM_PHONES, PHONE_DIM), dtype=jnp.float32)
    midi_table = jax.random.normal(k8, (NUM_MIDI, MIDI_DIM), dtype=jnp.float32)
    return {"f0": f0, "phone_label": phone_label, "phone_duration": phone_duration,
            "midi_label": midi_label, "W_f0": W_f0, "b_f0": b_f0,
            "phone_table": phone_table, "midi_table": midi_table}

def reference(f0, phone_label, phone_duration, midi_label, W_f0, b_f0, phone_table, midi_table):
    # f0: [B, S] -> [B, S, 1] -> Linear(1, f0_embed_dim)
    f0e = f0[..., None]  # [B, S, 1]
    f0_encoded = f0e @ W_f0.T + b_f0  # [B, S, F0_DIM]
    # embedding lookups (gather)
    phone_encoded = jnp.take(phone_table, phone_label, axis=0)  # [B, S, PHONE_DIM]
    midi_encoded = jnp.take(midi_table, midi_label, axis=0)     # [B, S, MIDI_DIM]
    features = jnp.concatenate([f0_encoded, phone_encoded, midi_encoded], axis=2)  # [B, S, D]
    features = jnp.transpose(features, (0, 2, 1))  # [B, D, S]
    return features

if __name__ == "__main__":
    import jax
    _d = setup_inputs()
    print(jax.jit(kernel)(*tuple(_d.values())))

</pallas_src>

<mosaic_0001>
#map = affine_map<(d0, d1) -> (0, 0)>
#map1 = affine_map<(d0, d1) -> (0)>
#map2 = affine_map<(d0, d1) -> (0, 0, 0)>
module attributes {stable_mosaic.version = 14 : i64} {
  func.func @_sc_encoder(%arg0: i32, %arg1: i32, %arg2: memref<200x4096xf32, #tpu.memory_space<hbm>>, %arg3: memref<200x4096xi32, #tpu.memory_space<hbm>>, %arg4: memref<200x4096xi32, #tpu.memory_space<hbm>>, %arg5: memref<14592xf32, #tpu.memory_space<hbm>>, %arg6: memref<128xf32, #tpu.memory_space<hbm>>, %arg7: memref<192x200x4096xf32, #tpu.memory_space<hbm>>, %arg8: memref<14592xf32, #tpu.memory_space<vmem>>, %arg9: memref<128xf32, #tpu.memory_space<vmem>>, %arg10: memref<104x128xf32, #tpu.memory_space<vmem>>, %arg11: memref<104x128xi32, #tpu.memory_space<vmem>>, %arg12: memref<104x128xi32, #tpu.memory_space<vmem>>, %arg13: memref<2x104x128xf32, #tpu.memory_space<vmem>>, %arg14: memref<2x104x128xf32, #tpu.memory_space<vmem>>, %arg15: memref<!tpu.dma_semaphore, #tpu.memory_space<semaphore_mem>>, %arg16: memref<!tpu.dma_semaphore, #tpu.memory_space<semaphore_mem>>) attributes {dimension_semantics = [#tpu.dimension_semantics<core_parallel>, #tpu.dimension_semantics<subcore_parallel>], iteration_bounds = array<i64: 2, 16>, scalar_prefetch = 0 : i64, scratch_operands = 9 : i64, tpu.core_type = #tpu.core_type<sc_vector_subcore>, window_params = [{transform_indices = #map}, {transform_indices = #map}, {transform_indices = #map}, {transform_indices = #map1}, {transform_indices = #map1}, {transform_indices = #map2}]} {
    %mul3A = arith.constant 2 : i32
    %mul3A_0 = arith.muli %arg1, %mul3A : i32
    %add3A = arith.addi %mul3A_0, %arg0 : i32
    %mul3A_1 = arith.constant 128 : i32
    %mul3A_2 = arith.muli %add3A, %mul3A_1 : i32
    "tpu.region"() ({
      %run_scoped3A = tpu.sem_alloc : memref<!tpu.dma_semaphore, #tpu.memory_space<semaphore_mem>>
      tpu.enqueue_dma source(%arg5 : memref<14592xf32, #tpu.memory_space<hbm>>) target(%arg8 : memref<14592xf32, #tpu.memory_space<vmem>>) target_semaphore(%run_scoped3A : memref<!tpu.dma_semaphore, #tpu.memory_space<semaphore_mem>>)
      tpu.wait_dma2 semaphore(%run_scoped3A : memref<!tpu.dma_semaphore, #tpu.memory_space<semaphore_mem>>) src(%arg5 : memref<14592xf32, #tpu.memory_space<hbm>>) dst(%arg8 : memref<14592xf32, #tpu.memory_space<vmem>>)
      tpu.yield
    }) : () -> ()
    "tpu.region"() ({
      %run_scoped3A = tpu.sem_alloc : memref<!tpu.dma_semaphore, #tpu.memory_space<semaphore_mem>>
      tpu.enqueue_dma source(%arg6 : memref<128xf32, #tpu.memory_space<hbm>>) target(%arg9 : memref<128xf32, #tpu.memory_space<vmem>>) target_semaphore(%run_scoped3A : memref<!tpu.dma_semaphore, #tpu.memory_space<semaphore_mem>>)
      tpu.wait_dma2 semaphore(%run_scoped3A : memref<!tpu.dma_semaphore, #tpu.memory_space<semaphore_mem>>) src(%arg6 : memref<128xf32, #tpu.memory_space<hbm>>) dst(%arg9 : memref<128xf32, #tpu.memory_space<vmem>>)
      tpu.yield
    }) : () -> ()
    "tpu.region"() ({
      %run_scoped3A = tpu.sem_alloc : memref<!tpu.dma_semaphore, #tpu.memory_space<semaphore_mem>>
      %dma_start3A = arith.constant 0 : i32
      %dma_start3A_205 = arith.constant 0 : i32
      %dma_start3A_206 = tpu.memref_slice %arg10[%dma_start3A, %dma_start3A_205] : memref<104x128xf32, #tpu.memory_space<vmem>> -> memref<96x128xf32, #tpu.memory_space<vmem>>
      %dma_start3A_207 = arith.constant 0 : i32
      %dma_start3A_208 = tpu.memref_slice %arg2[%dma_start3A_207, %mul3A_2] : memref<200x4096xf32, #tpu.memory_space<hbm>> -> memref<96x128xf32, #tpu.memory_space<hbm>>
      %dma_start3A_209 = arith.constant 0 : i32
      %dma_start3A_210 = arith.constant 0 : i32
      %dma_start3A_211 = tpu.memref_slice %arg10[%dma_start3A_209, %dma_start3A_210] : memref<104x128xf32, #tpu.memory_space<vmem>> -> memref<96x128xf32, #tpu.memory_space<vmem>>
      %dma_start3A_212 = arith.constant 0 : i32
      %dma_start3A_213 = tpu.memref_slice %arg2[%dma_start3A_212, %mul3A_2] : memref<200x4096xf32, #tpu.memory_space<hbm>> -> memref<96x128xf32, #tpu.memory_space<hbm>>
      tpu.enqueue_dma source(%dma_start3A_213 : memref<96x128xf32, #tpu.memory_space<hbm>>) target(%dma_start3A_211 : memref<96x128xf32, #tpu.memory_space<vmem>>) target_semaphore(%run_scoped3A : memref<!tpu.dma_semaphore, #tpu.memory_space<semaphore_mem>>)
      %dma_wait3A_214 = arith.constant 0 : i32
      %dma_wait3A_215 = arith.constant 0 : i32
      %dma_wait3A_216 = tpu.memref_slice %arg10[%dma_wait3A_214, %dma_wait3A_215] : memref<104x128xf32, #tpu.memory_space<vmem>> -> memref<96x128xf32, #tpu.memory_space<vmem>>
      %dma_wait3A_217 = arith.constant 0 : i32
      %dma_wait3A_218 = tpu.memref_slice %arg2[%dma_wait3A_217, %mul3A_2] : memref<200x4096xf32, #tpu.memory_space<hbm>> -> memref<96x128xf32, #tpu.memory_space<hbm>>
      %dma_wait3A_219 = arith.constant 0 : i32
      %dma_wait3A_220 = arith.constant 0 : i32
      %dma_wait3A_221 = tpu.memref_slice %arg10[%dma_wait3A_219, %dma_wait3A_220] : memref<104x128xf32, #tpu.memory_space<vmem>> -> memref<96x128xf32, #tpu.memory_space<vmem>>
      %dma_wait3A_222 = arith.constant 0 : i32
      %dma_wait3A_223 = tpu.memref_slice %arg2[%dma_wait3A_222, %mul3A_2] : memref<200x4096xf32, #tpu.memory_space<hbm>> -> memref<96x128xf32, #tpu.memory_space<hbm>>
      tpu.wait_dma2 semaphore(%run_scoped3A : memref<!tpu.dma_semaphore, #tpu.memory_space<semaphore_mem>>) src(%dma_wait3A_223 : memref<96x128xf32, #tpu.memory_space<hbm>>) dst(%dma_wait3A_221 : memref<96x128xf32, #tpu.memory_space<vmem>>)
      tpu.yield
    }) : () -> ()
    "tpu.region"() ({
      %run_scoped3A = tpu.sem_alloc : memref<!tpu.dma_semaphore, #tpu.memory_space<semaphore_mem>>
      %dma_start3A = arith.constant 0 : i32
      %dma_start3A_205 = arith.constant 0 : i32
      %dma_start3A_206 = tpu.memref_slice %arg11[%dma_start3A, %dma_start3A_205] : memref<104x128xi32, #tpu.memory_space<vmem>> -> memref<96x128xi32, #tpu.memory_space<vmem>>
      %dma_start3A_207 = arith.constant 0 : i32
      %dma_start3A_208 = tpu.memref_slice %arg3[%dma_start3A_207, %mul3A_2] : memref<200x4096xi32, #tpu.memory_space<hbm>> -> memref<96x128xi32, #tpu.memory_space<hbm>>
      %dma_start3A_209 = arith.constant 0 : i32
      %dma_start3A_210 = arith.constant 0 : i32
      %dma_start3A_211 = tpu.memref_slice %arg11[%dma_start3A_209, %dma_start3A_210] : memref<104x128xi32, #tpu.memory_space<vmem>> -> memref<96x128xi32, #tpu.memory_space<vmem>>
      %dma_start3A_212 = arith.constant 0 : i32
      %dma_start3A_213 = tpu.memref_slice %arg3[%dma_start3A_212, %mul3A_2] : memref<200x4096xi32, #tpu.memory_space<hbm>> -> memref<96x128xi32, #tpu.memory_space<hbm>>
      tpu.enqueue_dma source(%dma_start3A_213 : memref<96x128xi32, #tpu.memory_space<hbm>>) target(%dma_start3A_211 : memref<96x128xi32, #tpu.memory_space<vmem>>) target_semaphore(%run_scoped3A : memref<!tpu.dma_semaphore, #tpu.memory_space<semaphore_mem>>)
      %dma_wait3A_214 = arith.constant 0 : i32
      %dma_wait3A_215 = arith.constant 0 : i32
      %dma_wait3A_216 = tpu.memref_slice %arg11[%dma_wait3A_214, %dma_wait3A_215] : memref<104x128xi32, #tpu.memory_space<vmem>> -> memref<96x128xi32, #tpu.memory_space<vmem>>
      %dma_wait3A_217 = arith.constant 0 : i32
      %dma_wait3A_218 = tpu.memref_slice %arg3[%dma_wait3A_217, %mul3A_2] : memref<200x4096xi32, #tpu.memory_space<hbm>> -> memref<96x128xi32, #tpu.memory_space<hbm>>
      %dma_wait3A_219 = arith.constant 0 : i32
      %dma_wait3A_220 = arith.constant 0 : i32
      %dma_wait3A_221 = tpu.memref_slice %arg11[%dma_wait3A_219, %dma_wait3A_220] : memref<104x128xi32, #tpu.memory_space<vmem>> -> memref<96x128xi32, #tpu.memory_space<vmem>>
      %dma_wait3A_222 = arith.constant 0 : i32
      %dma_wait3A_223 = tpu.memref_slice %arg3[%dma_wait3A_222, %mul3A_2] : memref<200x4096xi32, #tpu.memory_space<hbm>> -> memref<96x128xi32, #tpu.memory_space<hbm>>
      tpu.wait_dma2 semaphore(%run_scoped3A : memref<!tpu.dma_semaphore, #tpu.memory_space<semaphore_mem>>) src(%dma_wait3A_223 : memref<96x128xi32, #tpu.memory_space<hbm>>) dst(%dma_wait3A_221 : memref<96x128xi32, #tpu.memory_space<vmem>>)
      tpu.yield
    }) : () -> ()
    "tpu.region"() ({
      %run_scoped3A = tpu.sem_alloc : memref<!tpu.dma_semaphore, #tpu.memory_space<semaphore_mem>>
      %dma_start3A = arith.constant 0 : i32
      %dma_start3A_205 = arith.constant 0 : i32
      %dma_start3A_206 = tpu.memref_slice %arg12[%dma_start3A, %dma_start3A_205] : memref<104x128xi32, #tpu.memory_space<vmem>> -> memref<96x128xi32, #tpu.memory_space<vmem>>
      %dma_start3A_207 = arith.constant 0 : i32
      %dma_start3A_208 = tpu.memref_slice %arg4[%dma_start3A_207, %mul3A_2] : memref<200x4096xi32, #tpu.memory_space<hbm>> -> memref<96x128xi32, #tpu.memory_space<hbm>>
      %dma_start3A_209 = arith.constant 0 : i32
      %dma_start3A_210 = arith.constant 0 : i32
      %dma_start3A_211 = tpu.memref_slice %arg12[%dma_start3A_209, %dma_start3A_210] : memref<104x128xi32, #tpu.memory_space<vmem>> -> memref<96x128xi32, #tpu.memory_space<vmem>>
      %dma_start3A_212 = arith.constant 0 : i32
      %dma_start3A_213 = tpu.memref_slice %arg4[%dma_start3A_212, %mul3A_2] : memref<200x4096xi32, #tpu.memory_space<hbm>> -> memref<96x128xi32, #tpu.memory_space<hbm>>
      tpu.enqueue_dma source(%dma_start3A_213 : memref<96x128xi32, #tpu.memory_space<hbm>>) target(%dma_start3A_211 : memref<96x128xi32, #tpu.memory_space<vmem>>) target_semaphore(%run_scoped3A : memref<!tpu.dma_semaphore, #tpu.memory_space<semaphore_mem>>)
      %dma_wait3A_214 = arith.constant 0 : i32
      %dma_wait3A_215 = arith.constant 0 : i32
      %dma_wait3A_216 = tpu.memref_slice %arg12[%dma_wait3A_214, %dma_wait3A_215] : memref<104x128xi32, #tpu.memory_space<vmem>> -> memref<96x128xi32, #tpu.memory_space<vmem>>
      %dma_wait3A_217 = arith.constant 0 : i32
      %dma_wait3A_218 = tpu.memref_slice %arg4[%dma_wait3A_217, %mul3A_2] : memref<200x4096xi32, #tpu.memory_space<hbm>> -> memref<96x128xi32, #tpu.memory_space<hbm>>
      %dma_wait3A_219 = arith.constant 0 : i32
      %dma_wait3A_220 = arith.constant 0 : i32
      %dma_wait3A_221 = tpu.memref_slice %arg12[%dma_wait3A_219, %dma_wait3A_220] : memref<104x128xi32, #tpu.memory_space<vmem>> -> memref<96x128xi32, #tpu.memory_space<vmem>>
      %dma_wait3A_222 = arith.constant 0 : i32
      %dma_wait3A_223 = tpu.memref_slice %arg4[%dma_wait3A_222, %mul3A_2] : memref<200x4096xi32, #tpu.memory_space<hbm>> -> memref<96x128xi32, #tpu.memory_space<hbm>>
      tpu.wait_dma2 semaphore(%run_scoped3A : memref<!tpu.dma_semaphore, #tpu.memory_space<semaphore_mem>>) src(%dma_wait3A_223 : memref<96x128xi32, #tpu.memory_space<hbm>>) dst(%dma_wait3A_221 : memref<96x128xi32, #tpu.memory_space<vmem>>)
      tpu.yield
    }) : () -> ()
    %scan3A = arith.constant 0 : i32
    %scan3A_3 = arith.constant 0 : i32
    %scan3A_4 = arith.constant 16 : i32
    %scan3A_5 = arith.addi %scan3A_3, %scan3A_4 : i32
    %scan3A_6 = arith.constant 1 : i32
    scf.for %scan3A_205 = %scan3A_3 to %scan3A_5 step %scan3A_6  : i32 {
      %mul3A_206 = arith.constant 2 : i32
      %mul3A_207 = arith.muli %scan3A_205, %mul3A_206 : i32
      %add3A_208 = arith.constant 0 : i32
      %add3A_209 = arith.addi %mul3A_207, %add3A_208 : i32
      %mul3A_210 = arith.constant 2 : i32
      %mul3A_211 = arith.muli %add3A_209, %mul3A_210 : i32
      %add3A_212 = arith.constant 0 : i32
      %add3A_213 = arith.addi %add3A_212, %mul3A_211 : i32
      %ge3A = arith.constant 2 : i32
      %ge3A_214 = arith.cmpi sge, %add3A_209, %ge3A : i32
      %convert_element_type3A = arith.extui %ge3A_214 : i1 to i32
      %cond3A = arith.constant 0 : i32
      %cond3A_215 = arith.cmpi ne, %convert_element_type3A, %cond3A : i32
      scf.if %cond3A_215 {
        %sub3A = arith.constant 4 : i32
        %sub3A_294 = arith.subi %add3A_213, %sub3A : i32
        %dma_wait3A_295 = arith.constant 0 : i32
        %dma_wait3A_296 = arith.constant 0 : i32
        %dma_wait3A_297 = arith.constant 0 : i32
        %dma_wait3A_298 = tpu.memref_slice %arg13[%dma_wait3A_295, %dma_wait3A_296, %dma_wait3A_297] : memref<2x104x128xf32, #tpu.memory_space<vmem>> -> memref<2x96x128xf32, #tpu.memory_space<vmem>>
        %dma_wait3A_299 = arith.constant 0 : i32
        %dma_wait3A_300 = tpu.memref_slice %arg7[%sub3A_294, %dma_wait3A_299, %mul3A_2] : memref<192x200x4096xf32, #tpu.memory_space<hbm>> -> memref<2x96x128xf32, #tpu.memory_space<hbm>>
        %dma_wait3A_301 = arith.constant 0 : i32
        %dma_wait3A_302 = tpu.memref_slice %arg7[%sub3A_294, %dma_wait3A_301, %mul3A_2] : memref<192x200x4096xf32, #tpu.memory_space<hbm>> -> memref<2x96x128xf32, #tpu.memory_space<hbm>>
        %dma_wait3A_303 = arith.constant 0 : i32
        %dma_wait3A_304 = arith.constant 0 : i32
        %dma_wait3A_305 = arith.constant 0 : i32
        %dma_wait3A_306 = tpu.memref_slice %arg13[%dma_wait3A_303, %dma_wait3A_304, %dma_wait3A_305] : memref<2x104x128xf32, #tpu.memory_space<vmem>> -> memref<2x96x128xf32, #tpu.memory_space<vmem>>
        tpu.wait_dma2 semaphore(%arg15 : memref<!tpu.dma_semaphore, #tpu.memory_space<semaphore_mem>>) src(%dma_wait3A_306 : memref<2x96x128xf32, #tpu.memory_space<vmem>>) dst(%dma_wait3A_302 : memref<2x96x128xf32, #tpu.memory_space<hbm>>)
      } else {
      }
      %add3A_216 = arith.constant 0 : i32
      %add3A_217 = arith.addi %add3A_213, %add3A_216 : i32
      %broadcast_in_dim3A = vector.broadcast %add3A_217 : i32 to vector<16xi32>
      %gather3A = tpu.vector_load_idx %arg9[%broadcast_in_dim3A] : memref<128xf32, #tpu.memory_space<vmem>>[vector<16xi32>], vector<16xf32>,
      %add3A_218 = arith.constant 64 : i32
      %add3A_219 = vector.broadcast %add3A_218 : i32 to vector<16xi32>
      %add3A_220 = arith.addi %broadcast_in_dim3A, %add3A_219 : vector<16xi32>
      %gather3A_221 = tpu.vector_load_idx %arg9[%add3A_220] : memref<128xf32, #tpu.memory_space<vmem>>[vector<16xi32>], vector<16xf32>,
      %add3A_222 = arith.constant 1 : i32
      %add3A_223 = arith.addi %add3A_213, %add3A_222 : i32
      %broadcast_in_dim3A_224 = vector.broadcast %add3A_223 : i32 to vector<16xi32>
      %gather3A_225 = tpu.vector_load_idx %arg9[%broadcast_in_dim3A_224] : memref<128xf32, #tpu.memory_space<vmem>>[vector<16xi32>], vector<16xf32>,
      %add3A_226 = arith.constant 64 : i32
      %add3A_227 = vector.broadcast %add3A_226 : i32 to vector<16xi32>
      %add3A_228 = arith.addi %broadcast_in_dim3A_224, %add3A_227 : vector<16xi32>
      %gather3A_229 = tpu.vector_load_idx %arg9[%add3A_228] : memref<128xf32, #tpu.memory_space<vmem>>[vector<16xi32>], vector<16xf32>,
      %scan3A_230 = arith.constant 0 : i32
      %scan3A_231 = arith.constant 0 : i32
      %scan3A_232 = arith.constant 96 : i32
      %scan3A_233 = arith.addi %scan3A_231, %scan3A_232 : i32
      %scan3A_234 = arith.constant 1 : i32
      scf.for %scan3A_294 = %scan3A_231 to %scan3A_233 step %scan3A_234  : i32 {
        %get3A = arith.index_cast %scan3A_294 : i32 to index
        %get3A_295 = arith.constant 0 : index
        %get3A_296 = tpu.vector_load %arg10[%get3A, %get3A_295] {strides = array<i32>} : memref<104x128xf32, #tpu.memory_space<vmem>>, vector<16xf32>,
        %get3A_297 = arith.index_cast %scan3A_294 : i32 to index
        %get3A_298 = arith.constant 16 : index
        %get3A_299 = tpu.vector_load %arg10[%get3A_297, %get3A_298] {strides = array<i32>} : memref<104x128xf32, #tpu.memory_space<vmem>>, vector<16xf32>,
        %get3A_300 = arith.index_cast %scan3A_294 : i32 to index
        %get3A_301 = arith.constant 32 : index
        %get3A_302 = tpu.vector_load %arg10[%get3A_300, %get3A_301] {strides = array<i32>} : memref<104x128xf32, #tpu.memory_space<vmem>>, vector<16xf32>,
        %get3A_303 = arith.index_cast %scan3A_294 : i32 to index
        %get3A_304 = arith.constant 48 : index
        %get3A_305 = tpu.vector_load %arg10[%get3A_303, %get3A_304] {strides = array<i32>} : memref<104x128xf32, #tpu.memory_space<vmem>>, vector<16xf32>,
        %get3A_306 = arith.index_cast %scan3A_294 : i32 to index
        %get3A_307 = arith.constant 64 : index
        %get3A_308 = tpu.vector_load %arg10[%get3A_306, %get3A_307] {strides = array<i32>} : memref<104x128xf32, #tpu.memory_space<vmem>>, vector<16xf32>,
        %get3A_309 = arith.index_cast %scan3A_294 : i32 to index
        %get3A_310 = arith.constant 80 : index
        %get3A_311 = tpu.vector_load %arg10[%get3A_309, %get3A_310] {strides = array<i32>} : memref<104x128xf32, #tpu.memory_space<vmem>>, vector<16xf32>,
        %get3A_312 = arith.index_cast %scan3A_294 : i32 to index
        %get3A_313 = arith.constant 96 : index
        %get3A_314 = tpu.vector_load %arg10[%get3A_312, %get3A_313] {strides = array<i32>} : memref<104x128xf32, #tpu.memory_space<vmem>>, vector<16xf32>,
        %get3A_315 = arith.index_cast %scan3A_294 : i32 to index
        %get3A_316 = arith.constant 112 : index
        %get3A_317 = tpu.vector_load %arg10[%get3A_315, %get3A_316] {strides = array<i32>} : memref<104x128xf32, #tpu.memory_space<vmem>>, vector<16xf32>,
        %mul3A_318 = arith.mulf %get3A_296, %gather3A : vector<16xf32>
        %add3A_319 = arith.addf %mul3A_318, %gather3A_221 : vector<16xf32>
        %swap3A = arith.constant 0 : i32
        %swap3A_320 = arith.index_cast %swap3A : i32 to index
        %swap3A_321 = arith.index_cast %scan3A_294 : i32 to index
        %swap3A_322 = arith.constant 0 : index
        %swap3A_323 = tpu.vector_load %arg13[%swap3A_320, %swap3A_321, %swap3A_322] {strides = array<i32>} : memref<2x104x128xf32, #tpu.memory_space<vmem>>, vector<16xf32>,
        tpu.vector_store %arg13[%swap3A_320, %swap3A_321, %swap3A_322], %add3A_319 {strides = array<i32>} : memref<2x104x128xf32, #tpu.memory_space<vmem>>, vector<16xf32>,
        %mul3A_324 = arith.mulf %get3A_299, %gather3A : vector<16xf32>
        %add3A_325 = arith.addf %mul3A_324, %gather3A_221 : vector<16xf32>
        %swap3A_326 = arith.constant 0 : i32
        %swap3A_327 = arith.index_cast %swap3A_326 : i32 to index
        %swap3A_328 = arith.index_cast %scan3A_294 : i32 to index
        %swap3A_329 = arith.constant 16 : index
        %swap3A_330 = tpu.vector_load %arg13[%swap3A_327, %swap3A_328, %swap3A_329] {strides = array<i32>} : memref<2x104x128xf32, #tpu.memory_space<vmem>>, vector<16xf32>,
        tpu.vector_store %arg13[%swap3A_327, %swap3A_328, %swap3A_329], %add3A_325 {strides = array<i32>} : memref<2x104x128xf32, #tpu.memory_space<vmem>>, vector<16xf32>,
        %mul3A_331 = arith.mulf %get3A_302, %gather3A : vector<16xf32>
        %add3A_332 = arith.addf %mul3A_331, %gather3A_221 : vector<16xf32>
        %swap3A_333 = arith.constant 0 : i32
        %swap3A_334 = arith.index_cast %swap3A_333 : i32 to index
        %swap3A_335 = arith.index_cast %scan3A_294 : i32 to index
        %swap3A_336 = arith.constant 32 : index
        %swap3A_337 = tpu.vector_load %arg13[%swap3A_334, %swap3A_335, %swap3A_336] {strides = array<i32>} : memref<2x104x128xf32, #tpu.memory_space<vmem>>, vector<16xf32>,
        tpu.vector_store %arg13[%swap3A_334, %swap3A_335, %swap3A_336], %add3A_332 {strides = array<i32>} : memref<2x104x128xf32, #tpu.memory_space<vmem>>, vector<16xf32>,
        %mul3A_338 = arith.mulf %get3A_305, %gather3A : vector<16xf32>
        %add3A_339 = arith.addf %mul3A_338, %gather3A_221 : vector<16xf32>
        %swap3A_340 = arith.constant 0 : i32
        %swap3A_341 = arith.index_cast %swap3A_340 : i32 to index
        %swap3A_342 = arith.index_cast %scan3A_294 : i32 to index
        %swap3A_343 = arith.constant 48 : index
        %swap3A_344 = tpu.vector_load %arg13[%swap3A_341, %swap3A_342, %swap3A_343] {strides = array<i32>} : memref<2x104x128xf32, #tpu.memory_space<vmem>>, vector<16xf32>,
        tpu.vector_store %arg13[%swap3A_341, %swap3A_342, %swap3A_343], %add3A_339 {strides = array<i32>} : memref<2x104x128xf32, #tpu.memory_space<vmem>>, vector<16xf32>,
        %mul3A_345 = arith.mulf %get3A_308, %gather3A : vector<16xf32>
        %add3A_346 = arith.addf %mul3A_345, %gather3A_221 : vector<16xf32>
        %swap3A_347 = arith.constant 0 : i32
        %swap3A_348 = arith.index_cast %swap3A_347 : i32 to index
        %swap3A_349 = arith.index_cast %scan3A_294 : i32 to index
        %swap3A_350 = arith.constant 64 : index
        %swap3A_351 = tpu.vector_load %arg13[%swap3A_348, %swap3A_349, %swap3A_350] {strides = array<i32>} : memref<2x104x128xf32, #tpu.memory_space<vmem>>, vector<16xf32>,
        tpu.vector_store %arg13[%swap3A_348, %swap3A_349, %swap3A_350], %add3A_346 {strides = array<i32>} : memref<2x104x128xf32, #tpu.memory_space<vmem>>, vector<16xf32>,
        %mul3A_352 = arith.mulf %get3A_311, %gather3A : vector<16xf32>
        %add3A_353 = arith.addf %mul3A_352, %gather3A_221 : vector<16xf32>
        %swap3A_354 = arith.constant 0 : i32
        %swap3A_355 = arith.index_cast %swap3A_354 : i32 to index
        %swap3A_356 = arith.index_cast %scan3A_294 : i32 to index
        %swap3A_357 = arith.constant 80 : index
        %swap3A_358 = tpu.vector_load %arg13[%swap3A_355, %swap3A_356, %swap3A_357] {strides = array<i32>} : memref<2x104x128xf32, #tpu.memory_space<vmem>>, vector<16xf32>,
        tpu.vector_store %arg13[%swap3A_355, %swap3A_356, %swap3A_357], %add3A_353 {strides = array<i32>} : memref<2x104x128xf32, #tpu.memory_space<vmem>>, vector<16xf32>,
        %mul3A_359 = arith.mulf %get3A_314, %gather3A : vector<16xf32>
        %add3A_360 = arith.addf %mul3A_359, %gather3A_221 : vector<16xf32>
        %swap3A_361 = arith.constant 0 : i32
        %swap3A_362 = arith.index_cast %swap3A_361 : i32 to index
        %swap3A_363 = arith.index_cast %scan3A_294 : i32 to index
        %swap3A_364 = arith.constant 96 : index
        %swap3A_365 = tpu.vector_load %arg13[%swap3A_362, %swap3A_363, %swap3A_364] {strides = array<i32>} : memref<2x104x128xf32, #tpu.memory_space<vmem>>, vector<16xf32>,
        tpu.vector_store %arg13[%swap3A_362, %swap3A_363, %swap3A_364], %add3A_360 {strides = array<i32>} : memref<2x104x128xf32, #tpu.memory_space<vmem>>, vector<16xf32>,
        %mul3A_366 = arith.mulf %get3A_317, %gather3A : vector<16xf32>
        %add3A_367 = arith.addf %mul3A_366, %gather3A_221 : vector<16xf32>
        %swap3A_368 = arith.constant 0 : i32
        %swap3A_369 = arith.index_cast %swap3A_368 : i32 to index
        %swap3A_370 = arith.index_cast %scan3A_294 : i32 to index
        %swap3A_371 = arith.constant 112 : index
        %swap3A_372 = tpu.vector_load %arg13[%swap3A_369, %swap3A_370, %swap3A_371] {strides = array<i32>} : memref<2x104x128xf32, #tpu.memory_space<vmem>>, vector<16xf32>,
        tpu.vector_store %arg13[%swap3A_369, %swap3A_370, %swap3A_371], %add3A_367 {strides = array<i32>} : memref<2x104x128xf32, #tpu.memory_space<vmem>>, vector<16xf32>,
        %mul3A_373 = arith.mulf %get3A_296, %gather3A_225 : vector<16xf32>
        %add3A_374 = arith.addf %mul3A_373, %gather3A_229 : vector<16xf32>
        %swap3A_375 = arith.constant 1 : i32
        %swap3A_376 = arith.index_cast %swap3A_375 : i32 to index
        %swap3A_377 = arith.index_cast %scan3A_294 : i32 to index
        %swap3A_378 = arith.constant 0 : index
        %swap3A_379 = tpu.vector_load %arg13[%swap3A_376, %swap3A_377, %swap3A_378] {strides = array<i32>} : memref<2x104x128xf32, #tpu.memory_space<vmem>>, vector<16xf32>,
        tpu.vector_store %arg13[%swap3A_376, %swap3A_377, %swap3A_378], %add3A_374 {strides = array<i32>} : memref<2x104x128xf32, #tpu.memory_space<vmem>>, vector<16xf32>,
        %mul3A_380 = arith.mulf %get3A_299, %gather3A_225 : vector<16xf32>
        %add3A_381 = arith.addf %mul3A_380, %gather3A_229 : vector<16xf32>
        %swap3A_382 = arith.constant 1 : i32
        %swap3A_383 = arith.index_cast %swap3A_382 : i32 to index
        %swap3A_384 = arith.index_cast %scan3A_294 : i32 to index
        %swap3A_385 = arith.constant 16 : index
        %swap3A_386 = tpu.vector_load %arg13[%swap3A_383, %swap3A_384, %swap3A_385] {strides = array<i32>} : memref<2x104x128xf32, #tpu.memory_space<vmem>>, vector<16xf32>,
        tpu.vector_store %arg13[%swap3A_383, %swap3A_384, %swap3A_385], %add3A_381 {strides = array<i32>} : memref<2x104x128xf32, #tpu.memory_space<vmem>>, vector<16xf32>,
        %mul3A_387 = arith.mulf %get3A_302, %gather3A_225 : vector<16xf32>
        %add3A_388 = arith.addf %mul3A_387, %gather3A_229 : vector<16xf32>
        %swap3A_389 = arith.constant 1 : i32
        %swap3A_390 = arith.index_cast %swap3A_389 : i32 to index
        %swap3A_391 = arith.index_cast %scan3A_294 : i32 to index
        %swap3A_392 = arith.constant 32 : index
        %swap3A_393 = tpu.vector_load %arg13[%swap3A_390, %swap3A_391, %swap3A_392] {strides = array<i32>} : memref<2x104x128xf32, #tpu.memory_space<vmem>>, vector<16xf32>,
        tpu.vector_store %arg13[%swap3A_390, %swap3A_391, %swap3A_392], %add3A_388 {strides = array<i32>} : memref<2x104x128xf32, #tpu.memory_space<vmem>>, vector<16xf32>,
        %mul3A_394 = arith.mulf %get3A_305, %gather3A_225 : vector<16xf32>
        %add3A_395 = arith.addf %mul3A_394, %gather3A_229 : vector<16xf32>
        %swap3A_396 = arith.constant 1 : i32
        %swap3A_397 = arith.index_cast %swap3A_396 : i32 to index
        %swap3A_398 = arith.index_cast %scan3A_294 : i32 to index
        %swap3A_399 = arith.constant 48 : index
        %swap3A_400 = tpu.vector_load %arg13[%swap3A_397, %swap3A_398, %swap3A_399] {strides = array<i32>} : memref<2x104x128xf32, #tpu.memory_space<vmem>>, vector<16xf32>,
        tpu.vector_store %arg13[%swap3A_397, %swap3A_398, %swap3A_399], %add3A_395 {strides = array<i32>} : memref<2x104x128xf32, #tpu.memory_space<vmem>>, vector<16xf32>,
        %mul3A_401 = arith.mulf %get3A_308, %gather3A_225 : vector<16xf32>
        %add3A_402 = arith.addf %mul3A_401, %gather3A_229 : vector<16xf32>
        %swap3A_403 = arith.constant 1 : i32
        %swap3A_404 = arith.index_cast %swap3A_403 : i32 to index
        %swap3A_405 = arith.index_cast %scan3A_294 : i32 to index
        %swap3A_406 = arith.constant 64 : index
        %swap3A_407 = tpu.vector_load %arg13[%swap3A_404, %swap3A_405, %swap3A_406] {strides = array<i32>} : memref<2x104x128xf32, #tpu.memory_space<vmem>>, vector<16xf32>,
        tpu.vector_store %arg13[%swap3A_404, %swap3A_405, %swap3A_406], %add3A_402 {strides = array<i32>} : memref<2x104x128xf32, #tpu.memory_space<vmem>>, vector<16xf32>,
        %mul3A_408 = arith.mulf %get3A_311, %gather3A_225 : vector<16xf32>
        %add3A_409 = arith.addf %mul3A_408, %gather3A_229 : vector<16xf32>
        %swap3A_410 = arith.constant 1 : i32
        %swap3A_411 = arith.index_cast %swap3A_410 : i32 to index
        %swap3A_412 = arith.index_cast %scan3A_294 : i32 to index
        %swap3A_413 = arith.constant 80 : index
        %swap3A_414 = tpu.vector_load %arg13[%swap3A_411, %swap3A_412, %swap3A_413] {strides = array<i32>} : memref<2x104x128xf32, #tpu.memory_space<vmem>>, vector<16xf32>,
        tpu.vector_store %arg13[%swap3A_411, %swap3A_412, %swap3A_413], %add3A_409 {strides = array<i32>} : memref<2x104x128xf32, #tpu.memory_space<vmem>>, vector<16xf32>,
        %mul3A_415 = arith.mulf %get3A_314, %gather3A_225 : vector<16xf32>
        %add3A_416 = arith.addf %mul3A_415, %gather3A_229 : vector<16xf32>
        %swap3A_417 = arith.constant 1 : i32
        %swap3A_418 = arith.index_cast %swap3A_417 : i32 to index
        %swap3A_419 = arith.index_cast %scan3A_294 : i32 to index
        %swap3A_420 = arith.constant 96 : index
        %swap3A_421 = tpu.vector_load %arg13[%swap3A_418, %swap3A_419, %swap3A_420] {strides = array<i32>} : memref<2x104x128xf32, #tpu.memory_space<vmem>>, vector<16xf32>,
        tpu.vector_store %arg13[%swap3A_418, %swap3A_419, %swap3A_420], %add3A_416 {strides = array<i32>} : memref<2x104x128xf32, #tpu.memory_space<vmem>>, vector<16xf32>,
        %mul3A_422 = arith.mulf %get3A_317, %gather3A_225 : vector<16xf32>
        %add3A_423 = arith.addf %mul3A_422, %gather3A_229 : vector<16xf32>
        %swap3A_424 = arith.constant 1 : i32
        %swap3A_425 = arith.index_cast %swap3A_424 : i32 to index
        %swap3A_426 = arith.index_cast %scan3A_294 : i32 to index
        %swap3A_427 = arith.constant 112 : index
        %swap3A_428 = tpu.vector_load %arg13[%swap3A_425, %swap3A_426, %swap3A_427] {strides = array<i32>} : memref<2x104x128xf32, #tpu.memory_space<vmem>>, vector<16xf32>,
        tpu.vector_store %arg13[%swap3A_425, %swap3A_426, %swap3A_427], %add3A_423 {strides = array<i32>} : memref<2x104x128xf32, #tpu.memory_space<vmem>>, vector<16xf32>,
      }
      %scan3A_235 = arith.constant 96 : i32
      %dma_start3A = arith.constant 0 : i32
      %dma_start3A_236 = arith.constant 0 : i32
      %dma_start3A_237 = arith.constant 0 : i32
      %dma_start3A_238 = tpu.memref_slice %arg13[%dma_start3A, %dma_start3A_236, %dma_start3A_237] : memref<2x104x128xf32, #tpu.memory_space<vmem>> -> memref<2x96x128xf32, #tpu.memory_space<vmem>>
      %dma_start3A_239 = arith.constant 0 : i32
      %dma_start3A_240 = tpu.memref_slice %arg7[%add3A_213, %dma_start3A_239, %mul3A_2] : memref<192x200x4096xf32, #tpu.memory_space<hbm>> -> memref<2x96x128xf32, #tpu.memory_space<hbm>>
      %dma_start3A_241 = arith.constant 0 : i32
      %dma_start3A_242 = tpu.memref_slice %arg7[%add3A_213, %dma_start3A_241, %mul3A_2] : memref<192x200x4096xf32, #tpu.memory_space<hbm>> -> memref<2x96x128xf32, #tpu.memory_space<hbm>>
      %dma_start3A_243 = arith.constant 0 : i32
      %dma_start3A_244 = arith.constant 0 : i32
      %dma_start3A_245 = arith.constant 0 : i32
      %dma_start3A_246 = tpu.memref_slice %arg13[%dma_start3A_243, %dma_start3A_244, %dma_start3A_245] : memref<2x104x128xf32, #tpu.memory_space<vmem>> -> memref<2x96x128xf32, #tpu.memory_space<vmem>>
      tpu.enqueue_dma source(%dma_start3A_246 : memref<2x96x128xf32, #tpu.memory_space<vmem>>) target(%dma_start3A_242 : memref<2x96x128xf32, #tpu.memory_space<hbm>>) target_semaphore(%arg15 : memref<!tpu.dma_semaphore, #tpu.memory_space<semaphore_mem>>)
      %mul3A_247 = arith.constant 2 : i32
      %mul3A_248 = arith.muli %scan3A_205, %mul3A_247 : i32
      %add3A_249 = arith.constant 1 : i32
      %add3A_250 = arith.addi %mul3A_248, %add3A_249 : i32
      %mul3A_251 = arith.constant 2 : i32
      %mul3A_252 = arith.muli %add3A_250, %mul3A_251 : i32
      %add3A_253 = arith.constant 0 : i32
      %add3A_254 = arith.addi %add3A_253, %mul3A_252 : i32
      %ge3A_255 = arith.constant 2 : i32
      %ge3A_256 = arith.cmpi sge, %add3A_250, %ge3A_255 : i32
      %convert_element_type3A_257 = arith.extui %ge3A_256 : i1 to i32
      %cond3A_258 = arith.constant 0 : i32
      %cond3A_259 = arith.cmpi ne, %convert_element_type3A_257, %cond3A_258 : i32
      scf.if %cond3A_259 {
        %sub3A = arith.constant 4 : i32
        %sub3A_294 = arith.subi %add3A_254, %sub3A : i32
        %dma_wait3A_295 = arith.constant 0 : i32
        %dma_wait3A_296 = arith.constant 0 : i32
        %dma_wait3A_297 = arith.constant 0 : i32
        %dma_wait3A_298 = tpu.memref_slice %arg14[%dma_wait3A_295, %dma_wait3A_296, %dma_wait3A_297] : memref<2x104x128xf32, #tpu.memory_space<vmem>> -> memref<2x96x128xf32, #tpu.memory_space<vmem>>
        %dma_wait3A_299 = arith.constant 0 : i32
        %dma_wait3A_300 = tpu.memref_slice %arg7[%sub3A_294, %dma_wait3A_299, %mul3A_2] : memref<192x200x4096xf32, #tpu.memory_space<hbm>> -> memref<2x96x128xf32, #tpu.memory_space<hbm>>
        %dma_wait3A_301 = arith.constant 0 : i32
        %dma_wait3A_302 = tpu.memref_slice %arg7[%sub3A_294, %dma_wait3A_301, %mul3A_2] : memref<192x200x4096xf32, #tpu.memory_space<hbm>> -> memref<2x96x128xf32, #tpu.memory_space<hbm>>
        %dma_wait3A_303 = arith.constant 0 : i32
        %dma_wait3A_304 = arith.constant 0 : i32
        %dma_wait3A_305 = arith.constant 0 : i32
        %dma_wait3A_306 = tpu.memref_slice %arg14[%dma_wait3A_303, %dma_wait3A_304, %dma_wait3A_305] : memref<2x104x128xf32, #tpu.memory_space<vmem>> -> memref<2x96x128xf32, #tpu.memory_space<vmem>>
        tpu.wait_dma2 semaphore(%arg16 : memref<!tpu.dma_semaphore, #tpu.memory_space<semaphore_mem>>) src(%dma_wait3A_306 : memref<2x96x128xf32, #tpu.memory_space<vmem>>) dst(%dma_wait3A_302 : memref<2x96x128xf32, #tpu.memory_space<hbm>>)
      } else {
      }
      %add3A_260 = arith.constant 0 : i32
      %add3A_261 = arith.addi %add3A_254, %add3A_260 : i32
      %broadcast_in_dim3A_262 = vector.broadcast %add3A_261 : i32 to vector<16xi32>
      %gather3A_263 = tpu.vector_load_idx %arg9[%broadcast_in_dim3A_262] : memref<128xf32, #tpu.memory_space<vmem>>[vector<16xi32>], vector<16xf32>,
      %add3A_264 = arith.constant 64 : i32
      %add3A_265 = vector.broadcast %add3A_264 : i32 to vector<16xi32>
      %add3A_266 = arith.addi %broadcast_in_dim3A_262, %add3A_265 : vector<16xi32>
      %gather3A_267 = tpu.vector_load_idx %arg9[%add3A_266] : memref<128xf32, #tpu.memory_space<vmem>>[vector<16xi32>], vector<16xf32>,
      %add3A_268 = arith.constant 1 : i32
      %add3A_269 = arith.addi %add3A_254, %add3A_268 : i32
      %broadcast_in_dim3A_270 = vector.broadcast %add3A_269 : i32 to vector<16xi32>
      %gather3A_271 = tpu.vector_load_idx %arg9[%broadcast_in_dim3A_270] : memref<128xf32, #tpu.memory_space<vmem>>[vector<16xi32>], vector<16xf32>,
      %add3A_272 = arith.constant 64 : i32
      %add3A_273 = vector.broadcast %add3A_272 : i32 to vector<16xi32>
      %add3A_274 = arith.addi %broadcast_in_dim3A_270, %add3A_273 : vector<16xi32>
      %gather3A_275 = tpu.vector_load_idx %arg9[%add3A_274] : memref<128xf32, #tpu.memory_space<vmem>>[vector<16xi32>], vector<16xf32>,
      %scan3A_276 = arith.constant 0 : i32
      %scan3A_277 = arith.constant 0 : i32
      %scan3A_278 = arith.constant 96 : i32
      %scan3A_279 = arith.addi %scan3A_277, %scan3A_278 : i32
      %scan3A_280 = arith.constant 1 : i32
      scf.for %scan3A_294 = %scan3A_277 to %scan3A_279 step %scan3A_280  : i32 {
        %get3A = arith.index_cast %scan3A_294 : i32 to index
        %get3A_295 = arith.constant 0 : index
        %get3A_296 = tpu.vector_load %arg10[%get3A, %get3A_295] {strides = array<i32>} : memref<104x128xf32, #tpu.memory_space<vmem>>, vector<16xf32>,
        %get3A_297 = arith.index_cast %scan3A_294 : i32 to index
        %get3A_298 = arith.constant 16 : index
        %get3A_299 = tpu.vector_load %arg10[%get3A_297, %get3A_298] {strides = array<i32>} : memref<104x128xf32, #tpu.memory_space<vmem>>, vector<16xf32>,
        %get3A_300 = arith.index_cast %scan3A_294 : i32 to index
        %get3A_301 = arith.constant 32 : index
        %get3A_302 = tpu.vector_load %arg10[%get3A_300, %get3A_301] {strides = array<i32>} : memref<104x128xf32, #tpu.memory_space<vmem>>, vector<16xf32>,
        %get3A_303 = arith.index_cast %scan3A_294 : i32 to index
        %get3A_304 = arith.constant 48 : index
        %get3A_305 = tpu.vector_load %arg10[%get3A_303, %get3A_304] {strides = array<i32>} : memref<104x128xf32, #tpu.memory_space<vmem>>, vector<16xf32>,
        %get3A_306 = arith.index_cast %scan3A_294 : i32 to index
        %get3A_307 = arith.constant 64 : index
        %get3A_308 = tpu.vector_load %arg10[%get3A_306, %get3A_307] {strides = array<i32>} : memref<104x128xf32, #tpu.memory_space<vmem>>, vector<16xf32>,
        %get3A_309 = arith.index_cast %scan3A_294 : i32 to index
        %get3A_310 = arith.constant 80 : index
        %get3A_311 = tpu.vector_load %arg10[%get3A_309, %get3A_310] {strides = array<i32>} : memref<104x128xf32, #tpu.memory_space<vmem>>, vector<16xf32>,
        %get3A_312 = arith.index_cast %scan3A_294 : i32 to index
        %get3A_313 = arith.constant 96 : index
        %get3A_314 = tpu.vector_load %arg10[%get3A_312, %get3A_313] {strides = array<i32>} : memref<104x128xf32, #tpu.memory_space<vmem>>, vector<16xf32>,
        %get3A_315 = arith.index_cast %scan3A_294 : i32 to index
        %get3A_316 = arith.constant 112 : index
        %get3A_317 = tpu.vector_load %arg10[%get3A_315, %get3A_316] {strides = array<i32>} : memref<104x128xf32, #tpu.memory_space<vmem>>, vector<16xf32>,
        %mul3A_318 = arith.mulf %get3A_296, %gather3A_263 : vector<16xf32>
        %add3A_319 = arith.addf %mul3A_318, %gather3A_267 : vector<16xf32>
        %swap3A = arith.constant 0 : i32
        %swap3A_320 = arith.index_cast %swap3A : i32 to index
        %swap3A_321 = arith.index_cast %scan3A_294 : i32 to index
        %swap3A_322 = arith.constant 0 : index
        %swap3A_323 = tpu.vector_load %arg14[%swap3A_320, %swap3A_321, %swap3A_322] {strides = array<i32>} : memref<2x104x128xf32, #tpu.memory_space<vmem>>, vector<16xf32>,
        tpu.vector_store %arg14[%swap3A_320, %swap3A_321, %swap3A_322], %add3A_319 {strides = array<i32>} : memref<2x104x128xf32, #tpu.memory_space<vmem>>, vector<16xf32>,
        %mul3A_324 = arith.mulf %get3A_299, %gather3A_263 : vector<16xf32>
        %add3A_325 = arith.addf %mul3A_324, %gather3A_267 : vector<16xf32>
        %swap3A_326 = arith.constant 0 : i32
        %swap3A_327 = arith.index_cast %swap3A_326 : i32 to index
        %swap3A_328 = arith.index_cast %scan3A_294 : i32 to index
        %swap3A_329 = arith.constant 16 : index
        %swap3A_330 = tpu.vector_load %arg14[%swap3A_327, %swap3A_328, %swap3A_329] {strides = array<i32>} : memref<2x104x128xf32, #tpu.memory_space<vmem>>, vector<16xf32>,
        tpu.vector_store %arg14[%swap3A_327, %swap3A_328, %swap3A_329], %add3A_325 {strides = array<i32>} : memref<2x104x128xf32, #tpu.memory_space<vmem>>, vector<16xf32>,
        %mul3A_331 = arith.mulf %get3A_302, %gather3A_263 : vector<16xf32>
        %add3A_332 = arith.addf %mul3A_331, %gather3A_267 : vector<16xf32>
        %swap3A_333 = arith.constant 0 : i32
        %swap3A_334 = arith.index_cast %swap3A_333 : i32 to index
        %swap3A_335 = arith.index_cast %scan3A_294 : i32 to index
        %swap3A_336 = arith.constant 32 : index
        %swap3A_337 = tpu.vector_load %arg14[%swap3A_334, %swap3A_335, %swap3A_336] {strides = array<i32>} : memref<2x104x128xf32, #tpu.memory_space<vmem>>, vector<16xf32>,
        tpu.vector_store %arg14[%swap3A_334, %swap3A_335, %swap3A_336], %add3A_332 {strides = array<i32>} : memref<2x104x128xf32, #tpu.memory_space<vmem>>, vector<16xf32>,
        %mul3A_338 = arith.mulf %get3A_305, %gather3A_263 : vector<16xf32>
        %add3A_339 = arith.addf %mul3A_338, %gather3A_267 : vector<16xf32>
        %swap3A_340 = arith.constant 0 : i32
        %swap3A_341 = arith.index_cast %swap3A_340 : i32 to index
        %swap3A_342 = arith.index_cast %scan3A_294 : i32 to index
        %swap3A_343 = arith.constant 48 : index
        %swap3A_344 = tpu.vector_load %arg14[%swap3A_341, %swap3A_342, %swap3A_343] {strides = array<i32>} : memref<2x104x128xf32, #tpu.memory_space<vmem>>, vector<16xf32>,
        tpu.vector_store %arg14[%swap3A_341, %swap3A_342, %swap3A_343], %add3A_339 {strides = array<i32>} : memref<2x104x128xf32, #tpu.memory_space<vmem>>, vector<16xf32>,
        %mul3A_345 = arith.mulf %get3A_308, %gather3A_263 : vector<16xf32>
        %add3A_346 = arith.addf %mul3A_345, %gather3A_267 : vector<16xf32>
        %swap3A_347 = arith.constant 0 : i32
        %swap3A_348 = arith.index_cast %swap3A_347 : i32 to index
        %swap3A_349 = arith.index_cast %scan3A_294 : i32 to index
        %swap3A_350 = arith.constant 64 : index
        %swap3A_351 = tpu.vector_load %arg14[%swap3A_348, %swap3A_349, %swap3A_350] {strides = array<i32>} : memref<2x104x128xf32, #tpu.memory_space<vmem>>, vector<16xf32>,
        tpu.vector_store %arg14[%swap3A_348, %swap3A_349, %swap3A_350], %add3A_346 {strides = array<i32>} : memref<2x104x128xf32, #tpu.memory_space<vmem>>, vector<16xf32>,
        %mul3A_352 = arith.mulf %get3A_311, %gather3A_263 : vector<16xf32>
        %add3A_353 = arith.addf %mul3A_352, %gather3A_267 : vector<16xf32>
        %swap3A_354 = arith.constant 0 : i32
        %swap3A_355 = arith.index_cast %swap3A_354 : i32 to index
        %swap3A_356 = arith.index_cast %scan3A_294 : i32 to index
        %swap3A_357 = arith.constant 80 : index
        %swap3A_358 = tpu.vector_load %arg14[%swap3A_355, %swap3A_356, %swap3A_357] {strides = array<i32>} : memref<2x104x128xf32, #tpu.memory_space<vmem>>, vector<16xf32>,
        tpu.vector_store %arg14[%swap3A_355, %swap3A_356, %swap3A_357], %add3A_353 {strides = array<i32>} : memref<2x104x128xf32, #tpu.memory_space<vmem>>, vector<16xf32>,
        %mul3A_359 = arith.mulf %get3A_314, %gather3A_263 : vector<16xf32>
        %add3A_360 = arith.addf %mul3A_359, %gather3A_267 : vector<16xf32>
        %swap3A_361 = arith.constant 0 : i32
        %swap3A_362 = arith.index_cast %swap3A_361 : i32 to index
        %swap3A_363 = arith.index_cast %scan3A_294 : i32 to index
        %swap3A_364 = arith.constant 96 : index
        %swap3A_365 = tpu.vector_load %arg14[%swap3A_362, %swap3A_363, %swap3A_364] {strides = array<i32>} : memref<2x104x128xf32, #tpu.memory_space<vmem>>, vector<16xf32>,
        tpu.vector_store %arg14[%swap3A_362, %swap3A_363, %swap3A_364], %add3A_360 {strides = array<i32>} : memref<2x104x128xf32, #tpu.memory_space<vmem>>, vector<16xf32>,
        %mul3A_366 = arith.mulf %get3A_317, %gather3A_263 : vector<16xf32>
        %add3A_367 = arith.addf %mul3A_366, %gather3A_267 : vector<16xf32>
        %swap3A_368 = arith.constant 0 : i32
        %swap3A_369 = arith.index_cast %swap3A_368 : i32 to index
        %swap3A_370 = arith.index_cast %scan3A_294 : i32 to index
        %swap3A_371 = arith.constant 112 : index
        %swap3A_372 = tpu.vector_load %arg14[%swap3A_369, %swap3A_370, %swap3A_371] {strides = array<i32>} : memref<2x104x128xf32, #tpu.memory_space<vmem>>, vector<16xf32>,
        tpu.vector_store %arg14[%swap3A_369, %swap3A_370, %swap3A_371], %add3A_367 {strides = array<i32>} : memref<2x104x128xf32, #tpu.memory_space<vmem>>, vector<16xf32>,
        %mul3A_373 = arith.mulf %get3A_296, %gather3A_271 : vector<16xf32>
        %add3A_374 = arith.addf %mul3A_373, %gather3A_275 : vector<16xf32>
        %swap3A_375 = arith.constant 1 : i32
        %swap3A_376 = arith.index_cast %swap3A_375 : i32 to index
        %swap3A_377 = arith.index_cast %scan3A_294 : i32 to index
        %swap3A_378 = arith.constant 0 : index
        %swap3A_379 = tpu.vector_load %arg14[%swap3A_376, %swap3A_377, %swap3A_378] {strides = array<i32>} : memref<2x104x128xf32, #tpu.memory_space<vmem>>, vector<16xf32>,
        tpu.vector_store %arg14[%swap3A_376, %swap3A_377, %swap3A_378], %add3A_374 {strides = array<i32>} : memref<2x104x128xf32, #tpu.memory_space<vmem>>, vector<16xf32>,
        %mul3A_380 = arith.mulf %get3A_299, %gather3A_271 : vector<16xf32>
        %add3A_381 = arith.addf %mul3A_380, %gather3A_275 : vector<16xf32>
        %swap3A_382 = arith.constant 1 : i32
        %swap3A_383 = arith.index_cast %swap3A_382 : i32 to index
        %swap3A_384 = arith.index_cast %scan3A_294 : i32 to index
        %swap3A_385 = arith.constant 16 : index
        %swap3A_386 = tpu.vector_load %arg14[%swap3A_383, %swap3A_384, %swap3A_385] {strides = array<i32>} : memref<2x104x128xf32, #tpu.memory_space<vmem>>, vector<16xf32>,
        tpu.vector_store %arg14[%swap3A_383, %swap3A_384, %swap3A_385], %add3A_381 {strides = array<i32>} : memref<2x104x128xf32, #tpu.memory_space<vmem>>, vector<16xf32>,
        %mul3A_387 = arith.mulf %get3A_302, %gather3A_271 : vector<16xf32>
        %add3A_388 = arith.addf %mul3A_387, %gather3A_275 : vector<16xf32>
        %swap3A_389 = arith.constant 1 : i32
        %swap3A_390 = arith.index_cast %swap3A_389 : i32 to index
        %swap3A_391 = arith.index_cast %scan3A_294 : i32 to index
        %swap3A_392 = arith.constant 32 : index
        %swap3A_393 = tpu.vector_load %arg14[%swap3A_390, %swap3A_391, %swap3A_392] {strides = array<i32>} : memref<2x104x128xf32, #tpu.memory_space<vmem>>, vector<16xf32>,
        tpu.vector_store %arg14[%swap3A_390, %swap3A_391, %swap3A_392], %add3A_388 {strides = array<i32>} : memref<2x104x128xf32, #tpu.memory_space<vmem>>, vector<16xf32>,
        %mul3A_394 = arith.mulf %get3A_305, %gather3A_271 : vector<16xf32>
        %add3A_395 = arith.addf %mul3A_394, %gather3A_275 : vector<16xf32>
        %swap3A_396 = arith.constant 1 : i32
        %swap3A_397 = arith.index_cast %swap3A_396 : i32 to index
        %swap3A_398 = arith.index_cast %scan3A_294 : i32 to index
        %swap3A_399 = arith.constant 48 : index
        %swap3A_400 = tpu.vector_load %arg14[%swap3A_397, %swap3A_398, %swap3A_399] {strides = array<i32>} : memref<2x104x128xf32, #tpu.memory_space<vmem>>, vector<16xf32>,
        tpu.vector_store %arg14[%swap3A_397, %swap3A_398, %swap3A_399], %add3A_395 {strides = array<i32>} : memref<2x104x128xf32, #tpu.memory_space<vmem>>, vector<16xf32>,
        %mul3A_401 = arith.mulf %get3A_308, %gather3A_271 : vector<16xf32>
        %add3A_402 = arith.addf %mul3A_401, %gather3A_275 : vector<16xf32>
        %swap3A_403 = arith.constant 1 : i32
        %swap3A_404 = arith.index_cast %swap3A_403 : i32 to index
        %swap3A_405 = arith.index_cast %scan3A_294 : i32 to index
        %swap3A_406 = arith.constant 64 : index
        %swap3A_407 = tpu.vector_load %arg14[%swap3A_404, %swap3A_405, %swap3A_406] {strides = array<i32>} : memref<2x104x128xf32, #tpu.memory_space<vmem>>, vector<16xf32>,
        tpu.vector_store %arg14[%swap3A_404, %swap3A_405, %swap3A_406], %add3A_402 {strides = array<i32>} : memref<2x104x128xf32, #tpu.memory_space<vmem>>, vector<16xf32>,
        %mul3A_408 = arith.mulf %get3A_311, %gather3A_271 : vector<16xf32>
        %add3A_409 = arith.addf %mul3A_408, %gather3A_275 : vector<16xf32>
        %swap3A_410 = arith.constant 1 : i32
        %swap3A_411 = arith.index_cast %swap3A_410 : i32 to index
        %swap3A_412 = arith.index_cast %scan3A_294 : i32 to index
        %swap3A_413 = arith.constant 80 : index
        %swap3A_414 = tpu.vector_load %arg14[%swap3A_411, %swap3A_412, %swap3A_413] {strides = array<i32>} : memref<2x104x128xf32, #tpu.memory_space<vmem>>, vector<16xf32>,
        tpu.vector_store %arg14[%swap3A_411, %swap3A_412, %swap3A_413], %add3A_409 {strides = array<i32>} : memref<2x104x128xf32, #tpu.memory_space<vmem>>, vector<16xf32>,
        %mul3A_415 = arith.mulf %get3A_314, %gather3A_271 : vector<16xf32>
        %add3A_416 = arith.addf %mul3A_415, %gather3A_275 : vector<16xf32>
        %swap3A_417 = arith.constant 1 : i32
        %swap3A_418 = arith.index_cast %swap3A_417 : i32 to index
        %swap3A_419 = arith.index_cast %scan3A_294 : i32 to index
        %swap3A_420 = arith.constant 96 : index
        %swap3A_421 = tpu.vector_load %arg14[%swap3A_418, %swap3A_419, %swap3A_420] {strides = array<i32>} : memref<2x104x128xf32, #tpu.memory_space<vmem>>, vector<16xf32>,
        tpu.vector_store %arg14[%swap3A_418, %swap3A_419, %swap3A_420], %add3A_416 {strides = array<i32>} : memref<2x104x128xf32, #tpu.memory_space<vmem>>, vector<16xf32>,
        %mul3A_422 = arith.mulf %get3A_317, %gather3A_271 : vector<16xf32>
        %add3A_423 = arith.addf %mul3A_422, %gather3A_275 : vector<16xf32>
        %swap3A_424 = arith.constant 1 : i32
        %swap3A_425 = arith.index_cast %swap3A_424 : i32 to index
        %swap3A_426 = arith.index_cast %scan3A_294 : i32 to index
        %swap3A_427 = arith.constant 112 : index
        %swap3A_428 = tpu.vector_load %arg14[%swap3A_425, %swap3A_426, %swap3A_427] {strides = array<i32>} : memref<2x104x128xf32, #tpu.memory_space<vmem>>, vector<16xf32>,
        tpu.vector_store %arg14[%swap3A_425, %swap3A_426, %swap3A_427], %add3A_423 {strides = array<i32>} : memref<2x104x128xf32, #tpu.memory_space<vmem>>, vector<16xf32>,
      }
      %scan3A_281 = arith.constant 96 : i32
      %dma_start3A_282 = arith.constant 0 : i32
      %dma_start3A_283 = arith.constant 0 : i32
      %dma_start3A_284 = arith.constant 0 : i32
      %dma_start3A_285 = tpu.memref_slice %arg14[%dma_start3A_282, %dma_start3A_283, %dma_start3A_284] : memref<2x104x128xf32, #tpu.memory_space<vmem>> -> memref<2x96x128xf32, #tpu.memory_space<vmem>>
      %dma_start3A_286 = arith.constant 0 : i32
      %dma_start3A_287 = tpu.memref_slice %arg7[%add3A_254, %dma_start3A_286, %mul3A_2] : memref<192x200x4096xf32, #tpu.memory_space<hbm>> -> memref<2x96x128xf32, #tpu.memory_space<hbm>>
      %dma_start3A_288 = arith.constant 0 : i32
      %dma_start3A_289 = tpu.memref_slice %arg7[%add3A_254, %dma_start3A_288, %mul3A_2] : memref<192x200x4096xf32, #tpu.memory_space<hbm>> -> memref<2x96x128xf32, #tpu.memory_space<hbm>>
      %dma_start3A_290 = arith.constant 0 : i32
      %dma_start3A_291 = arith.constant 0 : i32
      %dma_start3A_292 = arith.constant 0 : i32
      %dma_start3A_293 = tpu.memref_slice %arg14[%dma_start3A_290, %dma_start3A_291, %dma_start3A_292] : memref<2x104x128xf32, #tpu.memory_space<vmem>> -> memref<2x96x128xf32, #tpu.memory_space<vmem>>
      tpu.enqueue_dma source(%dma_start3A_293 : memref<2x96x128xf32, #tpu.memory_space<vmem>>) target(%dma_start3A_289 : memref<2x96x128xf32, #tpu.memory_space<hbm>>) target_semaphore(%arg16 : memref<!tpu.dma_semaphore, #tpu.memory_space<semaphore_mem>>)
    }
    %scan3A_7 = arith.constant 16 : i32
    %dma_wait3A = arith.constant 0 : i32
    %dma_wait3A_8 = arith.constant 0 : i32
    %dma_wait3A_9 = arith.constant 0 : i32
    %dma_wait3A_10 = tpu.memref_slice %arg13[%dma_wait3A, %dma_wait3A_8, %dma_wait3A_9] : memref<2x104x128xf32, #tpu.memory_space<vmem>> -> memref<2x96x128xf32, #tpu.memory_space<vmem>>
    %dma_wait3A_11 = arith.constant 60 : i32
    %dma_wait3A_12 = arith.constant 0 : i32
    %dma_wait3A_13 = tpu.memref_slice %arg7[%dma_wait3A_11, %dma_wait3A_12, %mul3A_2] : memref<192x200x4096xf32, #tpu.memory_space<hbm>> -> memref<2x96x128xf32, #tpu.memory_space<hbm>>
    %dma_wait3A_14 = arith.constant 60 : i32
    %dma_wait3A_15 = arith.constant 0 : i32
    %dma_wait3A_16 = tpu.memref_slice %arg7[%dma_wait3A_14, %dma_wait3A_15, %mul3A_2] : memref<192x200x4096xf32, #tpu.memory_space<hbm>> -> memref<2x96x128xf32, #tpu.memory_space<hbm>>
    %dma_wait3A_17 = arith.constant 0 : i32
    %dma_wait3A_18 = arith.constant 0 : i32
    %dma_wait3A_19 = arith.constant 0 : i32
    %dma_wait3A_20 = tpu.memref_slice %arg13[%dma_wait3A_17, %dma_wait3A_18, %dma_wait3A_19] : memref<2x104x128xf32, #tpu.memory_space<vmem>> -> memref<2x96x128xf32, #tpu.memory_space<vmem>>
    tpu.wait_dma2 semaphore(%arg15 : memref<!tpu.dma_semaphore, #tpu.memory_space<semaphore_mem>>) src(%dma_wait3A_20 : memref<2x96x128xf32, #tpu.memory_space<vmem>>) dst(%dma_wait3A_16 : memref<2x96x128xf32, #tpu.memory_space<hbm>>)
    %dma_wait3A_21 = arith.constant 0 : i32
    %dma_wait3A_22 = arith.constant 0 : i32
    %dma_wait3A_23 = arith.constant 0 : i32
    %dma_wait3A_24 = tpu.memref_slice %arg14[%dma_wait3A_21, %dma_wait3A_22, %dma_wait3A_23] : memref<2x104x128xf32, #tpu.memory_space<vmem>> -> memref<2x96x128xf32, #tpu.memory_space<vmem>>
    %dma_wait3A_25 = arith.constant 62 : i32
    %dma_wait3A_26 = arith.constant 0 : i32
    %dma_wait3A_27 = tpu.memref_slice %arg7[%dma_wait3A_25, %dma_wait3A_26, %mul3A_2] : memref<192x200x4096xf32, #tpu.memory_space<hbm>> -> memref<2x96x128xf32, #tpu.memory_space<hbm>>
    %dma_wait3A_28 = arith.constant 62 : i32
    %dma_wait3A_29 = arith.constant 0 : i32
    %dma_wait3A_30 = tpu.memref_slice %arg7[%dma_wait3A_28, %dma_wait3A_29, %mul3A_2] : memref<192x200x4096xf32, #tpu.memory_space<hbm>> -> memref<2x96x128xf32, #tpu.memory_space<hbm>>
    %dma_wait3A_31 = arith.constant 0 : i32
    %dma_wait3A_32 = arith.constant 0 : i32
    %dma_wait3A_33 = arith.constant 0 : i32
    %dma_wait3A_34 = tpu.memref_slice %arg14[%dma_wait3A_31, %dma_wait3A_32, %dma_wait3A_33] : memref<2x104x128xf32, #tpu.memory_space<vmem>> -> memref<2x96x128xf32, #tpu.memory_space<vmem>>
    tpu.wait_dma2 semaphore(%arg16 : memref<!tpu.dma_semaphore, #tpu.memory_space<semaphore_mem>>) src(%dma_wait3A_34 : memref<2x96x128xf32, #tpu.memory_space<vmem>>) dst(%dma_wait3A_30 : memref<2x96x128xf32, #tpu.memory_space<hbm>>)
    %scan3A_35 = arith.constant 0 : i32
    %scan3A_36 = arith.constant 0 : i32
    %scan3A_37 = arith.constant 16 : i32
    %scan3A_38 = arith.addi %scan3A_36, %scan3A_37 : i32
    %scan3A_39 = arith.constant 1 : i32
    scf.for %scan3A_205 = %scan3A_36 to %scan3A_38 step %scan3A_39  : i32 {
      %mul3A_206 = arith.constant 2 : i32
      %mul3A_207 = arith.muli %scan3A_205, %mul3A_206 : i32
      %add3A_208 = arith.constant 0 : i32
      %add3A_209 = arith.addi %mul3A_207, %add3A_208 : i32
      %mul3A_210 = arith.constant 2 : i32
      %mul3A_211 = arith.muli %add3A_209, %mul3A_210 : i32
      %add3A_212 = arith.constant 64 : i32
      %add3A_213 = arith.addi %add3A_212, %mul3A_211 : i32
      %ge3A = arith.constant 2 : i32
      %ge3A_214 = arith.cmpi sge, %add3A_209, %ge3A : i32
      %convert_element_type3A = arith.extui %ge3A_214 : i1 to i32
      %cond3A = arith.constant 0 : i32
      %cond3A_215 = arith.cmpi ne, %convert_element_type3A, %cond3A : i32
      scf.if %cond3A_215 {
        %sub3A_267 = arith.constant 4 : i32
        %sub3A_268 = arith.subi %add3A_213, %sub3A_267 : i32
        %dma_wait3A_269 = arith.constant 0 : i32
        %dma_wait3A_270 = arith.constant 0 : i32
        %dma_wait3A_271 = arith.constant 0 : i32
        %dma_wait3A_272 = tpu.memref_slice %arg13[%dma_wait3A_269, %dma_wait3A_270, %dma_wait3A_271] : memref<2x104x128xf32, #tpu.memory_space<vmem>> -> memref<2x96x128xf32, #tpu.memory_space<vmem>>
        %dma_wait3A_273 = arith.constant 0 : i32
        %dma_wait3A_274 = tpu.memref_slice %arg7[%sub3A_268, %dma_wait3A_273, %mul3A_2] : memref<192x200x4096xf32, #tpu.memory_space<hbm>> -> memref<2x96x128xf32, #tpu.memory_space<hbm>>
        %dma_wait3A_275 = arith.constant 0 : i32
        %dma_wait3A_276 = tpu.memref_slice %arg7[%sub3A_268, %dma_wait3A_275, %mul3A_2] : memref<192x200x4096xf32, #tpu.memory_space<hbm>> -> memref<2x96x128xf32, #tpu.memory_space<hbm>>
        %dma_wait3A_277 = arith.constant 0 : i32
        %dma_wait3A_278 = arith.constant 0 : i32
        %dma_wait3A_279 = arith.constant 0 : i32
        %dma_wait3A_280 = tpu.memref_slice %arg13[%dma_wait3A_277, %dma_wait3A_278, %dma_wait3A_279] : memref<2x104x128xf32, #tpu.memory_space<vmem>> -> memref<2x96x128xf32, #tpu.memory_space<vmem>>
        tpu.wait_dma2 semaphore(%arg15 : memref<!tpu.dma_semaphore, #tpu.memory_space<semaphore_mem>>) src(%dma_wait3A_280 : memref<2x96x128xf32, #tpu.memory_space<vmem>>) dst(%dma_wait3A_276 : memref<2x96x128xf32, #tpu.memory_space<hbm>>)
      } else {
      }
      %sub3A = arith.constant 64 : i32
      %sub3A_216 = arith.subi %add3A_213, %sub3A : i32
      %scan3A_217 = arith.constant 0 : i32
      %scan3A_218 = arith.constant 0 : i32
      %scan3A_219 = arith.constant 96 : i32
      %scan3A_220 = arith.addi %scan3A_218, %scan3A_219 : i32
      %scan3A_221 = arith.constant 1 : i32
      scf.for %scan3A_267 = %scan3A_218 to %scan3A_220 step %scan3A_221  : i32 {
        %get3A = arith.index_cast %scan3A_267 : i32 to index
        %get3A_268 = arith.constant 0 : index
        %get3A_269 = tpu.vector_load %arg11[%get3A, %get3A_268] {strides = array<i32>} : memref<104x128xi32, #tpu.memory_space<vmem>>, vector<16xi32>,
        %get3A_270 = arith.index_cast %scan3A_267 : i32 to index
        %get3A_271 = arith.constant 16 : index
        %get3A_272 = tpu.vector_load %arg11[%get3A_270, %get3A_271] {strides = array<i32>} : memref<104x128xi32, #tpu.memory_space<vmem>>, vector<16xi32>,
        %get3A_273 = arith.index_cast %scan3A_267 : i32 to index
        %get3A_274 = arith.constant 32 : index
        %get3A_275 = tpu.vector_load %arg11[%get3A_273, %get3A_274] {strides = array<i32>} : memref<104x128xi32, #tpu.memory_space<vmem>>, vector<16xi32>,
        %get3A_276 = arith.index_cast %scan3A_267 : i32 to index
        %get3A_277 = arith.constant 48 : index
        %get3A_278 = tpu.vector_load %arg11[%get3A_276, %get3A_277] {strides = array<i32>} : memref<104x128xi32, #tpu.memory_space<vmem>>, vector<16xi32>,
        %get3A_279 = arith.index_cast %scan3A_267 : i32 to index
        %get3A_280 = arith.constant 64 : index
        %get3A_281 = tpu.vector_load %arg11[%get3A_279, %get3A_280] {strides = array<i32>} : memref<104x128xi32, #tpu.memory_space<vmem>>, vector<16xi32>,
        %get3A_282 = arith.index_cast %scan3A_267 : i32 to index
        %get3A_283 = arith.constant 80 : index
        %get3A_284 = tpu.vector_load %arg11[%get3A_282, %get3A_283] {strides = array<i32>} : memref<104x128xi32, #tpu.memory_space<vmem>>, vector<16xi32>,
        %get3A_285 = arith.index_cast %scan3A_267 : i32 to index
        %get3A_286 = arith.constant 96 : index
        %get3A_287 = tpu.vector_load %arg11[%get3A_285, %get3A_286] {strides = array<i32>} : memref<104x128xi32, #tpu.memory_space<vmem>>, vector<16xi32>,
        %get3A_288 = arith.index_cast %scan3A_267 : i32 to index
        %get3A_289 = arith.constant 112 : index
        %get3A_290 = tpu.vector_load %arg11[%get3A_288, %get3A_289] {strides = array<i32>} : memref<104x128xi32, #tpu.memory_space<vmem>>, vector<16xi32>,
        %add3A_291 = arith.constant 0 : i32
        %add3A_292 = arith.addi %sub3A_216, %add3A_291 : i32
        %mul3A_293 = arith.constant 100 : i32
        %mul3A_294 = arith.muli %add3A_292, %mul3A_293 : i32
        %add3A_295 = arith.constant 0 : i32
        %add3A_296 = arith.addi %add3A_295, %mul3A_294 : i32
        %add3A_297 = vector.broadcast %add3A_296 : i32 to vector<16xi32>
        %add3A_298 = arith.addi %get3A_269, %add3A_297 : vector<16xi32>
        %gather3A = tpu.vector_load_idx %arg8[%add3A_298] : memref<14592xf32, #tpu.memory_space<vmem>>[vector<16xi32>], vector<16xf32>,
        %add3A_299 = vector.broadcast %add3A_296 : i32 to vector<16xi32>
        %add3A_300 = arith.addi %get3A_272, %add3A_299 : vector<16xi32>
        %gather3A_301 = tpu.vector_load_idx %arg8[%add3A_300] : memref<14592xf32, #tpu.memory_space<vmem>>[vector<16xi32>], vector<16xf32>,
        %add3A_302 = vector.broadcast %add3A_296 : i32 to vector<16xi32>
        %add3A_303 = arith.addi %get3A_275, %add3A_302 : vector<16xi32>
        %gather3A_304 = tpu.vector_load_idx %arg8[%add3A_303] : memref<14592xf32, #tpu.memory_space<vmem>>[vector<16xi32>], vector<16xf32>,
        %add3A_305 = vector.broadcast %add3A_296 : i32 to vector<16xi32>
        %add3A_306 = arith.addi %get3A_278, %add3A_305 : vector<16xi32>
        %gather3A_307 = tpu.vector_load_idx %arg8[%add3A_306] : memref<14592xf32, #tpu.memory_space<vmem>>[vector<16xi32>], vector<16xf32>,
        %add3A_308 = vector.broadcast %add3A_296 : i32 to vector<16xi32>
        %add3A_309 = arith.addi %get3A_281, %add3A_308 : vector<16xi32>
        %gather3A_310 = tpu.vector_load_idx %arg8[%add3A_309] : memref<14592xf32, #tpu.memory_space<vmem>>[vector<16xi32>], vector<16xf32>,
        %add3A_311 = vector.broadcast %add3A_296 : i32 to vector<16xi32>
        %add3A_312 = arith.addi %get3A_284, %add3A_311 : vector<16xi32>
        %gather3A_313 = tpu.vector_load_idx %arg8[%add3A_312] : memref<14592xf32, #tpu.memory_space<vmem>>[vector<16xi32>], vector<16xf32>,
        %add3A_314 = vector.broadcast %add3A_296 : i32 to vector<16xi32>
        %add3A_315 = arith.addi %get3A_287, %add3A_314 : vector<16xi32>
        %gather3A_316 = tpu.vector_load_idx %arg8[%add3A_315] : memref<14592xf32, #tpu.memory_space<vmem>>[vector<16xi32>], vector<16xf32>,
        %add3A_317 = vector.broadcast %add3A_296 : i32 to vector<16xi32>
        %add3A_318 = arith.addi %get3A_290, %add3A_317 : vector<16xi32>
        %gather3A_319 = tpu.vector_load_idx %arg8[%add3A_318] : memref<14592xf32, #tpu.memory_space<vmem>>[vector<16xi32>], vector<16xf32>,
        %add3A_320 = arith.constant 1 : i32
        %add3A_321 = arith.addi %sub3A_216, %add3A_320 : i32
        %mul3A_322 = arith.constant 100 : i32
        %mul3A_323 = arith.muli %add3A_321, %mul3A_322 : i32
        %add3A_324 = arith.constant 0 : i32
        %add3A_325 = arith.addi %add3A_324, %mul3A_323 : i32
        %add3A_326 = vector.broadcast %add3A_325 : i32 to vector<16xi32>
        %add3A_327 = arith.addi %get3A_269, %add3A_326 : vector<16xi32>
        %gather3A_328 = tpu.vector_load_idx %arg8[%add3A_327] : memref<14592xf32, #tpu.memory_space<vmem>>[vector<16xi32>], vector<16xf32>,
        %add3A_329 = vector.broadcast %add3A_325 : i32 to vector<16xi32>
        %add3A_330 = arith.addi %get3A_272, %add3A_329 : vector<16xi32>
        %gather3A_331 = tpu.vector_load_idx %arg8[%add3A_330] : memref<14592xf32, #tpu.memory_space<vmem>>[vector<16xi32>], vector<16xf32>,
        %add3A_332 = vector.broadcast %add3A_325 : i32 to vector<16xi32>
        %add3A_333 = arith.addi %get3A_275, %add3A_332 : vector<16xi32>
        %gather3A_334 = tpu.vector_load_idx %arg8[%add3A_333] : memref<14592xf32, #tpu.memory_space<vmem>>[vector<16xi32>], vector<16xf32>,
        %add3A_335 = vector.broadcast %add3A_325 : i32 to vector<16xi32>
        %add3A_336 = arith.addi %get3A_278, %add3A_335 : vector<16xi32>
        %gather3A_337 = tpu.vector_load_idx %arg8[%add3A_336] : memref<14592xf32, #tpu.memory_space<vmem>>[vector<16xi32>], vector<16xf32>,
        %add3A_338 = vector.broadcast %add3A_325 : i32 to vector<16xi32>
        %add3A_339 = arith.addi %get3A_281, %add3A_338 : vector<16xi32>
        %gather3A_340 = tpu.vector_load_idx %arg8[%add3A_339] : memref<14592xf32, #tpu.memory_space<vmem>>[vector<16xi32>], vector<16xf32>,
        %add3A_341 = vector.broadcast %add3A_325 : i32 to vector<16xi32>
        %add3A_342 = arith.addi %get3A_284, %add3A_341 : vector<16xi32>
        %gather3A_343 = tpu.vector_load_idx %arg8[%add3A_342] : memref<14592xf32, #tpu.memory_space<vmem>>[vector<16xi32>], vector<16xf32>,
        %add3A_344 = vector.broadcast %add3A_325 : i32 to vector<16xi32>
        %add3A_345 = arith.addi %get3A_287, %add3A_344 : vector<16xi32>
        %gather3A_346 = tpu.vector_load_idx %arg8[%add3A_345] : memref<14592xf32, #tpu.memory_space<vmem>>[vector<16xi32>], vector<16xf32>,
        %add3A_347 = vector.broadcast %add3A_325 : i32 to vector<16xi32>
        %add3A_348 = arith.addi %get3A_290, %add3A_347 : vector<16xi32>
        %gather3A_349 = tpu.vector_load_idx %arg8[%add3A_348] : memref<14592xf32, #tpu.memory_space<vmem>>[vector<16xi32>], vector<16xf32>,
        %swap3A = arith.constant 0 : i32
        %swap3A_350 = arith.index_cast %swap3A : i32 to index
        %swap3A_351 = arith.index_cast %scan3A_267 : i32 to index
        %swap3A_352 = arith.constant 0 : index
        %swap3A_353 = tpu.vector_load %arg13[%swap3A_350, %swap3A_351, %swap3A_352] {strides = array<i32>} : memref<2x104x128xf32, #tpu.memory_space<vmem>>, vector<16xf32>,
        tpu.vector_store %arg13[%swap3A_350, %swap3A_351, %swap3A_352], %gather3A {strides = array<i32>} : memref<2x104x128xf32, #tpu.memory_space<vmem>>, vector<16xf32>,
        %swap3A_354 = arith.constant 0 : i32
        %swap3A_355 = arith.index_cast %swap3A_354 : i32 to index
        %swap3A_356 = arith.index_cast %scan3A_267 : i32 to index
        %swap3A_357 = arith.constant 16 : index
        %swap3A_358 = tpu.vector_load %arg13[%swap3A_355, %swap3A_356, %swap3A_357] {strides = array<i32>} : memref<2x104x128xf32, #tpu.memory_space<vmem>>, vector<16xf32>,
        tpu.vector_store %arg13[%swap3A_355, %swap3A_356, %swap3A_357], %gather3A_301 {strides = array<i32>} : memref<2x104x128xf32, #tpu.memory_space<vmem>>, vector<16xf32>,
        %swap3A_359 = arith.constant 0 : i32
        %swap3A_360 = arith.index_cast %swap3A_359 : i32 to index
        %swap3A_361 = arith.index_cast %scan3A_267 : i32 to index
        %swap3A_362 = arith.constant 32 : index
        %swap3A_363 = tpu.vector_load %arg13[%swap3A_360, %swap3A_361, %swap3A_362] {strides = array<i32>} : memref<2x104x128xf32, #tpu.memory_space<vmem>>, vector<16xf32>,
        tpu.vector_store %arg13[%swap3A_360, %swap3A_361, %swap3A_362], %gather3A_304 {strides = array<i32>} : memref<2x104x128xf32, #tpu.memory_space<vmem>>, vector<16xf32>,
        %swap3A_364 = arith.constant 0 : i32
        %swap3A_365 = arith.index_cast %swap3A_364 : i32 to index
        %swap3A_366 = arith.index_cast %scan3A_267 : i32 to index
        %swap3A_367 = arith.constant 48 : index
        %swap3A_368 = tpu.vector_load %arg13[%swap3A_365, %swap3A_366, %swap3A_367] {strides = array<i32>} : memref<2x104x128xf32, #tpu.memory_space<vmem>>, vector<16xf32>,
        tpu.vector_store %arg13[%swap3A_365, %swap3A_366, %swap3A_367], %gather3A_307 {strides = array<i32>} : memref<2x104x128xf32, #tpu.memory_space<vmem>>, vector<16xf32>,
        %swap3A_369 = arith.constant 0 : i32
        %swap3A_370 = arith.index_cast %swap3A_369 : i32 to index
        %swap3A_371 = arith.index_cast %scan3A_267 : i32 to index
        %swap3A_372 = arith.constant 64 : index
        %swap3A_373 = tpu.vector_load %arg13[%swap3A_370, %swap3A_371, %swap3A_372] {strides = array<i32>} : memref<2x104x128xf32, #tpu.memory_space<vmem>>, vector<16xf32>,
        tpu.vector_store %arg13[%swap3A_370, %swap3A_371, %swap3A_372], %gather3A_310 {strides = array<i32>} : memref<2x104x128xf32, #tpu.memory_space<vmem>>, vector<16xf32>,
        %swap3A_374 = arith.constant 0 : i32
        %swap3A_375 = arith.index_cast %swap3A_374 : i32 to index
        %swap3A_376 = arith.index_cast %scan3A_267 : i32 to index
        %swap3A_377 = arith.constant 80 : index
        %swap3A_378 = tpu.vector_load %arg13[%swap3A_375, %swap3A_376, %swap3A_377] {strides = array<i32>} : memref<2x104x128xf32, #tpu.memory_space<vmem>>, vector<16xf32>,
        tpu.vector_store %arg13[%swap3A_375, %swap3A_376, %swap3A_377], %gather3A_313 {strides = array<i32>} : memref<2x104x128xf32, #tpu.memory_space<vmem>>, vector<16xf32>,
        %swap3A_379 = arith.constant 0 : i32
        %swap3A_380 = arith.index_cast %swap3A_379 : i32 to index
        %swap3A_381 = arith.index_cast %scan3A_267 : i32 to index
        %swap3A_382 = arith.constant 96 : index
        %swap3A_383 = tpu.vector_load %arg13[%swap3A_380, %swap3A_381, %swap3A_382] {strides = array<i32>} : memref<2x104x128xf32, #tpu.memory_space<vmem>>, vector<16xf32>,
        tpu.vector_store %arg13[%swap3A_380, %swap3A_381, %swap3A_382], %gather3A_316 {strides = array<i32>} : memref<2x104x128xf32, #tpu.memory_space<vmem>>, vector<16xf32>,
        %swap3A_384 = arith.constant 0 : i32
        %swap3A_385 = arith.index_cast %swap3A_384 : i32 to index
        %swap3A_386 = arith.index_cast %scan3A_267 : i32 to index
        %swap3A_387 = arith.constant 112 : index
        %swap3A_388 = tpu.vector_load %arg13[%swap3A_385, %swap3A_386, %swap3A_387] {strides = array<i32>} : memref<2x104x128xf32, #tpu.memory_space<vmem>>, vector<16xf32>,
        tpu.vector_store %arg13[%swap3A_385, %swap3A_386, %swap3A_387], %gather3A_319 {strides = array<i32>} : memref<2x104x128xf32, #tpu.memory_space<vmem>>, vector<16xf32>,
        %swap3A_389 = arith.constant 1 : i32
        %swap3A_390 = arith.index_cast %swap3A_389 : i32 to index
        %swap3A_391 = arith.index_cast %scan3A_267 : i32 to index
        %swap3A_392 = arith.constant 0 : index
        %swap3A_393 = tpu.vector_load %arg13[%swap3A_390, %swap3A_391, %swap3A_392] {strides = array<i32>} : memref<2x104x128xf32, #tpu.memory_space<vmem>>, vector<16xf32>,
        tpu.vector_store %arg13[%swap3A_390, %swap3A_391, %swap3A_392], %gather3A_328 {strides = array<i32>} : memref<2x104x128xf32, #tpu.memory_space<vmem>>, vector<16xf32>,
        %swap3A_394 = arith.constant 1 : i32
        %swap3A_395 = arith.index_cast %swap3A_394 : i32 to index
        %swap3A_396 = arith.index_cast %scan3A_267 : i32 to index
        %swap3A_397 = arith.constant 16 : index
        %swap3A_398 = tpu.vector_load %arg13[%swap3A_395, %swap3A_396, %swap3A_397] {strides = array<i32>} : memref<2x104x128xf32, #tpu.memory_space<vmem>>, vector<16xf32>,
        tpu.vector_store %arg13[%swap3A_395, %swap3A_396, %swap3A_397], %gather3A_331 {strides = array<i32>} : memref<2x104x128xf32, #tpu.memory_space<vmem>>, vector<16xf32>,
        %swap3A_399 = arith.constant 1 : i32
        %swap3A_400 = arith.index_cast %swap3A_399 : i32 to index
        %swap3A_401 = arith.index_cast %scan3A_267 : i32 to index
        %swap3A_402 = arith.constant 32 : index
        %swap3A_403 = tpu.vector_load %arg13[%swap3A_400, %swap3A_401, %swap3A_402] {strides = array<i32>} : memref<2x104x128xf32, #tpu.memory_space<vmem>>, vector<16xf32>,
        tpu.vector_store %arg13[%swap3A_400, %swap3A_401, %swap3A_402], %gather3A_334 {strides = array<i32>} : memref<2x104x128xf32, #tpu.memory_space<vmem>>, vector<16xf32>,
        %swap3A_404 = arith.constant 1 : i32
        %swap3A_405 = arith.index_cast %swap3A_404 : i32 to index
        %swap3A_406 = arith.index_cast %scan3A_267 : i32 to index
        %swap3A_407 = arith.constant 48 : index
        %swap3A_408 = tpu.vector_load %arg13[%swap3A_405, %swap3A_406, %swap3A_407] {strides = array<i32>} : memref<2x104x128xf32, #tpu.memory_space<vmem>>, vector<16xf32>,
        tpu.vector_store %arg13[%swap3A_405, %swap3A_406, %swap3A_407], %gather3A_337 {strides = array<i32>} : memref<2x104x128xf32, #tpu.memory_space<vmem>>, vector<16xf32>,
        %swap3A_409 = arith.constant 1 : i32
        %swap3A_410 = arith.index_cast %swap3A_409 : i32 to index
        %swap3A_411 = arith.index_cast %scan3A_267 : i32 to index
        %swap3A_412 = arith.constant 64 : index
        %swap3A_413 = tpu.vector_load %arg13[%swap3A_410, %swap3A_411, %swap3A_412] {strides = array<i32>} : memref<2x104x128xf32, #tpu.memory_space<vmem>>, vector<16xf32>,
        tpu.vector_store %arg13[%swap3A_410, %swap3A_411, %swap3A_412], %gather3A_340 {strides = array<i32>} : memref<2x104x128xf32, #tpu.memory_space<vmem>>, vector<16xf32>,
        %swap3A_414 = arith.constant 1 : i32
        %swap3A_415 = arith.index_cast %swap3A_414 : i32 to index
        %swap3A_416 = arith.index_cast %scan3A_267 : i32 to index
        %swap3A_417 = arith.constant 80 : index
        %swap3A_418 = tpu.vector_load %arg13[%swap3A_415, %swap3A_416, %swap3A_417] {strides = array<i32>} : memref<2x104x128xf32, #tpu.memory_space<vmem>>, vector<16xf32>,
        tpu.vector_store %arg13[%swap3A_415, %swap3A_416, %swap3A_417], %gather3A_343 {strides = array<i32>} : memref<2x104x128xf32, #tpu.memory_space<vmem>>, vector<16xf32>,
        %swap3A_419 = arith.constant 1 : i32
        %swap3A_420 = arith.index_cast %swap3A_419 : i32 to index
        %swap3A_421 = arith.index_cast %scan3A_267 : i32 to index
        %swap3A_422 = arith.constant 96 : index
        %swap3A_423 = tpu.vector_load %arg13[%swap3A_420, %swap3A_421, %swap3A_422] {strides = array<i32>} : memref<2x104x128xf32, #tpu.memory_space<vmem>>, vector<16xf32>,
        tpu.vector_store %arg13[%swap3A_420, %swap3A_421, %swap3A_422], %gather3A_346 {strides = array<i32>} : memref<2x104x128xf32, #tpu.memory_space<vmem>>, vector<16xf32>,
        %swap3A_424 = arith.constant 1 : i32
        %swap3A_425 = arith.index_cast %swap3A_424 : i32 to index
        %swap3A_426 = arith.index_cast %scan3A_267 : i32 to index
        %swap3A_427 = arith.constant 112 : index
        %swap3A_428 = tpu.vector_load %arg13[%swap3A_425, %swap3A_426, %swap3A_427] {strides = array<i32>} : memref<2x104x128xf32, #tpu.memory_space<vmem>>, vector<16xf32>,
        tpu.vector_store %arg13[%swap3A_425, %swap3A_426, %swap3A_427], %gather3A_349 {strides = array<i32>} : memref<2x104x128xf32, #tpu.memory_space<vmem>>, vector<16xf32>,
      }
      %scan3A_222 = arith.constant 96 : i32
      %dma_start3A = arith.constant 0 : i32
      %dma_start3A_223 = arith.constant 0 : i32
      %dma_start3A_224 = arith.constant 0 : i32
      %dma_start3A_225 = tpu.memref_slice %arg13[%dma_start3A, %dma_start3A_223, %dma_start3A_224] : memref<2x104x128xf32, #tpu.memory_space<vmem>> -> memref<2x96x128xf32, #tpu.memory_space<vmem>>
      %dma_start3A_226 = arith.constant 0 : i32
      %dma_start3A_227 = tpu.memref_slice %arg7[%add3A_213, %dma_start3A_226, %mul3A_2] : memref<192x200x4096xf32, #tpu.memory_space<hbm>> -> memref<2x96x128xf32, #tpu.memory_space<hbm>>
      %dma_start3A_228 = arith.constant 0 : i32
      %dma_start3A_229 = tpu.memref_slice %arg7[%add3A_213, %dma_start3A_228, %mul3A_2] : memref<192x200x4096xf32, #tpu.memory_space<hbm>> -> memref<2x96x128xf32, #tpu.memory_space<hbm>>
      %dma_start3A_230 = arith.constant 0 : i32
      %dma_start3A_231 = arith.constant 0 : i32
      %dma_start3A_232 = arith.constant 0 : i32
      %dma_start3A_233 = tpu.memref_slice %arg13[%dma_start3A_230, %dma_start3A_231, %dma_start3A_232] : memref<2x104x128xf32, #tpu.memory_space<vmem>> -> memref<2x96x128xf32, #tpu.memory_space<vmem>>
      tpu.enqueue_dma source(%dma_start3A_233 : memref<2x96x128xf32, #tpu.memory_space<vmem>>) target(%dma_start3A_229 : memref<2x96x128xf32, #tpu.memory_space<hbm>>) target_semaphore(%arg15 : memref<!tpu.dma_semaphore, #tpu.memory_space<semaphore_mem>>)
      %mul3A_234 = arith.constant 2 : i32
      %mul3A_235 = arith.muli %scan3A_205, %mul3A_234 : i32
      %add3A_236 = arith.constant 1 : i32
      %add3A_237 = arith.addi %mul3A_235, %add3A_236 : i32
      %mul3A_238 = arith.constant 2 : i32
      %mul3A_239 = arith.muli %add3A_237, %mul3A_238 : i32
      %add3A_240 = arith.constant 64 : i32
      %add3A_241 = arith.addi %add3A_240, %mul3A_239 : i32
      %ge3A_242 = arith.constant 2 : i32
      %ge3A_243 = arith.cmpi sge, %add3A_237, %ge3A_242 : i32
      %convert_element_type3A_244 = arith.extui %ge3A_243 : i1 to i32
      %cond3A_245 = arith.constant 0 : i32
      %cond3A_246 = arith.cmpi ne, %convert_element_type3A_244, %cond3A_245 : i32
      scf.if %cond3A_246 {
        %sub3A_267 = arith.constant 4 : i32
        %sub3A_268 = arith.subi %add3A_241, %sub3A_267 : i32
        %dma_wait3A_269 = arith.constant 0 : i32
        %dma_wait3A_270 = arith.constant 0 : i32
        %dma_wait3A_271 = arith.constant 0 : i32
        %dma_wait3A_272 = tpu.memref_slice %arg14[%dma_wait3A_269, %dma_wait3A_270, %dma_wait3A_271] : memref<2x104x128xf32, #tpu.memory_space<vmem>> -> memref<2x96x128xf32, #tpu.memory_space<vmem>>
        %dma_wait3A_273 = arith.constant 0 : i32
        %dma_wait3A_274 = tpu.memref_slice %arg7[%sub3A_268, %dma_wait3A_273, %mul3A_2] : memref<192x200x4096xf32, #tpu.memory_space<hbm>> -> memref<2x96x128xf32, #tpu.memory_space<hbm>>
        %dma_wait3A_275 = arith.constant 0 : i32
        %dma_wait3A_276 = tpu.memref_slice %arg7[%sub3A_268, %dma_wait3A_275, %mul3A_2] : memref<192x200x4096xf32, #tpu.memory_space<hbm>> -> memref<2x96x128xf32, #tpu.memory_space<hbm>>
        %dma_wait3A_277 = arith.constant 0 : i32
        %dma_wait3A_278 = arith.constant 0 : i32
        %dma_wait3A_279 = arith.constant 0 : i32
        %dma_wait3A_280 = tpu.memref_slice %arg14[%dma_wait3A_277, %dma_wait3A_278, %dma_wait3A_279] : memref<2x104x128xf32, #tpu.memory_space<vmem>> -> memref<2x96x128xf32, #tpu.memory_space<vmem>>
        tpu.wait_dma2 semaphore(%arg16 : memref<!tpu.dma_semaphore, #tpu.memory_space<semaphore_mem>>) src(%dma_wait3A_280 : memref<2x96x128xf32, #tpu.memory_space<vmem>>) dst(%dma_wait3A_276 : memref<2x96x128xf32, #tpu.memory_space<hbm>>)
      } else {
      }
      %sub3A_247 = arith.constant 64 : i32
      %sub3A_248 = arith.subi %add3A_241, %sub3A_247 : i32
      %scan3A_249 = arith.constant 0 : i32
      %scan3A_250 = arith.constant 0 : i32
      %scan3A_251 = arith.constant 96 : i32
      %scan3A_252 = arith.addi %scan3A_250, %scan3A_251 : i32
      %scan3A_253 = arith.constant 1 : i32
      scf.for %scan3A_267 = %scan3A_250 to %scan3A_252 step %scan3A_253  : i32 {
        %get3A = arith.index_cast %scan3A_267 : i32 to index
        %get3A_268 = arith.constant 0 : index
        %get3A_269 = tpu.vector_load %arg11[%get3A, %get3A_268] {strides = array<i32>} : memref<104x128xi32, #tpu.memory_space<vmem>>, vector<16xi32>,
        %get3A_270 = arith.index_cast %scan3A_267 : i32 to index
        %get3A_271 = arith.constant 16 : index
        %get3A_272 = tpu.vector_load %arg11[%get3A_270, %get3A_271] {strides = array<i32>} : memref<104x128xi32, #tpu.memory_space<vmem>>, vector<16xi32>,
        %get3A_273 = arith.index_cast %scan3A_267 : i32 to index
        %get3A_274 = arith.constant 32 : index
        %get3A_275 = tpu.vector_load %arg11[%get3A_273, %get3A_274] {strides = array<i32>} : memref<104x128xi32, #tpu.memory_space<vmem>>, vector<16xi32>,
        %get3A_276 = arith.index_cast %scan3A_267 : i32 to index
        %get3A_277 = arith.constant 48 : index
        %get3A_278 = tpu.vector_load %arg11[%get3A_276, %get3A_277] {strides = array<i32>} : memref<104x128xi32, #tpu.memory_space<vmem>>, vector<16xi32>,
        %get3A_279 = arith.index_cast %scan3A_267 : i32 to index
        %get3A_280 = arith.constant 64 : index
        %get3A_281 = tpu.vector_load %arg11[%get3A_279, %get3A_280] {strides = array<i32>} : memref<104x128xi32, #tpu.memory_space<vmem>>, vector<16xi32>,
        %get3A_282 = arith.index_cast %scan3A_267 : i32 to index
        %get3A_283 = arith.constant 80 : index
        %get3A_284 = tpu.vector_load %arg11[%get3A_282, %get3A_283] {strides = array<i32>} : memref<104x128xi32, #tpu.memory_space<vmem>>, vector<16xi32>,
        %get3A_285 = arith.index_cast %scan3A_267 : i32 to index
        %get3A_286 = arith.constant 96 : index
        %get3A_287 = tpu.vector_load %arg11[%get3A_285, %get3A_286] {strides = array<i32>} : memref<104x128xi32, #tpu.memory_space<vmem>>, vector<16xi32>,
        %get3A_288 = arith.index_cast %scan3A_267 : i32 to index
        %get3A_289 = arith.constant 112 : index
        %get3A_290 = tpu.vector_load %arg11[%get3A_288, %get3A_289] {strides = array<i32>} : memref<104x128xi32, #tpu.memory_space<vmem>>, vector<16xi32>,
        %add3A_291 = arith.constant 0 : i32
        %add3A_292 = arith.addi %sub3A_248, %add3A_291 : i32
        %mul3A_293 = arith.constant 100 : i32
        %mul3A_294 = arith.muli %add3A_292, %mul3A_293 : i32
        %add3A_295 = arith.constant 0 : i32
        %add3A_296 = arith.addi %add3A_295, %mul3A_294 : i32
        %add3A_297 = vector.broadcast %add3A_296 : i32 to vector<16xi32>
        %add3A_298 = arith.addi %get3A_269, %add3A_297 : vector<16xi32>
        %gather3A = tpu.vector_load_idx %arg8[%add3A_298] : memref<14592xf32, #tpu.memory_space<vmem>>[vector<16xi32>], vector<16xf32>,
        %add3A_299 = vector.broadcast %add3A_296 : i32 to vector<16xi32>
        %add3A_300 = arith.addi %get3A_272, %add3A_299 : vector<16xi32>
        %gather3A_301 = tpu.vector_load_idx %arg8[%add3A_300] : memref<14592xf32, #tpu.memory_space<vmem>>[vector<16xi32>], vector<16xf32>,
        %add3A_302 = vector.broadcast %add3A_296 : i32 to vector<16xi32>
        %add3A_303 = arith.addi %get3A_275, %add3A_302 : vector<16xi32>
        %gather3A_304 = tpu.vector_load_idx %arg8[%add3A_303] : memref<14592xf32, #tpu.memory_space<vmem>>[vector<16xi32>], vector<16xf32>,
        %add3A_305 = vector.broadcast %add3A_296 : i32 to vector<16xi32>
        %add3A_306 = arith.addi %get3A_278, %add3A_305 : vector<16xi32>
        %gather3A_307 = tpu.vector_load_idx %arg8[%add3A_306] : memref<14592xf32, #tpu.memory_space<vmem>>[vector<16xi32>], vector<16xf32>,
        %add3A_308 = vector.broadcast %add3A_296 : i32 to vector<16xi32>
        %add3A_309 = arith.addi %get3A_281, %add3A_308 : vector<16xi32>
        %gather3A_310 = tpu.vector_load_idx %arg8[%add3A_309] : memref<14592xf32, #tpu.memory_space<vmem>>[vector<16xi32>], vector<16xf32>,
        %add3A_311 = vector.broadcast %add3A_296 : i32 to vector<16xi32>
        %add3A_312 = arith.addi %get3A_284, %add3A_311 : vector<16xi32>
        %gather3A_313 = tpu.vector_load_idx %arg8[%add3A_312] : memref<14592xf32, #tpu.memory_space<vmem>>[vector<16xi32>], vector<16xf32>,
        %add3A_314 = vector.broadcast %add3A_296 : i32 to vector<16xi32>
        %add3A_315 = arith.addi %get3A_287, %add3A_314 : vector<16xi32>
        %gather3A_316 = tpu.vector_load_idx %arg8[%add3A_315] : memref<14592xf32, #tpu.memory_space<vmem>>[vector<16xi32>], vector<16xf32>,
        %add3A_317 = vector.broadcast %add3A_296 : i32 to vector<16xi32>
        %add3A_318 = arith.addi %get3A_290, %add3A_317 : vector<16xi32>
        %gather3A_319 = tpu.vector_load_idx %arg8[%add3A_318] : memref<14592xf32, #tpu.memory_space<vmem>>[vector<16xi32>], vector<16xf32>,
        %add3A_320 = arith.constant 1 : i32
        %add3A_321 = arith.addi %sub3A_248, %add3A_320 : i32
        %mul3A_322 = arith.constant 100 : i32
        %mul3A_323 = arith.muli %add3A_321, %mul3A_322 : i32
        %add3A_324 = arith.constant 0 : i32
        %add3A_325 = arith.addi %add3A_324, %mul3A_323 : i32
        %add3A_326 = vector.broadcast %add3A_325 : i32 to vector<16xi32>
        %add3A_327 = arith.addi %get3A_269, %add3A_326 : vector<16xi32>
        %gather3A_328 = tpu.vector_load_idx %arg8[%add3A_327] : memref<14592xf32, #tpu.memory_space<vmem>>[vector<16xi32>], vector<16xf32>,
        %add3A_329 = vector.broadcast %add3A_325 : i32 to vector<16xi32>
        %add3A_330 = arith.addi %get3A_272, %add3A_329 : vector<16xi32>
        %gather3A_331 = tpu.vector_load_idx %arg8[%add3A_330] : memref<14592xf32, #tpu.memory_space<vmem>>[vector<16xi32>], vector<16xf32>,
        %add3A_332 = vector.broadcast %add3A_325 : i32 to vector<16xi32>
        %add3A_333 = arith.addi %get3A_275, %add3A_332 : vector<16xi32>
        %gather3A_334 = tpu.vector_load_idx %arg8[%add3A_333] : memref<14592xf32, #tpu.memory_space<vmem>>[vector<16xi32>], vector<16xf32>,
        %add3A_335 = vector.broadcast %add3A_325 : i32 to vector<16xi32>
        %add3A_336 = arith.addi %get3A_278, %add3A_335 : vector<16xi32>
        %gather3A_337 = tpu.vector_load_idx %arg8[%add3A_336] : memref<14592xf32, #tpu.memory_space<vmem>>[vector<16xi32>], vector<16xf32>,
        %add3A_338 = vector.broadcast %add3A_325 : i32 to vector<16xi32>
        %add3A_339 = arith.addi %get3A_281, %add3A_338 : vector<16xi32>
        %gather3A_340 = tpu.vector_load_idx %arg8[%add3A_339] : memref<14592xf32, #tpu.memory_space<vmem>>[vector<16xi32>], vector<16xf32>,
        %add3A_341 = vector.broadcast %add3A_325 : i32 to vector<16xi32>
        %add3A_342 = arith.addi %get3A_284, %add3A_341 : vector<16xi32>
        %gather3A_343 = tpu.vector_load_idx %arg8[%add3A_342] : memref<14592xf32, #tpu.memory_space<vmem>>[vector<16xi32>], vector<16xf32>,
        %add3A_344 = vector.broadcast %add3A_325 : i32 to vector<16xi32>
        %add3A_345 = arith.addi %get3A_287, %add3A_344 : vector<16xi32>
        %gather3A_346 = tpu.vector_load_idx %arg8[%add3A_345] : memref<14592xf32, #tpu.memory_space<vmem>>[vector<16xi32>], vector<16xf32>,
        %add3A_347 = vector.broadcast %add3A_325 : i32 to vector<16xi32>
        %add3A_348 = arith.addi %get3A_290, %add3A_347 : vector<16xi32>
        %gather3A_349 = tpu.vector_load_idx %arg8[%add3A_348] : memref<14592xf32, #tpu.memory_space<vmem>>[vector<16xi32>], vector<16xf32>,
        %swap3A = arith.constant 0 : i32
        %swap3A_350 = arith.index_cast %swap3A : i32 to index
        %swap3A_351 = arith.index_cast %scan3A_267 : i32 to index
        %swap3A_352 = arith.constant 0 : index
        %swap3A_353 = tpu.vector_load %arg14[%swap3A_350, %swap3A_351, %swap3A_352] {strides = array<i32>} : memref<2x104x128xf32, #tpu.memory_space<vmem>>, vector<16xf32>,
        tpu.vector_store %arg14[%swap3A_350, %swap3A_351, %swap3A_352], %gather3A {strides = array<i32>} : memref<2x104x128xf32, #tpu.memory_space<vmem>>, vector<16xf32>,
        %swap3A_354 = arith.constant 0 : i32
        %swap3A_355 = arith.index_cast %swap3A_354 : i32 to index
        %swap3A_356 = arith.index_cast %scan3A_267 : i32 to index
        %swap3A_357 = arith.constant 16 : index
        %swap3A_358 = tpu.vector_load %arg14[%swap3A_355, %swap3A_356, %swap3A_357] {strides = array<i32>} : memref<2x104x128xf32, #tpu.memory_space<vmem>>, vector<16xf32>,
        tpu.vector_store %arg14[%swap3A_355, %swap3A_356, %swap3A_357], %gather3A_301 {strides = array<i32>} : memref<2x104x128xf32, #tpu.memory_space<vmem>>, vector<16xf32>,
        %swap3A_359 = arith.constant 0 : i32
        %swap3A_360 = arith.index_cast %swap3A_359 : i32 to index
        %swap3A_361 = arith.index_cast %scan3A_267 : i32 to index
        %swap3A_362 = arith.constant 32 : index
        %swap3A_363 = tpu.vector_load %arg14[%swap3A_360, %swap3A_361, %swap3A_362] {strides = array<i32>} : memref<2x104x128xf32, #tpu.memory_space<vmem>>, vector<16xf32>,
        tpu.vector_store %arg14[%swap3A_360, %swap3A_361, %swap3A_362], %gather3A_304 {strides = array<i32>} : memref<2x104x128xf32, #tpu.memory_space<vmem>>, vector<16xf32>,
        %swap3A_364 = arith.constant 0 : i32
        %swap3A_365 = arith.index_cast %swap3A_364 : i32 to index
        %swap3A_366 = arith.index_cast %scan3A_267 : i32 to index
        %swap3A_367 = arith.constant 48 : index
        %swap3A_368 = tpu.vector_load %arg14[%swap3A_365, %swap3A_366, %swap3A_367] {strides = array<i32>} : memref<2x104x128xf32, #tpu.memory_space<vmem>>, vector<16xf32>,
        tpu.vector_store %arg14[%swap3A_365, %swap3A_366, %swap3A_367], %gather3A_307 {strides = array<i32>} : memref<2x104x128xf32, #tpu.memory_space<vmem>>, vector<16xf32>,
        %swap3A_369 = arith.constant 0 : i32
        %swap3A_370 = arith.index_cast %swap3A_369 : i32 to index
        %swap3A_371 = arith.index_cast %scan3A_267 : i32 to index
        %swap3A_372 = arith.constant 64 : index
        %swap3A_373 = tpu.vector_load %arg14[%swap3A_370, %swap3A_371, %swap3A_372] {strides = array<i32>} : memref<2x104x128xf32, #tpu.memory_space<vmem>>, vector<16xf32>,
        tpu.vector_store %arg14[%swap3A_370, %swap3A_371, %swap3A_372], %gather3A_310 {strides = array<i32>} : memref<2x104x128xf32, #tpu.memory_space<vmem>>, vector<16xf32>,
        %swap3A_374 = arith.constant 0 : i32
        %swap3A_375 = arith.index_cast %swap3A_374 : i32 to index
        %swap3A_376 = arith.index_cast %scan3A_267 : i32 to index
        %swap3A_377 = arith.constant 80 : index
        %swap3A_378 = tpu.vector_load %arg14[%swap3A_375, %swap3A_376, %swap3A_377] {strides = array<i32>} : memref<2x104x128xf32, #tpu.memory_space<vmem>>, vector<16xf32>,
        tpu.vector_store %arg14[%swap3A_375, %swap3A_376, %swap3A_377], %gather3A_313 {strides = array<i32>} : memref<2x104x128xf32, #tpu.memory_space<vmem>>, vector<16xf32>,
        %swap3A_379 = arith.constant 0 : i32
        %swap3A_380 = arith.index_cast %swap3A_379 : i32 to index
        %swap3A_381 = arith.index_cast %scan3A_267 : i32 to index
        %swap3A_382 = arith.constant 96 : index
        %swap3A_383 = tpu.vector_load %arg14[%swap3A_380, %swap3A_381, %swap3A_382] {strides = array<i32>} : memref<2x104x128xf32, #tpu.memory_space<vmem>>, vector<16xf32>,
        tpu.vector_store %arg14[%swap3A_380, %swap3A_381, %swap3A_382], %gather3A_316 {strides = array<i32>} : memref<2x104x128xf32, #tpu.memory_space<vmem>>, vector<16xf32>,
        %swap3A_384 = arith.constant 0 : i32
        %swap3A_385 = arith.index_cast %swap3A_384 : i32 to index
        %swap3A_386 = arith.index_cast %scan3A_267 : i32 to index
        %swap3A_387 = arith.constant 112 : index
        %swap3A_388 = tpu.vector_load %arg14[%swap3A_385, %swap3A_386, %swap3A_387] {strides = array<i32>} : memref<2x104x128xf32, #tpu.memory_space<vmem>>, vector<16xf32>,
        tpu.vector_store %arg14[%swap3A_385, %swap3A_386, %swap3A_387], %gather3A_319 {strides = array<i32>} : memref<2x104x128xf32, #tpu.memory_space<vmem>>, vector<16xf32>,
        %swap3A_389 = arith.constant 1 : i32
        %swap3A_390 = arith.index_cast %swap3A_389 : i32 to index
        %swap3A_391 = arith.index_cast %scan3A_267 : i32 to index
        %swap3A_392 = arith.constant 0 : index
        %swap3A_393 = tpu.vector_load %arg14[%swap3A_390, %swap3A_391, %swap3A_392] {strides = array<i32>} : memref<2x104x128xf32, #tpu.memory_space<vmem>>, vector<16xf32>,
        tpu.vector_store %arg14[%swap3A_390, %swap3A_391, %swap3A_392], %gather3A_328 {strides = array<i32>} : memref<2x104x128xf32, #tpu.memory_space<vmem>>, vector<16xf32>,
        %swap3A_394 = arith.constant 1 : i32
        %swap3A_395 = arith.index_cast %swap3A_394 : i32 to index
        %swap3A_396 = arith.index_cast %scan3A_267 : i32 to index
        %swap3A_397 = arith.constant 16 : index
        %swap3A_398 = tpu.vector_load %arg14[%swap3A_395, %swap3A_396, %swap3A_397] {strides = array<i32>} : memref<2x104x128xf32, #tpu.memory_space<vmem>>, vector<16xf32>,
        tpu.vector_store %arg14[%swap3A_395, %swap3A_396, %swap3A_397], %gather3A_331 {strides = array<i32>} : memref<2x104x128xf32, #tpu.memory_space<vmem>>, vector<16xf32>,
        %swap3A_399 = arith.constant 1 : i32
        %swap3A_400 = arith.index_cast %swap3A_399 : i32 to index
        %swap3A_401 = arith.index_cast %scan3A_267 : i32 to index
        %swap3A_402 = arith.constant 32 : index
        %swap3A_403 = tpu.vector_load %arg14[%swap3A_400, %swap3A_401, %swap3A_402] {strides = array<i32>} : memref<2x104x128xf32, #tpu.memory_space<vmem>>, vector<16xf32>,
        tpu.vector_store %arg14[%swap3A_400, %swap3A_401, %swap3A_402], %gather3A_334 {strides = array<i32>} : memref<2x104x128xf32, #tpu.memory_space<vmem>>, vector<16xf32>,
        %swap3A_404 = arith.constant 1 : i32
        %swap3A_405 = arith.index_cast %swap3A_404 : i32 to index
        %swap3A_406 = arith.index_cast %scan3A_267 : i32 to index
        %swap3A_407 = arith.constant 48 : index
        %swap3A_408 = tpu.vector_load %arg14[%swap3A_405, %swap3A_406, %swap3A_407] {strides = array<i32>} : memref<2x104x128xf32, #tpu.memory_space<vmem>>, vector<16xf32>,
        tpu.vector_store %arg14[%swap3A_405, %swap3A_406, %swap3A_407], %gather3A_337 {strides = array<i32>} : memref<2x104x128xf32, #tpu.memory_space<vmem>>, vector<16xf32>,
        %swap3A_409 = arith.constant 1 : i32
        %swap3A_410 = arith.index_cast %swap3A_409 : i32 to index
        %swap3A_411 = arith.index_cast %scan3A_267 : i32 to index
        %swap3A_412 = arith.constant 64 : index
        %swap3A_413 = tpu.vector_load %arg14[%swap3A_410, %swap3A_411, %swap3A_412] {strides = array<i32>} : memref<2x104x128xf32, #tpu.memory_space<vmem>>, vector<16xf32>,
        tpu.vector_store %arg14[%swap3A_410, %swap3A_411, %swap3A_412], %gather3A_340 {strides = array<i32>} : memref<2x104x128xf32, #tpu.memory_space<vmem>>, vector<16xf32>,
        %swap3A_414 = arith.constant 1 : i32
        %swap3A_415 = arith.index_cast %swap3A_414 : i32 to index
        %swap3A_416 = arith.index_cast %scan3A_267 : i32 to index
        %swap3A_417 = arith.constant 80 : index
        %swap3A_418 = tpu.vector_load %arg14[%swap3A_415, %swap3A_416, %swap3A_417] {strides = array<i32>} : memref<2x104x128xf32, #tpu.memory_space<vmem>>, vector<16xf32>,
        tpu.vector_store %arg14[%swap3A_415, %swap3A_416, %swap3A_417], %gather3A_343 {strides = array<i32>} : memref<2x104x128xf32, #tpu.memory_space<vmem>>, vector<16xf32>,
        %swap3A_419 = arith.constant 1 : i32
        %swap3A_420 = arith.index_cast %swap3A_419 : i32 to index
        %swap3A_421 = arith.index_cast %scan3A_267 : i32 to index
        %swap3A_422 = arith.constant 96 : index
        %swap3A_423 = tpu.vector_load %arg14[%swap3A_420, %swap3A_421, %swap3A_422] {strides = array<i32>} : memref<2x104x128xf32, #tpu.memory_space<vmem>>, vector<16xf32>,
        tpu.vector_store %arg14[%swap3A_420, %swap3A_421, %swap3A_422], %gather3A_346 {strides = array<i32>} : memref<2x104x128xf32, #tpu.memory_space<vmem>>, vector<16xf32>,
        %swap3A_424 = arith.constant 1 : i32
        %swap3A_425 = arith.index_cast %swap3A_424 : i32 to index
        %swap3A_426 = arith.index_cast %scan3A_267 : i32 to index
        %swap3A_427 = arith.constant 112 : index
        %swap3A_428 = tpu.vector_load %arg14[%swap3A_425, %swap3A_426, %swap3A_427] {strides = array<i32>} : memref<2x104x128xf32, #tpu.memory_space<vmem>>, vector<16xf32>,
        tpu.vector_store %arg14[%swap3A_425, %swap3A_426, %swap3A_427], %gather3A_349 {strides = array<i32>} : memref<2x104x128xf32, #tpu.memory_space<vmem>>, vector<16xf32>,
      }
      %scan3A_254 = arith.constant 96 : i32
      %dma_start3A_255 = arith.constant 0 : i32
      %dma_start3A_256 = arith.constant 0 : i32
      %dma_start3A_257 = arith.constant 0 : i32
      %dma_start3A_258 = tpu.memref_slice %arg14[%dma_start3A_255, %dma_start3A_256, %dma_start3A_257] : memref<2x104x128xf32, #tpu.memory_space<vmem>> -> memref<2x96x128xf32, #tpu.memory_space<vmem>>
      %dma_start3A_259 = arith.constant 0 : i32
      %dma_start3A_260 = tpu.memref_slice %arg7[%add3A_241, %dma_start3A_259, %mul3A_2] : memref<192x200x4096xf32, #tpu.memory_space<hbm>> -> memref<2x96x128xf32, #tpu.memory_space<hbm>>
      %dma_start3A_261 = arith.constant 0 : i32
      %dma_start3A_262 = tpu.memref_slice %arg7[%add3A_241, %dma_start3A_261, %mul3A_2] : memref<192x200x4096xf32, #tpu.memory_space<hbm>> -> memref<2x96x128xf32, #tpu.memory_space<hbm>>
      %dma_start3A_263 = arith.constant 0 : i32
      %dma_start3A_264 = arith.constant 0 : i32
      %dma_start3A_265 = arith.constant 0 : i32
      %dma_start3A_266 = tpu.memref_slice %arg14[%dma_start3A_263, %dma_start3A_264, %dma_start3A_265] : memref<2x104x128xf32, #tpu.memory_space<vmem>> -> memref<2x96x128xf32, #tpu.memory_space<vmem>>
      tpu.enqueue_dma source(%dma_start3A_266 : memref<2x96x128xf32, #tpu.memory_space<vmem>>) target(%dma_start3A_262 : memref<2x96x128xf32, #tpu.memory_space<hbm>>) target_semaphore(%arg16 : memref<!tpu.dma_semaphore, #tpu.memory_space<semaphore_mem>>)
    }
    %scan3A_40 = arith.constant 16 : i32
    %dma_wait3A_41 = arith.constant 0 : i32
    %dma_wait3A_42 = arith.constant 0 : i32
    %dma_wait3A_43 = arith.constant 0 : i32
    %dma_wait3A_44 = tpu.memref_slice %arg13[%dma_wait3A_41, %dma_wait3A_42, %dma_wait3A_43] : memref<2x104x128xf32, #tpu.memory_space<vmem>> -> memref<2x96x128xf32, #tpu.memory_space<vmem>>
    %dma_wait3A_45 = arith.constant 124 : i32
    %dma_wait3A_46 = arith.constant 0 : i32
    %dma_wait3A_47 = tpu.memref_slice %arg7[%dma_wait3A_45, %dma_wait3A_46, %mul3A_2] : memref<192x200x4096xf32, #tpu.memory_space<hbm>> -> memref<2x96x128xf32, #tpu.memory_space<hbm>>
    %dma_wait3A_48 = arith.constant 124 : i32
    %dma_wait3A_49 = arith.constant 0 : i32
    %dma_wait3A_50 = tpu.memref_slice %arg7[%dma_wait3A_48, %dma_wait3A_49, %mul3A_2] : memref<192x200x4096xf32, #tpu.memory_space<hbm>> -> memref<2x96x128xf32, #tpu.memory_space<hbm>>
    %dma_wait3A_51 = arith.constant 0 : i32
    %dma_wait3A_52 = arith.constant 0 : i32
    %dma_wait3A_53 = arith.constant 0 : i32
    %dma_wait3A_54 = tpu.memref_slice %arg13[%dma_wait3A_51, %dma_wait3A_52, %dma_wait3A_53] : memref<2x104x128xf32, #tpu.memory_space<vmem>> -> memref<2x96x128xf32, #tpu.memory_space<vmem>>
    tpu.wait_dma2 semaphore(%arg15 : memref<!tpu.dma_semaphore, #tpu.memory_space<semaphore_mem>>) src(%dma_wait3A_54 : memref<2x96x128xf32, #tpu.memory_space<vmem>>) dst(%dma_wait3A_50 : memref<2x96x128xf32, #tpu.memory_space<hbm>>)
    %dma_wait3A_55 = arith.constant 0 : i32
    %dma_wait3A_56 = arith.constant 0 : i32
    %dma_wait3A_57 = arith.constant 0 : i32
    %dma_wait3A_58 = tpu.memref_slice %arg14[%dma_wait3A_55, %dma_wait3A_56, %dma_wait3A_57] : memref<2x104x128xf32, #tpu.memory_space<vmem>> -> memref<2x96x128xf32, #tpu.memory_space<vmem>>
    %dma_wait3A_59 = arith.constant 126 : i32
    %dma_wait3A_60 = arith.constant 0 : i32
    %dma_wait3A_61 = tpu.memref_slice %arg7[%dma_wait3A_59, %dma_wait3A_60, %mul3A_2] : memref<192x200x4096xf32, #tpu.memory_space<hbm>> -> memref<2x96x128xf32, #tpu.memory_space<hbm>>
    %dma_wait3A_62 = arith.constant 126 : i32
    %dma_wait3A_63 = arith.constant 0 : i32
    %dma_wait3A_64 = tpu.memref_slice %arg7[%dma_wait3A_62, %dma_wait3A_63, %mul3A_2] : memref<192x200x4096xf32, #tpu.memory_space<hbm>> -> memref<2x96x128xf32, #tpu.memory_space<hbm>>
    %dma_wait3A_65 = arith.constant 0 : i32
    %dma_wait3A_66 = arith.constant 0 : i32
    %dma_wait3A_67 = arith.constant 0 : i32
    %dma_wait3A_68 = tpu.memref_slice %arg14[%dma_wait3A_65, %dma_wait3A_66, %dma_wait3A_67] : memref<2x104x128xf32, #tpu.memory_space<vmem>> -> memref<2x96x128xf32, #tpu.memory_space<vmem>>
    tpu.wait_dma2 semaphore(%arg16 : memref<!tpu.dma_semaphore, #tpu.memory_space<semaphore_mem>>) src(%dma_wait3A_68 : memref<2x96x128xf32, #tpu.memory_space<vmem>>) dst(%dma_wait3A_64 : memref<2x96x128xf32, #tpu.memory_space<hbm>>)
    %scan3A_69 = arith.constant 0 : i32
    %scan3A_70 = arith.constant 0 : i32
    %scan3A_71 = arith.constant 16 : i32
    %scan3A_72 = arith.addi %scan3A_70, %scan3A_71 : i32
    %scan3A_73 = arith.constant 1 : i32
    scf.for %scan3A_205 = %scan3A_70 to %scan3A_72 step %scan3A_73  : i32 {
      %mul3A_206 = arith.constant 2 : i32
      %mul3A_207 = arith.muli %scan3A_205, %mul3A_206 : i32
      %add3A_208 = arith.constant 0 : i32
      %add3A_209 = arith.addi %mul3A_207, %add3A_208 : i32
      %mul3A_210 = arith.constant 2 : i32
      %mul3A_211 = arith.muli %add3A_209, %mul3A_210 : i32
      %add3A_212 = arith.constant 128 : i32
      %add3A_213 = arith.addi %add3A_212, %mul3A_211 : i32
      %ge3A = arith.constant 2 : i32
      %ge3A_214 = arith.cmpi sge, %add3A_209, %ge3A : i32
      %convert_element_type3A = arith.extui %ge3A_214 : i1 to i32
      %cond3A = arith.constant 0 : i32
      %cond3A_215 = arith.cmpi ne, %convert_element_type3A, %cond3A : i32
      scf.if %cond3A_215 {
        %sub3A_267 = arith.constant 4 : i32
        %sub3A_268 = arith.subi %add3A_213, %sub3A_267 : i32
        %dma_wait3A_269 = arith.constant 0 : i32
        %dma_wait3A_270 = arith.constant 0 : i32
        %dma_wait3A_271 = arith.constant 0 : i32
        %dma_wait3A_272 = tpu.memref_slice %arg13[%dma_wait3A_269, %dma_wait3A_270, %dma_wait3A_271] : memref<2x104x128xf32, #tpu.memory_space<vmem>> -> memref<2x96x128xf32, #tpu.memory_space<vmem>>
        %dma_wait3A_273 = arith.constant 0 : i32
        %dma_wait3A_274 = tpu.memref_slice %arg7[%sub3A_268, %dma_wait3A_273, %mul3A_2] : memref<192x200x4096xf32, #tpu.memory_space<hbm>> -> memref<2x96x128xf32, #tpu.memory_space<hbm>>
        %dma_wait3A_275 = arith.constant 0 : i32
        %dma_wait3A_276 = tpu.memref_slice %arg7[%sub3A_268, %dma_wait3A_275, %mul3A_2] : memref<192x200x4096xf32, #tpu.memory_space<hbm>> -> memref<2x96x128xf32, #tpu.memory_space<hbm>>
        %dma_wait3A_277 = arith.constant 0 : i32
        %dma_wait3A_278 = arith.constant 0 : i32
        %dma_wait3A_279 = arith.constant 0 : i32
        %dma_wait3A_280 = tpu.memref_slice %arg13[%dma_wait3A_277, %dma_wait3A_278, %dma_wait3A_279] : memref<2x104x128xf32, #tpu.memory_space<vmem>> -> memref<2x96x128xf32, #tpu.memory_space<vmem>>
        tpu.wait_dma2 semaphore(%arg15 : memref<!tpu.dma_semaphore, #tpu.memory_space<semaphore_mem>>) src(%dma_wait3A_280 : memref<2x96x128xf32, #tpu.memory_space<vmem>>) dst(%dma_wait3A_276 : memref<2x96x128xf32, #tpu.memory_space<hbm>>)
      } else {
      }
      %sub3A = arith.constant 128 : i32
      %sub3A_216 = arith.subi %add3A_213, %sub3A : i32
      %scan3A_217 = arith.constant 0 : i32
      %scan3A_218 = arith.constant 0 : i32
      %scan3A_219 = arith.constant 96 : i32
      %scan3A_220 = arith.addi %scan3A_218, %scan3A_219 : i32
      %scan3A_221 = arith.constant 1 : i32
      scf.for %scan3A_267 = %scan3A_218 to %scan3A_220 step %scan3A_221  : i32 {
        %get3A = arith.index_cast %scan3A_267 : i32 to index
        %get3A_268 = arith.constant 0 : index
        %get3A_269 = tpu.vector_load %arg12[%get3A, %get3A_268] {strides = array<i32>} : memref<104x128xi32, #tpu.memory_space<vmem>>, vector<16xi32>,
        %get3A_270 = arith.index_cast %scan3A_267 : i32 to index
        %get3A_271 = arith.constant 16 : index
        %get3A_272 = tpu.vector_load %arg12[%get3A_270, %get3A_271] {strides = array<i32>} : memref<104x128xi32, #tpu.memory_space<vmem>>, vector<16xi32>,
        %get3A_273 = arith.index_cast %scan3A_267 : i32 to index
        %get3A_274 = arith.constant 32 : index
        %get3A_275 = tpu.vector_load %arg12[%get3A_273, %get3A_274] {strides = array<i32>} : memref<104x128xi32, #tpu.memory_space<vmem>>, vector<16xi32>,
        %get3A_276 = arith.index_cast %scan3A_267 : i32 to index
        %get3A_277 = arith.constant 48 : index
        %get3A_278 = tpu.vector_load %arg12[%get3A_276, %get3A_277] {strides = array<i32>} : memref<104x128xi32, #tpu.memory_space<vmem>>, vector<16xi32>,
        %get3A_279 = arith.index_cast %scan3A_267 : i32 to index
        %get3A_280 = arith.constant 64 : index
        %get3A_281 = tpu.vector_load %arg12[%get3A_279, %get3A_280] {strides = array<i32>} : memref<104x128xi32, #tpu.memory_space<vmem>>, vector<16xi32>,
        %get3A_282 = arith.index_cast %scan3A_267 : i32 to index
        %get3A_283 = arith.constant 80 : index
        %get3A_284 = tpu.vector_load %arg12[%get3A_282, %get3A_283] {strides = array<i32>} : memref<104x128xi32, #tpu.memory_space<vmem>>, vector<16xi32>,
        %get3A_285 = arith.index_cast %scan3A_267 : i32 to index
        %get3A_286 = arith.constant 96 : index
        %get3A_287 = tpu.vector_load %arg12[%get3A_285, %get3A_286] {strides = array<i32>} : memref<104x128xi32, #tpu.memory_space<vmem>>, vector<16xi32>,
        %get3A_288 = arith.index_cast %scan3A_267 : i32 to index
        %get3A_289 = arith.constant 112 : index
        %get3A_290 = tpu.vector_load %arg12[%get3A_288, %get3A_289] {strides = array<i32>} : memref<104x128xi32, #tpu.memory_space<vmem>>, vector<16xi32>,
        %add3A_291 = arith.constant 0 : i32
        %add3A_292 = arith.addi %sub3A_216, %add3A_291 : i32
        %mul3A_293 = arith.constant 128 : i32
        %mul3A_294 = arith.muli %add3A_292, %mul3A_293 : i32
        %add3A_295 = arith.constant 6400 : i32
        %add3A_296 = arith.addi %add3A_295, %mul3A_294 : i32
        %add3A_297 = vector.broadcast %add3A_296 : i32 to vector<16xi32>
        %add3A_298 = arith.addi %get3A_269, %add3A_297 : vector<16xi32>
        %gather3A = tpu.vector_load_idx %arg8[%add3A_298] : memref<14592xf32, #tpu.memory_space<vmem>>[vector<16xi32>], vector<16xf32>,
        %add3A_299 = vector.broadcast %add3A_296 : i32 to vector<16xi32>
        %add3A_300 = arith.addi %get3A_272, %add3A_299 : vector<16xi32>
        %gather3A_301 = tpu.vector_load_idx %arg8[%add3A_300] : memref<14592xf32, #tpu.memory_space<vmem>>[vector<16xi32>], vector<16xf32>,
        %add3A_302 = vector.broadcast %add3A_296 : i32 to vector<16xi32>
        %add3A_303 = arith.addi %get3A_275, %add3A_302 : vector<16xi32>
        %gather3A_304 = tpu.vector_load_idx %arg8[%add3A_303] : memref<14592xf32, #tpu.memory_space<vmem>>[vector<16xi32>], vector<16xf32>,
        %add3A_305 = vector.broadcast %add3A_296 : i32 to vector<16xi32>
        %add3A_306 = arith.addi %get3A_278, %add3A_305 : vector<16xi32>
        %gather3A_307 = tpu.vector_load_idx %arg8[%add3A_306] : memref<14592xf32, #tpu.memory_space<vmem>>[vector<16xi32>], vector<16xf32>,
        %add3A_308 = vector.broadcast %add3A_296 : i32 to vector<16xi32>
        %add3A_309 = arith.addi %get3A_281, %add3A_308 : vector<16xi32>
        %gather3A_310 = tpu.vector_load_idx %arg8[%add3A_309] : memref<14592xf32, #tpu.memory_space<vmem>>[vector<16xi32>], vector<16xf32>,
        %add3A_311 = vector.broadcast %add3A_296 : i32 to vector<16xi32>
        %add3A_312 = arith.addi %get3A_284, %add3A_311 : vector<16xi32>
        %gather3A_313 = tpu.vector_load_idx %arg8[%add3A_312] : memref<14592xf32, #tpu.memory_space<vmem>>[vector<16xi32>], vector<16xf32>,
        %add3A_314 = vector.broadcast %add3A_296 : i32 to vector<16xi32>
        %add3A_315 = arith.addi %get3A_287, %add3A_314 : vector<16xi32>
        %gather3A_316 = tpu.vector_load_idx %arg8[%add3A_315] : memref<14592xf32, #tpu.memory_space<vmem>>[vector<16xi32>], vector<16xf32>,
        %add3A_317 = vector.broadcast %add3A_296 : i32 to vector<16xi32>
        %add3A_318 = arith.addi %get3A_290, %add3A_317 : vector<16xi32>
        %gather3A_319 = tpu.vector_load_idx %arg8[%add3A_318] : memref<14592xf32, #tpu.memory_space<vmem>>[vector<16xi32>], vector<16xf32>,
        %add3A_320 = arith.constant 1 : i32
        %add3A_321 = arith.addi %sub3A_216, %add3A_320 : i32
        %mul3A_322 = arith.constant 128 : i32
        %mul3A_323 = arith.muli %add3A_321, %mul3A_322 : i32
        %add3A_324 = arith.constant 6400 : i32
        %add3A_325 = arith.addi %add3A_324, %mul3A_323 : i32
        %add3A_326 = vector.broadcast %add3A_325 : i32 to vector<16xi32>
        %add3A_327 = arith.addi %get3A_269, %add3A_326 : vector<16xi32>
        %gather3A_328 = tpu.vector_load_idx %arg8[%add3A_327] : memref<14592xf32, #tpu.memory_space<vmem>>[vector<16xi32>], vector<16xf32>,
        %add3A_329 = vector.broadcast %add3A_325 : i32 to vector<16xi32>
        %add3A_330 = arith.addi %get3A_272, %add3A_329 : vector<16xi32>
        %gather3A_331 = tpu.vector_load_idx %arg8[%add3A_330] : memref<14592xf32, #tpu.memory_space<vmem>>[vector<16xi32>], vector<16xf32>,
        %add3A_332 = vector.broadcast %add3A_325 : i32 to vector<16xi32>
        %add3A_333 = arith.addi %get3A_275, %add3A_332 : vector<16xi32>
        %gather3A_334 = tpu.vector_load_idx %arg8[%add3A_333] : memref<14592xf32, #tpu.memory_space<vmem>>[vector<16xi32>], vector<16xf32>,
        %add3A_335 = vector.broadcast %add3A_325 : i32 to vector<16xi32>
        %add3A_336 = arith.addi %get3A_278, %add3A_335 : vector<16xi32>
        %gather3A_337 = tpu.vector_load_idx %arg8[%add3A_336] : memref<14592xf32, #tpu.memory_space<vmem>>[vector<16xi32>], vector<16xf32>,
        %add3A_338 = vector.broadcast %add3A_325 : i32 to vector<16xi32>
        %add3A_339 = arith.addi %get3A_281, %add3A_338 : vector<16xi32>
        %gather3A_340 = tpu.vector_load_idx %arg8[%add3A_339] : memref<14592xf32, #tpu.memory_space<vmem>>[vector<16xi32>], vector<16xf32>,
        %add3A_341 = vector.broadcast %add3A_325 : i32 to vector<16xi32>
        %add3A_342 = arith.addi %get3A_284, %add3A_341 : vector<16xi32>
        %gather3A_343 = tpu.vector_load_idx %arg8[%add3A_342] : memref<14592xf32, #tpu.memory_space<vmem>>[vector<16xi32>], vector<16xf32>,
        %add3A_344 = vector.broadcast %add3A_325 : i32 to vector<16xi32>
        %add3A_345 = arith.addi %get3A_287, %add3A_344 : vector<16xi32>
        %gather3A_346 = tpu.vector_load_idx %arg8[%add3A_345] : memref<14592xf32, #tpu.memory_space<vmem>>[vector<16xi32>], vector<16xf32>,
        %add3A_347 = vector.broadcast %add3A_325 : i32 to vector<16xi32>
        %add3A_348 = arith.addi %get3A_290, %add3A_347 : vector<16xi32>
        %gather3A_349 = tpu.vector_load_idx %arg8[%add3A_348] : memref<14592xf32, #tpu.memory_space<vmem>>[vector<16xi32>], vector<16xf32>,
        %swap3A = arith.constant 0 : i32
        %swap3A_350 = arith.index_cast %swap3A : i32 to index
        %swap3A_351 = arith.index_cast %scan3A_267 : i32 to index
        %swap3A_352 = arith.constant 0 : index
        %swap3A_353 = tpu.vector_load %arg13[%swap3A_350, %swap3A_351, %swap3A_352] {strides = array<i32>} : memref<2x104x128xf32, #tpu.memory_space<vmem>>, vector<16xf32>,
        tpu.vector_store %arg13[%swap3A_350, %swap3A_351, %swap3A_352], %gather3A {strides = array<i32>} : memref<2x104x128xf32, #tpu.memory_space<vmem>>, vector<16xf32>,
        %swap3A_354 = arith.constant 0 : i32
        %swap3A_355 = arith.index_cast %swap3A_354 : i32 to index
        %swap3A_356 = arith.index_cast %scan3A_267 : i32 to index
        %swap3A_357 = arith.constant 16 : index
        %swap3A_358 = tpu.vector_load %arg13[%swap3A_355, %swap3A_356, %swap3A_357] {strides = array<i32>} : memref<2x104x128xf32, #tpu.memory_space<vmem>>, vector<16xf32>,
        tpu.vector_store %arg13[%swap3A_355, %swap3A_356, %swap3A_357], %gather3A_301 {strides = array<i32>} : memref<2x104x128xf32, #tpu.memory_space<vmem>>, vector<16xf32>,
        %swap3A_359 = arith.constant 0 : i32
        %swap3A_360 = arith.index_cast %swap3A_359 : i32 to index
        %swap3A_361 = arith.index_cast %scan3A_267 : i32 to index
        %swap3A_362 = arith.constant 32 : index
        %swap3A_363 = tpu.vector_load %arg13[%swap3A_360, %swap3A_361, %swap3A_362] {strides = array<i32>} : memref<2x104x128xf32, #tpu.memory_space<vmem>>, vector<16xf32>,
        tpu.vector_store %arg13[%swap3A_360, %swap3A_361, %swap3A_362], %gather3A_304 {strides = array<i32>} : memref<2x104x128xf32, #tpu.memory_space<vmem>>, vector<16xf32>,
        %swap3A_364 = arith.constant 0 : i32
        %swap3A_365 = arith.index_cast %swap3A_364 : i32 to index
        %swap3A_366 = arith.index_cast %scan3A_267 : i32 to index
        %swap3A_367 = arith.constant 48 : index
        %swap3A_368 = tpu.vector_load %arg13[%swap3A_365, %swap3A_366, %swap3A_367] {strides = array<i32>} : memref<2x104x128xf32, #tpu.memory_space<vmem>>, vector<16xf32>,
        tpu.vector_store %arg13[%swap3A_365, %swap3A_366, %swap3A_367], %gather3A_307 {strides = array<i32>} : memref<2x104x128xf32, #tpu.memory_space<vmem>>, vector<16xf32>,
        %swap3A_369 = arith.constant 0 : i32
        %swap3A_370 = arith.index_cast %swap3A_369 : i32 to index
        %swap3A_371 = arith.index_cast %scan3A_267 : i32 to index
        %swap3A_372 = arith.constant 64 : index
        %swap3A_373 = tpu.vector_load %arg13[%swap3A_370, %swap3A_371, %swap3A_372] {strides = array<i32>} : memref<2x104x128xf32, #tpu.memory_space<vmem>>, vector<16xf32>,
        tpu.vector_store %arg13[%swap3A_370, %swap3A_371, %swap3A_372], %gather3A_310 {strides = array<i32>} : memref<2x104x128xf32, #tpu.memory_space<vmem>>, vector<16xf32>,
        %swap3A_374 = arith.constant 0 : i32
        %swap3A_375 = arith.index_cast %swap3A_374 : i32 to index
        %swap3A_376 = arith.index_cast %scan3A_267 : i32 to index
        %swap3A_377 = arith.constant 80 : index
        %swap3A_378 = tpu.vector_load %arg13[%swap3A_375, %swap3A_376, %swap3A_377] {strides = array<i32>} : memref<2x104x128xf32, #tpu.memory_space<vmem>>, vector<16xf32>,
        tpu.vector_store %arg13[%swap3A_375, %swap3A_376, %swap3A_377], %gather3A_313 {strides = array<i32>} : memref<2x104x128xf32, #tpu.memory_space<vmem>>, vector<16xf32>,
        %swap3A_379 = arith.constant 0 : i32
        %swap3A_380 = arith.index_cast %swap3A_379 : i32 to index
        %swap3A_381 = arith.index_cast %scan3A_267 : i32 to index
        %swap3A_382 = arith.constant 96 : index
        %swap3A_383 = tpu.vector_load %arg13[%swap3A_380, %swap3A_381, %swap3A_382] {strides = array<i32>} : memref<2x104x128xf32, #tpu.memory_space<vmem>>, vector<16xf32>,
        tpu.vector_store %arg13[%swap3A_380, %swap3A_381, %swap3A_382], %gather3A_316 {strides = array<i32>} : memref<2x104x128xf32, #tpu.memory_space<vmem>>, vector<16xf32>,
        %swap3A_384 = arith.constant 0 : i32
        %swap3A_385 = arith.index_cast %swap3A_384 : i32 to index
        %swap3A_386 = arith.index_cast %scan3A_267 : i32 to index
        %swap3A_387 = arith.constant 112 : index
        %swap3A_388 = tpu.vector_load %arg13[%swap3A_385, %swap3A_386, %swap3A_387] {strides = array<i32>} : memref<2x104x128xf32, #tpu.memory_space<vmem>>, vector<16xf32>,
        tpu.vector_store %arg13[%swap3A_385, %swap3A_386, %swap3A_387], %gather3A_319 {strides = array<i32>} : memref<2x104x128xf32, #tpu.memory_space<vmem>>, vector<16xf32>,
        %swap3A_389 = arith.constant 1 : i32
        %swap3A_390 = arith.index_cast %swap3A_389 : i32 to index
        %swap3A_391 = arith.index_cast %scan3A_267 : i32 to index
        %swap3A_392 = arith.constant 0 : index
        %swap3A_393 = tpu.vector_load %arg13[%swap3A_390, %swap3A_391, %swap3A_392] {strides = array<i32>} : memref<2x104x128xf32, #tpu.memory_space<vmem>>, vector<16xf32>,
        tpu.vector_store %arg13[%swap3A_390, %swap3A_391, %swap3A_392], %gather3A_328 {strides = array<i32>} : memref<2x104x128xf32, #tpu.memory_space<vmem>>, vector<16xf32>,
        %swap3A_394 = arith.constant 1 : i32
        %swap3A_395 = arith.index_cast %swap3A_394 : i32 to index
        %swap3A_396 = arith.index_cast %scan3A_267 : i32 to index
        %swap3A_397 = arith.constant 16 : index
        %swap3A_398 = tpu.vector_load %arg13[%swap3A_395, %swap3A_396, %swap3A_397] {strides = array<i32>} : memref<2x104x128xf32, #tpu.memory_space<vmem>>, vector<16xf32>,
        tpu.vector_store %arg13[%swap3A_395, %swap3A_396, %swap3A_397], %gather3A_331 {strides = array<i32>} : memref<2x104x128xf32, #tpu.memory_space<vmem>>, vector<16xf32>,
        %swap3A_399 = arith.constant 1 : i32
        %swap3A_400 = arith.index_cast %swap3A_399 : i32 to index
        %swap3A_401 = arith.index_cast %scan3A_267 : i32 to index
        %swap3A_402 = arith.constant 32 : index
        %swap3A_403 = tpu.vector_load %arg13[%swap3A_400, %swap3A_401, %swap3A_402] {strides = array<i32>} : memref<2x104x128xf32, #tpu.memory_space<vmem>>, vector<16xf32>,
        tpu.vector_store %arg13[%swap3A_400, %swap3A_401, %swap3A_402], %gather3A_334 {strides = array<i32>} : memref<2x104x128xf32, #tpu.memory_space<vmem>>, vector<16xf32>,
        %swap3A_404 = arith.constant 1 : i32
        %swap3A_405 = arith.index_cast %swap3A_404 : i32 to index
        %swap3A_406 = arith.index_cast %scan3A_267 : i32 to index
        %swap3A_407 = arith.constant 48 : index
        %swap3A_408 = tpu.vector_load %arg13[%swap3A_405, %swap3A_406, %swap3A_407] {strides = array<i32>} : memref<2x104x128xf32, #tpu.memory_space<vmem>>, vector<16xf32>,
        tpu.vector_store %arg13[%swap3A_405, %swap3A_406, %swap3A_407], %gather3A_337 {strides = array<i32>} : memref<2x104x128xf32, #tpu.memory_space<vmem>>, vector<16xf32>,
        %swap3A_409 = arith.constant 1 : i32
        %swap3A_410 = arith.index_cast %swap3A_409 : i32 to index
        %swap3A_411 = arith.index_cast %scan3A_267 : i32 to index
        %swap3A_412 = arith.constant 64 : index
        %swap3A_413 = tpu.vector_load %arg13[%swap3A_410, %swap3A_411, %swap3A_412] {strides = array<i32>} : memref<2x104x128xf32, #tpu.memory_space<vmem>>, vector<16xf32>,
        tpu.vector_store %arg13[%swap3A_410, %swap3A_411, %swap3A_412], %gather3A_340 {strides = array<i32>} : memref<2x104x128xf32, #tpu.memory_space<vmem>>, vector<16xf32>,
        %swap3A_414 = arith.constant 1 : i32
        %swap3A_415 = arith.index_cast %swap3A_414 : i32 to index
        %swap3A_416 = arith.index_cast %scan3A_267 : i32 to index
        %swap3A_417 = arith.constant 80 : index
        %swap3A_418 = tpu.vector_load %arg13[%swap3A_415, %swap3A_416, %swap3A_417] {strides = array<i32>} : memref<2x104x128xf32, #tpu.memory_space<vmem>>, vector<16xf32>,
        tpu.vector_store %arg13[%swap3A_415, %swap3A_416, %swap3A_417], %gather3A_343 {strides = array<i32>} : memref<2x104x128xf32, #tpu.memory_space<vmem>>, vector<16xf32>,
        %swap3A_419 = arith.constant 1 : i32
        %swap3A_420 = arith.index_cast %swap3A_419 : i32 to index
        %swap3A_421 = arith.index_cast %scan3A_267 : i32 to index
        %swap3A_422 = arith.constant 96 : index
        %swap3A_423 = tpu.vector_load %arg13[%swap3A_420, %swap3A_421, %swap3A_422] {strides = array<i32>} : memref<2x104x128xf32, #tpu.memory_space<vmem>>, vector<16xf32>,
        tpu.vector_store %arg13[%swap3A_420, %swap3A_421, %swap3A_422], %gather3A_346 {strides = array<i32>} : memref<2x104x128xf32, #tpu.memory_space<vmem>>, vector<16xf32>,
        %swap3A_424 = arith.constant 1 : i32
        %swap3A_425 = arith.index_cast %swap3A_424 : i32 to index
        %swap3A_426 = arith.index_cast %scan3A_267 : i32 to index
        %swap3A_427 = arith.constant 112 : index
        %swap3A_428 = tpu.vector_load %arg13[%swap3A_425, %swap3A_426, %swap3A_427] {strides = array<i32>} : memref<2x104x128xf32, #tpu.memory_space<vmem>>, vector<16xf32>,
        tpu.vector_store %arg13[%swap3A_425, %swap3A_426, %swap3A_427], %gather3A_349 {strides = array<i32>} : memref<2x104x128xf32, #tpu.memory_space<vmem>>, vector<16xf32>,
      }
      %scan3A_222 = arith.constant 96 : i32
      %dma_start3A = arith.constant 0 : i32
      %dma_start3A_223 = arith.constant 0 : i32
      %dma_start3A_224 = arith.constant 0 : i32
      %dma_start3A_225 = tpu.memref_slice %arg13[%dma_start3A, %dma_start3A_223, %dma_start3A_224] : memref<2x104x128xf32, #tpu.memory_space<vmem>> -> memref<2x96x128xf32, #tpu.memory_space<vmem>>
      %dma_start3A_226 = arith.constant 0 : i32
      %dma_start3A_227 = tpu.memref_slice %arg7[%add3A_213, %dma_start3A_226, %mul3A_2] : memref<192x200x4096xf32, #tpu.memory_space<hbm>> -> memref<2x96x128xf32, #tpu.memory_space<hbm>>
      %dma_start3A_228 = arith.constant 0 : i32
      %dma_start3A_229 = tpu.memref_slice %arg7[%add3A_213, %dma_start3A_228, %mul3A_2] : memref<192x200x4096xf32, #tpu.memory_space<hbm>> -> memref<2x96x128xf32, #tpu.memory_space<hbm>>
      %dma_start3A_230 = arith.constant 0 : i32
      %dma_start3A_231 = arith.constant 0 : i32
      %dma_start3A_232 = arith.constant 0 : i32
      %dma_start3A_233 = tpu.memref_slice %arg13[%dma_start3A_230, %dma_start3A_231, %dma_start3A_232] : memref<2x104x128xf32, #tpu.memory_space<vmem>> -> memref<2x96x128xf32, #tpu.memory_space<vmem>>
      tpu.enqueue_dma source(%dma_start3A_233 : memref<2x96x128xf32, #tpu.memory_space<vmem>>) target(%dma_start3A_229 : memref<2x96x128xf32, #tpu.memory_space<hbm>>) target_semaphore(%arg15 : memref<!tpu.dma_semaphore, #tpu.memory_space<semaphore_mem>>)
      %mul3A_234 = arith.constant 2 : i32
      %mul3A_235 = arith.muli %scan3A_205, %mul3A_234 : i32
      %add3A_236 = arith.constant 1 : i32
      %add3A_237 = arith.addi %mul3A_235, %add3A_236 : i32
      %mul3A_238 = arith.constant 2 : i32
      %mul3A_239 = arith.muli %add3A_237, %mul3A_238 : i32
      %add3A_240 = arith.constant 128 : i32
      %add3A_241 = arith.addi %add3A_240, %mul3A_239 : i32
      %ge3A_242 = arith.constant 2 : i32
      %ge3A_243 = arith.cmpi sge, %add3A_237, %ge3A_242 : i32
      %convert_element_type3A_244 = arith.extui %ge3A_243 : i1 to i32
      %cond3A_245 = arith.constant 0 : i32
      %cond3A_246 = arith.cmpi ne, %convert_element_type3A_244, %cond3A_245 : i32
      scf.if %cond3A_246 {
        %sub3A_267 = arith.constant 4 : i32
        %sub3A_268 = arith.subi %add3A_241, %sub3A_267 : i32
        %dma_wait3A_269 = arith.constant 0 : i32
        %dma_wait3A_270 = arith.constant 0 : i32
        %dma_wait3A_271 = arith.constant 0 : i32
        %dma_wait3A_272 = tpu.memref_slice %arg14[%dma_wait3A_269, %dma_wait3A_270, %dma_wait3A_271] : memref<2x104x128xf32, #tpu.memory_space<vmem>> -> memref<2x96x128xf32, #tpu.memory_space<vmem>>
        %dma_wait3A_273 = arith.constant 0 : i32
        %dma_wait3A_274 = tpu.memref_slice %arg7[%sub3A_268, %dma_wait3A_273, %mul3A_2] : memref<192x200x4096xf32, #tpu.memory_space<hbm>> -> memref<2x96x128xf32, #tpu.memory_space<hbm>>
        %dma_wait3A_275 = arith.constant 0 : i32
        %dma_wait3A_276 = tpu.memref_slice %arg7[%sub3A_268, %dma_wait3A_275, %mul3A_2] : memref<192x200x4096xf32, #tpu.memory_space<hbm>> -> memref<2x96x128xf32, #tpu.memory_space<hbm>>
        %dma_wait3A_277 = arith.constant 0 : i32
        %dma_wait3A_278 = arith.constant 0 : i32
        %dma_wait3A_279 = arith.constant 0 : i32
        %dma_wait3A_280 = tpu.memref_slice %arg14[%dma_wait3A_277, %dma_wait3A_278, %dma_wait3A_279] : memref<2x104x128xf32, #tpu.memory_space<vmem>> -> memref<2x96x128xf32, #tpu.memory_space<vmem>>
        tpu.wait_dma2 semaphore(%arg16 : memref<!tpu.dma_semaphore, #tpu.memory_space<semaphore_mem>>) src(%dma_wait3A_280 : memref<2x96x128xf32, #tpu.memory_space<vmem>>) dst(%dma_wait3A_276 : memref<2x96x128xf32, #tpu.memory_space<hbm>>)
      } else {
      }
      %sub3A_247 = arith.constant 128 : i32
      %sub3A_248 = arith.subi %add3A_241, %sub3A_247 : i32
      %scan3A_249 = arith.constant 0 : i32
      %scan3A_250 = arith.constant 0 : i32
      %scan3A_251 = arith.constant 96 : i32
      %scan3A_252 = arith.addi %scan3A_250, %scan3A_251 : i32
      %scan3A_253 = arith.constant 1 : i32
      scf.for %scan3A_267 = %scan3A_250 to %scan3A_252 step %scan3A_253  : i32 {
        %get3A = arith.index_cast %scan3A_267 : i32 to index
        %get3A_268 = arith.constant 0 : index
        %get3A_269 = tpu.vector_load %arg12[%get3A, %get3A_268] {strides = array<i32>} : memref<104x128xi32, #tpu.memory_space<vmem>>, vector<16xi32>,
        %get3A_270 = arith.index_cast %scan3A_267 : i32 to index
        %get3A_271 = arith.constant 16 : index
        %get3A_272 = tpu.vector_load %arg12[%get3A_270, %get3A_271] {strides = array<i32>} : memref<104x128xi32, #tpu.memory_space<vmem>>, vector<16xi32>,
        %get3A_273 = arith.index_cast %scan3A_267 : i32 to index
        %get3A_274 = arith.constant 32 : index
        %get3A_275 = tpu.vector_load %arg12[%get3A_273, %get3A_274] {strides = array<i32>} : memref<104x128xi32, #tpu.memory_space<vmem>>, vector<16xi32>,
        %get3A_276 = arith.index_cast %scan3A_267 : i32 to index
        %get3A_277 = arith.constant 48 : index
        %get3A_278 = tpu.vector_load %arg12[%get3A_276, %get3A_277] {strides = array<i32>} : memref<104x128xi32, #tpu.memory_space<vmem>>, vector<16xi32>,
        %get3A_279 = arith.index_cast %scan3A_267 : i32 to index
        %get3A_280 = arith.constant 64 : index
        %get3A_281 = tpu.vector_load %arg12[%get3A_279, %get3A_280] {strides = array<i32>} : memref<104x128xi32, #tpu.memory_space<vmem>>, vector<16xi32>,
        %get3A_282 = arith.index_cast %scan3A_267 : i32 to index
        %get3A_283 = arith.constant 80 : index
        %get3A_284 = tpu.vector_load %arg12[%get3A_282, %get3A_283] {strides = array<i32>} : memref<104x128xi32, #tpu.memory_space<vmem>>, vector<16xi32>,
        %get3A_285 = arith.index_cast %scan3A_267 : i32 to index
        %get3A_286 = arith.constant 96 : index
        %get3A_287 = tpu.vector_load %arg12[%get3A_285, %get3A_286] {strides = array<i32>} : memref<104x128xi32, #tpu.memory_space<vmem>>, vector<16xi32>,
        %get3A_288 = arith.index_cast %scan3A_267 : i32 to index
        %get3A_289 = arith.constant 112 : index
        %get3A_290 = tpu.vector_load %arg12[%get3A_288, %get3A_289] {strides = array<i32>} : memref<104x128xi32, #tpu.memory_space<vmem>>, vector<16xi32>,
        %add3A_291 = arith.constant 0 : i32
        %add3A_292 = arith.addi %sub3A_248, %add3A_291 : i32
        %mul3A_293 = arith.constant 128 : i32
        %mul3A_294 = arith.muli %add3A_292, %mul3A_293 : i32
        %add3A_295 = arith.constant 6400 : i32
        %add3A_296 = arith.addi %add3A_295, %mul3A_294 : i32
        %add3A_297 = vector.broadcast %add3A_296 : i32 to vector<16xi32>
        %add3A_298 = arith.addi %get3A_269, %add3A_297 : vector<16xi32>
        %gather3A = tpu.vector_load_idx %arg8[%add3A_298] : memref<14592xf32, #tpu.memory_space<vmem>>[vector<16xi32>], vector<16xf32>,
        %add3A_299 = vector.broadcast %add3A_296 : i32 to vector<16xi32>
        %add3A_300 = arith.addi %get3A_272, %add3A_299 : vector<16xi32>
        %gather3A_301 = tpu.vector_load_idx %arg8[%add3A_300] : memref<14592xf32, #tpu.memory_space<vmem>>[vector<16xi32>], vector<16xf32>,
        %add3A_302 = vector.broadcast %add3A_296 : i32 to vector<16xi32>
        %add3A_303 = arith.addi %get3A_275, %add3A_302 : vector<16xi32>
        %gather3A_304 = tpu.vector_load_idx %arg8[%add3A_303] : memref<14592xf32, #tpu.memory_space<vmem>>[vector<16xi32>], vector<16xf32>,
        %add3A_305 = vector.broadcast %add3A_296 : i32 to vector<16xi32>
        %add3A_306 = arith.addi %get3A_278, %add3A_305 : vector<16xi32>
        %gather3A_307 = tpu.vector_load_idx %arg8[%add3A_306] : memref<14592xf32, #tpu.memory_space<vmem>>[vector<16xi32>], vector<16xf32>,
        %add3A_308 = vector.broadcast %add3A_296 : i32 to vector<16xi32>
        %add3A_309 = arith.addi %get3A_281, %add3A_308 : vector<16xi32>
        %gather3A_310 = tpu.vector_load_idx %arg8[%add3A_309] : memref<14592xf32, #tpu.memory_space<vmem>>[vector<16xi32>], vector<16xf32>,
        %add3A_311 = vector.broadcast %add3A_296 : i32 to vector<16xi32>
        %add3A_312 = arith.addi %get3A_284, %add3A_311 : vector<16xi32>
        %gather3A_313 = tpu.vector_load_idx %arg8[%add3A_312] : memref<14592xf32, #tpu.memory_space<vmem>>[vector<16xi32>], vector<16xf32>,
        %add3A_314 = vector.broadcast %add3A_296 : i32 to vector<16xi32>
        %add3A_315 = arith.addi %get3A_287, %add3A_314 : vector<16xi32>
        %gather3A_316 = tpu.vector_load_idx %arg8[%add3A_315] : memref<14592xf32, #tpu.memory_space<vmem>>[vector<16xi32>], vector<16xf32>,
        %add3A_317 = vector.broadcast %add3A_296 : i32 to vector<16xi32>
        %add3A_318 = arith.addi %get3A_290, %add3A_317 : vector<16xi32>
        %gather3A_319 = tpu.vector_load_idx %arg8[%add3A_318] : memref<14592xf32, #tpu.memory_space<vmem>>[vector<16xi32>], vector<16xf32>,
        %add3A_320 = arith.constant 1 : i32
        %add3A_321 = arith.addi %sub3A_248, %add3A_320 : i32
        %mul3A_322 = arith.constant 128 : i32
        %mul3A_323 = arith.muli %add3A_321, %mul3A_322 : i32
        %add3A_324 = arith.constant 6400 : i32
        %add3A_325 = arith.addi %add3A_324, %mul3A_323 : i32
        %add3A_326 = vector.broadcast %add3A_325 : i32 to vector<16xi32>
        %add3A_327 = arith.addi %get3A_269, %add3A_326 : vector<16xi32>
        %gather3A_328 = tpu.vector_load_idx %arg8[%add3A_327] : memref<14592xf32, #tpu.memory_space<vmem>>[vector<16xi32>], vector<16xf32>,
        %add3A_329 = vector.broadcast %add3A_325 : i32 to vector<16xi32>
        %add3A_330 = arith.addi %get3A_272, %add3A_329 : vector<16xi32>
        %gather3A_331 = tpu.vector_load_idx %arg8[%add3A_330] : memref<14592xf32, #tpu.memory_space<vmem>>[vector<16xi32>], vector<16xf32>,
        %add3A_332 = vector.broadcast %add3A_325 : i32 to vector<16xi32>
        %add3A_333 = arith.addi %get3A_275, %add3A_332 : vector<16xi32>
        %gather3A_334 = tpu.vector_load_idx %arg8[%add3A_333] : memref<14592xf32, #tpu.memory_space<vmem>>[vector<16xi32>], vector<16xf32>,
        %add3A_335 = vector.broadcast %add3A_325 : i32 to vector<16xi32>
        %add3A_336 = arith.addi %get3A_278, %add3A_335 : vector<16xi32>
        %gather3A_337 = tpu.vector_load_idx %arg8[%add3A_336] : memref<14592xf32, #tpu.memory_space<vmem>>[vector<16xi32>], vector<16xf32>,
        %add3A_338 = vector.broadcast %add3A_325 : i32 to vector<16xi32>
        %add3A_339 = arith.addi %get3A_281, %add3A_338 : vector<16xi32>
        %gather3A_340 = tpu.vector_load_idx %arg8[%add3A_339] : memref<14592xf32, #tpu.memory_space<vmem>>[vector<16xi32>], vector<16xf32>,
        %add3A_341 = vector.broadcast %add3A_325 : i32 to vector<16xi32>
        %add3A_342 = arith.addi %get3A_284, %add3A_341 : vector<16xi32>
        %gather3A_343 = tpu.vector_load_idx %arg8[%add3A_342] : memref<14592xf32, #tpu.memory_space<vmem>>[vector<16xi32>], vector<16xf32>,
        %add3A_344 = vector.broadcast %add3A_325 : i32 to vector<16xi32>
        %add3A_345 = arith.addi %get3A_287, %add3A_344 : vector<16xi32>
        %gather3A_346 = tpu.vector_load_idx %arg8[%add3A_345] : memref<14592xf32, #tpu.memory_space<vmem>>[vector<16xi32>], vector<16xf32>,
        %add3A_347 = vector.broadcast %add3A_325 : i32 to vector<16xi32>
        %add3A_348 = arith.addi %get3A_290, %add3A_347 : vector<16xi32>
        %gather3A_349 = tpu.vector_load_idx %arg8[%add3A_348] : memref<14592xf32, #tpu.memory_space<vmem>>[vector<16xi32>], vector<16xf32>,
        %swap3A = arith.constant 0 : i32
        %swap3A_350 = arith.index_cast %swap3A : i32 to index
        %swap3A_351 = arith.index_cast %scan3A_267 : i32 to index
        %swap3A_352 = arith.constant 0 : index
        %swap3A_353 = tpu.vector_load %arg14[%swap3A_350, %swap3A_351, %swap3A_352] {strides = array<i32>} : memref<2x104x128xf32, #tpu.memory_space<vmem>>, vector<16xf32>,
        tpu.vector_store %arg14[%swap3A_350, %swap3A_351, %swap3A_352], %gather3A {strides = array<i32>} : memref<2x104x128xf32, #tpu.memory_space<vmem>>, vector<16xf32>,
        %swap3A_354 = arith.constant 0 : i32
        %swap3A_355 = arith.index_cast %swap3A_354 : i32 to index
        %swap3A_356 = arith.index_cast %scan3A_267 : i32 to index
        %swap3A_357 = arith.constant 16 : index
        %swap3A_358 = tpu.vector_load %arg14[%swap3A_355, %swap3A_356, %swap3A_357] {strides = array<i32>} : memref<2x104x128xf32, #tpu.memory_space<vmem>>, vector<16xf32>,
        tpu.vector_store %arg14[%swap3A_355, %swap3A_356, %swap3A_357], %gather3A_301 {strides = array<i32>} : memref<2x104x128xf32, #tpu.memory_space<vmem>>, vector<16xf32>,
        %swap3A_359 = arith.constant 0 : i32
        %swap3A_360 = arith.index_cast %swap3A_359 : i32 to index
        %swap3A_361 = arith.index_cast %scan3A_267 : i32 to index
        %swap3A_362 = arith.constant 32 : index
        %swap3A_363 = tpu.vector_load %arg14[%swap3A_360, %swap3A_361, %swap3A_362] {strides = array<i32>} : memref<2x104x128xf32, #tpu.memory_space<vmem>>, vector<16xf32>,
        tpu.vector_store %arg14[%swap3A_360, %swap3A_361, %swap3A_362], %gather3A_304 {strides = array<i32>} : memref<2x104x128xf32, #tpu.memory_space<vmem>>, vector<16xf32>,
        %swap3A_364 = arith.constant 0 : i32
        %swap3A_365 = arith.index_cast %swap3A_364 : i32 to index
        %swap3A_366 = arith.index_cast %scan3A_267 : i32 to index
        %swap3A_367 = arith.constant 48 : index
        %swap3A_368 = tpu.vector_load %arg14[%swap3A_365, %swap3A_366, %swap3A_367] {strides = array<i32>} : memref<2x104x128xf32, #tpu.memory_space<vmem>>, vector<16xf32>,
        tpu.vector_store %arg14[%swap3A_365, %swap3A_366, %swap3A_367], %gather3A_307 {strides = array<i32>} : memref<2x104x128xf32, #tpu.memory_space<vmem>>, vector<16xf32>,
        %swap3A_369 = arith.constant 0 : i32
        %swap3A_370 = arith.index_cast %swap3A_369 : i32 to index
        %swap3A_371 = arith.index_cast %scan3A_267 : i32 to index
        %swap3A_372 = arith.constant 64 : index
        %swap3A_373 = tpu.vector_load %arg14[%swap3A_370, %swap3A_371, %swap3A_372] {strides = array<i32>} : memref<2x104x128xf32, #tpu.memory_space<vmem>>, vector<16xf32>,
        tpu.vector_store %arg14[%swap3A_370, %swap3A_371, %swap3A_372], %gather3A_310 {strides = array<i32>} : memref<2x104x128xf32, #tpu.memory_space<vmem>>, vector<16xf32>,
        %swap3A_374 = arith.constant 0 : i32
        %swap3A_375 = arith.index_cast %swap3A_374 : i32 to index
        %swap3A_376 = arith.index_cast %scan3A_267 : i32 to index
        %swap3A_377 = arith.constant 80 : index
        %swap3A_378 = tpu.vector_load %arg14[%swap3A_375, %swap3A_376, %swap3A_377] {strides = array<i32>} : memref<2x104x128xf32, #tpu.memory_space<vmem>>, vector<16xf32>,
        tpu.vector_store %arg14[%swap3A_375, %swap3A_376, %swap3A_377], %gather3A_313 {strides = array<i32>} : memref<2x104x128xf32, #tpu.memory_space<vmem>>, vector<16xf32>,
        %swap3A_379 = arith.constant 0 : i32
        %swap3A_380 = arith.index_cast %swap3A_379 : i32 to index
        %swap3A_381 = arith.index_cast %scan3A_267 : i32 to index
        %swap3A_382 = arith.constant 96 : index
        %swap3A_383 = tpu.vector_load %arg14[%swap3A_380, %swap3A_381, %swap3A_382] {strides = array<i32>} : memref<2x104x128xf32, #tpu.memory_space<vmem>>, vector<16xf32>,
        tpu.vector_store %arg14[%swap3A_380, %swap3A_381, %swap3A_382], %gather3A_316 {strides = array<i32>} : memref<2x104x128xf32, #tpu.memory_space<vmem>>, vector<16xf32>,
        %swap3A_384 = arith.constant 0 : i32
        %swap3A_385 = arith.index_cast %swap3A_384 : i32 to index
        %swap3A_386 = arith.index_cast %scan3A_267 : i32 to index
        %swap3A_387 = arith.constant 112 : index
        %swap3A_388 = tpu.vector_load %arg14[%swap3A_385, %swap3A_386, %swap3A_387] {strides = array<i32>} : memref<2x104x128xf32, #tpu.memory_space<vmem>>, vector<16xf32>,
        tpu.vector_store %arg14[%swap3A_385, %swap3A_386, %swap3A_387], %gather3A_319 {strides = array<i32>} : memref<2x104x128xf32, #tpu.memory_space<vmem>>, vector<16xf32>,
        %swap3A_389 = arith.constant 1 : i32
        %swap3A_390 = arith.index_cast %swap3A_389 : i32 to index
        %swap3A_391 = arith.index_cast %scan3A_267 : i32 to index
        %swap3A_392 = arith.constant 0 : index
        %swap3A_393 = tpu.vector_load %arg14[%swap3A_390, %swap3A_391, %swap3A_392] {strides = array<i32>} : memref<2x104x128xf32, #tpu.memory_space<vmem>>, vector<16xf32>,
        tpu.vector_store %arg14[%swap3A_390, %swap3A_391, %swap3A_392], %gather3A_328 {strides = array<i32>} : memref<2x104x128xf32, #tpu.memory_space<vmem>>, vector<16xf32>,
        %swap3A_394 = arith.constant 1 : i32
        %swap3A_395 = arith.index_cast %swap3A_394 : i32 to index
        %swap3A_396 = arith.index_cast %scan3A_267 : i32 to index
        %swap3A_397 = arith.constant 16 : index
        %swap3A_398 = tpu.vector_load %arg14[%swap3A_395, %swap3A_396, %swap3A_397] {strides = array<i32>} : memref<2x104x128xf32, #tpu.memory_space<vmem>>, vector<16xf32>,
        tpu.vector_store %arg14[%swap3A_395, %swap3A_396, %swap3A_397], %gather3A_331 {strides = array<i32>} : memref<2x104x128xf32, #tpu.memory_space<vmem>>, vector<16xf32>,
        %swap3A_399 = arith.constant 1 : i32
        %swap3A_400 = arith.index_cast %swap3A_399 : i32 to index
        %swap3A_401 = arith.index_cast %scan3A_267 : i32 to index
        %swap3A_402 = arith.constant 32 : index
        %swap3A_403 = tpu.vector_load %arg14[%swap3A_400, %swap3A_401, %swap3A_402] {strides = array<i32>} : memref<2x104x128xf32, #tpu.memory_space<vmem>>, vector<16xf32>,
        tpu.vector_store %arg14[%swap3A_400, %swap3A_401, %swap3A_402], %gather3A_334 {strides = array<i32>} : memref<2x104x128xf32, #tpu.memory_space<vmem>>, vector<16xf32>,
        %swap3A_404 = arith.constant 1 : i32
        %swap3A_405 = arith.index_cast %swap3A_404 : i32 to index
        %swap3A_406 = arith.index_cast %scan3A_267 : i32 to index
        %swap3A_407 = arith.constant 48 : index
        %swap3A_408 = tpu.vector_load %arg14[%swap3A_405, %swap3A_406, %swap3A_407] {strides = array<i32>} : memref<2x104x128xf32, #tpu.memory_space<vmem>>, vector<16xf32>,
        tpu.vector_store %arg14[%swap3A_405, %swap3A_406, %swap3A_407], %gather3A_337 {strides = array<i32>} : memref<2x104x128xf32, #tpu.memory_space<vmem>>, vector<16xf32>,
        %swap3A_409 = arith.constant 1 : i32
        %swap3A_410 = arith.index_cast %swap3A_409 : i32 to index
        %swap3A_411 = arith.index_cast %scan3A_267 : i32 to index
        %swap3A_412 = arith.constant 64 : index
        %swap3A_413 = tpu.vector_load %arg14[%swap3A_410, %swap3A_411, %swap3A_412] {strides = array<i32>} : memref<2x104x128xf32, #tpu.memory_space<vmem>>, vector<16xf32>,
        tpu.vector_store %arg14[%swap3A_410, %swap3A_411, %swap3A_412], %gather3A_340 {strides = array<i32>} : memref<2x104x128xf32, #tpu.memory_space<vmem>>, vector<16xf32>,
        %swap3A_414 = arith.constant 1 : i32
        %swap3A_415 = arith.index_cast %swap3A_414 : i32 to index
        %swap3A_416 = arith.index_cast %scan3A_267 : i32 to index
        %swap3A_417 = arith.constant 80 : index
        %swap3A_418 = tpu.vector_load %arg14[%swap3A_415, %swap3A_416, %swap3A_417] {strides = array<i32>} : memref<2x104x128xf32, #tpu.memory_space<vmem>>, vector<16xf32>,
        tpu.vector_store %arg14[%swap3A_415, %swap3A_416, %swap3A_417], %gather3A_343 {strides = array<i32>} : memref<2x104x128xf32, #tpu.memory_space<vmem>>, vector<16xf32>,
        %swap3A_419 = arith.constant 1 : i32
        %swap3A_420 = arith.index_cast %swap3A_419 : i32 to index
        %swap3A_421 = arith.index_cast %scan3A_267 : i32 to index
        %swap3A_422 = arith.constant 96 : index
        %swap3A_423 = tpu.vector_load %arg14[%swap3A_420, %swap3A_421, %swap3A_422] {strides = array<i32>} : memref<2x104x128xf32, #tpu.memory_space<vmem>>, vector<16xf32>,
        tpu.vector_store %arg14[%swap3A_420, %swap3A_421, %swap3A_422], %gather3A_346 {strides = array<i32>} : memref<2x104x128xf32, #tpu.memory_space<vmem>>, vector<16xf32>,
        %swap3A_424 = arith.constant 1 : i32
        %swap3A_425 = arith.index_cast %swap3A_424 : i32 to index
        %swap3A_426 = arith.index_cast %scan3A_267 : i32 to index
        %swap3A_427 = arith.constant 112 : index
        %swap3A_428 = tpu.vector_load %arg14[%swap3A_425, %swap3A_426, %swap3A_427] {strides = array<i32>} : memref<2x104x128xf32, #tpu.memory_space<vmem>>, vector<16xf32>,
        tpu.vector_store %arg14[%swap3A_425, %swap3A_426, %swap3A_427], %gather3A_349 {strides = array<i32>} : memref<2x104x128xf32, #tpu.memory_space<vmem>>, vector<16xf32>,
      }
      %scan3A_254 = arith.constant 96 : i32
      %dma_start3A_255 = arith.constant 0 : i32
      %dma_start3A_256 = arith.constant 0 : i32
      %dma_start3A_257 = arith.constant 0 : i32
      %dma_start3A_258 = tpu.memref_slice %arg14[%dma_start3A_255, %dma_start3A_256, %dma_start3A_257] : memref<2x104x128xf32, #tpu.memory_space<vmem>> -> memref<2x96x128xf32, #tpu.memory_space<vmem>>
      %dma_start3A_259 = arith.constant 0 : i32
      %dma_start3A_260 = tpu.memref_slice %arg7[%add3A_241, %dma_start3A_259, %mul3A_2] : memref<192x200x4096xf32, #tpu.memory_space<hbm>> -> memref<2x96x128xf32, #tpu.memory_space<hbm>>
      %dma_start3A_261 = arith.constant 0 : i32
      %dma_start3A_262 = tpu.memref_slice %arg7[%add3A_241, %dma_start3A_261, %mul3A_2] : memref<192x200x4096xf32, #tpu.memory_space<hbm>> -> memref<2x96x128xf32, #tpu.memory_space<hbm>>
      %dma_start3A_263 = arith.constant 0 : i32
      %dma_start3A_264 = arith.constant 0 : i32
      %dma_start3A_265 = arith.constant 0 : i32
      %dma_start3A_266 = tpu.memref_slice %arg14[%dma_start3A_263, %dma_start3A_264, %dma_start3A_265] : memref<2x104x128xf32, #tpu.memory_space<vmem>> -> memref<2x96x128xf32, #tpu.memory_space<vmem>>
      tpu.enqueue_dma source(%dma_start3A_266 : memref<2x96x128xf32, #tpu.memory_space<vmem>>) target(%dma_start3A_262 : memref<2x96x128xf32, #tpu.memory_space<hbm>>) target_semaphore(%arg16 : memref<!tpu.dma_semaphore, #tpu.memory_space<semaphore_mem>>)
    }
    %scan3A_74 = arith.constant 16 : i32
    %dma_wait3A_75 = arith.constant 0 : i32
    %dma_wait3A_76 = arith.constant 0 : i32
    %dma_wait3A_77 = arith.constant 0 : i32
    %dma_wait3A_78 = tpu.memref_slice %arg13[%dma_wait3A_75, %dma_wait3A_76, %dma_wait3A_77] : memref<2x104x128xf32, #tpu.memory_space<vmem>> -> memref<2x96x128xf32, #tpu.memory_space<vmem>>
    %dma_wait3A_79 = arith.constant 188 : i32
    %dma_wait3A_80 = arith.constant 0 : i32
    %dma_wait3A_81 = tpu.memref_slice %arg7[%dma_wait3A_79, %dma_wait3A_80, %mul3A_2] : memref<192x200x4096xf32, #tpu.memory_space<hbm>> -> memref<2x96x128xf32, #tpu.memory_space<hbm>>
    %dma_wait3A_82 = arith.constant 188 : i32
    %dma_wait3A_83 = arith.constant 0 : i32
    %dma_wait3A_84 = tpu.memref_slice %arg7[%dma_wait3A_82, %dma_wait3A_83, %mul3A_2] : memref<192x200x4096xf32, #tpu.memory_space<hbm>> -> memref<2x96x128xf32, #tpu.memory_space<hbm>>
    %dma_wait3A_85 = arith.constant 0 : i32
    %dma_wait3A_86 = arith.constant 0 : i32
    %dma_wait3A_87 = arith.constant 0 : i32
    %dma_wait3A_88 = tpu.memref_slice %arg13[%dma_wait3A_85, %dma_wait3A_86, %dma_wait3A_87] : memref<2x104x128xf32, #tpu.memory_space<vmem>> -> memref<2x96x128xf32, #tpu.memory_space<vmem>>
    tpu.wait_dma2 semaphore(%arg15 : memref<!tpu.dma_semaphore, #tpu.memory_space<semaphore_mem>>) src(%dma_wait3A_88 : memref<2x96x128xf32, #tpu.memory_space<vmem>>) dst(%dma_wait3A_84 : memref<2x96x128xf32, #tpu.memory_space<hbm>>)
    %dma_wait3A_89 = arith.constant 0 : i32
    %dma_wait3A_90 = arith.constant 0 : i32
    %dma_wait3A_91 = arith.constant 0 : i32
    %dma_wait3A_92 = tpu.memref_slice %arg14[%dma_wait3A_89, %dma_wait3A_90, %dma_wait3A_91] : memref<2x104x128xf32, #tpu.memory_space<vmem>> -> memref<2x96x128xf32, #tpu.memory_space<vmem>>
    %dma_wait3A_93 = arith.constant 190 : i32
    %dma_wait3A_94 = arith.constant 0 : i32
    %dma_wait3A_95 = tpu.memref_slice %arg7[%dma_wait3A_93, %dma_wait3A_94, %mul3A_2] : memref<192x200x4096xf32, #tpu.memory_space<hbm>> -> memref<2x96x128xf32, #tpu.memory_space<hbm>>
    %dma_wait3A_96 = arith.constant 190 : i32
    %dma_wait3A_97 = arith.constant 0 : i32
    %dma_wait3A_98 = tpu.memref_slice %arg7[%dma_wait3A_96, %dma_wait3A_97, %mul3A_2] : memref<192x200x4096xf32, #tpu.memory_space<hbm>> -> memref<2x96x128xf32, #tpu.memory_space<hbm>>
    %dma_wait3A_99 = arith.constant 0 : i32
    %dma_wait3A_100 = arith.constant 0 : i32
    %dma_wait3A_101 = arith.constant 0 : i32
    %dma_wait3A_102 = tpu.memref_slice %arg14[%dma_wait3A_99, %dma_wait3A_100, %dma_wait3A_101] : memref<2x104x128xf32, #tpu.memory_space<vmem>> -> memref<2x96x128xf32, #tpu.memory_space<vmem>>
    tpu.wait_dma2 semaphore(%arg16 : memref<!tpu.dma_semaphore, #tpu.memory_space<semaphore_mem>>) src(%dma_wait3A_102 : memref<2x96x128xf32, #tpu.memory_space<vmem>>) dst(%dma_wait3A_98 : memref<2x96x128xf32, #tpu.memory_space<hbm>>)
    "tpu.region"() ({
      %run_scoped3A = tpu.sem_alloc : memref<!tpu.dma_semaphore, #tpu.memory_space<semaphore_mem>>
      %dma_start3A = arith.constant 0 : i32
      %dma_start3A_205 = arith.constant 0 : i32
      %dma_start3A_206 = tpu.memref_slice %arg10[%dma_start3A, %dma_start3A_205] : memref<104x128xf32, #tpu.memory_space<vmem>> -> memref<104x128xf32, #tpu.memory_space<vmem>>
      %dma_start3A_207 = arith.constant 96 : i32
      %dma_start3A_208 = tpu.memref_slice %arg2[%dma_start3A_207, %mul3A_2] : memref<200x4096xf32, #tpu.memory_space<hbm>> -> memref<104x128xf32, #tpu.memory_space<hbm>>
      %dma_start3A_209 = arith.constant 0 : i32
      %dma_start3A_210 = arith.constant 0 : i32
      %dma_start3A_211 = tpu.memref_slice %arg10[%dma_start3A_209, %dma_start3A_210] : memref<104x128xf32, #tpu.memory_space<vmem>> -> memref<104x128xf32, #tpu.memory_space<vmem>>
      %dma_start3A_212 = arith.constant 96 : i32
      %dma_start3A_213 = tpu.memref_slice %arg2[%dma_start3A_212, %mul3A_2] : memref<200x4096xf32, #tpu.memory_space<hbm>> -> memref<104x128xf32, #tpu.memory_space<hbm>>
      tpu.enqueue_dma source(%dma_start3A_213 : memref<104x128xf32, #tpu.memory_space<hbm>>) target(%dma_start3A_211 : memref<104x128xf32, #tpu.memory_space<vmem>>) target_semaphore(%run_scoped3A : memref<!tpu.dma_semaphore, #tpu.memory_space<semaphore_mem>>)
      %dma_wait3A_214 = arith.constant 0 : i32
      %dma_wait3A_215 = arith.constant 0 : i32
      %dma_wait3A_216 = tpu.memref_slice %arg10[%dma_wait3A_214, %dma_wait3A_215] : memref<104x128xf32, #tpu.memory_space<vmem>> -> memref<104x128xf32, #tpu.memory_space<vmem>>
      %dma_wait3A_217 = arith.constant 96 : i32
      %dma_wait3A_218 = tpu.memref_slice %arg2[%dma_wait3A_217, %mul3A_2] : memref<200x4096xf32, #tpu.memory_space<hbm>> -> memref<104x128xf32, #tpu.memory_space<hbm>>
      %dma_wait3A_219 = arith.constant 0 : i32
      %dma_wait3A_220 = arith.constant 0 : i32
      %dma_wait3A_221 = tpu.memref_slice %arg10[%dma_wait3A_219, %dma_wait3A_220] : memref<104x128xf32, #tpu.memory_space<vmem>> -> memref<104x128xf32, #tpu.memory_space<vmem>>
      %dma_wait3A_222 = arith.constant 96 : i32
      %dma_wait3A_223 = tpu.memref_slice %arg2[%dma_wait3A_222, %mul3A_2] : memref<200x4096xf32, #tpu.memory_space<hbm>> -> memref<104x128xf32, #tpu.memory_space<hbm>>
      tpu.wait_dma2 semaphore(%run_scoped3A : memref<!tpu.dma_semaphore, #tpu.memory_space<semaphore_mem>>) src(%dma_wait3A_223 : memref<104x128xf32, #tpu.memory_space<hbm>>) dst(%dma_wait3A_221 : memref<104x128xf32, #tpu.memory_space<vmem>>)
      tpu.yield
    }) : () -> ()
    "tpu.region"() ({
      %run_scoped3A = tpu.sem_alloc : memref<!tpu.dma_semaphore, #tpu.memory_space<semaphore_mem>>
      %dma_start3A = arith.constant 0 : i32
      %dma_start3A_205 = arith.constant 0 : i32
      %dma_start3A_206 = tpu.memref_slice %arg11[%dma_start3A, %dma_start3A_205] : memref<104x128xi32, #tpu.memory_space<vmem>> -> memref<104x128xi32, #tpu.memory_space<vmem>>
      %dma_start3A_207 = arith.constant 96 : i32
      %dma_start3A_208 = tpu.memref_slice %arg3[%dma_start3A_207, %mul3A_2] : memref<200x4096xi32, #tpu.memory_space<hbm>> -> memref<104x128xi32, #tpu.memory_space<hbm>>
      %dma_start3A_209 = arith.constant 0 : i32
      %dma_start3A_210 = arith.constant 0 : i32
      %dma_start3A_211 = tpu.memref_slice %arg11[%dma_start3A_209, %dma_start3A_210] : memref<104x128xi32, #tpu.memory_space<vmem>> -> memref<104x128xi32, #tpu.memory_space<vmem>>
      %dma_start3A_212 = arith.constant 96 : i32
      %dma_start3A_213 = tpu.memref_slice %arg3[%dma_start3A_212, %mul3A_2] : memref<200x4096xi32, #tpu.memory_space<hbm>> -> memref<104x128xi32, #tpu.memory_space<hbm>>
      tpu.enqueue_dma source(%dma_start3A_213 : memref<104x128xi32, #tpu.memory_space<hbm>>) target(%dma_start3A_211 : memref<104x128xi32, #tpu.memory_space<vmem>>) target_semaphore(%run_scoped3A : memref<!tpu.dma_semaphore, #tpu.memory_space<semaphore_mem>>)
      %dma_wait3A_214 = arith.constant 0 : i32
      %dma_wait3A_215 = arith.constant 0 : i32
      %dma_wait3A_216 = tpu.memref_slice %arg11[%dma_wait3A_214, %dma_wait3A_215] : memref<104x128xi32, #tpu.memory_space<vmem>> -> memref<104x128xi32, #tpu.memory_space<vmem>>
      %dma_wait3A_217 = arith.constant 96 : i32
      %dma_wait3A_218 = tpu.memref_slice %arg3[%dma_wait3A_217, %mul3A_2] : memref<200x4096xi32, #tpu.memory_space<hbm>> -> memref<104x128xi32, #tpu.memory_space<hbm>>
      %dma_wait3A_219 = arith.constant 0 : i32
      %dma_wait3A_220 = arith.constant 0 : i32
      %dma_wait3A_221 = tpu.memref_slice %arg11[%dma_wait3A_219, %dma_wait3A_220] : memref<104x128xi32, #tpu.memory_space<vmem>> -> memref<104x128xi32, #tpu.memory_space<vmem>>
      %dma_wait3A_222 = arith.constant 96 : i32
      %dma_wait3A_223 = tpu.memref_slice %arg3[%dma_wait3A_222, %mul3A_2] : memref<200x4096xi32, #tpu.memory_space<hbm>> -> memref<104x128xi32, #tpu.memory_space<hbm>>
      tpu.wait_dma2 semaphore(%run_scoped3A : memref<!tpu.dma_semaphore, #tpu.memory_space<semaphore_mem>>) src(%dma_wait3A_223 : memref<104x128xi32, #tpu.memory_space<hbm>>) dst(%dma_wait3A_221 : memref<104x128xi32, #tpu.memory_space<vmem>>)
      tpu.yield
    }) : () -> ()
    "tpu.region"() ({
      %run_scoped3A = tpu.sem_alloc : memref<!tpu.dma_semaphore, #tpu.memory_space<semaphore_mem>>
      %dma_start3A = arith.constant 0 : i32
      %dma_start3A_205 = arith.constant 0 : i32
      %dma_start3A_206 = tpu.memref_slice %arg12[%dma_start3A, %dma_start3A_205] : memref<104x128xi32, #tpu.memory_space<vmem>> -> memref<104x128xi32, #tpu.memory_space<vmem>>
      %dma_start3A_207 = arith.constant 96 : i32
      %dma_start3A_208 = tpu.memref_slice %arg4[%dma_start3A_207, %mul3A_2] : memref<200x4096xi32, #tpu.memory_space<hbm>> -> memref<104x128xi32, #tpu.memory_space<hbm>>
      %dma_start3A_209 = arith.constant 0 : i32
      %dma_start3A_210 = arith.constant 0 : i32
      %dma_start3A_211 = tpu.memref_slice %arg12[%dma_start3A_209, %dma_start3A_210] : memref<104x128xi32, #tpu.memory_space<vmem>> -> memref<104x128xi32, #tpu.memory_space<vmem>>
      %dma_start3A_212 = arith.constant 96 : i32
      %dma_start3A_213 = tpu.memref_slice %arg4[%dma_start3A_212, %mul3A_2] : memref<200x4096xi32, #tpu.memory_space<hbm>> -> memref<104x128xi32, #tpu.memory_space<hbm>>
      tpu.enqueue_dma source(%dma_start3A_213 : memref<104x128xi32, #tpu.memory_space<hbm>>) target(%dma_start3A_211 : memref<104x128xi32, #tpu.memory_space<vmem>>) target_semaphore(%run_scoped3A : memref<!tpu.dma_semaphore, #tpu.memory_space<semaphore_mem>>)
      %dma_wait3A_214 = arith.constant 0 : i32
      %dma_wait3A_215 = arith.constant 0 : i32
      %dma_wait3A_216 = tpu.memref_slice %arg12[%dma_wait3A_214, %dma_wait3A_215] : memref<104x128xi32, #tpu.memory_space<vmem>> -> memref<104x128xi32, #tpu.memory_space<vmem>>
      %dma_wait3A_217 = arith.constant 96 : i32
      %dma_wait3A_218 = tpu.memref_slice %arg4[%dma_wait3A_217, %mul3A_2] : memref<200x4096xi32, #tpu.memory_space<hbm>> -> memref<104x128xi32, #tpu.memory_space<hbm>>
      %dma_wait3A_219 = arith.constant 0 : i32
      %dma_wait3A_220 = arith.constant 0 : i32
      %dma_wait3A_221 = tpu.memref_slice %arg12[%dma_wait3A_219, %dma_wait3A_220] : memref<104x128xi32, #tpu.memory_space<vmem>> -> memref<104x128xi32, #tpu.memory_space<vmem>>
      %dma_wait3A_222 = arith.constant 96 : i32
      %dma_wait3A_223 = tpu.memref_slice %arg4[%dma_wait3A_222, %mul3A_2] : memref<200x4096xi32, #tpu.memory_space<hbm>> -> memref<104x128xi32, #tpu.memory_space<hbm>>
      tpu.wait_dma2 semaphore(%run_scoped3A : memref<!tpu.dma_semaphore, #tpu.memory_space<semaphore_mem>>) src(%dma_wait3A_223 : memref<104x128xi32, #tpu.memory_space<hbm>>) dst(%dma_wait3A_221 : memref<104x128xi32, #tpu.memory_space<vmem>>)
      tpu.yield
    }) : () -> ()
    %scan3A_103 = arith.constant 0 : i32
    %scan3A_104 = arith.constant 0 : i32
    %scan3A_105 = arith.constant 16 : i32
    %scan3A_106 = arith.addi %scan3A_104, %scan3A_105 : i32
    %scan3A_107 = arith.constant 1 : i32
    scf.for %scan3A_205 = %scan3A_104 to %scan3A_106 step %scan3A_107  : i32 {
      %mul3A_206 = arith.constant 2 : i32
      %mul3A_207 = arith.muli %scan3A_205, %mul3A_206 : i32
      %add3A_208 = arith.constant 0 : i32
      %add3A_209 = arith.addi %mul3A_207, %add3A_208 : i32
      %mul3A_210 = arith.constant 2 : i32
      %mul3A_211 = arith.muli %add3A_209, %mul3A_210 : i32
      %add3A_212 = arith.constant 0 : i32
      %add3A_213 = arith.addi %add3A_212, %mul3A_211 : i32
      %ge3A = arith.constant 2 : i32
      %ge3A_214 = arith.cmpi sge, %add3A_209, %ge3A : i32
      %convert_element_type3A = arith.extui %ge3A_214 : i1 to i32
      %cond3A = arith.constant 0 : i32
      %cond3A_215 = arith.cmpi ne, %convert_element_type3A, %cond3A : i32
      scf.if %cond3A_215 {
        %sub3A = arith.constant 4 : i32
        %sub3A_294 = arith.subi %add3A_213, %sub3A : i32
        %dma_wait3A_295 = arith.constant 0 : i32
        %dma_wait3A_296 = arith.constant 0 : i32
        %dma_wait3A_297 = arith.constant 0 : i32
        %dma_wait3A_298 = tpu.memref_slice %arg13[%dma_wait3A_295, %dma_wait3A_296, %dma_wait3A_297] : memref<2x104x128xf32, #tpu.memory_space<vmem>> -> memref<2x104x128xf32, #tpu.memory_space<vmem>>
        %dma_wait3A_299 = arith.constant 96 : i32
        %dma_wait3A_300 = tpu.memref_slice %arg7[%sub3A_294, %dma_wait3A_299, %mul3A_2] : memref<192x200x4096xf32, #tpu.memory_space<hbm>> -> memref<2x104x128xf32, #tpu.memory_space<hbm>>
        %dma_wait3A_301 = arith.constant 96 : i32
        %dma_wait3A_302 = tpu.memref_slice %arg7[%sub3A_294, %dma_wait3A_301, %mul3A_2] : memref<192x200x4096xf32, #tpu.memory_space<hbm>> -> memref<2x104x128xf32, #tpu.memory_space<hbm>>
        %dma_wait3A_303 = arith.constant 0 : i32
        %dma_wait3A_304 = arith.constant 0 : i32
        %dma_wait3A_305 = arith.constant 0 : i32
        %dma_wait3A_306 = tpu.memref_slice %arg13[%dma_wait3A_303, %dma_wait3A_304, %dma_wait3A_305] : memref<2x104x128xf32, #tpu.memory_space<vmem>> -> memref<2x104x128xf32, #tpu.memory_space<vmem>>
        tpu.wait_dma2 semaphore(%arg15 : memref<!tpu.dma_semaphore, #tpu.memory_space<semaphore_mem>>) src(%dma_wait3A_306 : memref<2x104x128xf32, #tpu.memory_space<vmem>>) dst(%dma_wait3A_302 : memref<2x104x128xf32, #tpu.memory_space<hbm>>)
      } else {
      }
      %add3A_216 = arith.constant 0 : i32
      %add3A_217 = arith.addi %add3A_213, %add3A_216 : i32
      %broadcast_in_dim3A = vector.broadcast %add3A_217 : i32 to vector<16xi32>
      %gather3A = tpu.vector_load_idx %arg9[%broadcast_in_dim3A] : memref<128xf32, #tpu.memory_space<vmem>>[vector<16xi32>], vector<16xf32>,
      %add3A_218 = arith.constant 64 : i32
      %add3A_219 = vector.broadcast %add3A_218 : i32 to vector<16xi32>
      %add3A_220 = arith.addi %broadcast_in_dim3A, %add3A_219 : vector<16xi32>
      %gather3A_221 = tpu.vector_load_idx %arg9[%add3A_220] : memref<128xf32, #tpu.memory_space<vmem>>[vector<16xi32>], vector<16xf32>,
      %add3A_222 = arith.constant 1 : i32
      %add3A_223 = arith.addi %add3A_213, %add3A_222 : i32
      %broadcast_in_dim3A_224 = vector.broadcast %add3A_223 : i32 to vector<16xi32>
      %gather3A_225 = tpu.vector_load_idx %arg9[%broadcast_in_dim3A_224] : memref<128xf32, #tpu.memory_space<vmem>>[vector<16xi32>], vector<16xf32>,
      %add3A_226 = arith.constant 64 : i32
      %add3A_227 = vector.broadcast %add3A_226 : i32 to vector<16xi32>
      %add3A_228 = arith.addi %broadcast_in_dim3A_224, %add3A_227 : vector<16xi32>
      %gather3A_229 = tpu.vector_load_idx %arg9[%add3A_228] : memref<128xf32, #tpu.memory_space<vmem>>[vector<16xi32>], vector<16xf32>,
      %scan3A_230 = arith.constant 0 : i32
      %scan3A_231 = arith.constant 0 : i32
      %scan3A_232 = arith.constant 104 : i32
      %scan3A_233 = arith.addi %scan3A_231, %scan3A_232 : i32
      %scan3A_234 = arith.constant 1 : i32
      scf.for %scan3A_294 = %scan3A_231 to %scan3A_233 step %scan3A_234  : i32 {
        %get3A = arith.index_cast %scan3A_294 : i32 to index
        %get3A_295 = arith.constant 0 : index
        %get3A_296 = tpu.vector_load %arg10[%get3A, %get3A_295] {strides = array<i32>} : memref<104x128xf32, #tpu.memory_space<vmem>>, vector<16xf32>,
        %get3A_297 = arith.index_cast %scan3A_294 : i32 to index
        %get3A_298 = arith.constant 16 : index
        %get3A_299 = tpu.vector_load %arg10[%get3A_297, %get3A_298] {strides = array<i32>} : memref<104x128xf32, #tpu.memory_space<vmem>>, vector<16xf32>,
        %get3A_300 = arith.index_cast %scan3A_294 : i32 to index
        %get3A_301 = arith.constant 32 : index
        %get3A_302 = tpu.vector_load %arg10[%get3A_300, %get3A_301] {strides = array<i32>} : memref<104x128xf32, #tpu.memory_space<vmem>>, vector<16xf32>,
        %get3A_303 = arith.index_cast %scan3A_294 : i32 to index
        %get3A_304 = arith.constant 48 : index
        %get3A_305 = tpu.vector_load %arg10[%get3A_303, %get3A_304] {strides = array<i32>} : memref<104x128xf32, #tpu.memory_space<vmem>>, vector<16xf32>,
        %get3A_306 = arith.index_cast %scan3A_294 : i32 to index
        %get3A_307 = arith.constant 64 : index
        %get3A_308 = tpu.vector_load %arg10[%get3A_306, %get3A_307] {strides = array<i32>} : memref<104x128xf32, #tpu.memory_space<vmem>>, vector<16xf32>,
        %get3A_309 = arith.index_cast %scan3A_294 : i32 to index
        %get3A_310 = arith.constant 80 : index
        %get3A_311 = tpu.vector_load %arg10[%get3A_309, %get3A_310] {strides = array<i32>} : memref<104x128xf32, #tpu.memory_space<vmem>>, vector<16xf32>,
        %get3A_312 = arith.index_cast %scan3A_294 : i32 to index
        %get3A_313 = arith.constant 96 : index
        %get3A_314 = tpu.vector_load %arg10[%get3A_312, %get3A_313] {strides = array<i32>} : memref<104x128xf32, #tpu.memory_space<vmem>>, vector<16xf32>,
        %get3A_315 = arith.index_cast %scan3A_294 : i32 to index
        %get3A_316 = arith.constant 112 : index
        %get3A_317 = tpu.vector_load %arg10[%get3A_315, %get3A_316] {strides = array<i32>} : memref<104x128xf32, #tpu.memory_space<vmem>>, vector<16xf32>,
        %mul3A_318 = arith.mulf %get3A_296, %gather3A : vector<16xf32>
        %add3A_319 = arith.addf %mul3A_318, %gather3A_221 : vector<16xf32>
        %swap3A = arith.constant 0 : i32
        %swap3A_320 = arith.index_cast %swap3A : i32 to index
        %swap3A_321 = arith.index_cast %scan3A_294 : i32 to index
        %swap3A_322 = arith.constant 0 : index
        %swap3A_323 = tpu.vector_load %arg13[%swap3A_320, %swap3A_321, %swap3A_322] {strides = array<i32>} : memref<2x104x128xf32, #tpu.memory_space<vmem>>, vector<16xf32>,
        tpu.vector_store %arg13[%swap3A_320, %swap3A_321, %swap3A_322], %add3A_319 {strides = array<i32>} : memref<2x104x128xf32, #tpu.memory_space<vmem>>, vector<16xf32>,
        %mul3A_324 = arith.mulf %get3A_299, %gather3A : vector<16xf32>
        %add3A_325 = arith.addf %mul3A_324, %gather3A_221 : vector<16xf32>
        %swap3A_326 = arith.constant 0 : i32
        %swap3A_327 = arith.index_cast %swap3A_326 : i32 to index
        %swap3A_328 = arith.index_cast %scan3A_294 : i32 to index
        %swap3A_329 = arith.constant 16 : index
        %swap3A_330 = tpu.vector_load %arg13[%swap3A_327, %swap3A_328, %swap3A_329] {strides = array<i32>} : memref<2x104x128xf32, #tpu.memory_space<vmem>>, vector<16xf32>,
        tpu.vector_store %arg13[%swap3A_327, %swap3A_328, %swap3A_329], %add3A_325 {strides = array<i32>} : memref<2x104x128xf32, #tpu.memory_space<vmem>>, vector<16xf32>,
        %mul3A_331 = arith.mulf %get3A_302, %gather3A : vector<16xf32>
        %add3A_332 = arith.addf %mul3A_331, %gather3A_221 : vector<16xf32>
        %swap3A_333 = arith.constant 0 : i32
        %swap3A_334 = arith.index_cast %swap3A_333 : i32 to index
        %swap3A_335 = arith.index_cast %scan3A_294 : i32 to index
        %swap3A_336 = arith.constant 32 : index
        %swap3A_337 = tpu.vector_load %arg13[%swap3A_334, %swap3A_335, %swap3A_336] {strides = array<i32>} : memref<2x104x128xf32, #tpu.memory_space<vmem>>, vector<16xf32>,
        tpu.vector_store %arg13[%swap3A_334, %swap3A_335, %swap3A_336], %add3A_332 {strides = array<i32>} : memref<2x104x128xf32, #tpu.memory_space<vmem>>, vector<16xf32>,
        %mul3A_338 = arith.mulf %get3A_305, %gather3A : vector<16xf32>
        %add3A_339 = arith.addf %mul3A_338, %gather3A_221 : vector<16xf32>
        %swap3A_340 = arith.constant 0 : i32
        %swap3A_341 = arith.index_cast %swap3A_340 : i32 to index
        %swap3A_342 = arith.index_cast %scan3A_294 : i32 to index
        %swap3A_343 = arith.constant 48 : index
        %swap3A_344 = tpu.vector_load %arg13[%swap3A_341, %swap3A_342, %swap3A_343] {strides = array<i32>} : memref<2x104x128xf32, #tpu.memory_space<vmem>>, vector<16xf32>,
        tpu.vector_store %arg13[%swap3A_341, %swap3A_342, %swap3A_343], %add3A_339 {strides = array<i32>} : memref<2x104x128xf32, #tpu.memory_space<vmem>>, vector<16xf32>,
        %mul3A_345 = arith.mulf %get3A_308, %gather3A : vector<16xf32>
        %add3A_346 = arith.addf %mul3A_345, %gather3A_221 : vector<16xf32>
        %swap3A_347 = arith.constant 0 : i32
        %swap3A_348 = arith.index_cast %swap3A_347 : i32 to index
        %swap3A_349 = arith.index_cast %scan3A_294 : i32 to index
        %swap3A_350 = arith.constant 64 : index
        %swap3A_351 = tpu.vector_load %arg13[%swap3A_348, %swap3A_349, %swap3A_350] {strides = array<i32>} : memref<2x104x128xf32, #tpu.memory_space<vmem>>, vector<16xf32>,
        tpu.vector_store %arg13[%swap3A_348, %swap3A_349, %swap3A_350], %add3A_346 {strides = array<i32>} : memref<2x104x128xf32, #tpu.memory_space<vmem>>, vector<16xf32>,
        %mul3A_352 = arith.mulf %get3A_311, %gather3A : vector<16xf32>
        %add3A_353 = arith.addf %mul3A_352, %gather3A_221 : vector<16xf32>
        %swap3A_354 = arith.constant 0 : i32
        %swap3A_355 = arith.index_cast %swap3A_354 : i32 to index
        %swap3A_356 = arith.index_cast %scan3A_294 : i32 to index
        %swap3A_357 = arith.constant 80 : index
        %swap3A_358 = tpu.vector_load %arg13[%swap3A_355, %swap3A_356, %swap3A_357] {strides = array<i32>} : memref<2x104x128xf32, #tpu.memory_space<vmem>>, vector<16xf32>,
        tpu.vector_store %arg13[%swap3A_355, %swap3A_356, %swap3A_357], %add3A_353 {strides = array<i32>} : memref<2x104x128xf32, #tpu.memory_space<vmem>>, vector<16xf32>,
        %mul3A_359 = arith.mulf %get3A_314, %gather3A : vector<16xf32>
        %add3A_360 = arith.addf %mul3A_359, %gather3A_221 : vector<16xf32>
        %swap3A_361 = arith.constant 0 : i32
        %swap3A_362 = arith.index_cast %swap3A_361 : i32 to index
        %swap3A_363 = arith.index_cast %scan3A_294 : i32 to index
        %swap3A_364 = arith.constant 96 : index
        %swap3A_365 = tpu.vector_load %arg13[%swap3A_362, %swap3A_363, %swap3A_364] {strides = array<i32>} : memref<2x104x128xf32, #tpu.memory_space<vmem>>, vector<16xf32>,
        tpu.vector_store %arg13[%swap3A_362, %swap3A_363, %swap3A_364], %add3A_360 {strides = array<i32>} : memref<2x104x128xf32, #tpu.memory_space<vmem>>, vector<16xf32>,
        %mul3A_366 = arith.mulf %get3A_317, %gather3A : vector<16xf32>
        %add3A_367 = arith.addf %mul3A_366, %gather3A_221 : vector<16xf32>
        %swap3A_368 = arith.constant 0 : i32
        %swap3A_369 = arith.index_cast %swap3A_368 : i32 to index
        %swap3A_370 = arith.index_cast %scan3A_294 : i32 to index
        %swap3A_371 = arith.constant 112 : index
        %swap3A_372 = tpu.vector_load %arg13[%swap3A_369, %swap3A_370, %swap3A_371] {strides = array<i32>} : memref<2x104x128xf32, #tpu.memory_space<vmem>>, vector<16xf32>,
        tpu.vector_store %arg13[%swap3A_369, %swap3A_370, %swap3A_371], %add3A_367 {strides = array<i32>} : memref<2x104x128xf32, #tpu.memory_space<vmem>>, vector<16xf32>,
        %mul3A_373 = arith.mulf %get3A_296, %gather3A_225 : vector<16xf32>
        %add3A_374 = arith.addf %mul3A_373, %gather3A_229 : vector<16xf32>
        %swap3A_375 = arith.constant 1 : i32
        %swap3A_376 = arith.index_cast %swap3A_375 : i32 to index
        %swap3A_377 = arith.index_cast %scan3A_294 : i32 to index
        %swap3A_378 = arith.constant 0 : index
        %swap3A_379 = tpu.vector_load %arg13[%swap3A_376, %swap3A_377, %swap3A_378] {strides = array<i32>} : memref<2x104x128xf32, #tpu.memory_space<vmem>>, vector<16xf32>,
        tpu.vector_store %arg13[%swap3A_376, %swap3A_377, %swap3A_378], %add3A_374 {strides = array<i32>} : memref<2x104x128xf32, #tpu.memory_space<vmem>>, vector<16xf32>,
        %mul3A_380 = arith.mulf %get3A_299, %gather3A_225 : vector<16xf32>
        %add3A_381 = arith.addf %mul3A_380, %gather3A_229 : vector<16xf32>
        %swap3A_382 = arith.constant 1 : i32
        %swap3A_383 = arith.index_cast %swap3A_382 : i32 to index
        %swap3A_384 = arith.index_cast %scan3A_294 : i32 to index
        %swap3A_385 = arith.constant 16 : index
        %swap3A_386 = tpu.vector_load %arg13[%swap3A_383, %swap3A_384, %swap3A_385] {strides = array<i32>} : memref<2x104x128xf32, #tpu.memory_space<vmem>>, vector<16xf32>,
        tpu.vector_store %arg13[%swap3A_383, %swap3A_384, %swap3A_385], %add3A_381 {strides = array<i32>} : memref<2x104x128xf32, #tpu.memory_space<vmem>>, vector<16xf32>,
        %mul3A_387 = arith.mulf %get3A_302, %gather3A_225 : vector<16xf32>
        %add3A_388 = arith.addf %mul3A_387, %gather3A_229 : vector<16xf32>
        %swap3A_389 = arith.constant 1 : i32
        %swap3A_390 = arith.index_cast %swap3A_389 : i32 to index
        %swap3A_391 = arith.index_cast %scan3A_294 : i32 to index
        %swap3A_392 = arith.constant 32 : index
        %swap3A_393 = tpu.vector_load %arg13[%swap3A_390, %swap3A_391, %swap3A_392] {strides = array<i32>} : memref<2x104x128xf32, #tpu.memory_space<vmem>>, vector<16xf32>,
        tpu.vector_store %arg13[%swap3A_390, %swap3A_391, %swap3A_392], %add3A_388 {strides = array<i32>} : memref<2x104x128xf32, #tpu.memory_space<vmem>>, vector<16xf32>,
        %mul3A_394 = arith.mulf %get3A_305, %gather3A_225 : vector<16xf32>
        %add3A_395 = arith.addf %mul3A_394, %gather3A_229 : vector<16xf32>
        %swap3A_396 = arith.constant 1 : i32
        %swap3A_397 = arith.index_cast %swap3A_396 : i32 to index
        %swap3A_398 = arith.index_cast %scan3A_294 : i32 to index
        %swap3A_399 = arith.constant 48 : index
        %swap3A_400 = tpu.vector_load %arg13[%swap3A_397, %swap3A_398, %swap3A_399] {strides = array<i32>} : memref<2x104x128xf32, #tpu.memory_space<vmem>>, vector<16xf32>,
        tpu.vector_store %arg13[%swap3A_397, %swap3A_398, %swap3A_399], %add3A_395 {strides = array<i32>} : memref<2x104x128xf32, #tpu.memory_space<vmem>>, vector<16xf32>,
        %mul3A_401 = arith.mulf %get3A_308, %gather3A_225 : vector<16xf32>
        %add3A_402 = arith.addf %mul3A_401, %gather3A_229 : vector<16xf32>
        %swap3A_403 = arith.constant 1 : i32
        %swap3A_404 = arith.index_cast %swap3A_403 : i32 to index
        %swap3A_405 = arith.index_cast %scan3A_294 : i32 to index
        %swap3A_406 = arith.constant 64 : index
        %swap3A_407 = tpu.vector_load %arg13[%swap3A_404, %swap3A_405, %swap3A_406] {strides = array<i32>} : memref<2x104x128xf32, #tpu.memory_space<vmem>>, vector<16xf32>,
        tpu.vector_store %arg13[%swap3A_404, %swap3A_405, %swap3A_406], %add3A_402 {strides = array<i32>} : memref<2x104x128xf32, #tpu.memory_space<vmem>>, vector<16xf32>,
        %mul3A_408 = arith.mulf %get3A_311, %gather3A_225 : vector<16xf32>
        %add3A_409 = arith.addf %mul3A_408, %gather3A_229 : vector<16xf32>
        %swap3A_410 = arith.constant 1 : i32
        %swap3A_411 = arith.index_cast %swap3A_410 : i32 to index
        %swap3A_412 = arith.index_cast %scan3A_294 : i32 to index
        %swap3A_413 = arith.constant 80 : index
        %swap3A_414 = tpu.vector_load %arg13[%swap3A_411, %swap3A_412, %swap3A_413] {strides = array<i32>} : memref<2x104x128xf32, #tpu.memory_space<vmem>>, vector<16xf32>,
        tpu.vector_store %arg13[%swap3A_411, %swap3A_412, %swap3A_413], %add3A_409 {strides = array<i32>} : memref<2x104x128xf32, #tpu.memory_space<vmem>>, vector<16xf32>,
        %mul3A_415 = arith.mulf %get3A_314, %gather3A_225 : vector<16xf32>
        %add3A_416 = arith.addf %mul3A_415, %gather3A_229 : vector<16xf32>
        %swap3A_417 = arith.constant 1 : i32
        %swap3A_418 = arith.index_cast %swap3A_417 : i32 to index
        %swap3A_419 = arith.index_cast %scan3A_294 : i32 to index
        %swap3A_420 = arith.constant 96 : index
        %swap3A_421 = tpu.vector_load %arg13[%swap3A_418, %swap3A_419, %swap3A_420] {strides = array<i32>} : memref<2x104x128xf32, #tpu.memory_space<vmem>>, vector<16xf32>,
        tpu.vector_store %arg13[%swap3A_418, %swap3A_419, %swap3A_420], %add3A_416 {strides = array<i32>} : memref<2x104x128xf32, #tpu.memory_space<vmem>>, vector<16xf32>,
        %mul3A_422 = arith.mulf %get3A_317, %gather3A_225 : vector<16xf32>
        %add3A_423 = arith.addf %mul3A_422, %gather3A_229 : vector<16xf32>
        %swap3A_424 = arith.constant 1 : i32
        %swap3A_425 = arith.index_cast %swap3A_424 : i32 to index
        %swap3A_426 = arith.index_cast %scan3A_294 : i32 to index
        %swap3A_427 = arith.constant 112 : index
        %swap3A_428 = tpu.vector_load %arg13[%swap3A_425, %swap3A_426, %swap3A_427] {strides = array<i32>} : memref<2x104x128xf32, #tpu.memory_space<vmem>>, vector<16xf32>,
        tpu.vector_store %arg13[%swap3A_425, %swap3A_426, %swap3A_427], %add3A_423 {strides = array<i32>} : memref<2x104x128xf32, #tpu.memory_space<vmem>>, vector<16xf32>,
      }
      %scan3A_235 = arith.constant 104 : i32
      %dma_start3A = arith.constant 0 : i32
      %dma_start3A_236 = arith.constant 0 : i32
      %dma_start3A_237 = arith.constant 0 : i32
      %dma_start3A_238 = tpu.memref_slice %arg13[%dma_start3A, %dma_start3A_236, %dma_start3A_237] : memref<2x104x128xf32, #tpu.memory_space<vmem>> -> memref<2x104x128xf32, #tpu.memory_space<vmem>>
      %dma_start3A_239 = arith.constant 96 : i32
      %dma_start3A_240 = tpu.memref_slice %arg7[%add3A_213, %dma_start3A_239, %mul3A_2] : memref<192x200x4096xf32, #tpu.memory_space<hbm>> -> memref<2x104x128xf32, #tpu.memory_space<hbm>>
      %dma_start3A_241 = arith.constant 96 : i32
      %dma_start3A_242 = tpu.memref_slice %arg7[%add3A_213, %dma_start3A_241, %mul3A_2] : memref<192x200x4096xf32, #tpu.memory_space<hbm>> -> memref<2x104x128xf32, #tpu.memory_space<hbm>>
      %dma_start3A_243 = arith.constant 0 : i32
      %dma_start3A_244 = arith.constant 0 : i32
      %dma_start3A_245 = arith.constant 0 : i32
      %dma_start3A_246 = tpu.memref_slice %arg13[%dma_start3A_243, %dma_start3A_244, %dma_start3A_245] : memref<2x104x128xf32, #tpu.memory_space<vmem>> -> memref<2x104x128xf32, #tpu.memory_space<vmem>>
      tpu.enqueue_dma source(%dma_start3A_246 : memref<2x104x128xf32, #tpu.memory_space<vmem>>) target(%dma_start3A_242 : memref<2x104x128xf32, #tpu.memory_space<hbm>>) target_semaphore(%arg15 : memref<!tpu.dma_semaphore, #tpu.memory_space<semaphore_mem>>)
      %mul3A_247 = arith.constant 2 : i32
      %mul3A_248 = arith.muli %scan3A_205, %mul3A_247 : i32
      %add3A_249 = arith.constant 1 : i32
      %add3A_250 = arith.addi %mul3A_248, %add3A_249 : i32
      %mul3A_251 = arith.constant 2 : i32
      %mul3A_252 = arith.muli %add3A_250, %mul3A_251 : i32
      %add3A_253 = arith.constant 0 : i32
      %add3A_254 = arith.addi %add3A_253, %mul3A_252 : i32
      %ge3A_255 = arith.constant 2 : i32
      %ge3A_256 = arith.cmpi sge, %add3A_250, %ge3A_255 : i32
      %convert_element_type3A_257 = arith.extui %ge3A_256 : i1 to i32
      %cond3A_258 = arith.constant 0 : i32
      %cond3A_259 = arith.cmpi ne, %convert_element_type3A_257, %cond3A_258 : i32
      scf.if %cond3A_259 {
        %sub3A = arith.constant 4 : i32
        %sub3A_294 = arith.subi %add3A_254, %sub3A : i32
        %dma_wait3A_295 = arith.constant 0 : i32
        %dma_wait3A_296 = arith.constant 0 : i32
        %dma_wait3A_297 = arith.constant 0 : i32
        %dma_wait3A_298 = tpu.memref_slice %arg14[%dma_wait3A_295, %dma_wait3A_296, %dma_wait3A_297] : memref<2x104x128xf32, #tpu.memory_space<vmem>> -> memref<2x104x128xf32, #tpu.memory_space<vmem>>
        %dma_wait3A_299 = arith.constant 96 : i32
        %dma_wait3A_300 = tpu.memref_slice %arg7[%sub3A_294, %dma_wait3A_299, %mul3A_2] : memref<192x200x4096xf32, #tpu.memory_space<hbm>> -> memref<2x104x128xf32, #tpu.memory_space<hbm>>
        %dma_wait3A_301 = arith.constant 96 : i32
        %dma_wait3A_302 = tpu.memref_slice %arg7[%sub3A_294, %dma_wait3A_301, %mul3A_2] : memref<192x200x4096xf32, #tpu.memory_space<hbm>> -> memref<2x104x128xf32, #tpu.memory_space<hbm>>
        %dma_wait3A_303 = arith.constant 0 : i32
        %dma_wait3A_304 = arith.constant 0 : i32
        %dma_wait3A_305 = arith.constant 0 : i32
        %dma_wait3A_306 = tpu.memref_slice %arg14[%dma_wait3A_303, %dma_wait3A_304, %dma_wait3A_305] : memref<2x104x128xf32, #tpu.memory_space<vmem>> -> memref<2x104x128xf32, #tpu.memory_space<vmem>>
        tpu.wait_dma2 semaphore(%arg16 : memref<!tpu.dma_semaphore, #tpu.memory_space<semaphore_mem>>) src(%dma_wait3A_306 : memref<2x104x128xf32, #tpu.memory_space<vmem>>) dst(%dma_wait3A_302 : memref<2x104x128xf32, #tpu.memory_space<hbm>>)
      } else {
      }
      %add3A_260 = arith.constant 0 : i32
      %add3A_261 = arith.addi %add3A_254, %add3A_260 : i32
      %broadcast_in_dim3A_262 = vector.broadcast %add3A_261 : i32 to vector<16xi32>
      %gather3A_263 = tpu.vector_load_idx %arg9[%broadcast_in_dim3A_262] : memref<128xf32, #tpu.memory_space<vmem>>[vector<16xi32>], vector<16xf32>,
      %add3A_264 = arith.constant 64 : i32
      %add3A_265 = vector.broadcast %add3A_264 : i32 to vector<16xi32>
      %add3A_266 = arith.addi %broadcast_in_dim3A_262, %add3A_265 : vector<16xi32>
      %gather3A_267 = tpu.vector_load_idx %arg9[%add3A_266] : memref<128xf32, #tpu.memory_space<vmem>>[vector<16xi32>], vector<16xf32>,
      %add3A_268 = arith.constant 1 : i32
      %add3A_269 = arith.addi %add3A_254, %add3A_268 : i32
      %broadcast_in_dim3A_270 = vector.broadcast %add3A_269 : i32 to vector<16xi32>
      %gather3A_271 = tpu.vector_load_idx %arg9[%broadcast_in_dim3A_270] : memref<128xf32, #tpu.memory_space<vmem>>[vector<16xi32>], vector<16xf32>,
      %add3A_272 = arith.constant 64 : i32
      %add3A_273 = vector.broadcast %add3A_272 : i32 to vector<16xi32>
      %add3A_274 = arith.addi %broadcast_in_dim3A_270, %add3A_273 : vector<16xi32>
      %gather3A_275 = tpu.vector_load_idx %arg9[%add3A_274] : memref<128xf32, #tpu.memory_space<vmem>>[vector<16xi32>], vector<16xf32>,
      %scan3A_276 = arith.constant 0 : i32
      %scan3A_277 = arith.constant 0 : i32
      %scan3A_278 = arith.constant 104 : i32
      %scan3A_279 = arith.addi %scan3A_277, %scan3A_278 : i32
      %scan3A_280 = arith.constant 1 : i32
      scf.for %scan3A_294 = %scan3A_277 to %scan3A_279 step %scan3A_280  : i32 {
        %get3A = arith.index_cast %scan3A_294 : i32 to index
        %get3A_295 = arith.constant 0 : index
        %get3A_296 = tpu.vector_load %arg10[%get3A, %get3A_295] {strides = array<i32>} : memref<104x128xf32, #tpu.memory_space<vmem>>, vector<16xf32>,
        %get3A_297 = arith.index_cast %scan3A_294 : i32 to index
        %get3A_298 = arith.constant 16 : index
        %get3A_299 = tpu.vector_load %arg10[%get3A_297, %get3A_298] {strides = array<i32>} : memref<104x128xf32, #tpu.memory_space<vmem>>, vector<16xf32>,
        %get3A_300 = arith.index_cast %scan3A_294 : i32 to index
        %get3A_301 = arith.constant 32 : index
        %get3A_302 = tpu.vector_load %arg10[%get3A_300, %get3A_301] {strides = array<i32>} : memref<104x128xf32, #tpu.memory_space<vmem>>, vector<16xf32>,
        %get3A_303 = arith.index_cast %scan3A_294 : i32 to index
        %get3A_304 = arith.constant 48 : index
        %get3A_305 = tpu.vector_load %arg10[%get3A_303, %get3A_304] {strides = array<i32>} : memref<104x128xf32, #tpu.memory_space<vmem>>, vector<16xf32>,
        %get3A_306 = arith.index_cast %scan3A_294 : i32 to index
        %get3A_307 = arith.constant 64 : index
        %get3A_308 = tpu.vector_load %arg10[%get3A_306, %get3A_307] {strides = array<i32>} : memref<104x128xf32, #tpu.memory_space<vmem>>, vector<16xf32>,
        %get3A_309 = arith.index_cast %scan3A_294 : i32 to index
        %get3A_310 = arith.constant 80 : index
        %get3A_311 = tpu.vector_load %arg10[%get3A_309, %get3A_310] {strides = array<i32>} : memref<104x128xf32, #tpu.memory_space<vmem>>, vector<16xf32>,
        %get3A_312 = arith.index_cast %scan3A_294 : i32 to index
        %get3A_313 = arith.constant 96 : index
        %get3A_314 = tpu.vector_load %arg10[%get3A_312, %get3A_313] {strides = array<i32>} : memref<104x128xf32, #tpu.memory_space<vmem>>, vector<16xf32>,
        %get3A_315 = arith.index_cast %scan3A_294 : i32 to index
        %get3A_316 = arith.constant 112 : index
        %get3A_317 = tpu.vector_load %arg10[%get3A_315, %get3A_316] {strides = array<i32>} : memref<104x128xf32, #tpu.memory_space<vmem>>, vector<16xf32>,
        %mul3A_318 = arith.mulf %get3A_296, %gather3A_263 : vector<16xf32>
        %add3A_319 = arith.addf %mul3A_318, %gather3A_267 : vector<16xf32>
        %swap3A = arith.constant 0 : i32
        %swap3A_320 = arith.index_cast %swap3A : i32 to index
        %swap3A_321 = arith.index_cast %scan3A_294 : i32 to index
        %swap3A_322 = arith.constant 0 : index
        %swap3A_323 = tpu.vector_load %arg14[%swap3A_320, %swap3A_321, %swap3A_322] {strides = array<i32>} : memref<2x104x128xf32, #tpu.memory_space<vmem>>, vector<16xf32>,
        tpu.vector_store %arg14[%swap3A_320, %swap3A_321, %swap3A_322], %add3A_319 {strides = array<i32>} : memref<2x104x128xf32, #tpu.memory_space<vmem>>, vector<16xf32>,
        %mul3A_324 = arith.mulf %get3A_299, %gather3A_263 : vector<16xf32>
        %add3A_325 = arith.addf %mul3A_324, %gather3A_267 : vector<16xf32>
        %swap3A_326 = arith.constant 0 : i32
        %swap3A_327 = arith.index_cast %swap3A_326 : i32 to index
        %swap3A_328 = arith.index_cast %scan3A_294 : i32 to index
        %swap3A_329 = arith.constant 16 : index
        %swap3A_330 = tpu.vector_load %arg14[%swap3A_327, %swap3A_328, %swap3A_329] {strides = array<i32>} : memref<2x104x128xf32, #tpu.memory_space<vmem>>, vector<16xf32>,
        tpu.vector_store %arg14[%swap3A_327, %swap3A_328, %swap3A_329], %add3A_325 {strides = array<i32>} : memref<2x104x128xf32, #tpu.memory_space<vmem>>, vector<16xf32>,
        %mul3A_331 = arith.mulf %get3A_302, %gather3A_263 : vector<16xf32>
        %add3A_332 = arith.addf %mul3A_331, %gather3A_267 : vector<16xf32>
        %swap3A_333 = arith.constant 0 : i32
        %swap3A_334 = arith.index_cast %swap3A_333 : i32 to index
        %swap3A_335 = arith.index_cast %scan3A_294 : i32 to index
        %swap3A_336 = arith.constant 32 : index
        %swap3A_337 = tpu.vector_load %arg14[%swap3A_334, %swap3A_335, %swap3A_336] {strides = array<i32>} : memref<2x104x128xf32, #tpu.memory_space<vmem>>, vector<16xf32>,
        tpu.vector_store %arg14[%swap3A_334, %swap3A_335, %swap3A_336], %add3A_332 {strides = array<i32>} : memref<2x104x128xf32, #tpu.memory_space<vmem>>, vector<16xf32>,
        %mul3A_338 = arith.mulf %get3A_305, %gather3A_263 : vector<16xf32>
        %add3A_339 = arith.addf %mul3A_338, %gather3A_267 : vector<16xf32>
        %swap3A_340 = arith.constant 0 : i32
        %swap3A_341 = arith.index_cast %swap3A_340 : i32 to index
        %swap3A_342 = arith.index_cast %scan3A_294 : i32 to index
        %swap3A_343 = arith.constant 48 : index
        %swap3A_344 = tpu.vector_load %arg14[%swap3A_341, %swap3A_342, %swap3A_343] {strides = array<i32>} : memref<2x104x128xf32, #tpu.memory_space<vmem>>, vector<16xf32>,
        tpu.vector_store %arg14[%swap3A_341, %swap3A_342, %swap3A_343], %add3A_339 {strides = array<i32>} : memref<2x104x128xf32, #tpu.memory_space<vmem>>, vector<16xf32>,
        %mul3A_345 = arith.mulf %get3A_308, %gather3A_263 : vector<16xf32>
        %add3A_346 = arith.addf %mul3A_345, %gather3A_267 : vector<16xf32>
        %swap3A_347 = arith.constant 0 : i32
        %swap3A_348 = arith.index_cast %swap3A_347 : i32 to index
        %swap3A_349 = arith.index_cast %scan3A_294 : i32 to index
        %swap3A_350 = arith.constant 64 : index
        %swap3A_351 = tpu.vector_load %arg14[%swap3A_348, %swap3A_349, %swap3A_350] {strides = array<i32>} : memref<2x104x128xf32, #tpu.memory_space<vmem>>, vector<16xf32>,
        tpu.vector_store %arg14[%swap3A_348, %swap3A_349, %swap3A_350], %add3A_346 {strides = array<i32>} : memref<2x104x128xf32, #tpu.memory_space<vmem>>, vector<16xf32>,
        %mul3A_352 = arith.mulf %get3A_311, %gather3A_263 : vector<16xf32>
        %add3A_353 = arith.addf %mul3A_352, %gather3A_267 : vector<16xf32>
        %swap3A_354 = arith.constant 0 : i32
        %swap3A_355 = arith.index_cast %swap3A_354 : i32 to index
        %swap3A_356 = arith.index_cast %scan3A_294 : i32 to index
        %swap3A_357 = arith.constant 80 : index
        %swap3A_358 = tpu.vector_load %arg14[%swap3A_355, %swap3A_356, %swap3A_357] {strides = array<i32>} : memref<2x104x128xf32, #tpu.memory_space<vmem>>, vector<16xf32>,
        tpu.vector_store %arg14[%swap3A_355, %swap3A_356, %swap3A_357], %add3A_353 {strides = array<i32>} : memref<2x104x128xf32, #tpu.memory_space<vmem>>, vector<16xf32>,
        %mul3A_359 = arith.mulf %get3A_314, %gather3A_263 : vector<16xf32>
        %add3A_360 = arith.addf %mul3A_359, %gather3A_267 : vector<16xf32>
        %swap3A_361 = arith.constant 0 : i32
        %swap3A_362 = arith.index_cast %swap3A_361 : i32 to index
        %swap3A_363 = arith.index_cast %scan3A_294 : i32 to index
        %swap3A_364 = arith.constant 96 : index
        %swap3A_365 = tpu.vector_load %arg14[%swap3A_362, %swap3A_363, %swap3A_364] {strides = array<i32>} : memref<2x104x128xf32, #tpu.memory_space<vmem>>, vector<16xf32>,
        tpu.vector_store %arg14[%swap3A_362, %swap3A_363, %swap3A_364], %add3A_360 {strides = array<i32>} : memref<2x104x128xf32, #tpu.memory_space<vmem>>, vector<16xf32>,
        %mul3A_366 = arith.mulf %get3A_317, %gather3A_263 : vector<16xf32>
        %add3A_367 = arith.addf %mul3A_366, %gather3A_267 : vector<16xf32>
        %swap3A_368 = arith.constant 0 : i32
        %swap3A_369 = arith.index_cast %swap3A_368 : i32 to index
        %swap3A_370 = arith.index_cast %scan3A_294 : i32 to index
        %swap3A_371 = arith.constant 112 : index
        %swap3A_372 = tpu.vector_load %arg14[%swap3A_369, %swap3A_370, %swap3A_371] {strides = array<i32>} : memref<2x104x128xf32, #tpu.memory_space<vmem>>, vector<16xf32>,
        tpu.vector_store %arg14[%swap3A_369, %swap3A_370, %swap3A_371], %add3A_367 {strides = array<i32>} : memref<2x104x128xf32, #tpu.memory_space<vmem>>, vector<16xf32>,
        %mul3A_373 = arith.mulf %get3A_296, %gather3A_271 : vector<16xf32>
        %add3A_374 = arith.addf %mul3A_373, %gather3A_275 : vector<16xf32>
        %swap3A_375 = arith.constant 1 : i32
        %swap3A_376 = arith.index_cast %swap3A_375 : i32 to index
        %swap3A_377 = arith.index_cast %scan3A_294 : i32 to index
        %swap3A_378 = arith.constant 0 : index
        %swap3A_379 = tpu.vector_load %arg14[%swap3A_376, %swap3A_377, %swap3A_378] {strides = array<i32>} : memref<2x104x128xf32, #tpu.memory_space<vmem>>, vector<16xf32>,
        tpu.vector_store %arg14[%swap3A_376, %swap3A_377, %swap3A_378], %add3A_374 {strides = array<i32>} : memref<2x104x128xf32, #tpu.memory_space<vmem>>, vector<16xf32>,
        %mul3A_380 = arith.mulf %get3A_299, %gather3A_271 : vector<16xf32>
        %add3A_381 = arith.addf %mul3A_380, %gather3A_275 : vector<16xf32>
        %swap3A_382 = arith.constant 1 : i32
        %swap3A_383 = arith.index_cast %swap3A_382 : i32 to index
        %swap3A_384 = arith.index_cast %scan3A_294 : i32 to index
        %swap3A_385 = arith.constant 16 : index
        %swap3A_386 = tpu.vector_load %arg14[%swap3A_383, %swap3A_384, %swap3A_385] {strides = array<i32>} : memref<2x104x128xf32, #tpu.memory_space<vmem>>, vector<16xf32>,
        tpu.vector_store %arg14[%swap3A_383, %swap3A_384, %swap3A_385], %add3A_381 {strides = array<i32>} : memref<2x104x128xf32, #tpu.memory_space<vmem>>, vector<16xf32>,
        %mul3A_387 = arith.mulf %get3A_302, %gather3A_271 : vector<16xf32>
        %add3A_388 = arith.addf %mul3A_387, %gather3A_275 : vector<16xf32>
        %swap3A_389 = arith.constant 1 : i32
        %swap3A_390 = arith.index_cast %swap3A_389 : i32 to index
        %swap3A_391 = arith.index_cast %scan3A_294 : i32 to index
        %swap3A_392 = arith.constant 32 : index
        %swap3A_393 = tpu.vector_load %arg14[%swap3A_390, %swap3A_391, %swap3A_392] {strides = array<i32>} : memref<2x104x128xf32, #tpu.memory_space<vmem>>, vector<16xf32>,
        tpu.vector_store %arg14[%swap3A_390, %swap3A_391, %swap3A_392], %add3A_388 {strides = array<i32>} : memref<2x104x128xf32, #tpu.memory_space<vmem>>, vector<16xf32>,
        %mul3A_394 = arith.mulf %get3A_305, %gather3A_271 : vector<16xf32>
        %add3A_395 = arith.addf %mul3A_394, %gather3A_275 : vector<16xf32>
        %swap3A_396 = arith.constant 1 : i32
        %swap3A_397 = arith.index_cast %swap3A_396 : i32 to index
        %swap3A_398 = arith.index_cast %scan3A_294 : i32 to index
        %swap3A_399 = arith.constant 48 : index
        %swap3A_400 = tpu.vector_load %arg14[%swap3A_397, %swap3A_398, %swap3A_399] {strides = array<i32>} : memref<2x104x128xf32, #tpu.memory_space<vmem>>, vector<16xf32>,
        tpu.vector_store %arg14[%swap3A_397, %swap3A_398, %swap3A_399], %add3A_395 {strides = array<i32>} : memref<2x104x128xf32, #tpu.memory_space<vmem>>, vector<16xf32>,
        %mul3A_401 = arith.mulf %get3A_308, %gather3A_271 : vector<16xf32>
        %add3A_402 = arith.addf %mul3A_401, %gather3A_275 : vector<16xf32>
        %swap3A_403 = arith.constant 1 : i32
        %swap3A_404 = arith.index_cast %swap3A_403 : i32 to index
        %swap3A_405 = arith.index_cast %scan3A_294 : i32 to index
        %swap3A_406 = arith.constant 64 : index
        %swap3A_407 = tpu.vector_load %arg14[%swap3A_404, %swap3A_405, %swap3A_406] {strides = array<i32>} : memref<2x104x128xf32, #tpu.memory_space<vmem>>, vector<16xf32>,
        tpu.vector_store %arg14[%swap3A_404, %swap3A_405, %swap3A_406], %add3A_402 {strides = array<i32>} : memref<2x104x128xf32, #tpu.memory_space<vmem>>, vector<16xf32>,
        %mul3A_408 = arith.mulf %get3A_311, %gather3A_271 : vector<16xf32>
        %add3A_409 = arith.addf %mul3A_408, %gather3A_275 : vector<16xf32>
        %swap3A_410 = arith.constant 1 : i32
        %swap3A_411 = arith.index_cast %swap3A_410 : i32 to index
        %swap3A_412 = arith.index_cast %scan3A_294 : i32 to index
        %swap3A_413 = arith.constant 80 : index
        %swap3A_414 = tpu.vector_load %arg14[%swap3A_411, %swap3A_412, %swap3A_413] {strides = array<i32>} : memref<2x104x128xf32, #tpu.memory_space<vmem>>, vector<16xf32>,
        tpu.vector_store %arg14[%swap3A_411, %swap3A_412, %swap3A_413], %add3A_409 {strides = array<i32>} : memref<2x104x128xf32, #tpu.memory_space<vmem>>, vector<16xf32>,
        %mul3A_415 = arith.mulf %get3A_314, %gather3A_271 : vector<16xf32>
        %add3A_416 = arith.addf %mul3A_415, %gather3A_275 : vector<16xf32>
        %swap3A_417 = arith.constant 1 : i32
        %swap3A_418 = arith.index_cast %swap3A_417 : i32 to index
        %swap3A_419 = arith.index_cast %scan3A_294 : i32 to index
        %swap3A_420 = arith.constant 96 : index
        %swap3A_421 = tpu.vector_load %arg14[%swap3A_418, %swap3A_419, %swap3A_420] {strides = array<i32>} : memref<2x104x128xf32, #tpu.memory_space<vmem>>, vector<16xf32>,
        tpu.vector_store %arg14[%swap3A_418, %swap3A_419, %swap3A_420], %add3A_416 {strides = array<i32>} : memref<2x104x128xf32, #tpu.memory_space<vmem>>, vector<16xf32>,
        %mul3A_422 = arith.mulf %get3A_317, %gather3A_271 : vector<16xf32>
        %add3A_423 = arith.addf %mul3A_422, %gather3A_275 : vector<16xf32>
        %swap3A_424 = arith.constant 1 : i32
        %swap3A_425 = arith.index_cast %swap3A_424 : i32 to index
        %swap3A_426 = arith.index_cast %scan3A_294 : i32 to index
        %swap3A_427 = arith.constant 112 : index
        %swap3A_428 = tpu.vector_load %arg14[%swap3A_425, %swap3A_426, %swap3A_427] {strides = array<i32>} : memref<2x104x128xf32, #tpu.memory_space<vmem>>, vector<16xf32>,
        tpu.vector_store %arg14[%swap3A_425, %swap3A_426, %swap3A_427], %add3A_423 {strides = array<i32>} : memref<2x104x128xf32, #tpu.memory_space<vmem>>, vector<16xf32>,
      }
      %scan3A_281 = arith.constant 104 : i32
      %dma_start3A_282 = arith.constant 0 : i32
      %dma_start3A_283 = arith.constant 0 : i32
      %dma_start3A_284 = arith.constant 0 : i32
      %dma_start3A_285 = tpu.memref_slice %arg14[%dma_start3A_282, %dma_start3A_283, %dma_start3A_284] : memref<2x104x128xf32, #tpu.memory_space<vmem>> -> memref<2x104x128xf32, #tpu.memory_space<vmem>>
      %dma_start3A_286 = arith.constant 96 : i32
      %dma_start3A_287 = tpu.memref_slice %arg7[%add3A_254, %dma_start3A_286, %mul3A_2] : memref<192x200x4096xf32, #tpu.memory_space<hbm>> -> memref<2x104x128xf32, #tpu.memory_space<hbm>>
      %dma_start3A_288 = arith.constant 96 : i32
      %dma_start3A_289 = tpu.memref_slice %arg7[%add3A_254, %dma_start3A_288, %mul3A_2] : memref<192x200x4096xf32, #tpu.memory_space<hbm>> -> memref<2x104x128xf32, #tpu.memory_space<hbm>>
      %dma_start3A_290 = arith.constant 0 : i32
      %dma_start3A_291 = arith.constant 0 : i32
      %dma_start3A_292 = arith.constant 0 : i32
      %dma_start3A_293 = tpu.memref_slice %arg14[%dma_start3A_290, %dma_start3A_291, %dma_start3A_292] : memref<2x104x128xf32, #tpu.memory_space<vmem>> -> memref<2x104x128xf32, #tpu.memory_space<vmem>>
      tpu.enqueue_dma source(%dma_start3A_293 : memref<2x104x128xf32, #tpu.memory_space<vmem>>) target(%dma_start3A_289 : memref<2x104x128xf32, #tpu.memory_space<hbm>>) target_semaphore(%arg16 : memref<!tpu.dma_semaphore, #tpu.memory_space<semaphore_mem>>)
    }
    %scan3A_108 = arith.constant 16 : i32
    %dma_wait3A_109 = arith.constant 0 : i32
    %dma_wait3A_110 = arith.constant 0 : i32
    %dma_wait3A_111 = arith.constant 0 : i32
    %dma_wait3A_112 = tpu.memref_slice %arg13[%dma_wait3A_109, %dma_wait3A_110, %dma_wait3A_111] : memref<2x104x128xf32, #tpu.memory_space<vmem>> -> memref<2x104x128xf32, #tpu.memory_space<vmem>>
    %dma_wait3A_113 = arith.constant 60 : i32
    %dma_wait3A_114 = arith.constant 96 : i32
    %dma_wait3A_115 = tpu.memref_slice %arg7[%dma_wait3A_113, %dma_wait3A_114, %mul3A_2] : memref<192x200x4096xf32, #tpu.memory_space<hbm>> -> memref<2x104x128xf32, #tpu.memory_space<hbm>>
    %dma_wait3A_116 = arith.constant 60 : i32
    %dma_wait3A_117 = arith.constant 96 : i32
    %dma_wait3A_118 = tpu.memref_slice %arg7[%dma_wait3A_116, %dma_wait3A_117, %mul3A_2] : memref<192x200x4096xf32, #tpu.memory_space<hbm>> -> memref<2x104x128xf32, #tpu.memory_space<hbm>>
    %dma_wait3A_119 = arith.constant 0 : i32
    %dma_wait3A_120 = arith.constant 0 : i32
    %dma_wait3A_121 = arith.constant 0 : i32
    %dma_wait3A_122 = tpu.memref_slice %arg13[%dma_wait3A_119, %dma_wait3A_120, %dma_wait3A_121] : memref<2x104x128xf32, #tpu.memory_space<vmem>> -> memref<2x104x128xf32, #tpu.memory_space<vmem>>
    tpu.wait_dma2 semaphore(%arg15 : memref<!tpu.dma_semaphore, #tpu.memory_space<semaphore_mem>>) src(%dma_wait3A_122 : memref<2x104x128xf32, #tpu.memory_space<vmem>>) dst(%dma_wait3A_118 : memref<2x104x128xf32, #tpu.memory_space<hbm>>)
    %dma_wait3A_123 = arith.constant 0 : i32
    %dma_wait3A_124 = arith.constant 0 : i32
    %dma_wait3A_125 = arith.constant 0 : i32
    %dma_wait3A_126 = tpu.memref_slice %arg14[%dma_wait3A_123, %dma_wait3A_124, %dma_wait3A_125] : memref<2x104x128xf32, #tpu.memory_space<vmem>> -> memref<2x104x128xf32, #tpu.memory_space<vmem>>
    %dma_wait3A_127 = arith.constant 62 : i32
    %dma_wait3A_128 = arith.constant 96 : i32
    %dma_wait3A_129 = tpu.memref_slice %arg7[%dma_wait3A_127, %dma_wait3A_128, %mul3A_2] : memref<192x200x4096xf32, #tpu.memory_space<hbm>> -> memref<2x104x128xf32, #tpu.memory_space<hbm>>
    %dma_wait3A_130 = arith.constant 62 : i32
    %dma_wait3A_131 = arith.constant 96 : i32
    %dma_wait3A_132 = tpu.memref_slice %arg7[%dma_wait3A_130, %dma_wait3A_131, %mul3A_2] : memref<192x200x4096xf32, #tpu.memory_space<hbm>> -> memref<2x104x128xf32, #tpu.memory_space<hbm>>
    %dma_wait3A_133 = arith.constant 0 : i32
    %dma_wait3A_134 = arith.constant 0 : i32
    %dma_wait3A_135 = arith.constant 0 : i32
    %dma_wait3A_136 = tpu.memref_slice %arg14[%dma_wait3A_133, %dma_wait3A_134, %dma_wait3A_135] : memref<2x104x128xf32, #tpu.memory_space<vmem>> -> memref<2x104x128xf32, #tpu.memory_space<vmem>>
    tpu.wait_dma2 semaphore(%arg16 : memref<!tpu.dma_semaphore, #tpu.memory_space<semaphore_mem>>) src(%dma_wait3A_136 : memref<2x104x128xf32, #tpu.memory_space<vmem>>) dst(%dma_wait3A_132 : memref<2x104x128xf32, #tpu.memory_space<hbm>>)
    %scan3A_137 = arith.constant 0 : i32
    %scan3A_138 = arith.constant 0 : i32
    %scan3A_139 = arith.constant 16 : i32
    %scan3A_140 = arith.addi %scan3A_138, %scan3A_139 : i32
    %scan3A_141 = arith.constant 1 : i32
    scf.for %scan3A_205 = %scan3A_138 to %scan3A_140 step %scan3A_141  : i32 {
      %mul3A_206 = arith.constant 2 : i32
      %mul3A_207 = arith.muli %scan3A_205, %mul3A_206 : i32
      %add3A_208 = arith.constant 0 : i32
      %add3A_209 = arith.addi %mul3A_207, %add3A_208 : i32
      %mul3A_210 = arith.constant 2 : i32
      %mul3A_211 = arith.muli %add3A_209, %mul3A_210 : i32
      %add3A_212 = arith.constant 64 : i32
      %add3A_213 = arith.addi %add3A_212, %mul3A_211 : i32
      %ge3A = arith.constant 2 : i32
      %ge3A_214 = arith.cmpi sge, %add3A_209, %ge3A : i32
      %convert_element_type3A = arith.extui %ge3A_214 : i1 to i32
      %cond3A = arith.constant 0 : i32
      %cond3A_215 = arith.cmpi ne, %convert_element_type3A, %cond3A : i32
      scf.if %cond3A_215 {
        %sub3A_267 = arith.constant 4 : i32
        %sub3A_268 = arith.subi %add3A_213, %sub3A_267 : i32
        %dma_wait3A_269 = arith.constant 0 : i32
        %dma_wait3A_270 = arith.constant 0 : i32
        %dma_wait3A_271 = arith.constant 0 : i32
        %dma_wait3A_272 = tpu.memref_slice %arg13[%dma_wait3A_269, %dma_wait3A_270, %dma_wait3A_271] : memref<2x104x128xf32, #tpu.memory_space<vmem>> -> memref<2x104x128xf32, #tpu.memory_space<vmem>>
        %dma_wait3A_273 = arith.constant 96 : i32
        %dma_wait3A_274 = tpu.memref_slice %arg7[%sub3A_268, %dma_wait3A_273, %mul3A_2] : memref<192x200x4096xf32, #tpu.memory_space<hbm>> -> memref<2x104x128xf32, #tpu.memory_space<hbm>>
        %dma_wait3A_275 = arith.constant 96 : i32
        %dma_wait3A_276 = tpu.memref_slice %arg7[%sub3A_268, %dma_wait3A_275, %mul3A_2] : memref<192x200x4096xf32, #tpu.memory_space<hbm>> -> memref<2x104x128xf32, #tpu.memory_space<hbm>>
        %dma_wait3A_277 = arith.constant 0 : i32
        %dma_wait3A_278 = arith.constant 0 : i32
        %dma_wait3A_279 = arith.constant 0 : i32
        %dma_wait3A_280 = tpu.memref_slice %arg13[%dma_wait3A_277, %dma_wait3A_278, %dma_wait3A_279] : memref<2x104x128xf32, #tpu.memory_space<vmem>> -> memref<2x104x128xf32, #tpu.memory_space<vmem>>
        tpu.wait_dma2 semaphore(%arg15 : memref<!tpu.dma_semaphore, #tpu.memory_space<semaphore_mem>>) src(%dma_wait3A_280 : memref<2x104x128xf32, #tpu.memory_space<vmem>>) dst(%dma_wait3A_276 : memref<2x104x128xf32, #tpu.memory_space<hbm>>)
      } else {
      }
      %sub3A = arith.constant 64 : i32
      %sub3A_216 = arith.subi %add3A_213, %sub3A : i32
      %scan3A_217 = arith.constant 0 : i32
      %scan3A_218 = arith.constant 0 : i32
      %scan3A_219 = arith.constant 104 : i32
      %scan3A_220 = arith.addi %scan3A_218, %scan3A_219 : i32
      %scan3A_221 = arith.constant 1 : i32
      scf.for %scan3A_267 = %scan3A_218 to %scan3A_220 step %scan3A_221  : i32 {
        %get3A = arith.index_cast %scan3A_267 : i32 to index
        %get3A_268 = arith.constant 0 : index
        %get3A_269 = tpu.vector_load %arg11[%get3A, %get3A_268] {strides = array<i32>} : memref<104x128xi32, #tpu.memory_space<vmem>>, vector<16xi32>,
        %get3A_270 = arith.index_cast %scan3A_267 : i32 to index
        %get3A_271 = arith.constant 16 : index
        %get3A_272 = tpu.vector_load %arg11[%get3A_270, %get3A_271] {strides = array<i32>} : memref<104x128xi32, #tpu.memory_space<vmem>>, vector<16xi32>,
        %get3A_273 = arith.index_cast %scan3A_267 : i32 to index
        %get3A_274 = arith.constant 32 : index
        %get3A_275 = tpu.vector_load %arg11[%get3A_273, %get3A_274] {strides = array<i32>} : memref<104x128xi32, #tpu.memory_space<vmem>>, vector<16xi32>,
        %get3A_276 = arith.index_cast %scan3A_267 : i32 to index
        %get3A_277 = arith.constant 48 : index
        %get3A_278 = tpu.vector_load %arg11[%get3A_276, %get3A_277] {strides = array<i32>} : memref<104x128xi32, #tpu.memory_space<vmem>>, vector<16xi32>,
        %get3A_279 = arith.index_cast %scan3A_267 : i32 to index
        %get3A_280 = arith.constant 64 : index
        %get3A_281 = tpu.vector_load %arg11[%get3A_279, %get3A_280] {strides = array<i32>} : memref<104x128xi32, #tpu.memory_space<vmem>>, vector<16xi32>,
        %get3A_282 = arith.index_cast %scan3A_267 : i32 to index
        %get3A_283 = arith.constant 80 : index
        %get3A_284 = tpu.vector_load %arg11[%get3A_282, %get3A_283] {strides = array<i32>} : memref<104x128xi32, #tpu.memory_space<vmem>>, vector<16xi32>,
        %get3A_285 = arith.index_cast %scan3A_267 : i32 to index
        %get3A_286 = arith.constant 96 : index
        %get3A_287 = tpu.vector_load %arg11[%get3A_285, %get3A_286] {strides = array<i32>} : memref<104x128xi32, #tpu.memory_space<vmem>>, vector<16xi32>,
        %get3A_288 = arith.index_cast %scan3A_267 : i32 to index
        %get3A_289 = arith.constant 112 : index
        %get3A_290 = tpu.vector_load %arg11[%get3A_288, %get3A_289] {strides = array<i32>} : memref<104x128xi32, #tpu.memory_space<vmem>>, vector<16xi32>,
        %add3A_291 = arith.constant 0 : i32
        %add3A_292 = arith.addi %sub3A_216, %add3A_291 : i32
        %mul3A_293 = arith.constant 100 : i32
        %mul3A_294 = arith.muli %add3A_292, %mul3A_293 : i32
        %add3A_295 = arith.constant 0 : i32
        %add3A_296 = arith.addi %add3A_295, %mul3A_294 : i32
        %add3A_297 = vector.broadcast %add3A_296 : i32 to vector<16xi32>
        %add3A_298 = arith.addi %get3A_269, %add3A_297 : vector<16xi32>
        %gather3A = tpu.vector_load_idx %arg8[%add3A_298] : memref<14592xf32, #tpu.memory_space<vmem>>[vector<16xi32>], vector<16xf32>,
        %add3A_299 = vector.broadcast %add3A_296 : i32 to vector<16xi32>
        %add3A_300 = arith.addi %get3A_272, %add3A_299 : vector<16xi32>
        %gather3A_301 = tpu.vector_load_idx %arg8[%add3A_300] : memref<14592xf32, #tpu.memory_space<vmem>>[vector<16xi32>], vector<16xf32>,
        %add3A_302 = vector.broadcast %add3A_296 : i32 to vector<16xi32>
        %add3A_303 = arith.addi %get3A_275, %add3A_302 : vector<16xi32>
        %gather3A_304 = tpu.vector_load_idx %arg8[%add3A_303] : memref<14592xf32, #tpu.memory_space<vmem>>[vector<16xi32>], vector<16xf32>,
        %add3A_305 = vector.broadcast %add3A_296 : i32 to vector<16xi32>
        %add3A_306 = arith.addi %get3A_278, %add3A_305 : vector<16xi32>
        %gather3A_307 = tpu.vector_load_idx %arg8[%add3A_306] : memref<14592xf32, #tpu.memory_space<vmem>>[vector<16xi32>], vector<16xf32>,
        %add3A_308 = vector.broadcast %add3A_296 : i32 to vector<16xi32>
        %add3A_309 = arith.addi %get3A_281, %add3A_308 : vector<16xi32>
        %gather3A_310 = tpu.vector_load_idx %arg8[%add3A_309] : memref<14592xf32, #tpu.memory_space<vmem>>[vector<16xi32>], vector<16xf32>,
        %add3A_311 = vector.broadcast %add3A_296 : i32 to vector<16xi32>
        %add3A_312 = arith.addi %get3A_284, %add3A_311 : vector<16xi32>
        %gather3A_313 = tpu.vector_load_idx %arg8[%add3A_312] : memref<14592xf32, #tpu.memory_space<vmem>>[vector<16xi32>], vector<16xf32>,
        %add3A_314 = vector.broadcast %add3A_296 : i32 to vector<16xi32>
        %add3A_315 = arith.addi %get3A_287, %add3A_314 : vector<16xi32>
        %gather3A_316 = tpu.vector_load_idx %arg8[%add3A_315] : memref<14592xf32, #tpu.memory_space<vmem>>[vector<16xi32>], vector<16xf32>,
        %add3A_317 = vector.broadcast %add3A_296 : i32 to vector<16xi32>
        %add3A_318 = arith.addi %get3A_290, %add3A_317 : vector<16xi32>
        %gather3A_319 = tpu.vector_load_idx %arg8[%add3A_318] : memref<14592xf32, #tpu.memory_space<vmem>>[vector<16xi32>], vector<16xf32>,
        %add3A_320 = arith.constant 1 : i32
        %add3A_321 = arith.addi %sub3A_216, %add3A_320 : i32
        %mul3A_322 = arith.constant 100 : i32
        %mul3A_323 = arith.muli %add3A_321, %mul3A_322 : i32
        %add3A_324 = arith.constant 0 : i32
        %add3A_325 = arith.addi %add3A_324, %mul3A_323 : i32
        %add3A_326 = vector.broadcast %add3A_325 : i32 to vector<16xi32>
        %add3A_327 = arith.addi %get3A_269, %add3A_326 : vector<16xi32>
        %gather3A_328 = tpu.vector_load_idx %arg8[%add3A_327] : memref<14592xf32, #tpu.memory_space<vmem>>[vector<16xi32>], vector<16xf32>,
        %add3A_329 = vector.broadcast %add3A_325 : i32 to vector<16xi32>
        %add3A_330 = arith.addi %get3A_272, %add3A_329 : vector<16xi32>
        %gather3A_331 = tpu.vector_load_idx %arg8[%add3A_330] : memref<14592xf32, #tpu.memory_space<vmem>>[vector<16xi32>], vector<16xf32>,
        %add3A_332 = vector.broadcast %add3A_325 : i32 to vector<16xi32>
        %add3A_333 = arith.addi %get3A_275, %add3A_332 : vector<16xi32>
        %gather3A_334 = tpu.vector_load_idx %arg8[%add3A_333] : memref<14592xf32, #tpu.memory_space<vmem>>[vector<16xi32>], vector<16xf32>,
        %add3A_335 = vector.broadcast %add3A_325 : i32 to vector<16xi32>
        %add3A_336 = arith.addi %get3A_278, %add3A_335 : vector<16xi32>
        %gather3A_337 = tpu.vector_load_idx %arg8[%add3A_336] : memref<14592xf32, #tpu.memory_space<vmem>>[vector<16xi32>], vector<16xf32>,
        %add3A_338 = vector.broadcast %add3A_325 : i32 to vector<16xi32>
        %add3A_339 = arith.addi %get3A_281, %add3A_338 : vector<16xi32>
        %gather3A_340 = tpu.vector_load_idx %arg8[%add3A_339] : memref<14592xf32, #tpu.memory_space<vmem>>[vector<16xi32>], vector<16xf32>,
        %add3A_341 = vector.broadcast %add3A_325 : i32 to vector<16xi32>
        %add3A_342 = arith.addi %get3A_284, %add3A_341 : vector<16xi32>
        %gather3A_343 = tpu.vector_load_idx %arg8[%add3A_342] : memref<14592xf32, #tpu.memory_space<vmem>>[vector<16xi32>], vector<16xf32>,
        %add3A_344 = vector.broadcast %add3A_325 : i32 to vector<16xi32>
        %add3A_345 = arith.addi %get3A_287, %add3A_344 : vector<16xi32>
        %gather3A_346 = tpu.vector_load_idx %arg8[%add3A_345] : memref<14592xf32, #tpu.memory_space<vmem>>[vector<16xi32>], vector<16xf32>,
        %add3A_347 = vector.broadcast %add3A_325 : i32 to vector<16xi32>
        %add3A_348 = arith.addi %get3A_290, %add3A_347 : vector<16xi32>
        %gather3A_349 = tpu.vector_load_idx %arg8[%add3A_348] : memref<14592xf32, #tpu.memory_space<vmem>>[vector<16xi32>], vector<16xf32>,
        %swap3A = arith.constant 0 : i32
        %swap3A_350 = arith.index_cast %swap3A : i32 to index
        %swap3A_351 = arith.index_cast %scan3A_267 : i32 to index
        %swap3A_352 = arith.constant 0 : index
        %swap3A_353 = tpu.vector_load %arg13[%swap3A_350, %swap3A_351, %swap3A_352] {strides = array<i32>} : memref<2x104x128xf32, #tpu.memory_space<vmem>>, vector<16xf32>,
        tpu.vector_store %arg13[%swap3A_350, %swap3A_351, %swap3A_352], %gather3A {strides = array<i32>} : memref<2x104x128xf32, #tpu.memory_space<vmem>>, vector<16xf32>,
        %swap3A_354 = arith.constant 0 : i32
        %swap3A_355 = arith.index_cast %swap3A_354 : i32 to index
        %swap3A_356 = arith.index_cast %scan3A_267 : i32 to index
        %swap3A_357 = arith.constant 16 : index
        %swap3A_358 = tpu.vector_load %arg13[%swap3A_355, %swap3A_356, %swap3A_357] {strides = array<i32>} : memref<2x104x128xf32, #tpu.memory_space<vmem>>, vector<16xf32>,
        tpu.vector_store %arg13[%swap3A_355, %swap3A_356, %swap3A_357], %gather3A_301 {strides = array<i32>} : memref<2x104x128xf32, #tpu.memory_space<vmem>>, vector<16xf32>,
        %swap3A_359 = arith.constant 0 : i32
        %swap3A_360 = arith.index_cast %swap3A_359 : i32 to index
        %swap3A_361 = arith.index_cast %scan3A_267 : i32 to index
        %swap3A_362 = arith.constant 32 : index
        %swap3A_363 = tpu.vector_load %arg13[%swap3A_360, %swap3A_361, %swap3A_362] {strides = array<i32>} : memref<2x104x128xf32, #tpu.memory_space<vmem>>, vector<16xf32>,
        tpu.vector_store %arg13[%swap3A_360, %swap3A_361, %swap3A_362], %gather3A_304 {strides = array<i32>} : memref<2x104x128xf32, #tpu.memory_space<vmem>>, vector<16xf32>,
        %swap3A_364 = arith.constant 0 : i32
        %swap3A_365 = arith.index_cast %swap3A_364 : i32 to index
        %swap3A_366 = arith.index_cast %scan3A_267 : i32 to index
        %swap3A_367 = arith.constant 48 : index
        %swap3A_368 = tpu.vector_load %arg13[%swap3A_365, %swap3A_366, %swap3A_367] {strides = array<i32>} : memref<2x104x128xf32, #tpu.memory_space<vmem>>, vector<16xf32>,
        tpu.vector_store %arg13[%swap3A_365, %swap3A_366, %swap3A_367], %gather3A_307 {strides = array<i32>} : memref<2x104x128xf32, #tpu.memory_space<vmem>>, vector<16xf32>,
        %swap3A_369 = arith.constant 0 : i32
        %swap3A_370 = arith.index_cast %swap3A_369 : i32 to index
        %swap3A_371 = arith.index_cast %scan3A_267 : i32 to index
        %swap3A_372 = arith.constant 64 : index
        %swap3A_373 = tpu.vector_load %arg13[%swap3A_370, %swap3A_371, %swap3A_372] {strides = array<i32>} : memref<2x104x128xf32, #tpu.memory_space<vmem>>, vector<16xf32>,
        tpu.vector_store %arg13[%swap3A_370, %swap3A_371, %swap3A_372], %gather3A_310 {strides = array<i32>} : memref<2x104x128xf32, #tpu.memory_space<vmem>>, vector<16xf32>,
        %swap3A_374 = arith.constant 0 : i32
        %swap3A_375 = arith.index_cast %swap3A_374 : i32 to index
        %swap3A_376 = arith.index_cast %scan3A_267 : i32 to index
        %swap3A_377 = arith.constant 80 : index
        %swap3A_378 = tpu.vector_load %arg13[%swap3A_375, %swap3A_376, %swap3A_377] {strides = array<i32>} : memref<2x104x128xf32, #tpu.memory_space<vmem>>, vector<16xf32>,
        tpu.vector_store %arg13[%swap3A_375, %swap3A_376, %swap3A_377], %gather3A_313 {strides = array<i32>} : memref<2x104x128xf32, #tpu.memory_space<vmem>>, vector<16xf32>,
        %swap3A_379 = arith.constant 0 : i32
        %swap3A_380 = arith.index_cast %swap3A_379 : i32 to index
        %swap3A_381 = arith.index_cast %scan3A_267 : i32 to index
        %swap3A_382 = arith.constant 96 : index
        %swap3A_383 = tpu.vector_load %arg13[%swap3A_380, %swap3A_381, %swap3A_382] {strides = array<i32>} : memref<2x104x128xf32, #tpu.memory_space<vmem>>, vector<16xf32>,
        tpu.vector_store %arg13[%swap3A_380, %swap3A_381, %swap3A_382], %gather3A_316 {strides = array<i32>} : memref<2x104x128xf32, #tpu.memory_space<vmem>>, vector<16xf32>,
        %swap3A_384 = arith.constant 0 : i32
        %swap3A_385 = arith.index_cast %swap3A_384 : i32 to index
        %swap3A_386 = arith.index_cast %scan3A_267 : i32 to index
        %swap3A_387 = arith.constant 112 : index
        %swap3A_388 = tpu.vector_load %arg13[%swap3A_385, %swap3A_386, %swap3A_387] {strides = array<i32>} : memref<2x104x128xf32, #tpu.memory_space<vmem>>, vector<16xf32>,
        tpu.vector_store %arg13[%swap3A_385, %swap3A_386, %swap3A_387], %gather3A_319 {strides = array<i32>} : memref<2x104x128xf32, #tpu.memory_space<vmem>>, vector<16xf32>,
        %swap3A_389 = arith.constant 1 : i32
        %swap3A_390 = arith.index_cast %swap3A_389 : i32 to index
        %swap3A_391 = arith.index_cast %scan3A_267 : i32 to index
        %swap3A_392 = arith.constant 0 : index
        %swap3A_393 = tpu.vector_load %arg13[%swap3A_390, %swap3A_391, %swap3A_392] {strides = array<i32>} : memref<2x104x128xf32, #tpu.memory_space<vmem>>, vector<16xf32>,
        tpu.vector_store %arg13[%swap3A_390, %swap3A_391, %swap3A_392], %gather3A_328 {strides = array<i32>} : memref<2x104x128xf32, #tpu.memory_space<vmem>>, vector<16xf32>,
        %swap3A_394 = arith.constant 1 : i32
        %swap3A_395 = arith.index_cast %swap3A_394 : i32 to index
        %swap3A_396 = arith.index_cast %scan3A_267 : i32 to index
        %swap3A_397 = arith.constant 16 : index
        %swap3A_398 = tpu.vector_load %arg13[%swap3A_395, %swap3A_396, %swap3A_397] {strides = array<i32>} : memref<2x104x128xf32, #tpu.memory_space<vmem>>, vector<16xf32>,
        tpu.vector_store %arg13[%swap3A_395, %swap3A_396, %swap3A_397], %gather3A_331 {strides = array<i32>} : memref<2x104x128xf32, #tpu.memory_space<vmem>>, vector<16xf32>,
        %swap3A_399 = arith.constant 1 : i32
        %swap3A_400 = arith.index_cast %swap3A_399 : i32 to index
        %swap3A_401 = arith.index_cast %scan3A_267 : i32 to index
        %swap3A_402 = arith.constant 32 : index
        %swap3A_403 = tpu.vector_load %arg13[%swap3A_400, %swap3A_401, %swap3A_402] {strides = array<i32>} : memref<2x104x128xf32, #tpu.memory_space<vmem>>, vector<16xf32>,
        tpu.vector_store %arg13[%swap3A_400, %swap3A_401, %swap3A_402], %gather3A_334 {strides = array<i32>} : memref<2x104x128xf32, #tpu.memory_space<vmem>>, vector<16xf32>,
        %swap3A_404 = arith.constant 1 : i32
        %swap3A_405 = arith.index_cast %swap3A_404 : i32 to index
        %swap3A_406 = arith.index_cast %scan3A_267 : i32 to index
        %swap3A_407 = arith.constant 48 : index
        %swap3A_408 = tpu.vector_load %arg13[%swap3A_405, %swap3A_406, %swap3A_407] {strides = array<i32>} : memref<2x104x128xf32, #tpu.memory_space<vmem>>, vector<16xf32>,
        tpu.vector_store %arg13[%swap3A_405, %swap3A_406, %swap3A_407], %gather3A_337 {strides = array<i32>} : memref<2x104x128xf32, #tpu.memory_space<vmem>>, vector<16xf32>,
        %swap3A_409 = arith.constant 1 : i32
        %swap3A_410 = arith.index_cast %swap3A_409 : i32 to index
        %swap3A_411 = arith.index_cast %scan3A_267 : i32 to index
        %swap3A_412 = arith.constant 64 : index
        %swap3A_413 = tpu.vector_load %arg13[%swap3A_410, %swap3A_411, %swap3A_412] {strides = array<i32>} : memref<2x104x128xf32, #tpu.memory_space<vmem>>, vector<16xf32>,
        tpu.vector_store %arg13[%swap3A_410, %swap3A_411, %swap3A_412], %gather3A_340 {strides = array<i32>} : memref<2x104x128xf32, #tpu.memory_space<vmem>>, vector<16xf32>,
        %swap3A_414 = arith.constant 1 : i32
        %swap3A_415 = arith.index_cast %swap3A_414 : i32 to index
        %swap3A_416 = arith.index_cast %scan3A_267 : i32 to index
        %swap3A_417 = arith.constant 80 : index
        %swap3A_418 = tpu.vector_load %arg13[%swap3A_415, %swap3A_416, %swap3A_417] {strides = array<i32>} : memref<2x104x128xf32, #tpu.memory_space<vmem>>, vector<16xf32>,
        tpu.vector_store %arg13[%swap3A_415, %swap3A_416, %swap3A_417], %gather3A_343 {strides = array<i32>} : memref<2x104x128xf32, #tpu.memory_space<vmem>>, vector<16xf32>,
        %swap3A_419 = arith.constant 1 : i32
        %swap3A_420 = arith.index_cast %swap3A_419 : i32 to index
        %swap3A_421 = arith.index_cast %scan3A_267 : i32 to index
        %swap3A_422 = arith.constant 96 : index
        %swap3A_423 = tpu.vector_load %arg13[%swap3A_420, %swap3A_421, %swap3A_422] {strides = array<i32>} : memref<2x104x128xf32, #tpu.memory_space<vmem>>, vector<16xf32>,
        tpu.vector_store %arg13[%swap3A_420, %swap3A_421, %swap3A_422], %gather3A_346 {strides = array<i32>} : memref<2x104x128xf32, #tpu.memory_space<vmem>>, vector<16xf32>,
        %swap3A_424 = arith.constant 1 : i32
        %swap3A_425 = arith.index_cast %swap3A_424 : i32 to index
        %swap3A_426 = arith.index_cast %scan3A_267 : i32 to index
        %swap3A_427 = arith.constant 112 : index
        %swap3A_428 = tpu.vector_load %arg13[%swap3A_425, %swap3A_426, %swap3A_427] {strides = array<i32>} : memref<2x104x128xf32, #tpu.memory_space<vmem>>, vector<16xf32>,
        tpu.vector_store %arg13[%swap3A_425, %swap3A_426, %swap3A_427], %gather3A_349 {strides = array<i32>} : memref<2x104x128xf32, #tpu.memory_space<vmem>>, vector<16xf32>,
      }
      %scan3A_222 = arith.constant 104 : i32
      %dma_start3A = arith.constant 0 : i32
      %dma_start3A_223 = arith.constant 0 : i32
      %dma_start3A_224 = arith.constant 0 : i32
      %dma_start3A_225 = tpu.memref_slice %arg13[%dma_start3A, %dma_start3A_223, %dma_start3A_224] : memref<2x104x128xf32, #tpu.memory_space<vmem>> -> memref<2x104x128xf32, #tpu.memory_space<vmem>>
      %dma_start3A_226 = arith.constant 96 : i32
      %dma_start3A_227 = tpu.memref_slice %arg7[%add3A_213, %dma_start3A_226, %mul3A_2] : memref<192x200x4096xf32, #tpu.memory_space<hbm>> -> memref<2x104x128xf32, #tpu.memory_space<hbm>>
      %dma_start3A_228 = arith.constant 96 : i32
      %dma_start3A_229 = tpu.memref_slice %arg7[%add3A_213, %dma_start3A_228, %mul3A_2] : memref<192x200x4096xf32, #tpu.memory_space<hbm>> -> memref<2x104x128xf32, #tpu.memory_space<hbm>>
      %dma_start3A_230 = arith.constant 0 : i32
      %dma_start3A_231 = arith.constant 0 : i32
      %dma_start3A_232 = arith.constant 0 : i32
      %dma_start3A_233 = tpu.memref_slice %arg13[%dma_start3A_230, %dma_start3A_231, %dma_start3A_232] : memref<2x104x128xf32, #tpu.memory_space<vmem>> -> memref<2x104x128xf32, #tpu.memory_space<vmem>>
      tpu.enqueue_dma source(%dma_start3A_233 : memref<2x104x128xf32, #tpu.memory_space<vmem>>) target(%dma_start3A_229 : memref<2x104x128xf32, #tpu.memory_space<hbm>>) target_semaphore(%arg15 : memref<!tpu.dma_semaphore, #tpu.memory_space<semaphore_mem>>)
      %mul3A_234 = arith.constant 2 : i32
      %mul3A_235 = arith.muli %scan3A_205, %mul3A_234 : i32
      %add3A_236 = arith.constant 1 : i32
      %add3A_237 = arith.addi %mul3A_235, %add3A_236 : i32
      %mul3A_238 = arith.constant 2 : i32
      %mul3A_239 = arith.muli %add3A_237, %mul3A_238 : i32
      %add3A_240 = arith.constant 64 : i32
      %add3A_241 = arith.addi %add3A_240, %mul3A_239 : i32
      %ge3A_242 = arith.constant 2 : i32
      %ge3A_243 = arith.cmpi sge, %add3A_237, %ge3A_242 : i32
      %convert_element_type3A_244 = arith.extui %ge3A_243 : i1 to i32
      %cond3A_245 = arith.constant 0 : i32
      %cond3A_246 = arith.cmpi ne, %convert_element_type3A_244, %cond3A_245 : i32
      scf.if %cond3A_246 {
        %sub3A_267 = arith.constant 4 : i32
        %sub3A_268 = arith.subi %add3A_241, %sub3A_267 : i32
        %dma_wait3A_269 = arith.constant 0 : i32
        %dma_wait3A_270 = arith.constant 0 : i32
        %dma_wait3A_271 = arith.constant 0 : i32
        %dma_wait3A_272 = tpu.memref_slice %arg14[%dma_wait3A_269, %dma_wait3A_270, %dma_wait3A_271] : memref<2x104x128xf32, #tpu.memory_space<vmem>> -> memref<2x104x128xf32, #tpu.memory_space<vmem>>
        %dma_wait3A_273 = arith.constant 96 : i32
        %dma_wait3A_274 = tpu.memref_slice %arg7[%sub3A_268, %dma_wait3A_273, %mul3A_2] : memref<192x200x4096xf32, #tpu.memory_space<hbm>> -> memref<2x104x128xf32, #tpu.memory_space<hbm>>
        %dma_wait3A_275 = arith.constant 96 : i32
        %dma_wait3A_276 = tpu.memref_slice %arg7[%sub3A_268, %dma_wait3A_275, %mul3A_2] : memref<192x200x4096xf32, #tpu.memory_space<hbm>> -> memref<2x104x128xf32, #tpu.memory_space<hbm>>
        %dma_wait3A_277 = arith.constant 0 : i32
        %dma_wait3A_278 = arith.constant 0 : i32
        %dma_wait3A_279 = arith.constant 0 : i32
        %dma_wait3A_280 = tpu.memref_slice %arg14[%dma_wait3A_277, %dma_wait3A_278, %dma_wait3A_279] : memref<2x104x128xf32, #tpu.memory_space<vmem>> -> memref<2x104x128xf32, #tpu.memory_space<vmem>>
        tpu.wait_dma2 semaphore(%arg16 : memref<!tpu.dma_semaphore, #tpu.memory_space<semaphore_mem>>) src(%dma_wait3A_280 : memref<2x104x128xf32, #tpu.memory_space<vmem>>) dst(%dma_wait3A_276 : memref<2x104x128xf32, #tpu.memory_space<hbm>>)
      } else {
      }
      %sub3A_247 = arith.constant 64 : i32
      %sub3A_248 = arith.subi %add3A_241, %sub3A_247 : i32
      %scan3A_249 = arith.constant 0 : i32
      %scan3A_250 = arith.constant 0 : i32
      %scan3A_251 = arith.constant 104 : i32
      %scan3A_252 = arith.addi %scan3A_250, %scan3A_251 : i32
      %scan3A_253 = arith.constant 1 : i32
      scf.for %scan3A_267 = %scan3A_250 to %scan3A_252 step %scan3A_253  : i32 {
        %get3A = arith.index_cast %scan3A_267 : i32 to index
        %get3A_268 = arith.constant 0 : index
        %get3A_269 = tpu.vector_load %arg11[%get3A, %get3A_268] {strides = array<i32>} : memref<104x128xi32, #tpu.memory_space<vmem>>, vector<16xi32>,
        %get3A_270 = arith.index_cast %scan3A_267 : i32 to index
        %get3A_271 = arith.constant 16 : index
        %get3A_272 = tpu.vector_load %arg11[%get3A_270, %get3A_271] {strides = array<i32>} : memref<104x128xi32, #tpu.memory_space<vmem>>, vector<16xi32>,
        %get3A_273 = arith.index_cast %scan3A_267 : i32 to index
        %get3A_274 = arith.constant 32 : index
        %get3A_275 = tpu.vector_load %arg11[%get3A_273, %get3A_274] {strides = array<i32>} : memref<104x128xi32, #tpu.memory_space<vmem>>, vector<16xi32>,
        %get3A_276 = arith.index_cast %scan3A_267 : i32 to index
        %get3A_277 = arith.constant 48 : index
        %get3A_278 = tpu.vector_load %arg11[%get3A_276, %get3A_277] {strides = array<i32>} : memref<104x128xi32, #tpu.memory_space<vmem>>, vector<16xi32>,
        %get3A_279 = arith.index_cast %scan3A_267 : i32 to index
        %get3A_280 = arith.constant 64 : index
        %get3A_281 = tpu.vector_load %arg11[%get3A_279, %get3A_280] {strides = array<i32>} : memref<104x128xi32, #tpu.memory_space<vmem>>, vector<16xi32>,
        %get3A_282 = arith.index_cast %scan3A_267 : i32 to index
        %get3A_283 = arith.constant 80 : index
        %get3A_284 = tpu.vector_load %arg11[%get3A_282, %get3A_283] {strides = array<i32>} : memref<104x128xi32, #tpu.memory_space<vmem>>, vector<16xi32>,
        %get3A_285 = arith.index_cast %scan3A_267 : i32 to index
        %get3A_286 = arith.constant 96 : index
        %get3A_287 = tpu.vector_load %arg11[%get3A_285, %get3A_286] {strides = array<i32>} : memref<104x128xi32, #tpu.memory_space<vmem>>, vector<16xi32>,
        %get3A_288 = arith.index_cast %scan3A_267 : i32 to index
        %get3A_289 = arith.constant 112 : index
        %get3A_290 = tpu.vector_load %arg11[%get3A_288, %get3A_289] {strides = array<i32>} : memref<104x128xi32, #tpu.memory_space<vmem>>, vector<16xi32>,
        %add3A_291 = arith.constant 0 : i32
        %add3A_292 = arith.addi %sub3A_248, %add3A_291 : i32
        %mul3A_293 = arith.constant 100 : i32
        %mul3A_294 = arith.muli %add3A_292, %mul3A_293 : i32
        %add3A_295 = arith.constant 0 : i32
        %add3A_296 = arith.addi %add3A_295, %mul3A_294 : i32
        %add3A_297 = vector.broadcast %add3A_296 : i32 to vector<16xi32>
        %add3A_298 = arith.addi %get3A_269, %add3A_297 : vector<16xi32>
        %gather3A = tpu.vector_load_idx %arg8[%add3A_298] : memref<14592xf32, #tpu.memory_space<vmem>>[vector<16xi32>], vector<16xf32>,
        %add3A_299 = vector.broadcast %add3A_296 : i32 to vector<16xi32>
        %add3A_300 = arith.addi %get3A_272, %add3A_299 : vector<16xi32>
        %gather3A_301 = tpu.vector_load_idx %arg8[%add3A_300] : memref<14592xf32, #tpu.memory_space<vmem>>[vector<16xi32>], vector<16xf32>,
        %add3A_302 = vector.broadcast %add3A_296 : i32 to vector<16xi32>
        %add3A_303 = arith.addi %get3A_275, %add3A_302 : vector<16xi32>
        %gather3A_304 = tpu.vector_load_idx %arg8[%add3A_303] : memref<14592xf32, #tpu.memory_space<vmem>>[vector<16xi32>], vector<16xf32>,
        %add3A_305 = vector.broadcast %add3A_296 : i32 to vector<16xi32>
        %add3A_306 = arith.addi %get3A_278, %add3A_305 : vector<16xi32>
        %gather3A_307 = tpu.vector_load_idx %arg8[%add3A_306] : memref<14592xf32, #tpu.memory_space<vmem>>[vector<16xi32>], vector<16xf32>,
        %add3A_308 = vector.broadcast %add3A_296 : i32 to vector<16xi32>
        %add3A_309 = arith.addi %get3A_281, %add3A_308 : vector<16xi32>
        %gather3A_310 = tpu.vector_load_idx %arg8[%add3A_309] : memref<14592xf32, #tpu.memory_space<vmem>>[vector<16xi32>], vector<16xf32>,
        %add3A_311 = vector.broadcast %add3A_296 : i32 to vector<16xi32>
        %add3A_312 = arith.addi %get3A_284, %add3A_311 : vector<16xi32>
        %gather3A_313 = tpu.vector_load_idx %arg8[%add3A_312] : memref<14592xf32, #tpu.memory_space<vmem>>[vector<16xi32>], vector<16xf32>,
        %add3A_314 = vector.broadcast %add3A_296 : i32 to vector<16xi32>
        %add3A_315 = arith.addi %get3A_287, %add3A_314 : vector<16xi32>
        %gather3A_316 = tpu.vector_load_idx %arg8[%add3A_315] : memref<14592xf32, #tpu.memory_space<vmem>>[vector<16xi32>], vector<16xf32>,
        %add3A_317 = vector.broadcast %add3A_296 : i32 to vector<16xi32>
        %add3A_318 = arith.addi %get3A_290, %add3A_317 : vector<16xi32>
        %gather3A_319 = tpu.vector_load_idx %arg8[%add3A_318] : memref<14592xf32, #tpu.memory_space<vmem>>[vector<16xi32>], vector<16xf32>,
        %add3A_320 = arith.constant 1 : i32
        %add3A_321 = arith.addi %sub3A_248, %add3A_320 : i32
        %mul3A_322 = arith.constant 100 : i32
        %mul3A_323 = arith.muli %add3A_321, %mul3A_322 : i32
        %add3A_324 = arith.constant 0 : i32
        %add3A_325 = arith.addi %add3A_324, %mul3A_323 : i32
        %add3A_326 = vector.broadcast %add3A_325 : i32 to vector<16xi32>
        %add3A_327 = arith.addi %get3A_269, %add3A_326 : vector<16xi32>
        %gather3A_328 = tpu.vector_load_idx %arg8[%add3A_327] : memref<14592xf32, #tpu.memory_space<vmem>>[vector<16xi32>], vector<16xf32>,
        %add3A_329 = vector.broadcast %add3A_325 : i32 to vector<16xi32>
        %add3A_330 = arith.addi %get3A_272, %add3A_329 : vector<16xi32>
        %gather3A_331 = tpu.vector_load_idx %arg8[%add3A_330] : memref<14592xf32, #tpu.memory_space<vmem>>[vector<16xi32>], vector<16xf32>,
        %add3A_332 = vector.broadcast %add3A_325 : i32 to vector<16xi32>
        %add3A_333 = arith.addi %get3A_275, %add3A_332 : vector<16xi32>
        %gather3A_334 = tpu.vector_load_idx %arg8[%add3A_333] : memref<14592xf32, #tpu.memory_space<vmem>>[vector<16xi32>], vector<16xf32>,
        %add3A_335 = vector.broadcast %add3A_325 : i32 to vector<16xi32>
        %add3A_336 = arith.addi %get3A_278, %add3A_335 : vector<16xi32>
        %gather3A_337 = tpu.vector_load_idx %arg8[%add3A_336] : memref<14592xf32, #tpu.memory_space<vmem>>[vector<16xi32>], vector<16xf32>,
        %add3A_338 = vector.broadcast %add3A_325 : i32 to vector<16xi32>
        %add3A_339 = arith.addi %get3A_281, %add3A_338 : vector<16xi32>
        %gather3A_340 = tpu.vector_load_idx %arg8[%add3A_339] : memref<14592xf32, #tpu.memory_space<vmem>>[vector<16xi32>], vector<16xf32>,
        %add3A_341 = vector.broadcast %add3A_325 : i32 to vector<16xi32>
        %add3A_342 = arith.addi %get3A_284, %add3A_341 : vector<16xi32>
        %gather3A_343 = tpu.vector_load_idx %arg8[%add3A_342] : memref<14592xf32, #tpu.memory_space<vmem>>[vector<16xi32>], vector<16xf32>,
        %add3A_344 = vector.broadcast %add3A_325 : i32 to vector<16xi32>
        %add3A_345 = arith.addi %get3A_287, %add3A_344 : vector<16xi32>
        %gather3A_346 = tpu.vector_load_idx %arg8[%add3A_345] : memref<14592xf32, #tpu.memory_space<vmem>>[vector<16xi32>], vector<16xf32>,
        %add3A_347 = vector.broadcast %add3A_325 : i32 to vector<16xi32>
        %add3A_348 = arith.addi %get3A_290, %add3A_347 : vector<16xi32>
        %gather3A_349 = tpu.vector_load_idx %arg8[%add3A_348] : memref<14592xf32, #tpu.memory_space<vmem>>[vector<16xi32>], vector<16xf32>,
        %swap3A = arith.constant 0 : i32
        %swap3A_350 = arith.index_cast %swap3A : i32 to index
        %swap3A_351 = arith.index_cast %scan3A_267 : i32 to index
        %swap3A_352 = arith.constant 0 : index
        %swap3A_353 = tpu.vector_load %arg14[%swap3A_350, %swap3A_351, %swap3A_352] {strides = array<i32>} : memref<2x104x128xf32, #tpu.memory_space<vmem>>, vector<16xf32>,
        tpu.vector_store %arg14[%swap3A_350, %swap3A_351, %swap3A_352], %gather3A {strides = array<i32>} : memref<2x104x128xf32, #tpu.memory_space<vmem>>, vector<16xf32>,
        %swap3A_354 = arith.constant 0 : i32
        %swap3A_355 = arith.index_cast %swap3A_354 : i32 to index
        %swap3A_356 = arith.index_cast %scan3A_267 : i32 to index
        %swap3A_357 = arith.constant 16 : index
        %swap3A_358 = tpu.vector_load %arg14[%swap3A_355, %swap3A_356, %swap3A_357] {strides = array<i32>} : memref<2x104x128xf32, #tpu.memory_space<vmem>>, vector<16xf32>,
        tpu.vector_store %arg14[%swap3A_355, %swap3A_356, %swap3A_357], %gather3A_301 {strides = array<i32>} : memref<2x104x128xf32, #tpu.memory_space<vmem>>, vector<16xf32>,
        %swap3A_359 = arith.constant 0 : i32
        %swap3A_360 = arith.index_cast %swap3A_359 : i32 to index
        %swap3A_361 = arith.index_cast %scan3A_267 : i32 to index
        %swap3A_362 = arith.constant 32 : index
        %swap3A_363 = tpu.vector_load %arg14[%swap3A_360, %swap3A_361, %swap3A_362] {strides = array<i32>} : memref<2x104x128xf32, #tpu.memory_space<vmem>>, vector<16xf32>,
        tpu.vector_store %arg14[%swap3A_360, %swap3A_361, %swap3A_362], %gather3A_304 {strides = array<i32>} : memref<2x104x128xf32, #tpu.memory_space<vmem>>, vector<16xf32>,
        %swap3A_364 = arith.constant 0 : i32
        %swap3A_365 = arith.index_cast %swap3A_364 : i32 to index
        %swap3A_366 = arith.index_cast %scan3A_267 : i32 to index
        %swap3A_367 = arith.constant 48 : index
        %swap3A_368 = tpu.vector_load %arg14[%swap3A_365, %swap3A_366, %swap3A_367] {strides = array<i32>} : memref<2x104x128xf32, #tpu.memory_space<vmem>>, vector<16xf32>,
        tpu.vector_store %arg14[%swap3A_365, %swap3A_366, %swap3A_367], %gather3A_307 {strides = array<i32>} : memref<2x104x128xf32, #tpu.memory_space<vmem>>, vector<16xf32>,
        %swap3A_369 = arith.constant 0 : i32
        %swap3A_370 = arith.index_cast %swap3A_369 : i32 to index
        %swap3A_371 = arith.index_cast %scan3A_267 : i32 to index
        %swap3A_372 = arith.constant 64 : index
        %swap3A_373 = tpu.vector_load %arg14[%swap3A_370, %swap3A_371, %swap3A_372] {strides = array<i32>} : memref<2x104x128xf32, #tpu.memory_space<vmem>>, vector<16xf32>,
        tpu.vector_store %arg14[%swap3A_370, %swap3A_371, %swap3A_372], %gather3A_310 {strides = array<i32>} : memref<2x104x128xf32, #tpu.memory_space<vmem>>, vector<16xf32>,
        %swap3A_374 = arith.constant 0 : i32
        %swap3A_375 = arith.index_cast %swap3A_374 : i32 to index
        %swap3A_376 = arith.index_cast %scan3A_267 : i32 to index
        %swap3A_377 = arith.constant 80 : index
        %swap3A_378 = tpu.vector_load %arg14[%swap3A_375, %swap3A_376, %swap3A_377] {strides = array<i32>} : memref<2x104x128xf32, #tpu.memory_space<vmem>>, vector<16xf32>,
        tpu.vector_store %arg14[%swap3A_375, %swap3A_376, %swap3A_377], %gather3A_313 {strides = array<i32>} : memref<2x104x128xf32, #tpu.memory_space<vmem>>, vector<16xf32>,
        %swap3A_379 = arith.constant 0 : i32
        %swap3A_380 = arith.index_cast %swap3A_379 : i32 to index
        %swap3A_381 = arith.index_cast %scan3A_267 : i32 to index
        %swap3A_382 = arith.constant 96 : index
        %swap3A_383 = tpu.vector_load %arg14[%swap3A_380, %swap3A_381, %swap3A_382] {strides = array<i32>} : memref<2x104x128xf32, #tpu.memory_space<vmem>>, vector<16xf32>,
        tpu.vector_store %arg14[%swap3A_380, %swap3A_381, %swap3A_382], %gather3A_316 {strides = array<i32>} : memref<2x104x128xf32, #tpu.memory_space<vmem>>, vector<16xf32>,
        %swap3A_384 = arith.constant 0 : i32
        %swap3A_385 = arith.index_cast %swap3A_384 : i32 to index
        %swap3A_386 = arith.index_cast %scan3A_267 : i32 to index
        %swap3A_387 = arith.constant 112 : index
        %swap3A_388 = tpu.vector_load %arg14[%swap3A_385, %swap3A_386, %swap3A_387] {strides = array<i32>} : memref<2x104x128xf32, #tpu.memory_space<vmem>>, vector<16xf32>,
        tpu.vector_store %arg14[%swap3A_385, %swap3A_386, %swap3A_387], %gather3A_319 {strides = array<i32>} : memref<2x104x128xf32, #tpu.memory_space<vmem>>, vector<16xf32>,
        %swap3A_389 = arith.constant 1 : i32
        %swap3A_390 = arith.index_cast %swap3A_389 : i32 to index
        %swap3A_391 = arith.index_cast %scan3A_267 : i32 to index
        %swap3A_392 = arith.constant 0 : index
        %swap3A_393 = tpu.vector_load %arg14[%swap3A_390, %swap3A_391, %swap3A_392] {strides = array<i32>} : memref<2x104x128xf32, #tpu.memory_space<vmem>>, vector<16xf32>,
        tpu.vector_store %arg14[%swap3A_390, %swap3A_391, %swap3A_392], %gather3A_328 {strides = array<i32>} : memref<2x104x128xf32, #tpu.memory_space<vmem>>, vector<16xf32>,
        %swap3A_394 = arith.constant 1 : i32
        %swap3A_395 = arith.index_cast %swap3A_394 : i32 to index
        %swap3A_396 = arith.index_cast %scan3A_267 : i32 to index
        %swap3A_397 = arith.constant 16 : index
        %swap3A_398 = tpu.vector_load %arg14[%swap3A_395, %swap3A_396, %swap3A_397] {strides = array<i32>} : memref<2x104x128xf32, #tpu.memory_space<vmem>>, vector<16xf32>,
        tpu.vector_store %arg14[%swap3A_395, %swap3A_396, %swap3A_397], %gather3A_331 {strides = array<i32>} : memref<2x104x128xf32, #tpu.memory_space<vmem>>, vector<16xf32>,
        %swap3A_399 = arith.constant 1 : i32
        %swap3A_400 = arith.index_cast %swap3A_399 : i32 to index
        %swap3A_401 = arith.index_cast %scan3A_267 : i32 to index
        %swap3A_402 = arith.constant 32 : index
        %swap3A_403 = tpu.vector_load %arg14[%swap3A_400, %swap3A_401, %swap3A_402] {strides = array<i32>} : memref<2x104x128xf32, #tpu.memory_space<vmem>>, vector<16xf32>,
        tpu.vector_store %arg14[%swap3A_400, %swap3A_401, %swap3A_402], %gather3A_334 {strides = array<i32>} : memref<2x104x128xf32, #tpu.memory_space<vmem>>, vector<16xf32>,
        %swap3A_404 = arith.constant 1 : i32
        %swap3A_405 = arith.index_cast %swap3A_404 : i32 to index
        %swap3A_406 = arith.index_cast %scan3A_267 : i32 to index
        %swap3A_407 = arith.constant 48 : index
        %swap3A_408 = tpu.vector_load %arg14[%swap3A_405, %swap3A_406, %swap3A_407] {strides = array<i32>} : memref<2x104x128xf32, #tpu.memory_space<vmem>>, vector<16xf32>,
        tpu.vector_store %arg14[%swap3A_405, %swap3A_406, %swap3A_407], %gather3A_337 {strides = array<i32>} : memref<2x104x128xf32, #tpu.memory_space<vmem>>, vector<16xf32>,
        %swap3A_409 = arith.constant 1 : i32
        %swap3A_410 = arith.index_cast %swap3A_409 : i32 to index
        %swap3A_411 = arith.index_cast %scan3A_267 : i32 to index
        %swap3A_412 = arith.constant 64 : index
        %swap3A_413 = tpu.vector_load %arg14[%swap3A_410, %swap3A_411, %swap3A_412] {strides = array<i32>} : memref<2x104x128xf32, #tpu.memory_space<vmem>>, vector<16xf32>,
        tpu.vector_store %arg14[%swap3A_410, %swap3A_411, %swap3A_412], %gather3A_340 {strides = array<i32>} : memref<2x104x128xf32, #tpu.memory_space<vmem>>, vector<16xf32>,
        %swap3A_414 = arith.constant 1 : i32
        %swap3A_415 = arith.index_cast %swap3A_414 : i32 to index
        %swap3A_416 = arith.index_cast %scan3A_267 : i32 to index
        %swap3A_417 = arith.constant 80 : index
        %swap3A_418 = tpu.vector_load %arg14[%swap3A_415, %swap3A_416, %swap3A_417] {strides = array<i32>} : memref<2x104x128xf32, #tpu.memory_space<vmem>>, vector<16xf32>,
        tpu.vector_store %arg14[%swap3A_415, %swap3A_416, %swap3A_417], %gather3A_343 {strides = array<i32>} : memref<2x104x128xf32, #tpu.memory_space<vmem>>, vector<16xf32>,
        %swap3A_419 = arith.constant 1 : i32
        %swap3A_420 = arith.index_cast %swap3A_419 : i32 to index
        %swap3A_421 = arith.index_cast %scan3A_267 : i32 to index
        %swap3A_422 = arith.constant 96 : index
        %swap3A_423 = tpu.vector_load %arg14[%swap3A_420, %swap3A_421, %swap3A_422] {strides = array<i32>} : memref<2x104x128xf32, #tpu.memory_space<vmem>>, vector<16xf32>,
        tpu.vector_store %arg14[%swap3A_420, %swap3A_421, %swap3A_422], %gather3A_346 {strides = array<i32>} : memref<2x104x128xf32, #tpu.memory_space<vmem>>, vector<16xf32>,
        %swap3A_424 = arith.constant 1 : i32
        %swap3A_425 = arith.index_cast %swap3A_424 : i32 to index
        %swap3A_426 = arith.index_cast %scan3A_267 : i32 to index
        %swap3A_427 = arith.constant 112 : index
        %swap3A_428 = tpu.vector_load %arg14[%swap3A_425, %swap3A_426, %swap3A_427] {strides = array<i32>} : memref<2x104x128xf32, #tpu.memory_space<vmem>>, vector<16xf32>,
        tpu.vector_store %arg14[%swap3A_425, %swap3A_426, %swap3A_427], %gather3A_349 {strides = array<i32>} : memref<2x104x128xf32, #tpu.memory_space<vmem>>, vector<16xf32>,
      }
      %scan3A_254 = arith.constant 104 : i32
      %dma_start3A_255 = arith.constant 0 : i32
      %dma_start3A_256 = arith.constant 0 : i32
      %dma_start3A_257 = arith.constant 0 : i32
      %dma_start3A_258 = tpu.memref_slice %arg14[%dma_start3A_255, %dma_start3A_256, %dma_start3A_257] : memref<2x104x128xf32, #tpu.memory_space<vmem>> -> memref<2x104x128xf32, #tpu.memory_space<vmem>>
      %dma_start3A_259 = arith.constant 96 : i32
      %dma_start3A_260 = tpu.memref_slice %arg7[%add3A_241, %dma_start3A_259, %mul3A_2] : memref<192x200x4096xf32, #tpu.memory_space<hbm>> -> memref<2x104x128xf32, #tpu.memory_space<hbm>>
      %dma_start3A_261 = arith.constant 96 : i32
      %dma_start3A_262 = tpu.memref_slice %arg7[%add3A_241, %dma_start3A_261, %mul3A_2] : memref<192x200x4096xf32, #tpu.memory_space<hbm>> -> memref<2x104x128xf32, #tpu.memory_space<hbm>>
      %dma_start3A_263 = arith.constant 0 : i32
      %dma_start3A_264 = arith.constant 0 : i32
      %dma_start3A_265 = arith.constant 0 : i32
      %dma_start3A_266 = tpu.memref_slice %arg14[%dma_start3A_263, %dma_start3A_264, %dma_start3A_265] : memref<2x104x128xf32, #tpu.memory_space<vmem>> -> memref<2x104x128xf32, #tpu.memory_space<vmem>>
      tpu.enqueue_dma source(%dma_start3A_266 : memref<2x104x128xf32, #tpu.memory_space<vmem>>) target(%dma_start3A_262 : memref<2x104x128xf32, #tpu.memory_space<hbm>>) target_semaphore(%arg16 : memref<!tpu.dma_semaphore, #tpu.memory_space<semaphore_mem>>)
    }
    %scan3A_142 = arith.constant 16 : i32
    %dma_wait3A_143 = arith.constant 0 : i32
    %dma_wait3A_144 = arith.constant 0 : i32
    %dma_wait3A_145 = arith.constant 0 : i32
    %dma_wait3A_146 = tpu.memref_slice %arg13[%dma_wait3A_143, %dma_wait3A_144, %dma_wait3A_145] : memref<2x104x128xf32, #tpu.memory_space<vmem>> -> memref<2x104x128xf32, #tpu.memory_space<vmem>>
    %dma_wait3A_147 = arith.constant 124 : i32
    %dma_wait3A_148 = arith.constant 96 : i32
    %dma_wait3A_149 = tpu.memref_slice %arg7[%dma_wait3A_147, %dma_wait3A_148, %mul3A_2] : memref<192x200x4096xf32, #tpu.memory_space<hbm>> -> memref<2x104x128xf32, #tpu.memory_space<hbm>>
    %dma_wait3A_150 = arith.constant 124 : i32
    %dma_wait3A_151 = arith.constant 96 : i32
    %dma_wait3A_152 = tpu.memref_slice %arg7[%dma_wait3A_150, %dma_wait3A_151, %mul3A_2] : memref<192x200x4096xf32, #tpu.memory_space<hbm>> -> memref<2x104x128xf32, #tpu.memory_space<hbm>>
    %dma_wait3A_153 = arith.constant 0 : i32
    %dma_wait3A_154 = arith.constant 0 : i32
    %dma_wait3A_155 = arith.constant 0 : i32
    %dma_wait3A_156 = tpu.memref_slice %arg13[%dma_wait3A_153, %dma_wait3A_154, %dma_wait3A_155] : memref<2x104x128xf32, #tpu.memory_space<vmem>> -> memref<2x104x128xf32, #tpu.memory_space<vmem>>
    tpu.wait_dma2 semaphore(%arg15 : memref<!tpu.dma_semaphore, #tpu.memory_space<semaphore_mem>>) src(%dma_wait3A_156 : memref<2x104x128xf32, #tpu.memory_space<vmem>>) dst(%dma_wait3A_152 : memref<2x104x128xf32, #tpu.memory_space<hbm>>)
    %dma_wait3A_157 = arith.constant 0 : i32
    %dma_wait3A_158 = arith.constant 0 : i32
    %dma_wait3A_159 = arith.constant 0 : i32
    %dma_wait3A_160 = tpu.memref_slice %arg14[%dma_wait3A_157, %dma_wait3A_158, %dma_wait3A_159] : memref<2x104x128xf32, #tpu.memory_space<vmem>> -> memref<2x104x128xf32, #tpu.memory_space<vmem>>
    %dma_wait3A_161 = arith.constant 126 : i32
    %dma_wait3A_162 = arith.constant 96 : i32
    %dma_wait3A_163 = tpu.memref_slice %arg7[%dma_wait3A_161, %dma_wait3A_162, %mul3A_2] : memref<192x200x4096xf32, #tpu.memory_space<hbm>> -> memref<2x104x128xf32, #tpu.memory_space<hbm>>
    %dma_wait3A_164 = arith.constant 126 : i32
    %dma_wait3A_165 = arith.constant 96 : i32
    %dma_wait3A_166 = tpu.memref_slice %arg7[%dma_wait3A_164, %dma_wait3A_165, %mul3A_2] : memref<192x200x4096xf32, #tpu.memory_space<hbm>> -> memref<2x104x128xf32, #tpu.memory_space<hbm>>
    %dma_wait3A_167 = arith.constant 0 : i32
    %dma_wait3A_168 = arith.constant 0 : i32
    %dma_wait3A_169 = arith.constant 0 : i32
    %dma_wait3A_170 = tpu.memref_slice %arg14[%dma_wait3A_167, %dma_wait3A_168, %dma_wait3A_169] : memref<2x104x128xf32, #tpu.memory_space<vmem>> -> memref<2x104x128xf32, #tpu.memory_space<vmem>>
    tpu.wait_dma2 semaphore(%arg16 : memref<!tpu.dma_semaphore, #tpu.memory_space<semaphore_mem>>) src(%dma_wait3A_170 : memref<2x104x128xf32, #tpu.memory_space<vmem>>) dst(%dma_wait3A_166 : memref<2x104x128xf32, #tpu.memory_space<hbm>>)
    %scan3A_171 = arith.constant 0 : i32
    %scan3A_172 = arith.constant 0 : i32
    %scan3A_173 = arith.constant 16 : i32
    %scan3A_174 = arith.addi %scan3A_172, %scan3A_173 : i32
    %scan3A_175 = arith.constant 1 : i32
    scf.for %scan3A_205 = %scan3A_172 to %scan3A_174 step %scan3A_175  : i32 {
      %mul3A_206 = arith.constant 2 : i32
      %mul3A_207 = arith.muli %scan3A_205, %mul3A_206 : i32
      %add3A_208 = arith.constant 0 : i32
      %add3A_209 = arith.addi %mul3A_207, %add3A_208 : i32
      %mul3A_210 = arith.constant 2 : i32
      %mul3A_211 = arith.muli %add3A_209, %mul3A_210 : i32
      %add3A_212 = arith.constant 128 : i32
      %add3A_213 = arith.addi %add3A_212, %mul3A_211 : i32
      %ge3A = arith.constant 2 : i32
      %ge3A_214 = arith.cmpi sge, %add3A_209, %ge3A : i32
      %convert_element_type3A = arith.extui %ge3A_214 : i1 to i32
      %cond3A = arith.constant 0 : i32
      %cond3A_215 = arith.cmpi ne, %convert_element_type3A, %cond3A : i32
      scf.if %cond3A_215 {
        %sub3A_267 = arith.constant 4 : i32
        %sub3A_268 = arith.subi %add3A_213, %sub3A_267 : i32
        %dma_wait3A_269 = arith.constant 0 : i32
        %dma_wait3A_270 = arith.constant 0 : i32
        %dma_wait3A_271 = arith.constant 0 : i32
        %dma_wait3A_272 = tpu.memref_slice %arg13[%dma_wait3A_269, %dma_wait3A_270, %dma_wait3A_271] : memref<2x104x128xf32, #tpu.memory_space<vmem>> -> memref<2x104x128xf32, #tpu.memory_space<vmem>>
        %dma_wait3A_273 = arith.constant 96 : i32
        %dma_wait3A_274 = tpu.memref_slice %arg7[%sub3A_268, %dma_wait3A_273, %mul3A_2] : memref<192x200x4096xf32, #tpu.memory_space<hbm>> -> memref<2x104x128xf32, #tpu.memory_space<hbm>>
        %dma_wait3A_275 = arith.constant 96 : i32
        %dma_wait3A_276 = tpu.memref_slice %arg7[%sub3A_268, %dma_wait3A_275, %mul3A_2] : memref<192x200x4096xf32, #tpu.memory_space<hbm>> -> memref<2x104x128xf32, #tpu.memory_space<hbm>>
        %dma_wait3A_277 = arith.constant 0 : i32
        %dma_wait3A_278 = arith.constant 0 : i32
        %dma_wait3A_279 = arith.constant 0 : i32
        %dma_wait3A_280 = tpu.memref_slice %arg13[%dma_wait3A_277, %dma_wait3A_278, %dma_wait3A_279] : memref<2x104x128xf32, #tpu.memory_space<vmem>> -> memref<2x104x128xf32, #tpu.memory_space<vmem>>
        tpu.wait_dma2 semaphore(%arg15 : memref<!tpu.dma_semaphore, #tpu.memory_space<semaphore_mem>>) src(%dma_wait3A_280 : memref<2x104x128xf32, #tpu.memory_space<vmem>>) dst(%dma_wait3A_276 : memref<2x104x128xf32, #tpu.memory_space<hbm>>)
      } else {
      }
      %sub3A = arith.constant 128 : i32
      %sub3A_216 = arith.subi %add3A_213, %sub3A : i32
      %scan3A_217 = arith.constant 0 : i32
      %scan3A_218 = arith.constant 0 : i32
      %scan3A_219 = arith.constant 104 : i32
      %scan3A_220 = arith.addi %scan3A_218, %scan3A_219 : i32
      %scan3A_221 = arith.constant 1 : i32
      scf.for %scan3A_267 = %scan3A_218 to %scan3A_220 step %scan3A_221  : i32 {
        %get3A = arith.index_cast %scan3A_267 : i32 to index
        %get3A_268 = arith.constant 0 : index
        %get3A_269 = tpu.vector_load %arg12[%get3A, %get3A_268] {strides = array<i32>} : memref<104x128xi32, #tpu.memory_space<vmem>>, vector<16xi32>,
        %get3A_270 = arith.index_cast %scan3A_267 : i32 to index
        %get3A_271 = arith.constant 16 : index
        %get3A_272 = tpu.vector_load %arg12[%get3A_270, %get3A_271] {strides = array<i32>} : memref<104x128xi32, #tpu.memory_space<vmem>>, vector<16xi32>,
        %get3A_273 = arith.index_cast %scan3A_267 : i32 to index
        %get3A_274 = arith.constant 32 : index
        %get3A_275 = tpu.vector_load %arg12[%get3A_273, %get3A_274] {strides = array<i32>} : memref<104x128xi32, #tpu.memory_space<vmem>>, vector<16xi32>,
        %get3A_276 = arith.index_cast %scan3A_267 : i32 to index
        %get3A_277 = arith.constant 48 : index
        %get3A_278 = tpu.vector_load %arg12[%get3A_276, %get3A_277] {strides = array<i32>} : memref<104x128xi32, #tpu.memory_space<vmem>>, vector<16xi32>,
        %get3A_279 = arith.index_cast %scan3A_267 : i32 to index
        %get3A_280 = arith.constant 64 : index
        %get3A_281 = tpu.vector_load %arg12[%get3A_279, %get3A_280] {strides = array<i32>} : memref<104x128xi32, #tpu.memory_space<vmem>>, vector<16xi32>,
        %get3A_282 = arith.index_cast %scan3A_267 : i32 to index
        %get3A_283 = arith.constant 80 : index
        %get3A_284 = tpu.vector_load %arg12[%get3A_282, %get3A_283] {strides = array<i32>} : memref<104x128xi32, #tpu.memory_space<vmem>>, vector<16xi32>,
        %get3A_285 = arith.index_cast %scan3A_267 : i32 to index
        %get3A_286 = arith.constant 96 : index
        %get3A_287 = tpu.vector_load %arg12[%get3A_285, %get3A_286] {strides = array<i32>} : memref<104x128xi32, #tpu.memory_space<vmem>>, vector<16xi32>,
        %get3A_288 = arith.index_cast %scan3A_267 : i32 to index
        %get3A_289 = arith.constant 112 : index
        %get3A_290 = tpu.vector_load %arg12[%get3A_288, %get3A_289] {strides = array<i32>} : memref<104x128xi32, #tpu.memory_space<vmem>>, vector<16xi32>,
        %add3A_291 = arith.constant 0 : i32
        %add3A_292 = arith.addi %sub3A_216, %add3A_291 : i32
        %mul3A_293 = arith.constant 128 : i32
        %mul3A_294 = arith.muli %add3A_292, %mul3A_293 : i32
        %add3A_295 = arith.constant 6400 : i32
        %add3A_296 = arith.addi %add3A_295, %mul3A_294 : i32
        %add3A_297 = vector.broadcast %add3A_296 : i32 to vector<16xi32>
        %add3A_298 = arith.addi %get3A_269, %add3A_297 : vector<16xi32>
        %gather3A = tpu.vector_load_idx %arg8[%add3A_298] : memref<14592xf32, #tpu.memory_space<vmem>>[vector<16xi32>], vector<16xf32>,
        %add3A_299 = vector.broadcast %add3A_296 : i32 to vector<16xi32>
        %add3A_300 = arith.addi %get3A_272, %add3A_299 : vector<16xi32>
        %gather3A_301 = tpu.vector_load_idx %arg8[%add3A_300] : memref<14592xf32, #tpu.memory_space<vmem>>[vector<16xi32>], vector<16xf32>,
        %add3A_302 = vector.broadcast %add3A_296 : i32 to vector<16xi32>
        %add3A_303 = arith.addi %get3A_275, %add3A_302 : vector<16xi32>
        %gather3A_304 = tpu.vector_load_idx %arg8[%add3A_303] : memref<14592xf32, #tpu.memory_space<vmem>>[vector<16xi32>], vector<16xf32>,
        %add3A_305 = vector.broadcast %add3A_296 : i32 to vector<16xi32>
        %add3A_306 = arith.addi %get3A_278, %add3A_305 : vector<16xi32>
        %gather3A_307 = tpu.vector_load_idx %arg8[%add3A_306] : memref<14592xf32, #tpu.memory_space<vmem>>[vector<16xi32>], vector<16xf32>,
        %add3A_308 = vector.broadcast %add3A_296 : i32 to vector<16xi32>
        %add3A_309 = arith.addi %get3A_281, %add3A_308 : vector<16xi32>
        %gather3A_310 = tpu.vector_load_idx %arg8[%add3A_309] : memref<14592xf32, #tpu.memory_space<vmem>>[vector<16xi32>], vector<16xf32>,
        %add3A_311 = vector.broadcast %add3A_296 : i32 to vector<16xi32>
        %add3A_312 = arith.addi %get3A_284, %add3A_311 : vector<16xi32>
        %gather3A_313 = tpu.vector_load_idx %arg8[%add3A_312] : memref<14592xf32, #tpu.memory_space<vmem>>[vector<16xi32>], vector<16xf32>,
        %add3A_314 = vector.broadcast %add3A_296 : i32 to vector<16xi32>
        %add3A_315 = arith.addi %get3A_287, %add3A_314 : vector<16xi32>
        %gather3A_316 = tpu.vector_load_idx %arg8[%add3A_315] : memref<14592xf32, #tpu.memory_space<vmem>>[vector<16xi32>], vector<16xf32>,
        %add3A_317 = vector.broadcast %add3A_296 : i32 to vector<16xi32>
        %add3A_318 = arith.addi %get3A_290, %add3A_317 : vector<16xi32>
        %gather3A_319 = tpu.vector_load_idx %arg8[%add3A_318] : memref<14592xf32, #tpu.memory_space<vmem>>[vector<16xi32>], vector<16xf32>,
        %add3A_320 = arith.constant 1 : i32
        %add3A_321 = arith.addi %sub3A_216, %add3A_320 : i32
        %mul3A_322 = arith.constant 128 : i32
        %mul3A_323 = arith.muli %add3A_321, %mul3A_322 : i32
        %add3A_324 = arith.constant 6400 : i32
        %add3A_325 = arith.addi %add3A_324, %mul3A_323 : i32
        %add3A_326 = vector.broadcast %add3A_325 : i32 to vector<16xi32>
        %add3A_327 = arith.addi %get3A_269, %add3A_326 : vector<16xi32>
        %gather3A_328 = tpu.vector_load_idx %arg8[%add3A_327] : memref<14592xf32, #tpu.memory_space<vmem>>[vector<16xi32>], vector<16xf32>,
        %add3A_329 = vector.broadcast %add3A_325 : i32 to vector<16xi32>
        %add3A_330 = arith.addi %get3A_272, %add3A_329 : vector<16xi32>
        %gather3A_331 = tpu.vector_load_idx %arg8[%add3A_330] : memref<14592xf32, #tpu.memory_space<vmem>>[vector<16xi32>], vector<16xf32>,
        %add3A_332 = vector.broadcast %add3A_325 : i32 to vector<16xi32>
        %add3A_333 = arith.addi %get3A_275, %add3A_332 : vector<16xi32>
        %gather3A_334 = tpu.vector_load_idx %arg8[%add3A_333] : memref<14592xf32, #tpu.memory_space<vmem>>[vector<16xi32>], vector<16xf32>,
        %add3A_335 = vector.broadcast %add3A_325 : i32 to vector<16xi32>
        %add3A_336 = arith.addi %get3A_278, %add3A_335 : vector<16xi32>
        %gather3A_337 = tpu.vector_load_idx %arg8[%add3A_336] : memref<14592xf32, #tpu.memory_space<vmem>>[vector<16xi32>], vector<16xf32>,
        %add3A_338 = vector.broadcast %add3A_325 : i32 to vector<16xi32>
        %add3A_339 = arith.addi %get3A_281, %add3A_338 : vector<16xi32>
        %gather3A_340 = tpu.vector_load_idx %arg8[%add3A_339] : memref<14592xf32, #tpu.memory_space<vmem>>[vector<16xi32>], vector<16xf32>,
        %add3A_341 = vector.broadcast %add3A_325 : i32 to vector<16xi32>
        %add3A_342 = arith.addi %get3A_284, %add3A_341 : vector<16xi32>
        %gather3A_343 = tpu.vector_load_idx %arg8[%add3A_342] : memref<14592xf32, #tpu.memory_space<vmem>>[vector<16xi32>], vector<16xf32>,
        %add3A_344 = vector.broadcast %add3A_325 : i32 to vector<16xi32>
        %add3A_345 = arith.addi %get3A_287, %add3A_344 : vector<16xi32>
        %gather3A_346 = tpu.vector_load_idx %arg8[%add3A_345] : memref<14592xf32, #tpu.memory_space<vmem>>[vector<16xi32>], vector<16xf32>,
        %add3A_347 = vector.broadcast %add3A_325 : i32 to vector<16xi32>
        %add3A_348 = arith.addi %get3A_290, %add3A_347 : vector<16xi32>
        %gather3A_349 = tpu.vector_load_idx %arg8[%add3A_348] : memref<14592xf32, #tpu.memory_space<vmem>>[vector<16xi32>], vector<16xf32>,
        %swap3A = arith.constant 0 : i32
        %swap3A_350 = arith.index_cast %swap3A : i32 to index
        %swap3A_351 = arith.index_cast %scan3A_267 : i32 to index
        %swap3A_352 = arith.constant 0 : index
        %swap3A_353 = tpu.vector_load %arg13[%swap3A_350, %swap3A_351, %swap3A_352] {strides = array<i32>} : memref<2x104x128xf32, #tpu.memory_space<vmem>>, vector<16xf32>,
        tpu.vector_store %arg13[%swap3A_350, %swap3A_351, %swap3A_352], %gather3A {strides = array<i32>} : memref<2x104x128xf32, #tpu.memory_space<vmem>>, vector<16xf32>,
        %swap3A_354 = arith.constant 0 : i32
        %swap3A_355 = arith.index_cast %swap3A_354 : i32 to index
        %swap3A_356 = arith.index_cast %scan3A_267 : i32 to index
        %swap3A_357 = arith.constant 16 : index
        %swap3A_358 = tpu.vector_load %arg13[%swap3A_355, %swap3A_356, %swap3A_357] {strides = array<i32>} : memref<2x104x128xf32, #tpu.memory_space<vmem>>, vector<16xf32>,
        tpu.vector_store %arg13[%swap3A_355, %swap3A_356, %swap3A_357], %gather3A_301 {strides = array<i32>} : memref<2x104x128xf32, #tpu.memory_space<vmem>>, vector<16xf32>,
        %swap3A_359 = arith.constant 0 : i32
        %swap3A_360 = arith.index_cast %swap3A_359 : i32 to index
        %swap3A_361 = arith.index_cast %scan3A_267 : i32 to index
        %swap3A_362 = arith.constant 32 : index
        %swap3A_363 = tpu.vector_load %arg13[%swap3A_360, %swap3A_361, %swap3A_362] {strides = array<i32>} : memref<2x104x128xf32, #tpu.memory_space<vmem>>, vector<16xf32>,
        tpu.vector_store %arg13[%swap3A_360, %swap3A_361, %swap3A_362], %gather3A_304 {strides = array<i32>} : memref<2x104x128xf32, #tpu.memory_space<vmem>>, vector<16xf32>,
        %swap3A_364 = arith.constant 0 : i32
        %swap3A_365 = arith.index_cast %swap3A_364 : i32 to index
        %swap3A_366 = arith.index_cast %scan3A_267 : i32 to index
        %swap3A_367 = arith.constant 48 : index
        %swap3A_368 = tpu.vector_load %arg13[%swap3A_365, %swap3A_366, %swap3A_367] {strides = array<i32>} : memref<2x104x128xf32, #tpu.memory_space<vmem>>, vector<16xf32>,
        tpu.vector_store %arg13[%swap3A_365, %swap3A_366, %swap3A_367], %gather3A_307 {strides = array<i32>} : memref<2x104x128xf32, #tpu.memory_space<vmem>>, vector<16xf32>,
        %swap3A_369 = arith.constant 0 : i32
        %swap3A_370 = arith.index_cast %swap3A_369 : i32 to index
        %swap3A_371 = arith.index_cast %scan3A_267 : i32 to index
        %swap3A_372 = arith.constant 64 : index
        %swap3A_373 = tpu.vector_load %arg13[%swap3A_370, %swap3A_371, %swap3A_372] {strides = array<i32>} : memref<2x104x128xf32, #tpu.memory_space<vmem>>, vector<16xf32>,
        tpu.vector_store %arg13[%swap3A_370, %swap3A_371, %swap3A_372], %gather3A_310 {strides = array<i32>} : memref<2x104x128xf32, #tpu.memory_space<vmem>>, vector<16xf32>,
        %swap3A_374 = arith.constant 0 : i32
        %swap3A_375 = arith.index_cast %swap3A_374 : i32 to index
        %swap3A_376 = arith.index_cast %scan3A_267 : i32 to index
        %swap3A_377 = arith.constant 80 : index
        %swap3A_378 = tpu.vector_load %arg13[%swap3A_375, %swap3A_376, %swap3A_377] {strides = array<i32>} : memref<2x104x128xf32, #tpu.memory_space<vmem>>, vector<16xf32>,
        tpu.vector_store %arg13[%swap3A_375, %swap3A_376, %swap3A_377], %gather3A_313 {strides = array<i32>} : memref<2x104x128xf32, #tpu.memory_space<vmem>>, vector<16xf32>,
        %swap3A_379 = arith.constant 0 : i32
        %swap3A_380 = arith.index_cast %swap3A_379 : i32 to index
        %swap3A_381 = arith.index_cast %scan3A_267 : i32 to index
        %swap3A_382 = arith.constant 96 : index
        %swap3A_383 = tpu.vector_load %arg13[%swap3A_380, %swap3A_381, %swap3A_382] {strides = array<i32>} : memref<2x104x128xf32, #tpu.memory_space<vmem>>, vector<16xf32>,
        tpu.vector_store %arg13[%swap3A_380, %swap3A_381, %swap3A_382], %gather3A_316 {strides = array<i32>} : memref<2x104x128xf32, #tpu.memory_space<vmem>>, vector<16xf32>,
        %swap3A_384 = arith.constant 0 : i32
        %swap3A_385 = arith.index_cast %swap3A_384 : i32 to index
        %swap3A_386 = arith.index_cast %scan3A_267 : i32 to index
        %swap3A_387 = arith.constant 112 : index
        %swap3A_388 = tpu.vector_load %arg13[%swap3A_385, %swap3A_386, %swap3A_387] {strides = array<i32>} : memref<2x104x128xf32, #tpu.memory_space<vmem>>, vector<16xf32>,
        tpu.vector_store %arg13[%swap3A_385, %swap3A_386, %swap3A_387], %gather3A_319 {strides = array<i32>} : memref<2x104x128xf32, #tpu.memory_space<vmem>>, vector<16xf32>,
        %swap3A_389 = arith.constant 1 : i32
        %swap3A_390 = arith.index_cast %swap3A_389 : i32 to index
        %swap3A_391 = arith.index_cast %scan3A_267 : i32 to index
        %swap3A_392 = arith.constant 0 : index
        %swap3A_393 = tpu.vector_load %arg13[%swap3A_390, %swap3A_391, %swap3A_392] {strides = array<i32>} : memref<2x104x128xf32, #tpu.memory_space<vmem>>, vector<16xf32>,
        tpu.vector_store %arg13[%swap3A_390, %swap3A_391, %swap3A_392], %gather3A_328 {strides = array<i32>} : memref<2x104x128xf32, #tpu.memory_space<vmem>>, vector<16xf32>,
        %swap3A_394 = arith.constant 1 : i32
        %swap3A_395 = arith.index_cast %swap3A_394 : i32 to index
        %swap3A_396 = arith.index_cast %scan3A_267 : i32 to index
        %swap3A_397 = arith.constant 16 : index
        %swap3A_398 = tpu.vector_load %arg13[%swap3A_395, %swap3A_396, %swap3A_397] {strides = array<i32>} : memref<2x104x128xf32, #tpu.memory_space<vmem>>, vector<16xf32>,
        tpu.vector_store %arg13[%swap3A_395, %swap3A_396, %swap3A_397], %gather3A_331 {strides = array<i32>} : memref<2x104x128xf32, #tpu.memory_space<vmem>>, vector<16xf32>,
        %swap3A_399 = arith.constant 1 : i32
        %swap3A_400 = arith.index_cast %swap3A_399 : i32 to index
        %swap3A_401 = arith.index_cast %scan3A_267 : i32 to index
        %swap3A_402 = arith.constant 32 : index
        %swap3A_403 = tpu.vector_load %arg13[%swap3A_400, %swap3A_401, %swap3A_402] {strides = array<i32>} : memref<2x104x128xf32, #tpu.memory_space<vmem>>, vector<16xf32>,
        tpu.vector_store %arg13[%swap3A_400, %swap3A_401, %swap3A_402], %gather3A_334 {strides = array<i32>} : memref<2x104x128xf32, #tpu.memory_space<vmem>>, vector<16xf32>,
        %swap3A_404 = arith.constant 1 : i32
        %swap3A_405 = arith.index_cast %swap3A_404 : i32 to index
        %swap3A_406 = arith.index_cast %scan3A_267 : i32 to index
        %swap3A_407 = arith.constant 48 : index
        %swap3A_408 = tpu.vector_load %arg13[%swap3A_405, %swap3A_406, %swap3A_407] {strides = array<i32>} : memref<2x104x128xf32, #tpu.memory_space<vmem>>, vector<16xf32>,
        tpu.vector_store %arg13[%swap3A_405, %swap3A_406, %swap3A_407], %gather3A_337 {strides = array<i32>} : memref<2x104x128xf32, #tpu.memory_space<vmem>>, vector<16xf32>,
        %swap3A_409 = arith.constant 1 : i32
        %swap3A_410 = arith.index_cast %swap3A_409 : i32 to index
        %swap3A_411 = arith.index_cast %scan3A_267 : i32 to index
        %swap3A_412 = arith.constant 64 : index
        %swap3A_413 = tpu.vector_load %arg13[%swap3A_410, %swap3A_411, %swap3A_412] {strides = array<i32>} : memref<2x104x128xf32, #tpu.memory_space<vmem>>, vector<16xf32>,
        tpu.vector_store %arg13[%swap3A_410, %swap3A_411, %swap3A_412], %gather3A_340 {strides = array<i32>} : memref<2x104x128xf32, #tpu.memory_space<vmem>>, vector<16xf32>,
        %swap3A_414 = arith.constant 1 : i32
        %swap3A_415 = arith.index_cast %swap3A_414 : i32 to index
        %swap3A_416 = arith.index_cast %scan3A_267 : i32 to index
        %swap3A_417 = arith.constant 80 : index
        %swap3A_418 = tpu.vector_load %arg13[%swap3A_415, %swap3A_416, %swap3A_417] {strides = array<i32>} : memref<2x104x128xf32, #tpu.memory_space<vmem>>, vector<16xf32>,
        tpu.vector_store %arg13[%swap3A_415, %swap3A_416, %swap3A_417], %gather3A_343 {strides = array<i32>} : memref<2x104x128xf32, #tpu.memory_space<vmem>>, vector<16xf32>,
        %swap3A_419 = arith.constant 1 : i32
        %swap3A_420 = arith.index_cast %swap3A_419 : i32 to index
        %swap3A_421 = arith.index_cast %scan3A_267 : i32 to index
        %swap3A_422 = arith.constant 96 : index
        %swap3A_423 = tpu.vector_load %arg13[%swap3A_420, %swap3A_421, %swap3A_422] {strides = array<i32>} : memref<2x104x128xf32, #tpu.memory_space<vmem>>, vector<16xf32>,
        tpu.vector_store %arg13[%swap3A_420, %swap3A_421, %swap3A_422], %gather3A_346 {strides = array<i32>} : memref<2x104x128xf32, #tpu.memory_space<vmem>>, vector<16xf32>,
        %swap3A_424 = arith.constant 1 : i32
        %swap3A_425 = arith.index_cast %swap3A_424 : i32 to index
        %swap3A_426 = arith.index_cast %scan3A_267 : i32 to index
        %swap3A_427 = arith.constant 112 : index
        %swap3A_428 = tpu.vector_load %arg13[%swap3A_425, %swap3A_426, %swap3A_427] {strides = array<i32>} : memref<2x104x128xf32, #tpu.memory_space<vmem>>, vector<16xf32>,
        tpu.vector_store %arg13[%swap3A_425, %swap3A_426, %swap3A_427], %gather3A_349 {strides = array<i32>} : memref<2x104x128xf32, #tpu.memory_space<vmem>>, vector<16xf32>,
      }
      %scan3A_222 = arith.constant 104 : i32
      %dma_start3A = arith.constant 0 : i32
      %dma_start3A_223 = arith.constant 0 : i32
      %dma_start3A_224 = arith.constant 0 : i32
      %dma_start3A_225 = tpu.memref_slice %arg13[%dma_start3A, %dma_start3A_223, %dma_start3A_224] : memref<2x104x128xf32, #tpu.memory_space<vmem>> -> memref<2x104x128xf32, #tpu.memory_space<vmem>>
      %dma_start3A_226 = arith.constant 96 : i32
      %dma_start3A_227 = tpu.memref_slice %arg7[%add3A_213, %dma_start3A_226, %mul3A_2] : memref<192x200x4096xf32, #tpu.memory_space<hbm>> -> memref<2x104x128xf32, #tpu.memory_space<hbm>>
      %dma_start3A_228 = arith.constant 96 : i32
      %dma_start3A_229 = tpu.memref_slice %arg7[%add3A_213, %dma_start3A_228, %mul3A_2] : memref<192x200x4096xf32, #tpu.memory_space<hbm>> -> memref<2x104x128xf32, #tpu.memory_space<hbm>>
      %dma_start3A_230 = arith.constant 0 : i32
      %dma_start3A_231 = arith.constant 0 : i32
      %dma_start3A_232 = arith.constant 0 : i32
      %dma_start3A_233 = tpu.memref_slice %arg13[%dma_start3A_230, %dma_start3A_231, %dma_start3A_232] : memref<2x104x128xf32, #tpu.memory_space<vmem>> -> memref<2x104x128xf32, #tpu.memory_space<vmem>>
      tpu.enqueue_dma source(%dma_start3A_233 : memref<2x104x128xf32, #tpu.memory_space<vmem>>) target(%dma_start3A_229 : memref<2x104x128xf32, #tpu.memory_space<hbm>>) target_semaphore(%arg15 : memref<!tpu.dma_semaphore, #tpu.memory_space<semaphore_mem>>)
      %mul3A_234 = arith.constant 2 : i32
      %mul3A_235 = arith.muli %scan3A_205, %mul3A_234 : i32
      %add3A_236 = arith.constant 1 : i32
      %add3A_237 = arith.addi %mul3A_235, %add3A_236 : i32
      %mul3A_238 = arith.constant 2 : i32
      %mul3A_239 = arith.muli %add3A_237, %mul3A_238 : i32
      %add3A_240 = arith.constant 128 : i32
      %add3A_241 = arith.addi %add3A_240, %mul3A_239 : i32
      %ge3A_242 = arith.constant 2 : i32
      %ge3A_243 = arith.cmpi sge, %add3A_237, %ge3A_242 : i32
      %convert_element_type3A_244 = arith.extui %ge3A_243 : i1 to i32
      %cond3A_245 = arith.constant 0 : i32
      %cond3A_246 = arith.cmpi ne, %convert_element_type3A_244, %cond3A_245 : i32
      scf.if %cond3A_246 {
        %sub3A_267 = arith.constant 4 : i32
        %sub3A_268 = arith.subi %add3A_241, %sub3A_267 : i32
        %dma_wait3A_269 = arith.constant 0 : i32
        %dma_wait3A_270 = arith.constant 0 : i32
        %dma_wait3A_271 = arith.constant 0 : i32
        %dma_wait3A_272 = tpu.memref_slice %arg14[%dma_wait3A_269, %dma_wait3A_270, %dma_wait3A_271] : memref<2x104x128xf32, #tpu.memory_space<vmem>> -> memref<2x104x128xf32, #tpu.memory_space<vmem>>
        %dma_wait3A_273 = arith.constant 96 : i32
        %dma_wait3A_274 = tpu.memref_slice %arg7[%sub3A_268, %dma_wait3A_273, %mul3A_2] : memref<192x200x4096xf32, #tpu.memory_space<hbm>> -> memref<2x104x128xf32, #tpu.memory_space<hbm>>
        %dma_wait3A_275 = arith.constant 96 : i32
        %dma_wait3A_276 = tpu.memref_slice %arg7[%sub3A_268, %dma_wait3A_275, %mul3A_2] : memref<192x200x4096xf32, #tpu.memory_space<hbm>> -> memref<2x104x128xf32, #tpu.memory_space<hbm>>
        %dma_wait3A_277 = arith.constant 0 : i32
        %dma_wait3A_278 = arith.constant 0 : i32
        %dma_wait3A_279 = arith.constant 0 : i32
        %dma_wait3A_280 = tpu.memref_slice %arg14[%dma_wait3A_277, %dma_wait3A_278, %dma_wait3A_279] : memref<2x104x128xf32, #tpu.memory_space<vmem>> -> memref<2x104x128xf32, #tpu.memory_space<vmem>>
        tpu.wait_dma2 semaphore(%arg16 : memref<!tpu.dma_semaphore, #tpu.memory_space<semaphore_mem>>) src(%dma_wait3A_280 : memref<2x104x128xf32, #tpu.memory_space<vmem>>) dst(%dma_wait3A_276 : memref<2x104x128xf32, #tpu.memory_space<hbm>>)
      } else {
      }
      %sub3A_247 = arith.constant 128 : i32
      %sub3A_248 = arith.subi %add3A_241, %sub3A_247 : i32
      %scan3A_249 = arith.constant 0 : i32
      %scan3A_250 = arith.constant 0 : i32
      %scan3A_251 = arith.constant 104 : i32
      %scan3A_252 = arith.addi %scan3A_250, %scan3A_251 : i32
      %scan3A_253 = arith.constant 1 : i32
      scf.for %scan3A_267 = %scan3A_250 to %scan3A_252 step %scan3A_253  : i32 {
        %get3A = arith.index_cast %scan3A_267 : i32 to index
        %get3A_268 = arith.constant 0 : index
        %get3A_269 = tpu.vector_load %arg12[%get3A, %get3A_268] {strides = array<i32>} : memref<104x128xi32, #tpu.memory_space<vmem>>, vector<16xi32>,
        %get3A_270 = arith.index_cast %scan3A_267 : i32 to index
        %get3A_271 = arith.constant 16 : index
        %get3A_272 = tpu.vector_load %arg12[%get3A_270, %get3A_271] {strides = array<i32>} : memref<104x128xi32, #tpu.memory_space<vmem>>, vector<16xi32>,
        %get3A_273 = arith.index_cast %scan3A_267 : i32 to index
        %get3A_274 = arith.constant 32 : index
        %get3A_275 = tpu.vector_load %arg12[%get3A_273, %get3A_274] {strides = array<i32>} : memref<104x128xi32, #tpu.memory_space<vmem>>, vector<16xi32>,
        %get3A_276 = arith.index_cast %scan3A_267 : i32 to index
        %get3A_277 = arith.constant 48 : index
        %get3A_278 = tpu.vector_load %arg12[%get3A_276, %get3A_277] {strides = array<i32>} : memref<104x128xi32, #tpu.memory_space<vmem>>, vector<16xi32>,
        %get3A_279 = arith.index_cast %scan3A_267 : i32 to index
        %get3A_280 = arith.constant 64 : index
        %get3A_281 = tpu.vector_load %arg12[%get3A_279, %get3A_280] {strides = array<i32>} : memref<104x128xi32, #tpu.memory_space<vmem>>, vector<16xi32>,
        %get3A_282 = arith.index_cast %scan3A_267 : i32 to index
        %get3A_283 = arith.constant 80 : index
        %get3A_284 = tpu.vector_load %arg12[%get3A_282, %get3A_283] {strides = array<i32>} : memref<104x128xi32, #tpu.memory_space<vmem>>, vector<16xi32>,
        %get3A_285 = arith.index_cast %scan3A_267 : i32 to index
        %get3A_286 = arith.constant 96 : index
        %get3A_287 = tpu.vector_load %arg12[%get3A_285, %get3A_286] {strides = array<i32>} : memref<104x128xi32, #tpu.memory_space<vmem>>, vector<16xi32>,
        %get3A_288 = arith.index_cast %scan3A_267 : i32 to index
        %get3A_289 = arith.constant 112 : index
        %get3A_290 = tpu.vector_load %arg12[%get3A_288, %get3A_289] {strides = array<i32>} : memref<104x128xi32, #tpu.memory_space<vmem>>, vector<16xi32>,
        %add3A_291 = arith.constant 0 : i32
        %add3A_292 = arith.addi %sub3A_248, %add3A_291 : i32
        %mul3A_293 = arith.constant 128 : i32
        %mul3A_294 = arith.muli %add3A_292, %mul3A_293 : i32
        %add3A_295 = arith.constant 6400 : i32
        %add3A_296 = arith.addi %add3A_295, %mul3A_294 : i32
        %add3A_297 = vector.broadcast %add3A_296 : i32 to vector<16xi32>
        %add3A_298 = arith.addi %get3A_269, %add3A_297 : vector<16xi32>
        %gather3A = tpu.vector_load_idx %arg8[%add3A_298] : memref<14592xf32, #tpu.memory_space<vmem>>[vector<16xi32>], vector<16xf32>,
        %add3A_299 = vector.broadcast %add3A_296 : i32 to vector<16xi32>
        %add3A_300 = arith.addi %get3A_272, %add3A_299 : vector<16xi32>
        %gather3A_301 = tpu.vector_load_idx %arg8[%add3A_300] : memref<14592xf32, #tpu.memory_space<vmem>>[vector<16xi32>], vector<16xf32>,
        %add3A_302 = vector.broadcast %add3A_296 : i32 to vector<16xi32>
        %add3A_303 = arith.addi %get3A_275, %add3A_302 : vector<16xi32>
        %gather3A_304 = tpu.vector_load_idx %arg8[%add3A_303] : memref<14592xf32, #tpu.memory_space<vmem>>[vector<16xi32>], vector<16xf32>,
        %add3A_305 = vector.broadcast %add3A_296 : i32 to vector<16xi32>
        %add3A_306 = arith.addi %get3A_278, %add3A_305 : vector<16xi32>
        %gather3A_307 = tpu.vector_load_idx %arg8[%add3A_306] : memref<14592xf32, #tpu.memory_space<vmem>>[vector<16xi32>], vector<16xf32>,
        %add3A_308 = vector.broadcast %add3A_296 : i32 to vector<16xi32>
        %add3A_309 = arith.addi %get3A_281, %add3A_308 : vector<16xi32>
        %gather3A_310 = tpu.vector_load_idx %arg8[%add3A_309] : memref<14592xf32, #tpu.memory_space<vmem>>[vector<16xi32>], vector<16xf32>,
        %add3A_311 = vector.broadcast %add3A_296 : i32 to vector<16xi32>
        %add3A_312 = arith.addi %get3A_284, %add3A_311 : vector<16xi32>
        %gather3A_313 = tpu.vector_load_idx %arg8[%add3A_312] : memref<14592xf32, #tpu.memory_space<vmem>>[vector<16xi32>], vector<16xf32>,
        %add3A_314 = vector.broadcast %add3A_296 : i32 to vector<16xi32>
        %add3A_315 = arith.addi %get3A_287, %add3A_314 : vector<16xi32>
        %gather3A_316 = tpu.vector_load_idx %arg8[%add3A_315] : memref<14592xf32, #tpu.memory_space<vmem>>[vector<16xi32>], vector<16xf32>,
        %add3A_317 = vector.broadcast %add3A_296 : i32 to vector<16xi32>
        %add3A_318 = arith.addi %get3A_290, %add3A_317 : vector<16xi32>
        %gather3A_319 = tpu.vector_load_idx %arg8[%add3A_318] : memref<14592xf32, #tpu.memory_space<vmem>>[vector<16xi32>], vector<16xf32>,
        %add3A_320 = arith.constant 1 : i32
        %add3A_321 = arith.addi %sub3A_248, %add3A_320 : i32
        %mul3A_322 = arith.constant 128 : i32
        %mul3A_323 = arith.muli %add3A_321, %mul3A_322 : i32
        %add3A_324 = arith.constant 6400 : i32
        %add3A_325 = arith.addi %add3A_324, %mul3A_323 : i32
        %add3A_326 = vector.broadcast %add3A_325 : i32 to vector<16xi32>
        %add3A_327 = arith.addi %get3A_269, %add3A_326 : vector<16xi32>
        %gather3A_328 = tpu.vector_load_idx %arg8[%add3A_327] : memref<14592xf32, #tpu.memory_space<vmem>>[vector<16xi32>], vector<16xf32>,
        %add3A_329 = vector.broadcast %add3A_325 : i32 to vector<16xi32>
        %add3A_330 = arith.addi %get3A_272, %add3A_329 : vector<16xi32>
        %gather3A_331 = tpu.vector_load_idx %arg8[%add3A_330] : memref<14592xf32, #tpu.memory_space<vmem>>[vector<16xi32>], vector<16xf32>,
        %add3A_332 = vector.broadcast %add3A_325 : i32 to vector<16xi32>
        %add3A_333 = arith.addi %get3A_275, %add3A_332 : vector<16xi32>
        %gather3A_334 = tpu.vector_load_idx %arg8[%add3A_333] : memref<14592xf32, #tpu.memory_space<vmem>>[vector<16xi32>], vector<16xf32>,
        %add3A_335 = vector.broadcast %add3A_325 : i32 to vector<16xi32>
        %add3A_336 = arith.addi %get3A_278, %add3A_335 : vector<16xi32>
        %gather3A_337 = tpu.vector_load_idx %arg8[%add3A_336] : memref<14592xf32, #tpu.memory_space<vmem>>[vector<16xi32>], vector<16xf32>,
        %add3A_338 = vector.broadcast %add3A_325 : i32 to vector<16xi32>
        %add3A_339 = arith.addi %get3A_281, %add3A_338 : vector<16xi32>
        %gather3A_340 = tpu.vector_load_idx %arg8[%add3A_339] : memref<14592xf32, #tpu.memory_space<vmem>>[vector<16xi32>], vector<16xf32>,
        %add3A_341 = vector.broadcast %add3A_325 : i32 to vector<16xi32>
        %add3A_342 = arith.addi %get3A_284, %add3A_341 : vector<16xi32>
        %gather3A_343 = tpu.vector_load_idx %arg8[%add3A_342] : memref<14592xf32, #tpu.memory_space<vmem>>[vector<16xi32>], vector<16xf32>,
        %add3A_344 = vector.broadcast %add3A_325 : i32 to vector<16xi32>
        %add3A_345 = arith.addi %get3A_287, %add3A_344 : vector<16xi32>
        %gather3A_346 = tpu.vector_load_idx %arg8[%add3A_345] : memref<14592xf32, #tpu.memory_space<vmem>>[vector<16xi32>], vector<16xf32>,
        %add3A_347 = vector.broadcast %add3A_325 : i32 to vector<16xi32>
        %add3A_348 = arith.addi %get3A_290, %add3A_347 : vector<16xi32>
        %gather3A_349 = tpu.vector_load_idx %arg8[%add3A_348] : memref<14592xf32, #tpu.memory_space<vmem>>[vector<16xi32>], vector<16xf32>,
        %swap3A = arith.constant 0 : i32
        %swap3A_350 = arith.index_cast %swap3A : i32 to index
        %swap3A_351 = arith.index_cast %scan3A_267 : i32 to index
        %swap3A_352 = arith.constant 0 : index
        %swap3A_353 = tpu.vector_load %arg14[%swap3A_350, %swap3A_351, %swap3A_352] {strides = array<i32>} : memref<2x104x128xf32, #tpu.memory_space<vmem>>, vector<16xf32>,
        tpu.vector_store %arg14[%swap3A_350, %swap3A_351, %swap3A_352], %gather3A {strides = array<i32>} : memref<2x104x128xf32, #tpu.memory_space<vmem>>, vector<16xf32>,
        %swap3A_354 = arith.constant 0 : i32
        %swap3A_355 = arith.index_cast %swap3A_354 : i32 to index
        %swap3A_356 = arith.index_cast %scan3A_267 : i32 to index
        %swap3A_357 = arith.constant 16 : index
        %swap3A_358 = tpu.vector_load %arg14[%swap3A_355, %swap3A_356, %swap3A_357] {strides = array<i32>} : memref<2x104x128xf32, #tpu.memory_space<vmem>>, vector<16xf32>,
        tpu.vector_store %arg14[%swap3A_355, %swap3A_356, %swap3A_357], %gather3A_301 {strides = array<i32>} : memref<2x104x128xf32, #tpu.memory_space<vmem>>, vector<16xf32>,
        %swap3A_359 = arith.constant 0 : i32
        %swap3A_360 = arith.index_cast %swap3A_359 : i32 to index
        %swap3A_361 = arith.index_cast %scan3A_267 : i32 to index
        %swap3A_362 = arith.constant 32 : index
        %swap3A_363 = tpu.vector_load %arg14[%swap3A_360, %swap3A_361, %swap3A_362] {strides = array<i32>} : memref<2x104x128xf32, #tpu.memory_space<vmem>>, vector<16xf32>,
        tpu.vector_store %arg14[%swap3A_360, %swap3A_361, %swap3A_362], %gather3A_304 {strides = array<i32>} : memref<2x104x128xf32, #tpu.memory_space<vmem>>, vector<16xf32>,
        %swap3A_364 = arith.constant 0 : i32
        %swap3A_365 = arith.index_cast %swap3A_364 : i32 to index
        %swap3A_366 = arith.index_cast %scan3A_267 : i32 to index
        %swap3A_367 = arith.constant 48 : index
        %swap3A_368 = tpu.vector_load %arg14[%swap3A_365, %swap3A_366, %swap3A_367] {strides = array<i32>} : memref<2x104x128xf32, #tpu.memory_space<vmem>>, vector<16xf32>,
        tpu.vector_store %arg14[%swap3A_365, %swap3A_366, %swap3A_367], %gather3A_307 {strides = array<i32>} : memref<2x104x128xf32, #tpu.memory_space<vmem>>, vector<16xf32>,
        %swap3A_369 = arith.constant 0 : i32
        %swap3A_370 = arith.index_cast %swap3A_369 : i32 to index
        %swap3A_371 = arith.index_cast %scan3A_267 : i32 to index
        %swap3A_372 = arith.constant 64 : index
        %swap3A_373 = tpu.vector_load %arg14[%swap3A_370, %swap3A_371, %swap3A_372] {strides = array<i32>} : memref<2x104x128xf32, #tpu.memory_space<vmem>>, vector<16xf32>,
        tpu.vector_store %arg14[%swap3A_370, %swap3A_371, %swap3A_372], %gather3A_310 {strides = array<i32>} : memref<2x104x128xf32, #tpu.memory_space<vmem>>, vector<16xf32>,
        %swap3A_374 = arith.constant 0 : i32
        %swap3A_375 = arith.index_cast %swap3A_374 : i32 to index
        %swap3A_376 = arith.index_cast %scan3A_267 : i32 to index
        %swap3A_377 = arith.constant 80 : index
        %swap3A_378 = tpu.vector_load %arg14[%swap3A_375, %swap3A_376, %swap3A_377] {strides = array<i32>} : memref<2x104x128xf32, #tpu.memory_space<vmem>>, vector<16xf32>,
        tpu.vector_store %arg14[%swap3A_375, %swap3A_376, %swap3A_377], %gather3A_313 {strides = array<i32>} : memref<2x104x128xf32, #tpu.memory_space<vmem>>, vector<16xf32>,
        %swap3A_379 = arith.constant 0 : i32
        %swap3A_380 = arith.index_cast %swap3A_379 : i32 to index
        %swap3A_381 = arith.index_cast %scan3A_267 : i32 to index
        %swap3A_382 = arith.constant 96 : index
        %swap3A_383 = tpu.vector_load %arg14[%swap3A_380, %swap3A_381, %swap3A_382] {strides = array<i32>} : memref<2x104x128xf32, #tpu.memory_space<vmem>>, vector<16xf32>,
        tpu.vector_store %arg14[%swap3A_380, %swap3A_381, %swap3A_382], %gather3A_316 {strides = array<i32>} : memref<2x104x128xf32, #tpu.memory_space<vmem>>, vector<16xf32>,
        %swap3A_384 = arith.constant 0 : i32
        %swap3A_385 = arith.index_cast %swap3A_384 : i32 to index
        %swap3A_386 = arith.index_cast %scan3A_267 : i32 to index
        %swap3A_387 = arith.constant 112 : index
        %swap3A_388 = tpu.vector_load %arg14[%swap3A_385, %swap3A_386, %swap3A_387] {strides = array<i32>} : memref<2x104x128xf32, #tpu.memory_space<vmem>>, vector<16xf32>,
        tpu.vector_store %arg14[%swap3A_385, %swap3A_386, %swap3A_387], %gather3A_319 {strides = array<i32>} : memref<2x104x128xf32, #tpu.memory_space<vmem>>, vector<16xf32>,
        %swap3A_389 = arith.constant 1 : i32
        %swap3A_390 = arith.index_cast %swap3A_389 : i32 to index
        %swap3A_391 = arith.index_cast %scan3A_267 : i32 to index
        %swap3A_392 = arith.constant 0 : index
        %swap3A_393 = tpu.vector_load %arg14[%swap3A_390, %swap3A_391, %swap3A_392] {strides = array<i32>} : memref<2x104x128xf32, #tpu.memory_space<vmem>>, vector<16xf32>,
        tpu.vector_store %arg14[%swap3A_390, %swap3A_391, %swap3A_392], %gather3A_328 {strides = array<i32>} : memref<2x104x128xf32, #tpu.memory_space<vmem>>, vector<16xf32>,
        %swap3A_394 = arith.constant 1 : i32
        %swap3A_395 = arith.index_cast %swap3A_394 : i32 to index
        %swap3A_396 = arith.index_cast %scan3A_267 : i32 to index
        %swap3A_397 = arith.constant 16 : index
        %swap3A_398 = tpu.vector_load %arg14[%swap3A_395, %swap3A_396, %swap3A_397] {strides = array<i32>} : memref<2x104x128xf32, #tpu.memory_space<vmem>>, vector<16xf32>,
        tpu.vector_store %arg14[%swap3A_395, %swap3A_396, %swap3A_397], %gather3A_331 {strides = array<i32>} : memref<2x104x128xf32, #tpu.memory_space<vmem>>, vector<16xf32>,
        %swap3A_399 = arith.constant 1 : i32
        %swap3A_400 = arith.index_cast %swap3A_399 : i32 to index
        %swap3A_401 = arith.index_cast %scan3A_267 : i32 to index
        %swap3A_402 = arith.constant 32 : index
        %swap3A_403 = tpu.vector_load %arg14[%swap3A_400, %swap3A_401, %swap3A_402] {strides = array<i32>} : memref<2x104x128xf32, #tpu.memory_space<vmem>>, vector<16xf32>,
        tpu.vector_store %arg14[%swap3A_400, %swap3A_401, %swap3A_402], %gather3A_334 {strides = array<i32>} : memref<2x104x128xf32, #tpu.memory_space<vmem>>, vector<16xf32>,
        %swap3A_404 = arith.constant 1 : i32
        %swap3A_405 = arith.index_cast %swap3A_404 : i32 to index
        %swap3A_406 = arith.index_cast %scan3A_267 : i32 to index
        %swap3A_407 = arith.constant 48 : index
        %swap3A_408 = tpu.vector_load %arg14[%swap3A_405, %swap3A_406, %swap3A_407] {strides = array<i32>} : memref<2x104x128xf32, #tpu.memory_space<vmem>>, vector<16xf32>,
        tpu.vector_store %arg14[%swap3A_405, %swap3A_406, %swap3A_407], %gather3A_337 {strides = array<i32>} : memref<2x104x128xf32, #tpu.memory_space<vmem>>, vector<16xf32>,
        %swap3A_409 = arith.constant 1 : i32
        %swap3A_410 = arith.index_cast %swap3A_409 : i32 to index
        %swap3A_411 = arith.index_cast %scan3A_267 : i32 to index
        %swap3A_412 = arith.constant 64 : index
        %swap3A_413 = tpu.vector_load %arg14[%swap3A_410, %swap3A_411, %swap3A_412] {strides = array<i32>} : memref<2x104x128xf32, #tpu.memory_space<vmem>>, vector<16xf32>,
        tpu.vector_store %arg14[%swap3A_410, %swap3A_411, %swap3A_412], %gather3A_340 {strides = array<i32>} : memref<2x104x128xf32, #tpu.memory_space<vmem>>, vector<16xf32>,
        %swap3A_414 = arith.constant 1 : i32
        %swap3A_415 = arith.index_cast %swap3A_414 : i32 to index
        %swap3A_416 = arith.index_cast %scan3A_267 : i32 to index
        %swap3A_417 = arith.constant 80 : index
        %swap3A_418 = tpu.vector_load %arg14[%swap3A_415, %swap3A_416, %swap3A_417] {strides = array<i32>} : memref<2x104x128xf32, #tpu.memory_space<vmem>>, vector<16xf32>,
        tpu.vector_store %arg14[%swap3A_415, %swap3A_416, %swap3A_417], %gather3A_343 {strides = array<i32>} : memref<2x104x128xf32, #tpu.memory_space<vmem>>, vector<16xf32>,
        %swap3A_419 = arith.constant 1 : i32
        %swap3A_420 = arith.index_cast %swap3A_419 : i32 to index
        %swap3A_421 = arith.index_cast %scan3A_267 : i32 to index
        %swap3A_422 = arith.constant 96 : index
        %swap3A_423 = tpu.vector_load %arg14[%swap3A_420, %swap3A_421, %swap3A_422] {strides = array<i32>} : memref<2x104x128xf32, #tpu.memory_space<vmem>>, vector<16xf32>,
        tpu.vector_store %arg14[%swap3A_420, %swap3A_421, %swap3A_422], %gather3A_346 {strides = array<i32>} : memref<2x104x128xf32, #tpu.memory_space<vmem>>, vector<16xf32>,
        %swap3A_424 = arith.constant 1 : i32
        %swap3A_425 = arith.index_cast %swap3A_424 : i32 to index
        %swap3A_426 = arith.index_cast %scan3A_267 : i32 to index
        %swap3A_427 = arith.constant 112 : index
        %swap3A_428 = tpu.vector_load %arg14[%swap3A_425, %swap3A_426, %swap3A_427] {strides = array<i32>} : memref<2x104x128xf32, #tpu.memory_space<vmem>>, vector<16xf32>,
        tpu.vector_store %arg14[%swap3A_425, %swap3A_426, %swap3A_427], %gather3A_349 {strides = array<i32>} : memref<2x104x128xf32, #tpu.memory_space<vmem>>, vector<16xf32>,
      }
      %scan3A_254 = arith.constant 104 : i32
      %dma_start3A_255 = arith.constant 0 : i32
      %dma_start3A_256 = arith.constant 0 : i32
      %dma_start3A_257 = arith.constant 0 : i32
      %dma_start3A_258 = tpu.memref_slice %arg14[%dma_start3A_255, %dma_start3A_256, %dma_start3A_257] : memref<2x104x128xf32, #tpu.memory_space<vmem>> -> memref<2x104x128xf32, #tpu.memory_space<vmem>>
      %dma_start3A_259 = arith.constant 96 : i32
      %dma_start3A_260 = tpu.memref_slice %arg7[%add3A_241, %dma_start3A_259, %mul3A_2] : memref<192x200x4096xf32, #tpu.memory_space<hbm>> -> memref<2x104x128xf32, #tpu.memory_space<hbm>>
      %dma_start3A_261 = arith.constant 96 : i32
      %dma_start3A_262 = tpu.memref_slice %arg7[%add3A_241, %dma_start3A_261, %mul3A_2] : memref<192x200x4096xf32, #tpu.memory_space<hbm>> -> memref<2x104x128xf32, #tpu.memory_space<hbm>>
      %dma_start3A_263 = arith.constant 0 : i32
      %dma_start3A_264 = arith.constant 0 : i32
      %dma_start3A_265 = arith.constant 0 : i32
      %dma_start3A_266 = tpu.memref_slice %arg14[%dma_start3A_263, %dma_start3A_264, %dma_start3A_265] : memref<2x104x128xf32, #tpu.memory_space<vmem>> -> memref<2x104x128xf32, #tpu.memory_space<vmem>>
      tpu.enqueue_dma source(%dma_start3A_266 : memref<2x104x128xf32, #tpu.memory_space<vmem>>) target(%dma_start3A_262 : memref<2x104x128xf32, #tpu.memory_space<hbm>>) target_semaphore(%arg16 : memref<!tpu.dma_semaphore, #tpu.memory_space<semaphore_mem>>)
    }
    %scan3A_176 = arith.constant 16 : i32
    %dma_wait3A_177 = arith.constant 0 : i32
    %dma_wait3A_178 = arith.constant 0 : i32
    %dma_wait3A_179 = arith.constant 0 : i32
    %dma_wait3A_180 = tpu.memref_slice %arg13[%dma_wait3A_177, %dma_wait3A_178, %dma_wait3A_179] : memref<2x104x128xf32, #tpu.memory_space<vmem>> -> memref<2x104x128xf32, #tpu.memory_space<vmem>>
    %dma_wait3A_181 = arith.constant 188 : i32
    %dma_wait3A_182 = arith.constant 96 : i32
    %dma_wait3A_183 = tpu.memref_slice %arg7[%dma_wait3A_181, %dma_wait3A_182, %mul3A_2] : memref<192x200x4096xf32, #tpu.memory_space<hbm>> -> memref<2x104x128xf32, #tpu.memory_space<hbm>>
    %dma_wait3A_184 = arith.constant 188 : i32
    %dma_wait3A_185 = arith.constant 96 : i32
    %dma_wait3A_186 = tpu.memref_slice %arg7[%dma_wait3A_184, %dma_wait3A_185, %mul3A_2] : memref<192x200x4096xf32, #tpu.memory_space<hbm>> -> memref<2x104x128xf32, #tpu.memory_space<hbm>>
    %dma_wait3A_187 = arith.constant 0 : i32
    %dma_wait3A_188 = arith.constant 0 : i32
    %dma_wait3A_189 = arith.constant 0 : i32
    %dma_wait3A_190 = tpu.memref_slice %arg13[%dma_wait3A_187, %dma_wait3A_188, %dma_wait3A_189] : memref<2x104x128xf32, #tpu.memory_space<vmem>> -> memref<2x104x128xf32, #tpu.memory_space<vmem>>
    tpu.wait_dma2 semaphore(%arg15 : memref<!tpu.dma_semaphore, #tpu.memory_space<semaphore_mem>>) src(%dma_wait3A_190 : memref<2x104x128xf32, #tpu.memory_space<vmem>>) dst(%dma_wait3A_186 : memref<2x104x128xf32, #tpu.memory_space<hbm>>)
    %dma_wait3A_191 = arith.constant 0 : i32
    %dma_wait3A_192 = arith.constant 0 : i32
    %dma_wait3A_193 = arith.constant 0 : i32
    %dma_wait3A_194 = tpu.memref_slice %arg14[%dma_wait3A_191, %dma_wait3A_192, %dma_wait3A_193] : memref<2x104x128xf32, #tpu.memory_space<vmem>> -> memref<2x104x128xf32, #tpu.memory_space<vmem>>
    %dma_wait3A_195 = arith.constant 190 : i32
    %dma_wait3A_196 = arith.constant 96 : i32
    %dma_wait3A_197 = tpu.memref_slice %arg7[%dma_wait3A_195, %dma_wait3A_196, %mul3A_2] : memref<192x200x4096xf32, #tpu.memory_space<hbm>> -> memref<2x104x128xf32, #tpu.memory_space<hbm>>
    %dma_wait3A_198 = arith.constant 190 : i32
    %dma_wait3A_199 = arith.constant 96 : i32
    %dma_wait3A_200 = tpu.memref_slice %arg7[%dma_wait3A_198, %dma_wait3A_199, %mul3A_2] : memref<192x200x4096xf32, #tpu.memory_space<hbm>> -> memref<2x104x128xf32, #tpu.memory_space<hbm>>
    %dma_wait3A_201 = arith.constant 0 : i32
    %dma_wait3A_202 = arith.constant 0 : i32
    %dma_wait3A_203 = arith.constant 0 : i32
    %dma_wait3A_204 = tpu.memref_slice %arg14[%dma_wait3A_201, %dma_wait3A_202, %dma_wait3A_203] : memref<2x104x128xf32, #tpu.memory_space<vmem>> -> memref<2x104x128xf32, #tpu.memory_space<vmem>>
    tpu.wait_dma2 semaphore(%arg16 : memref<!tpu.dma_semaphore, #tpu.memory_space<semaphore_mem>>) src(%dma_wait3A_204 : memref<2x104x128xf32, #tpu.memory_space<vmem>>) dst(%dma_wait3A_200 : memref<2x104x128xf32, #tpu.memory_space<hbm>>)
    return
  }
}

</mosaic_0001>

<sc_bundles>
// kernel: kernel.3.cloned.1.call-start
scs
__scs_entry_jumppad:
0x0: {  	(pc) =	sbr.rel $0x88, $3  }
0x1: {  	(tag) =	ssettag $0x0;
	lr =	simm.s32 $0x1  }
0x2: {  	[smem:$0x3F9A] =	sst lr;
	_ =	strace $0xD0000000  }
0x3: {  	_ = 	snop  }
0x4: {  	_ = 	snop  }
0x5: {  	_ = 	snop  }
0x6: {  	_ = 	snop  }
0x7: {  	_ = 	snop  }
__scs_overlays_trampoline_lowered:
0x8: {  	[smem:$0x3FA9] =	sst s0  }
0x9: {  	[smem:$0x3FAA] =	sst s1  }
0xa: {  	[smem:$0x3FAB] =	sst s2  }
0xb: {  	[smem:$0x3FAC] =	sst s3  }
0xc: {  	[smem:$0x3FAD] =	sst s4  }
0xd: {  	[smem:$0x3FAE] =	sst s5  }
0xe: {  	[smem:$0x3FAF] =	sst s6  }
0xf: {  	[smem:$0x3FB0] =	sst s7  }
0x10: {  	[smem:$0x3FB1] =	sst s8  }
0x11: {  	[smem:$0x3FB2] =	sst s9;
	s0 =	simm.s32 @!p0 $0x0  }
0x12: {  	s1 =	sld [smem:$0x3F98];
	s0 =	simm.s32 @p0 $0x1  }
0x13: {  	[smem:$0x3FB3] =	sst s0;
	s0 =	simm.s32 @!p1 $0x0  }
0x14: {  	s2 =	sld [smem:$0x3F97];
	s0 =	simm.s32 @p1 $0x1  }
0x15: {  	[smem:$0x3FB4] =	sst s0;
	s0 =	simm.s32 @!p2 $0x0  }
0x16: {  	s3 =	sld [smem:$0x3FDB];
	s0 =	simm.s32 @p2 $0x1  }
0x17: {  	s4 =	simm.s32 $0x1BF5;
	[smem:$0x3FB6] =	sst s0  }
0x18: {  	s0 =	sld [smem:$0x3F99];
	_ =	swait.ge [sflag:s4], $0x0  }
0x19: {  	s7 =	sld [smem:$0x3F9A]  }
0x1a: {  	s8 =	sadd.s32 $0xFFFFE003, lr  }
0x1b: {  	s9 =	sadd.s32 $0xFFFFFEF7, lr;
	s5 =	simm.s32 $0xFFFFFFFF;
	p2 =	slt.u32 s8, $0xFFFFF086  }
0x1c: {  	p1 =	slt.u32 s9, $0xF7A;
	s5 =	simm.s32 @!p2 $0x0  }
0x1d: {  	s5 =	simm.s32 @p1 $0x1;
	p0 =	seq.s32 s7, s2  }
0x1e: {  	s7 =	smul.u32 @!p0 $0xF7A, s2;
	p2 =	seq.s32 @!p0 s5, $0x0  }
0x1f: {  	s9 =	smul.u32 $0xF7A, s1;
	s8 =	simm.s32 @!p0 $0x1BF5;
	p2 =	por !p2, p0  }
0x20: {  	[sflag:s8] =	ssyncset.s32 @!p0 $0xFFFFF086;
	s6 =	sadd.s32 @!p0 s3, s7;
	s7 =	simm.s32 @!p0 $0x108  }
0x21: {  	s3 =	sadd.s32 s3, s9;
	s6 =	sadd.s32 @!p0 $0x88, s6;
	s7 =	simm.s32 @p2 $0x1082  }
0x22: {  	[simem:s7], [sflag:s8] =	dma.local @!p0 [hbm:s6], $0xF7A  }
0x23: {  	s9 =	sor.u32 $0xD0000000, s2;
	s6 =	simm.s32 $0x108;
	_ =	swait.ge @!p0 [sflag:s8], $0x0  }
0x24: {  	s3 =	sadd.s32 $0x88, s3;
	s6 =	simm.s32 @!p1 $0x1082;
	[sflag:s4] =	ssyncset.s32 $0xFFFFF086  }
0x25: {  	[simem:s6], [sflag:s4] =	dma.local [hbm:s3], $0xF7A  }
0x26: {  	[smem:$0x3F9A] =	sst s1;
	(tag) =	ssettag s2;
	_ =	strace s9  }
0x27: {  	s1 =	sld [smem:$0x3FAA]  }
0x28: {  	s2 =	sld [smem:$0x3FAB]  }
0x29: {  	s4 =	sld [smem:$0x3FAD]  }
0x2a: {  	p0 =	seq.s32 s5, $0x0;
	s5 =	sld [smem:$0x3FAE]  }
0x2b: {  	s6 =	sld [smem:$0x3FAF]  }
0x2c: {  	s7 =	sld [smem:$0x3FB0]  }
0x2d: {  	s3 =	simm.s32 $0x108;
	s8 =	sld [smem:$0x3FB1]  }
0x2e: {  	s3 =	simm.s32 @!p0 $0x1082;
	s9 =	sld [smem:$0x3FB2]  }
0x2f: {  	lr =	sadd.s32 s0, s3;
	s0 =	sld [smem:$0x3FA9]  }
0x30: {  	s3 =	sld [smem:$0x3FAC]  }
0x31: {  	[smem:$0x3FB5] =	sst s10  }
0x32: {  	s10 =	sld [smem:$0x3FB3];
	_ =	sdelay $0x3  }
0x33: {  	p0 =	seq.s32 s10, $0x1;
	s10 =	sld [smem:$0x3FB5];
	_ =	sdelay $0x3  }
0x34: {  	[smem:$0x3FB5] =	sst s10  }
0x35: {  	s10 =	sld [smem:$0x3FB4];
	_ =	sdelay $0x3  }
0x36: {  	p1 =	seq.s32 s10, $0x1;
	s10 =	sld [smem:$0x3FB5];
	_ =	sdelay $0x3  }
0x37: {  	[smem:$0x3FB5] =	sst s10  }
0x38: {  	s10 =	sld [smem:$0x3FB6]  }
0x39: {  	_ = 	snop;
	(pc) =	sbr.ind lr, $3  }
0x3a: {  	_ = 	snop  }
0x3b: {  	_ = 	snop  }
0x3c: {  	p2 =	seq.s32 s10, $0x1;
	s10 =	sld [smem:$0x3FB5]  }
0x3d: {  	_ =	shalt  }
0x3e: {  	_ =	shalt  }
0x3f: {  	_ =	shalt  }
0x40: {  	_ =	shalt  }
0x41: {  	_ =	shalt  }
0x42: {  	_ =	shalt  }
0x43: {  	_ =	shalt  }
0x44: {  	_ =	shalt  }
0x45: {  	_ =	shalt  }
0x46: {  	_ =	shalt  }
0x47: {  	_ =	shalt  }
0x48: {  	_ =	shalt  }
0x49: {  	_ =	shalt  }
0x4a: {  	_ =	shalt  }
0x4b: {  	_ =	shalt  }
0x4c: {  	_ =	shalt  }
0x4d: {  	_ =	shalt  }
0x4e: {  	_ =	shalt  }
0x4f: {  	_ =	shalt  }
0x50: {  	_ =	shalt  }
0x51: {  	_ =	shalt  }
0x52: {  	_ =	shalt  }
0x53: {  	_ =	shalt  }
0x54: {  	_ =	shalt  }
0x55: {  	_ =	shalt  }
0x56: {  	_ =	shalt  }
0x57: {  	_ =	shalt  }
0x58: {  	_ =	shalt  }
0x59: {  	_ =	shalt  }
0x5a: {  	_ =	shalt  }
0x5b: {  	_ =	shalt  }
0x5c: {  	_ =	shalt  }
0x5d: {  	_ =	shalt  }
0x5e: {  	_ =	shalt  }
0x5f: {  	_ =	shalt  }
0x60: {  	_ =	shalt  }
0x61: {  	_ =	shalt  }
0x62: {  	_ =	shalt  }
0x63: {  	_ =	shalt  }
0x64: {  	_ =	shalt  }
0x65: {  	_ =	shalt  }
0x66: {  	_ =	shalt  }
0x67: {  	_ =	shalt  }
0x68: {  	_ =	shalt  }
0x69: {  	_ =	shalt  }
0x6a: {  	_ =	shalt  }
0x6b: {  	_ =	shalt  }
0x6c: {  	_ =	shalt  }
0x6d: {  	_ =	shalt  }
0x6e: {  	_ =	shalt  }
0x6f: {  	_ =	shalt  }
0x70: {  	_ =	shalt  }
0x71: {  	_ =	shalt  }
0x72: {  	_ =	shalt  }
0x73: {  	_ =	shalt  }
0x74: {  	_ =	shalt  }
0x75: {  	_ =	shalt  }
0x76: {  	_ =	shalt  }
0x77: {  	_ =	shalt  }
0x78: {  	_ =	shalt  }
0x79: {  	_ =	shalt  }
0x7a: {  	_ =	shalt  }
0x7b: {  	_ =	shalt  }
0x7c: {  	_ =	shalt  }
0x7d: {  	_ =	shalt  }
0x7e: {  	_ =	shalt  }
0x7f: {  	_ =	shalt  }
0x80: {  	_ =	shalt  }
0x81: {  	_ =	shalt  }
0x82: {  	_ =	shalt  }
0x83: {  	_ =	shalt  }
0x84: {  	_ =	shalt  }
0x85: {  	_ =	shalt  }
0x86: {  	_ =	shalt  }
0x87: {  	_ =	shalt  }
.Lfunc_end0:
.L_simem_size_0:
called_computation_lowered:
.L_overlay_start_0:
0x88: {  	s2 =	sld [smem:$0x3FD9]  }
0x89: {  	s3 =	sld [smem:$0x3FFE];
	_ =	sdelay $0x1  }
0x8a: {  	s1 =	srdreg.scid  }
0x8b: {  	s0 =	sand.u32 $0x1, s1  }
0x8c: {  	s17 =	sshll.u32 s0, $0xA;
	s2 =	sadd.s32 s3, s2  }
0x8d: {  	s2 =	sadd.s32 s2, s17  }
0x8e: {  	[smem:$0x3FC1] =	sst s2  }
0x8f: {  	_ = 	snop  }
0x90: {  	s2 =	sld [smem:$0x3FC9]  }
0x91: {  	s18 =	sld [smem:$0x3FC8]  }
0x92: {  	s4 =	sld [smem:$0x3FC7]  }
0x93: {  	s5 =	sld [smem:$0x3FD0];
	(tm) =	ssettm $0x1  }
0x94: {  	s6 =	sld [smem:$0x3FFB];
	_ =	sdelay $0x3  }
0x95: {  	_ =	strace s6  }
0x96: {  	s6 =	sld [smem:$0x3FFC];
	_ =	sdelay $0x3  }
0x97: {  	_ =	strace s6  }
0x98: {  	s6 =	sld [smem:$0x3FFD];
	_ =	sdelay $0x3  }
0x99: {  	_ =	strace s6  }
0x9a: {  	_ =	strace $0x8FFFFFFF  }
0x9b: {  	s19 =	sld [smem:$0x3FDB];
	_ =	sdelay $0x1  }
0x9c: {  	s7 =	simm.s32 $_scs_section_size  }
0x9d: {  	s8 =	simm.s32 $_size__tile_overlayer_lowered;
	s9 =	simm.s32 $_tile_overlayer_lowered  }
0x9e: {  	s22 =	simm.s32 $0x1BFF;
	s21 =	sshll.u32 s9, $0x1;
	s6 =	sadd.s32 s7, s19  }
0x9f: {  	s10 =	simm.s32 $0x0;
	s20 =	sshll.u32 s8, $0x1;
	s8 =	sadd.s32 s21, s6  }
0xa0: {  	[timem:s10], [sflag:s22] =	dma.local [hbm:s8], s20  }
0xa1: {  	_ =	swait.ge [sflag:s22], s20  }
0xa2: {  	s7 =	ssub.s32 $0x0, s20;
	[sflag:s22] =	ssyncset.done $0x0  }
0xa3: {  	[sflag:s22] =	ssyncadd.s32 s7;
	_ =	sdelay $0x1  }
0xa4: {  	s23 =	simm.s32 $0x1B8B  }
0xa5: {  	_ =	swait.ge [sflag:s23], $0x1  }
0xa6: {  	[sflag:s23] =	ssyncset.done $0x0  }
0xa7: {  	s25 =	simm.s32 $0x1B8E;
	s24 =	sld [smem:$0x3FFE];
	[sflag:s23] =	ssyncadd.s32 $0xFFFFFFFF  }
0xa8: {  	s26 =	simm.s32 $execute0_lowered;
	[smem:$0x3FD2] =	sst s25  }
0xa9: {  	s8 =	sshll.u32 s26, $0x1;
	_ =	strace $0x80000046;
	[dreg:$0x1] =	wrdreg $0xFFFFFFFF  }
0xaa: {  	s28 =	simm.s32 $_size_execute0_lowered;
	s6 =	sadd.s32 s6, s8;
	[dreg:$0x0] =	wrdreg $0x0  }
0xab: {  	s8 =	sshll.u32 s28, $0x1;
	[dreg:$0x2] =	wrdreg s6  }
0xac: {  	[dreg:$0x3] =	wrdreg s8  }
0xad: {  	[dreg:$0x4] =	wrdreg $0xC0  }
0xae: {  	_ =	task [dreg:s10], $0x5FFFF  }
0xaf: {  	[dreg:$0x1] =	wrdreg $0xFFFFFFFF  }
0xb0: {  	[dreg:$0x0] =	wrdreg $0x60  }
0xb1: {  	[dreg:$0x2] =	wrdreg s2  }
0xb2: {  	[dreg:$0x3] =	wrdreg s18  }
0xb3: {  	[dreg:$0x4] =	wrdreg s4  }
0xb4: {  	[dreg:$0x5] =	wrdreg s24  }
0xb5: {  	[dreg:$0x6] =	wrdreg s5  }
0xb6: {  	[dreg:$0x7] =	wrdreg $0x9  }
0xb7: {  	_ =	task.clear_ibuf [dreg:s10], $0x8FFFF;
	_ =	strace $0x90000046  }
0xb8: {  	s29 =	simm.s32 $0x9;
	_ =	strace $0x80000048  }
0xb9: {  	_ =	swait.ge [sflag:s29], $0x1  }
0xba: {  	[sflag:s29] =	ssyncadd.s32 $0xFFFFFFFF  }
0xbb: {  	_ =	strace $0x90000048  }
0xbc: {  	_ =	sfence  }
0xbd: {  	s30 =	sld [smem:$0x0];
	_ =	sdelay $0x2  }
0xbe: {  	s31 =	sshll.u32 s1, $0xD;
	s1 =	sshrl.u32 s1, $0x2  }
0xbf: {  	s3 =	sand.u32 $0x4000, s31;
	s1 =	sadd.s32 s1, s30  }
0xc0: {  	s0 =	sor.u32 s3, s0;
	s1 =	sshll.u32 s1, $0x11  }
0xc1: {  	s0 =	sor.u32 s1, s0  }
0xc2: {  	s0 =	sadd.s32 $0x8F2B, s0  }
0xc3: {  	[sflag:s0] =	ssyncadd.remote.s32 $0x1  }
0xc4: {  	_ =	sfence.sel $0xFFFF  }
0xc5: {  	[dreg:$0x0] =	wrdreg $0xFFFFFFFF;
	(pc) =	sbr.abs _section_cstart, $3  }
0xc6: {  	[dreg:$0x1] =	wrdreg $0xFFFFFFFF  }
0xc7: {  	_ =	task.clear_ibuf [dreg:s10], $0x2FFFF;
	_ =	strace $0x9FFFFFFF  }
0xc8: {  	(tm) =	ssettm $0x7FFFFFFF  }
0xc9: {  	_ =	shalt  }
tec
execute0_lowered:
.L_overlay_start_1:
0x0: {  	(tag) =	ssettag $0x1  }
0x1: {  	s0 =	rddreg [dreg:$0x0]  }
0x2: {  	s2 =	rddreg [dreg:$0x1]  }
0x3: {  	s4 =	rddreg [dreg:$0x2]  }
0x4: {  	s6 =	rddreg [dreg:$0x3]  }
0x5: {  	s1 =	rddreg [dreg:$0x4];
	s3 =	simm.s32 $0x0;
	s5 =	srdreg.scid  }
0x6: {  	s8 =	stileid.u32;
	s19 =	simm.s32 $0x3;
	s20 =	simm.s32 $0x3900  }
0x7: {  	s21 =	simm.s32 $0x400;
	s22 =	simm.s32 $0x8000;
	s28 =	simm.s32 $0x10980  }
0x8: {  	s29 =	simm.s32 $0x13D80;
	s30 =	simm.s32 $0x17180;
	s31 =	simm.s32 $0x1  }
0x9: {  	[smem:$0x7FF] =	sst s3;
	s5 =	sand.u32 $0x1, s5;
	s8 =	sshll.u32 s8, $0xB  }
0xa: {  	s9 =	sadd.s32 $0x600, s6;
	s6 =	sadd.s32 $0x400, s6;
	_ =	strace $0x80000047  }
0xb: {  	s7 =	ssub.s32 $0x2, s5;
	s5 =	sshll.u32 s5, $0xA;
	[dreg:$0x6] =	wrdreg s9  }
0xc: {  	[dreg:$0x7] =	wrdreg s6;
	s25 =	sshrl.u32 s7, $0x1;
	s5 =	sor.u32 s5, s8  }
0xd: {  	s26 =	ssub.s32 s7, s25;
	s12 =	sshrl.u32 s5, $0x3;
	s10 =	sor.u32 $0x3200000, s5  }
0xe: {  	s11 =	sor.u32 $0x6400000, s5;
	s15 =	sor.u32 $0x60000, s5;
	s16 =	sor.u32 $0x3260000, s5  }
0xf: {  	s17 =	sor.u32 $0x6460000, s5;
	s7 =	sadd.s32 s0, s12;
	s8 =	sadd.s32 s2, s12  }
0x10: {  	s9 =	sadd.s32 s4, s12;
	s14 =	sor.u32 $0xC000, s12;
	s18 =	smax.u32 s26, $0x1  }
0x11: {  	s26 =	simm.s32 $0xD580;
	s12 =	sadd.s32 s0, s14;
	s13 =	sadd.s32 s2, s14  }
0x12: {  	s14 =	sadd.s32 s4, s14;
	s0 =	simm.s32 $0x2;
	s2 =	simm.s32 $0x0  }
.LBB2_1:
0x13: {  	s4 =	rddreg [dreg:$0x6]  }
0x14: {  	[tilespmem:s3], [sflag:$0x3] =	stream.linear.gather [hbm4b:s4+s3], $0x3900, $0x38;
	[tilespmem:$0x1A580] =	vst v63  }
0x15: {  	_ =	swait.ge [sflag:s19], $0x3900  }
0x16: {  	[sflag:s19] =	ssyncset.done $0x0  }
0x17: {  	s6 =	rddreg [dreg:$0x7];
	[sflag:s19] =	ssyncadd.s32 $0xFFFFC700  }
0x18: {  	[tilespmem:s20], [sflag:$0x3] =	stream.linear.gather [hbm4b:s6+s3], $0x80, $0x38;
	[tilespmem:$0x1A580] =	vst v63  }
0x19: {  	_ =	swait.ge [sflag:s19], $0x80  }
0x1a: {  	[sflag:s19] =	ssyncset.done $0x0  }
0x1b: {  	s23 =	simm.s32 $0x3980;
	[sflag:s19] =	ssyncadd.s32 $0xFFFFFF80  }
0x1c: {  	[tilespmem:s23], [sflag:$0x3] =	stream.strided.gather [hbm4b:s7+s21], $0x3000, s22, s21, $0x38;
	[tilespmem:$0x1A580] =	vst v63  }
0x1d: {  	_ =	swait.ge [sflag:s19], $0x3000  }
0x1e: {  	[sflag:s19] =	ssyncset.done $0x0  }
0x1f: {  	s24 =	simm.s32 $0x6D80;
	[sflag:s19] =	ssyncadd.s32 $0xFFFFD000  }
0x20: {  	[tilespmem:s24], [sflag:$0x3] =	stream.strided.gather [hbm4b:s8+s21], $0x3000, s22, s21, $0x38;
	[tilespmem:$0x1A580] =	vst v63  }
0x21: {  	_ =	swait.ge [sflag:s19], $0x3000  }
0x22: {  	[sflag:s19] =	ssyncset.done $0x0  }
0x23: {  	s25 =	simm.s32 $0xA180;
	[sflag:s19] =	ssyncadd.s32 $0xFFFFD000  }
0x24: {  	[tilespmem:s25], [sflag:$0x3] =	stream.strided.gather [hbm4b:s9+s21], $0x3000, s22, s21, $0x38;
	[tilespmem:$0x1A580] =	vst v63  }
0x25: {  	_ =	swait.ge [sflag:s19], $0x3000  }
0x26: {  	[sflag:s19] =	ssyncset.done $0x0  }
0x27: {  	s23 =	simm.s32 $0x0;
	[sflag:s19] =	ssyncadd.s32 $0xFFFFD000  }
.LBB2_2:
0x28: {  	s24 =	sshll.u32 s23, $0x2;
	p0 =	seq.s32 s23, $0x0  }
0x29: {  	v0 =	vmov s24;
	s4 =	simm.s32 @!p0 $0x1  }
0x2a: {  	s6 =	sor.u32 $0x1, s24;
	v1 =	vor.u32 $0x40, v0;
	_ =	swait.ge @!p0 [sflag:s4], $0x6000  }
0x2b: {  	v4 =	vmov s6;
	[sflag:s4] =	ssyncset.done @!p0 $0x0  }
0x2c: {  	[sflag:s4] =	ssyncadd.s32 @!p0 $0xFFFFA000;
	s4 =	simm.s32 $0x0  }
0x2d: {  	v5 =	vor.u32 $0x40, v4;
	v6 =	vld [tilespmem:s4+$0x3990]  }
0x2e: {  	v3 =	vld.idx.msk [tilespmem:v0+s20+$0x0], $0xffff  }
0x2f: {  	v2 =	vld.idx.msk [tilespmem:v1+s20+$0x0], $0xffff  }
0x30: {  	v1 =	vld.idx.msk [tilespmem:v4+s20+$0x0], $0xffff  }
0x31: {  	v4 =	vld [tilespmem:s4+$0x39F0]  }
0x32: {  	v0 =	vld.idx.msk [tilespmem:v5+s20+$0x0], $0xffff  }
0x33: {  	v5 =	vld [tilespmem:s4+$0x3980]  }
0x34: {  	v8 =	vld [tilespmem:s4+$0x39B0]  }
0x35: {  	v7 =	vld [tilespmem:s4+$0x39A0];
	_ =	sdelay $0x1  }
0x36: {  	v9 =	vld [tilespmem:s4+$0x39C0];
	v14 =	vmul.f32 v6, v3;
	v10 =	vmul.f32 v4, v1  }
0x37: {  	v11 =	vld [tilespmem:s4+$0x39D0];
	v15 =	vmul.f32 v4, v3;
	v12 =	vmul.f32 v5, v3  }
0x38: {  	v13 =	vld [tilespmem:s4+$0x39E0];
	v16 =	vmul.f32 v5, v1;
	v5 =	vadd.f32 v14, v2;
	v14 =	vmul.f32 v8, v3  }
0x39: {  	v10 =	vadd.f32 v10, v0;
	v4 =	vadd.f32 v12, v2;
	v12 =	vmul.f32 v7, v3  }
0x3a: {  	v17 =	vmul.f32 v7, v1;
	[tilespmem:s4+$0xD590] =	vst v5;
	v7 =	vadd.f32 v14, v2  }
0x3b: {  	[tilespmem:s4+$0x109F0] =	vst v10;
	v10 =	vmul.f32 v6, v1;
	v6 =	vadd.f32 v12, v2;
	v12 =	vmul.f32 v9, v3  }
0x3c: {  	v14 =	vmul.f32 v11, v3;
	[tilespmem:s4+$0xD580] =	vst v4  }
0x3d: {  	v18 =	vmul.f32 v13, v3;
	v5 =	vmul.f32 v9, v1;
	[tilespmem:s4+$0xD5B0] =	vst v7;
	v12 =	vadd.f32 v12, v2  }
0x3e: {  	v4 =	vmul.f32 v8, v1;
	v14 =	vadd.f32 v14, v2;
	v8 =	vadd.f32 v15, v2;
	[tilespmem:s4+$0xD5A0] =	vst v6  }
0x3f: {  	v9 =	vadd.f32 v16, v0;
	v7 =	vmul.f32 v13, v1;
	[tilespmem:s4+$0xD5C0] =	vst v12;
	v12 =	vadd.f32 v18, v2  }
0x40: {  	s25 =	simm.s32 $0x80;
	s6 =	simm.s32 $0x400;
	v6 =	vmul.f32 v11, v1;
	[tilespmem:s4+$0xD5D0] =	vst v14;
	v11 =	vadd.f32 v10, v0;
	v10 =	vadd.f32 v17, v0  }
.LBB2_3:
0x41: {  	p1 =	sne.s32 s6, $0xBE00;
	v13 =	vld [tilespmem:s25+$0x39F0];
	[tilespmem:s4+$0xD5E0] =	vst v12;
	v4 =	vadd.f32 v4, v0;
	v5 =	vadd.f32 v5, v0  }
0x42: {  	v6 =	vadd.f32 v6, v0;
	v7 =	vadd.f32 v7, v0;
	v12 =	vld [tilespmem:s25+$0x3980];
	[tilespmem:s4+$0xD5F0] =	vst v8  }
0x43: {  	v8 =	vld [tilespmem:s25+$0x3990];
	[tilespmem:s4+$0x10980] =	vst v9  }
0x44: {  	v9 =	vld [tilespmem:s25+$0x39A0];
	[tilespmem:s4+$0x10990] =	vst v11  }
0x45: {  	v11 =	vld [tilespmem:s25+$0x39B0];
	[tilespmem:s4+$0x109A0] =	vst v10  }
0x46: {  	v10 =	vld [tilespmem:s25+$0x39C0];
	v14 =	vmul.f32 v13, v3;
	v13 =	vmul.f32 v13, v1;
	[tilespmem:s4+$0x109B0] =	vst v4  }
0x47: {  	v15 =	vld [tilespmem:s25+$0x39D0];
	v4 =	vmul.f32 v12, v3;
	v16 =	vmul.f32 v12, v1;
	[tilespmem:s4+$0x109C0] =	vst v5  }
0x48: {  	v12 =	vld [tilespmem:s25+$0x39E0];
	v5 =	vmul.f32 v8, v3;
	v17 =	vmul.f32 v8, v1;
	v8 =	vadd.f32 v13, v0;
	[tilespmem:s4+$0x109D0] =	vst v6  }
0x49: {  	v6 =	vadd.f32 v4, v2;
	v13 =	vmul.f32 v9, v3;
	v18 =	vmul.f32 v9, v1;
	[tilespmem:s4+$0x109E0] =	vst v7;
	s4 =	smov.u32 s25  }
0x4a: {  	v7 =	vadd.f32 v5, v2;
	v9 =	vmul.f32 v11, v3;
	v4 =	vmul.f32 v11, v1;
	[tilespmem:s4+$0x109F0] =	vst v8  }
0x4b: {  	[tilespmem:s4+$0xD580] =	vst v6;
	v8 =	vadd.f32 v13, v2;
	v11 =	vmul.f32 v10, v3;
	v5 =	vmul.f32 v10, v1  }
.Ltmp0:
0x4c: {  	[tilespmem:s4+$0xD590] =	vst v7;
	v9 =	vadd.f32 v9, v2;
	v10 =	vmul.f32 v15, v3;
	v6 =	vmul.f32 v15, v1;
	(pc) =	sbr.rel @p1 .LBB2_3-.Ltmp0, $4  }
0x4d: {  	[tilespmem:s4+$0xD5A0] =	vst v8;
	v11 =	vadd.f32 v11, v2;
	v13 =	vmul.f32 v12, v3;
	v7 =	vmul.f32 v12, v1  }
0x4e: {  	v8 =	vadd.f32 v14, v2;
	[tilespmem:s4+$0xD5B0] =	vst v9;
	v10 =	vadd.f32 v10, v2  }
0x4f: {  	v9 =	vadd.f32 v16, v0;
	[tilespmem:s4+$0xD5C0] =	vst v11;
	v12 =	vadd.f32 v13, v2  }
0x50: {  	s25 =	sshra.s32 s6, $0x2;
	s6 =	sadd.s32 $0x200, s6;
	v11 =	vadd.f32 v17, v0;
	[tilespmem:s4+$0xD5D0] =	vst v10;
	v10 =	vadd.f32 v18, v0  }
0x51: {  	v13 =	vld [tilespmem:s25+$0x39F0];
	[tilespmem:s4+$0xD5E0] =	vst v12  }
0x52: {  	v12 =	vld [tilespmem:s25+$0x3980];
	[tilespmem:s4+$0xD5F0] =	vst v8  }
0x53: {  	v8 =	vld [tilespmem:s25+$0x3990];
	[tilespmem:s4+$0x10980] =	vst v9  }
0x54: {  	v4 =	vadd.f32 v4, v0;
	v9 =	vld [tilespmem:s25+$0x39A0];
	[tilespmem:s4+$0x10990] =	vst v11  }
0x55: {  	v5 =	vadd.f32 v5, v0;
	v11 =	vld [tilespmem:s25+$0x39B0];
	[tilespmem:s4+$0x109A0] =	vst v10  }
0x56: {  	v6 =	vadd.f32 v6, v0;
	v10 =	vld [tilespmem:s25+$0x39C0];
	[tilespmem:s4+$0x109B0] =	vst v4;
	v14 =	vmul.f32 v13, v1  }
0x57: {  	v4 =	vld [tilespmem:s25+$0x39D0];
	[tilespmem:s4+$0x109C0] =	vst v5;
	v5 =	vadd.f32 v7, v0;
	v7 =	vmul.f32 v12, v3  }
0x58: {  	v15 =	vld [tilespmem:s25+$0x39E0];
	v16 =	vmul.f32 v8, v3;
	v14 =	vadd.f32 v14, v0;
	[tilespmem:s4+$0x109D0] =	vst v6  }
0x59: {  	v6 =	vadd.f32 v7, v2;
	v7 =	vmul.f32 v9, v3;
	[tilespmem:s4+$0x109E0] =	vst v5  }
0x5a: {  	v5 =	vadd.f32 v16, v2;
	v62 =	vmul.f32 v11, v3;
	[tilespmem:s25+$0x109F0] =	vst v14  }
0x5b: {  	[tilespmem:s25+$0xD580] =	vst v6;
	v6 =	vadd.f32 v7, v2;
	v7 =	vmul.f32 v10, v3  }
0x5c: {  	[tilespmem:s25+$0xD590] =	vst v5;
	v5 =	vadd.f32 v62, v2;
	v14 =	vmul.f32 v4, v3  }
0x5d: {  	[tilespmem:s25+$0xD5A0] =	vst v6;
	v6 =	vadd.f32 v7, v2;
	v7 =	vmul.f32 v15, v3  }
0x5e: {  	v3 =	vmul.f32 v13, v3;
	[tilespmem:s25+$0xD5B0] =	vst v5;
	v5 =	vadd.f32 v14, v2  }
0x5f: {  	v12 =	vmul.f32 v12, v1;
	[tilespmem:s25+$0xD5C0] =	vst v6;
	v6 =	vadd.f32 v7, v2  }
0x60: {  	v7 =	vmul.f32 v8, v1;
	v2 =	vadd.f32 v3, v2;
	[tilespmem:s25+$0xD5D0] =	vst v5  }
0x61: {  	v3 =	vmul.f32 v9, v1;
	v5 =	vadd.f32 v12, v0;
	[tilespmem:s25+$0xD5E0] =	vst v6  }
0x62: {  	v6 =	vmul.f32 v11, v1;
	v7 =	vadd.f32 v7, v0;
	[tilespmem:s25+$0xD5F0] =	vst v2  }
0x63: {  	v2 =	vmul.f32 v10, v1;
	v3 =	vadd.f32 v3, v0;
	[tilespmem:s25+$0x10980] =	vst v5  }
0x64: {  	v4 =	vmul.f32 v4, v1;
	v5 =	vadd.f32 v6, v0;
	[tilespmem:s25+$0x10990] =	vst v7  }
0x65: {  	s6 =	smul.u32 $0x320000, s23;
	v1 =	vmul.f32 v15, v1;
	v2 =	vadd.f32 v2, v0;
	[tilespmem:s25+$0x109A0] =	vst v3  }
0x66: {  	v3 =	vadd.f32 v4, v0;
	[tilespmem:s25+$0x109B0] =	vst v5  }
0x67: {  	s4 =	sor.u32 s5, s6;
	v0 =	vadd.f32 v1, v0;
	[tilespmem:s25+$0x109C0] =	vst v2  }
0x68: {  	s4 =	sshrl.u32 s4, $0x3;
	[tilespmem:s25+$0x109D0] =	vst v3  }
0x69: {  	s4 =	sadd.s32 s1, s4;
	[tilespmem:s25+$0x109E0] =	vst v0  }
0x6a: {  	[hbm4b:s4+s21] =	stream.strided.scatter [tilespmem:s26], [sflag:$0x1], $0x3000, s22, s21, $0x38;
	[tilespmem:$0x1A580] =	vst v63  }
0x6b: {  	s25 =	sor.u32 $0x2, s24;
	s4 =	sadd.s32 $0x19000, s4  }
0x6c: {  	v0 =	vmov s25;
	[hbm4b:s4+s21] =	stream.strided.scatter [tilespmem:s28], [sflag:$0x1], $0x3000, s22, s21, $0x38;
	[tilespmem:$0x1A580] =	vst v63  }
0x6d: {  	s6 =	sor.u32 $0x3, s24;
	v1 =	vor.u32 $0x40, v0;
	s4 =	simm.s32 @!p0 $0x2  }
0x6e: {  	v4 =	vmov s6;
	_ =	swait.ge @!p0 [sflag:s4], $0x6000  }
0x6f: {  	v5 =	vor.u32 $0x40, v4;
	[sflag:s4] =	ssyncset.done @!p0 $0x0  }
0x70: {  	[sflag:s4] =	ssyncadd.s32 @!p0 $0xFFFFA000  }
0x71: {  	v3 =	vld.idx.msk [tilespmem:v0+s20+$0x0], $0xffff  }
0x72: {  	v2 =	vld.idx.msk [tilespmem:v1+s20+$0x0], $0xffff  }
0x73: {  	v1 =	vld.idx.msk [tilespmem:v4+s20+$0x0], $0xffff  }
0x74: {  	s4 =	simm.s32 $0x0;
	v0 =	vld.idx.msk [tilespmem:v5+s20+$0x0], $0xffff  }
0x75: {  	v4 =	vld [tilespmem:s4+$0x39F0]  }
0x76: {  	v5 =	vld [tilespmem:s4+$0x3980]  }
0x77: {  	v6 =	vld [tilespmem:s4+$0x3990]  }
0x78: {  	v7 =	vld [tilespmem:s4+$0x39A0]  }
0x79: {  	v8 =	vld [tilespmem:s4+$0x39B0]  }
0x7a: {  	v9 =	vld [tilespmem:s4+$0x39C0];
	v10 =	vmul.f32 v4, v1  }
0x7b: {  	v11 =	vld [tilespmem:s4+$0x39D0];
	v12 =	vmul.f32 v5, v3  }
0x7c: {  	v13 =	vld [tilespmem:s4+$0x39E0];
	v14 =	vmul.f32 v6, v3;
	v10 =	vadd.f32 v10, v0  }
0x7d: {  	v15 =	vmul.f32 v4, v3;
	v4 =	vadd.f32 v12, v2;
	v12 =	vmul.f32 v7, v3  }
0x7e: {  	v63 =	vmul.f32 v5, v1;
	v5 =	vadd.f32 v14, v2;
	v14 =	vmul.f32 v8, v3;
	[tilespmem:s4+$0x171F0] =	vst v10  }
0x7f: {  	v10 =	vmul.f32 v6, v1;
	[tilespmem:s4+$0x13D80] =	vst v4;
	v6 =	vadd.f32 v12, v2;
	v12 =	vmul.f32 v9, v3  }
0x80: {  	v17 =	vmul.f32 v7, v1;
	[tilespmem:s4+$0x13D90] =	vst v5;
	v7 =	vadd.f32 v14, v2;
	v14 =	vmul.f32 v11, v3  }
0x81: {  	v18 =	vmul.f32 v13, v3;
	v4 =	vmul.f32 v8, v1;
	[tilespmem:s4+$0x13DA0] =	vst v6;
	v12 =	vadd.f32 v12, v2  }
0x82: {  	v5 =	vmul.f32 v9, v1;
	v8 =	vadd.f32 v15, v2;
	[tilespmem:s4+$0x13DB0] =	vst v7;
	v14 =	vadd.f32 v14, v2  }
0x83: {  	v9 =	vadd.f32 v63, v0;
	v6 =	vmul.f32 v11, v1;
	[tilespmem:s4+$0x13DC0] =	vst v12;
	v12 =	vadd.f32 v18, v2  }
0x84: {  	s6 =	simm.s32 $0x400;
	s24 =	simm.s32 $0x80;
	v7 =	vmul.f32 v13, v1;
	v11 =	vadd.f32 v10, v0;
	v10 =	vadd.f32 v17, v0;
	[tilespmem:s4+$0x13DD0] =	vst v14  }
.LBB2_5:
0x85: {  	p0 =	sne.s32 s6, $0xBE00;
	v13 =	vld [tilespmem:s24+$0x39F0];
	[tilespmem:s4+$0x13DE0] =	vst v12;
	v4 =	vadd.f32 v4, v0;
	v5 =	vadd.f32 v5, v0  }
0x86: {  	v6 =	vadd.f32 v6, v0;
	v7 =	vadd.f32 v7, v0;
	v12 =	vld [tilespmem:s24+$0x3980];
	[tilespmem:s4+$0x13DF0] =	vst v8  }
0x87: {  	v8 =	vld [tilespmem:s24+$0x3990];
	[tilespmem:s4+$0x17180] =	vst v9  }
0x88: {  	v9 =	vld [tilespmem:s24+$0x39A0];
	[tilespmem:s4+$0x17190] =	vst v11  }
0x89: {  	v11 =	vld [tilespmem:s24+$0x39B0];
	[tilespmem:s4+$0x171A0] =	vst v10  }
0x8a: {  	v10 =	vld [tilespmem:s24+$0x39C0];
	v14 =	vmul.f32 v13, v3;
	v13 =	vmul.f32 v13, v1;
	[tilespmem:s4+$0x171B0] =	vst v4  }
0x8b: {  	v15 =	vld [tilespmem:s24+$0x39D0];
	v4 =	vmul.f32 v12, v3;
	v16 =	vmul.f32 v12, v1;
	[tilespmem:s4+$0x171C0] =	vst v5  }
0x8c: {  	v12 =	vld [tilespmem:s24+$0x39E0];
	v5 =	vmul.f32 v8, v3;
	v17 =	vmul.f32 v8, v1;
	v8 =	vadd.f32 v13, v0;
	[tilespmem:s4+$0x171D0] =	vst v6  }
0x8d: {  	v6 =	vadd.f32 v4, v2;
	v13 =	vmul.f32 v9, v3;
	v18 =	vmul.f32 v9, v1;
	[tilespmem:s4+$0x171E0] =	vst v7;
	s4 =	smov.u32 s24  }
0x8e: {  	v7 =	vadd.f32 v5, v2;
	v9 =	vmul.f32 v11, v3;
	v4 =	vmul.f32 v11, v1;
	[tilespmem:s4+$0x171F0] =	vst v8  }
0x8f: {  	[tilespmem:s4+$0x13D80] =	vst v6;
	v8 =	vadd.f32 v13, v2;
	v11 =	vmul.f32 v10, v3;
	v5 =	vmul.f32 v10, v1  }
.Ltmp1:
0x90: {  	[tilespmem:s4+$0x13D90] =	vst v7;
	v9 =	vadd.f32 v9, v2;
	v10 =	vmul.f32 v15, v3;
	v6 =	vmul.f32 v15, v1;
	(pc) =	sbr.rel @p0 .LBB2_5-.Ltmp1, $4  }
0x91: {  	[tilespmem:s4+$0x13DA0] =	vst v8;
	v11 =	vadd.f32 v11, v2;
	v13 =	vmul.f32 v12, v3;
	v7 =	vmul.f32 v12, v1  }
0x92: {  	v8 =	vadd.f32 v14, v2;
	[tilespmem:s4+$0x13DB0] =	vst v9;
	v10 =	vadd.f32 v10, v2  }
0x93: {  	v9 =	vadd.f32 v16, v0;
	[tilespmem:s4+$0x13DC0] =	vst v11;
	v12 =	vadd.f32 v13, v2  }
0x94: {  	s24 =	sshra.s32 s6, $0x2;
	s6 =	sadd.s32 $0x200, s6;
	v11 =	vadd.f32 v17, v0;
	[tilespmem:s4+$0x13DD0] =	vst v10;
	v10 =	vadd.f32 v18, v0  }
0x95: {  	v13 =	vld [tilespmem:s24+$0x39F0];
	[tilespmem:s4+$0x13DE0] =	vst v12  }
0x96: {  	v12 =	vld [tilespmem:s24+$0x3980];
	[tilespmem:s4+$0x13DF0] =	vst v8  }
0x97: {  	v8 =	vld [tilespmem:s24+$0x3990];
	[tilespmem:s4+$0x17180] =	vst v9  }
0x98: {  	v4 =	vadd.f32 v4, v0;
	v9 =	vld [tilespmem:s24+$0x39A0];
	[tilespmem:s4+$0x17190] =	vst v11  }
0x99: {  	v5 =	vadd.f32 v5, v0;
	v11 =	vld [tilespmem:s24+$0x39B0];
	[tilespmem:s4+$0x171A0] =	vst v10  }
0x9a: {  	v6 =	vadd.f32 v6, v0;
	v10 =	vld [tilespmem:s24+$0x39C0];
	[tilespmem:s4+$0x171B0] =	vst v4;
	v14 =	vmul.f32 v13, v1  }
0x9b: {  	v39 =	vadd.f32 v7, v0;
	v51 =	vmul.f32 v13, v3;
	v4 =	vld [tilespmem:s24+$0x39D0];
	[tilespmem:s4+$0x171C0] =	vst v5  }
0x9c: {  	v40 =	vmul.f32 v12, v3;
	v15 =	vld [tilespmem:s24+$0x39E0];
	v14 =	vadd.f32 v14, v0;
	[tilespmem:s4+$0x171D0] =	vst v6  }
0x9d: {  	v12 =	vmul.f32 v12, v1;
	[tilespmem:s4+$0x171E0] =	vst v39;
	v55 =	vadd.f32 v51, v2  }
0x9e: {  	v16 =	vmul.f32 v8, v3;
	v41 =	vadd.f32 v40, v2;
	[tilespmem:s24+$0x171F0] =	vst v14  }
0x9f: {  	v54 =	vmul.f32 v8, v1;
	v57 =	vadd.f32 v12, v0;
	[tilespmem:s24+$0x13DF0] =	vst v55  }
0xa0: {  	v42 =	vmul.f32 v9, v3;
	v43 =	vadd.f32 v16, v2;
	[tilespmem:s24+$0x13D80] =	vst v41  }
0xa1: {  	v44 =	vmul.f32 v11, v3;
	v7 =	vadd.f32 v54, v0;
	[tilespmem:s24+$0x17180] =	vst v57  }
0xa2: {  	v58 =	vmul.f32 v11, v1;
	v45 =	vadd.f32 v42, v2;
	[tilespmem:s24+$0x13D90] =	vst v43  }
0xa3: {  	v46 =	vmul.f32 v10, v3;
	v47 =	vadd.f32 v44, v2;
	[tilespmem:s24+$0x17190] =	vst v7  }
0xa4: {  	v56 =	vmul.f32 v9, v1;
	v60 =	vadd.f32 v58, v0;
	[tilespmem:s24+$0x13DA0] =	vst v45  }
0xa5: {  	v48 =	vmul.f32 v4, v3;
	v49 =	vadd.f32 v46, v2;
	[tilespmem:s24+$0x13DB0] =	vst v47  }
0xa6: {  	v4 =	vmul.f32 v4, v1;
	v50 =	vmul.f32 v15, v3;
	v3 =	vadd.f32 v56, v0;
	[tilespmem:s24+$0x171B0] =	vst v60  }
0xa7: {  	v52 =	vadd.f32 v48, v2;
	[tilespmem:s24+$0x13DC0] =	vst v49  }
0xa8: {  	v59 =	vmul.f32 v10, v1;
	v62 =	vadd.f32 v4, v0;
	[tilespmem:s24+$0x171A0] =	vst v3  }
0xa9: {  	s25 =	smul.u32 $0xC8000, s25;
	v61 =	vmul.f32 v15, v1;
	v53 =	vadd.f32 v50, v2;
	[tilespmem:s24+$0x13DD0] =	vst v52  }
0xaa: {  	s23 =	sadd.s32 $0x1, s23;
	v2 =	vadd.f32 v59, v0;
	[tilespmem:s24+$0x171D0] =	vst v62  }
0xab: {  	p0 =	sne.s32 s23, $0x10;
	s4 =	sor.u32 s5, s25;
	v63 =	vadd.f32 v61, v0;
	[tilespmem:s24+$0x13DE0] =	vst v53  }
.Ltmp2:
0xac: {  	s4 =	sshrl.u32 s4, $0x3;
	[tilespmem:s24+$0x171C0] =	vst v2;
	(pc) =	sbr.rel @p0 .LBB2_2-.Ltmp2, $4  }
0xad: {  	s4 =	sadd.s32 s1, s4;
	[tilespmem:s24+$0x171E0] =	vst v63  }
0xae: {  	[hbm4b:s4+s21] =	stream.strided.scatter [tilespmem:s29], [sflag:$0x2], $0x3000, s22, s21, $0x38;
	[tilespmem:$0x1A580] =	vst v63  }
0xaf: {  	s4 =	sadd.s32 $0x19000, s4  }
0xb0: {  	[hbm4b:s4+s21] =	stream.strided.scatter [tilespmem:s30], [sflag:$0x2], $0x3000, s22, s21, $0x38;
	[tilespmem:$0x1A580] =	vst v63  }
0xb1: {  	_ =	swait.ge [sflag:s31], $0x6000  }
0xb2: {  	[sflag:s31] =	ssyncset.done $0x0  }
0xb3: {  	[sflag:s31] =	ssyncadd.s32 $0xFFFFA000  }
0xb4: {  	_ =	swait.ge [sflag:s0], $0x6000  }
0xb5: {  	[sflag:s0] =	ssyncset.done $0x0  }
0xb6: {  	s23 =	simm.s32 $0x0;
	[sflag:s0] =	ssyncadd.s32 $0xFFFFA000  }
.LBB2_8:
0xb7: {  	p0 =	seq.s32 s23, $0x0  }
0xb8: {  	s4 =	simm.s32 @!p0 $0x1  }
0xb9: {  	_ =	swait.ge @!p0 [sflag:s4], $0x6000  }
0xba: {  	[sflag:s4] =	ssyncset.done @!p0 $0x0  }
0xbb: {  	s24 =	simm.s32 $0x0;
	[sflag:s4] =	ssyncadd.s32 @!p0 $0xFFFFA000  }
0xbc: {  	v2 =	vld [tilespmem:s24+$0x6D80]  }
0xbd: {  	v3 =	vld [tilespmem:s24+$0x6D90]  }
0xbe: {  	s25 =	smul.u32 $0x190, s23;
	v4 =	vld [tilespmem:s24+$0x6DA0]  }
0xbf: {  	v5 =	vld [tilespmem:s24+$0x6DB0]  }
0xc0: {  	v1 =	vmov s25;
	v6 =	vld [tilespmem:s24+$0x6DC0]  }
0xc1: {  	v7 =	vld [tilespmem:s24+$0x6DD0];
	v0 =	vadd.s32 v1, v2  }
0xc2: {  	v8 =	vld [tilespmem:s24+$0x6DE0];
	v9 =	vadd.s32 v1, v3  }
0xc3: {  	v10 =	vld [tilespmem:s24+$0x6DF0];
	v11 =	vadd.s32 v1, v4  }
0xc4: {  	v12 =	vadd.s32 v1, v5  }
0xc5: {  	v13 =	vadd.s32 v1, v6  }
0xc6: {  	v15 =	vadd.s32 v1, v7;
	v14 =	vld.idx.msk [tilespmem:v0+s3+$0x0], $0xffff  }
0xc7: {  	s4 =	sadd.s32 $0x64, s25;
	v16 =	vadd.s32 v1, v8;
	v9 =	vld.idx.msk [tilespmem:v9+s3+$0x0], $0xffff  }
0xc8: {  	v17 =	vadd.s32 v1, v10;
	v0 =	vmov s4;
	v11 =	vld.idx.msk [tilespmem:v11+s3+$0x0], $0xffff  }
0xc9: {  	v12 =	vld.idx.msk [tilespmem:v12+s3+$0x0], $0xffff;
	v2 =	vadd.s32 v0, v2  }
0xca: {  	v13 =	vld.idx.msk [tilespmem:v13+s3+$0x0], $0xffff;
	v10 =	vadd.s32 v0, v10  }
0xcb: {  	v15 =	vld.idx.msk [tilespmem:v15+s3+$0x0], $0xffff;
	v3 =	vadd.s32 v0, v3  }
0xcc: {  	v16 =	vld.idx.msk [tilespmem:v16+s3+$0x0], $0xffff;
	v4 =	vadd.s32 v0, v4  }
0xcd: {  	v17 =	vld.idx.msk [tilespmem:v17+s3+$0x0], $0xffff;
	v5 =	vadd.s32 v0, v5  }
0xce: {  	v6 =	vadd.s32 v0, v6;
	v2 =	vld.idx.msk [tilespmem:v2+s3+$0x0], $0xffff  }
0xcf: {  	v7 =	vadd.s32 v0, v7;
	v10 =	vld.idx.msk [tilespmem:v10+s3+$0x0], $0xffff  }
0xd0: {  	v18 =	vld.idx.msk [tilespmem:v3+s3+$0x0], $0xffff;
	v3 =	vadd.s32 v0, v8  }
0xd1: {  	v19 =	vld.idx.msk [tilespmem:v4+s3+$0x0], $0xffff  }
0xd2: {  	v20 =	vld.idx.msk [tilespmem:v5+s3+$0x0], $0xffff  }
0xd3: {  	v21 =	vld.idx.msk [tilespmem:v6+s3+$0x0], $0xffff  }
0xd4: {  	v22 =	vld.idx.msk [tilespmem:v7+s3+$0x0], $0xffff  }
0xd5: {  	v8 =	vld.idx.msk [tilespmem:v3+s3+$0x0], $0xffff;
	[tilespmem:s24+$0x109F0] =	vst v10  }
0xd6: {  	[tilespmem:s24+$0xD580] =	vst v14  }
0xd7: {  	[tilespmem:s24+$0xD590] =	vst v9  }
0xd8: {  	[tilespmem:s24+$0xD5A0] =	vst v11  }
0xd9: {  	[tilespmem:s24+$0xD5B0] =	vst v12  }
0xda: {  	s25 =	simm.s32 $0x80;
	[tilespmem:s24+$0xD5C0] =	vst v13  }
0xdb: {  	v9 =	vld [tilespmem:s25+$0x6D80];
	[tilespmem:s24+$0xD5D0] =	vst v15  }
0xdc: {  	v3 =	vld [tilespmem:s25+$0x6D90];
	[tilespmem:s24+$0xD5E0] =	vst v16  }
0xdd: {  	v4 =	vld [tilespmem:s25+$0x6DA0];
	[tilespmem:s24+$0xD5F0] =	vst v17  }
0xde: {  	v5 =	vld [tilespmem:s25+$0x6DB0];
	[tilespmem:s24+$0x10980] =	vst v2  }
0xdf: {  	v2 =	vld [tilespmem:s25+$0x6DC0];
	[tilespmem:s24+$0x10990] =	vst v18  }
0xe0: {  	v7 =	vld [tilespmem:s25+$0x6DD0];
	[tilespmem:s24+$0x109A0] =	vst v19;
	v11 =	vadd.s32 v1, v9  }
0xe1: {  	v6 =	vld [tilespmem:s25+$0x6DE0];
	[tilespmem:s24+$0x109B0] =	vst v20;
	v13 =	vadd.s32 v1, v3  }
0xe2: {  	v10 =	vld [tilespmem:s25+$0x6DF0];
	[tilespmem:s24+$0x109C0] =	vst v21;
	v14 =	vadd.s32 v1, v4  }
0xe3: {  	s6 =	simm.s32 $0x400;
	s4 =	sshll.u32 s23, $0x1;
	[tilespmem:s24+$0x109D0] =	vst v22;
	v12 =	vadd.s32 v1, v5  }
.LBB2_9:
0xe4: {  	p1 =	sne.s32 s6, $0xBE00;
	v15 =	vadd.s32 v1, v2;
	[tilespmem:s24+$0x109E0] =	vst v8;
	s24 =	smov.u32 s25  }
0xe5: {  	v11 =	vld.idx.msk [tilespmem:v11+s3+$0x0], $0xffff;
	v8 =	vadd.s32 v1, v7  }
0xe6: {  	v13 =	vld.idx.msk [tilespmem:v13+s3+$0x0], $0xffff;
	v16 =	vadd.s32 v1, v6  }
0xe7: {  	v14 =	vld.idx.msk [tilespmem:v14+s3+$0x0], $0xffff;
	v17 =	vadd.s32 v1, v10  }
0xe8: {  	v9 =	vadd.s32 v0, v9;
	v12 =	vld.idx.msk [tilespmem:v12+s3+$0x0], $0xffff  }
0xe9: {  	v10 =	vadd.s32 v0, v10;
	v15 =	vld.idx.msk [tilespmem:v15+s3+$0x0], $0xffff  }
0xea: {  	v3 =	vadd.s32 v0, v3;
	v18 =	vld.idx.msk [tilespmem:v8+s3+$0x0], $0xffff  }
0xeb: {  	v4 =	vadd.s32 v0, v4;
	v16 =	vld.idx.msk [tilespmem:v16+s3+$0x0], $0xffff  }
0xec: {  	v5 =	vadd.s32 v0, v5;
	v17 =	vld.idx.msk [tilespmem:v17+s3+$0x0], $0xffff  }
0xed: {  	v2 =	vadd.s32 v0, v2;
	v19 =	vld.idx.msk [tilespmem:v9+s3+$0x0], $0xffff  }
0xee: {  	v7 =	vadd.s32 v0, v7;
	v9 =	vld.idx.msk [tilespmem:v10+s3+$0x0], $0xffff  }
0xef: {  	v10 =	vld.idx.msk [tilespmem:v3+s3+$0x0], $0xffff;
	v3 =	vadd.s32 v0, v6  }
0xf0: {  	v6 =	vld.idx.msk [tilespmem:v4+s3+$0x0], $0xffff  }
0xf1: {  	v20 =	vld.idx.msk [tilespmem:v5+s3+$0x0], $0xffff  }
0xf2: {  	v21 =	vld.idx.msk [tilespmem:v2+s3+$0x0], $0xffff  }
0xf3: {  	v22 =	vld.idx.msk [tilespmem:v7+s3+$0x0], $0xffff  }
0xf4: {  	v8 =	vld.idx.msk [tilespmem:v3+s3+$0x0], $0xffff;
	[tilespmem:s24+$0x109F0] =	vst v9  }
0xf5: {  	[tilespmem:s24+$0xD580] =	vst v11  }
0xf6: {  	[tilespmem:s24+$0xD590] =	vst v13  }
0xf7: {  	[tilespmem:s24+$0xD5A0] =	vst v14  }
0xf8: {  	[tilespmem:s24+$0xD5B0] =	vst v12  }
0xf9: {  	s25 =	sshra.s32 s6, $0x2;
	[tilespmem:s24+$0xD5C0] =	vst v15  }
0xfa: {  	v9 =	vld [tilespmem:s25+$0x6D80];
	[tilespmem:s24+$0xD5D0] =	vst v18  }
0xfb: {  	v3 =	vld [tilespmem:s25+$0x6D90];
	[tilespmem:s24+$0xD5E0] =	vst v16  }
0xfc: {  	v4 =	vld [tilespmem:s25+$0x6DA0];
	[tilespmem:s24+$0xD5F0] =	vst v17  }
0xfd: {  	v5 =	vld [tilespmem:s25+$0x6DB0];
	[tilespmem:s24+$0x10980] =	vst v19  }
.Ltmp3:
0xfe: {  	v2 =	vld [tilespmem:s25+$0x6DC0];
	[tilespmem:s24+$0x10990] =	vst v10;
	(pc) =	sbr.rel @p1 .LBB2_9-.Ltmp3, $4  }
0xff: {  	v7 =	vld [tilespmem:s25+$0x6DD0];
	v11 =	vadd.s32 v1, v9;
	[tilespmem:s24+$0x109A0] =	vst v6  }
0x100: {  	v6 =	vld [tilespmem:s25+$0x6DE0];
	v13 =	vadd.s32 v1, v3;
	[tilespmem:s24+$0x109B0] =	vst v20  }
0x101: {  	v10 =	vld [tilespmem:s25+$0x6DF0];
	v14 =	vadd.s32 v1, v4;
	[tilespmem:s24+$0x109C0] =	vst v21  }
0x102: {  	s6 =	sadd.s32 $0x200, s6;
	v12 =	vadd.s32 v1, v5;
	[tilespmem:s24+$0x109D0] =	vst v22  }
0x103: {  	_ =	sdelay $0x2  }
0x104: {  	v15 =	vadd.s32 v1, v2;
	[tilespmem:s24+$0x109E0] =	vst v8  }
0x105: {  	v9 =	vadd.s32 v0, v9;
	v8 =	vld.idx.msk [tilespmem:v11+s3+$0x0], $0xffff  }
0x106: {  	v3 =	vadd.s32 v0, v3;
	v13 =	vld.idx.msk [tilespmem:v13+s3+$0x0], $0xffff  }
0x107: {  	v4 =	vadd.s32 v0, v4;
	v14 =	vld.idx.msk [tilespmem:v14+s3+$0x0], $0xffff  }
0x108: {  	v5 =	vadd.s32 v0, v5;
	v12 =	vld.idx.msk [tilespmem:v12+s3+$0x0], $0xffff  }
0x109: {  	v2 =	vadd.s32 v0, v2;
	v15 =	vld.idx.msk [tilespmem:v15+s3+$0x0], $0xffff  }
0x10a: {  	v11 =	vadd.s32 v1, v7;
	v9 =	vld.idx.msk [tilespmem:v9+s3+$0x0], $0xffff  }
0x10b: {  	v7 =	vadd.s32 v0, v7;
	v3 =	vld.idx.msk [tilespmem:v3+s3+$0x0], $0xffff  }
0x10c: {  	v16 =	vadd.s32 v1, v6;
	v4 =	vld.idx.msk [tilespmem:v4+s3+$0x0], $0xffff  }
0x10d: {  	v1 =	vadd.s32 v1, v10;
	v5 =	vld.idx.msk [tilespmem:v5+s3+$0x0], $0xffff  }
0x10e: {  	v10 =	vadd.s32 v0, v10;
	v2 =	vld.idx.msk [tilespmem:v2+s3+$0x0], $0xffff  }
0x10f: {  	v0 =	vadd.s32 v0, v6;
	v11 =	vld.idx.msk [tilespmem:v11+s3+$0x0], $0xffff  }
0x110: {  	v6 =	vld.idx.msk [tilespmem:v7+s3+$0x0], $0xffff  }
0x111: {  	v16 =	vld.idx.msk [tilespmem:v16+s3+$0x0], $0xffff  }
0x112: {  	v1 =	vld.idx.msk [tilespmem:v1+s3+$0x0], $0xffff  }
0x113: {  	v10 =	vld.idx.msk [tilespmem:v10+s3+$0x0], $0xffff  }
0x114: {  	v0 =	vld.idx.msk [tilespmem:v0+s3+$0x0], $0xffff;
	[tilespmem:s25+$0xD580] =	vst v8  }
0x115: {  	[tilespmem:s25+$0xD590] =	vst v13  }
0x116: {  	[tilespmem:s25+$0xD5A0] =	vst v14  }
0x117: {  	[tilespmem:s25+$0xD5B0] =	vst v12  }
0x118: {  	[tilespmem:s25+$0xD5C0] =	vst v15  }
0x119: {  	[tilespmem:s25+$0x10980] =	vst v9  }
0x11a: {  	[tilespmem:s25+$0x10990] =	vst v3  }
0x11b: {  	[tilespmem:s25+$0x109A0] =	vst v4  }
0x11c: {  	[tilespmem:s25+$0x109B0] =	vst v5  }
0x11d: {  	[tilespmem:s25+$0x109C0] =	vst v2  }
0x11e: {  	[tilespmem:s25+$0xD5D0] =	vst v11  }
0x11f: {  	s6 =	smul.u32 $0x320000, s23;
	[tilespmem:s25+$0x109D0] =	vst v6  }
0x120: {  	[tilespmem:s25+$0xD5E0] =	vst v16  }
0x121: {  	s6 =	sadd.s32 s10, s6;
	[tilespmem:s25+$0x109F0] =	vst v10  }
0x122: {  	s6 =	sshrl.u32 s6, $0x3;
	[tilespmem:s25+$0xD5F0] =	vst v1  }
0x123: {  	s6 =	sadd.s32 s1, s6;
	[tilespmem:s25+$0x109E0] =	vst v0  }
0x124: {  	[hbm4b:s6+s21] =	stream.strided.scatter [tilespmem:s26], [sflag:$0x1], $0x3000, s22, s21, $0x38;
	[tilespmem:$0x1A580] =	vst v63  }
0x125: {  	s6 =	sadd.s32 $0x19000, s6  }
0x126: {  	[hbm4b:s6+s21] =	stream.strided.scatter [tilespmem:s28], [sflag:$0x1], $0x3000, s22, s21, $0x38;
	[tilespmem:$0x1A580] =	vst v63  }
0x127: {  	s6 =	simm.s32 @!p0 $0x2  }
0x128: {  	_ =	swait.ge @!p0 [sflag:s6], $0x6000  }
0x129: {  	[sflag:s6] =	ssyncset.done @!p0 $0x0  }
0x12a: {  	s25 =	simm.s32 $0x0;
	[sflag:s6] =	ssyncadd.s32 @!p0 $0xFFFFA000  }
0x12b: {  	v2 =	vld [tilespmem:s25+$0x6D80]  }
0x12c: {  	s24 =	sor.u32 $0x1, s4;
	v3 =	vld [tilespmem:s25+$0x6D90]  }
0x12d: {  	s4 =	smul.u32 $0xC8, s24;
	v4 =	vld [tilespmem:s25+$0x6DA0]  }
0x12e: {  	v5 =	vld [tilespmem:s25+$0x6DB0]  }
0x12f: {  	v1 =	vmov s4;
	v6 =	vld [tilespmem:s25+$0x6DC0]  }
0x130: {  	v7 =	vld [tilespmem:s25+$0x6DD0];
	v0 =	vadd.s32 v1, v2  }
0x131: {  	v8 =	vld [tilespmem:s25+$0x6DE0];
	v9 =	vadd.s32 v1, v3  }
0x132: {  	v10 =	vld [tilespmem:s25+$0x6DF0];
	v11 =	vadd.s32 v1, v4  }
0x133: {  	v12 =	vadd.s32 v1, v5  }
0x134: {  	v13 =	vadd.s32 v1, v6  }
0x135: {  	v15 =	vadd.s32 v1, v7;
	v14 =	vld.idx.msk [tilespmem:v0+s3+$0x0], $0xffff  }
0x136: {  	s4 =	sadd.s32 $0x64, s4;
	v63 =	vadd.s32 v1, v8;
	v9 =	vld.idx.msk [tilespmem:v9+s3+$0x0], $0xffff  }
0x137: {  	v17 =	vadd.s32 v1, v10;
	v0 =	vmov s4;
	v11 =	vld.idx.msk [tilespmem:v11+s3+$0x0], $0xffff  }
0x138: {  	v12 =	vld.idx.msk [tilespmem:v12+s3+$0x0], $0xffff;
	v2 =	vadd.s32 v0, v2  }
0x139: {  	v13 =	vld.idx.msk [tilespmem:v13+s3+$0x0], $0xffff;
	v10 =	vadd.s32 v0, v10  }
0x13a: {  	v15 =	vld.idx.msk [tilespmem:v15+s3+$0x0], $0xffff;
	v3 =	vadd.s32 v0, v3  }
0x13b: {  	v16 =	vld.idx.msk [tilespmem:v63+s3+$0x0], $0xffff;
	v4 =	vadd.s32 v0, v4  }
0x13c: {  	v17 =	vld.idx.msk [tilespmem:v17+s3+$0x0], $0xffff;
	v5 =	vadd.s32 v0, v5  }
0x13d: {  	v6 =	vadd.s32 v0, v6;
	v2 =	vld.idx.msk [tilespmem:v2+s3+$0x0], $0xffff  }
0x13e: {  	v7 =	vadd.s32 v0, v7;
	v10 =	vld.idx.msk [tilespmem:v10+s3+$0x0], $0xffff  }
0x13f: {  	v18 =	vld.idx.msk [tilespmem:v3+s3+$0x0], $0xffff;
	v3 =	vadd.s32 v0, v8  }
0x140: {  	v19 =	vld.idx.msk [tilespmem:v4+s3+$0x0], $0xffff  }
0x141: {  	v20 =	vld.idx.msk [tilespmem:v5+s3+$0x0], $0xffff  }
0x142: {  	v21 =	vld.idx.msk [tilespmem:v6+s3+$0x0], $0xffff  }
0x143: {  	v22 =	vld.idx.msk [tilespmem:v7+s3+$0x0], $0xffff  }
0x144: {  	v8 =	vld.idx.msk [tilespmem:v3+s3+$0x0], $0xffff;
	[tilespmem:s25+$0x171F0] =	vst v10  }
0x145: {  	[tilespmem:s25+$0x13D80] =	vst v14  }
0x146: {  	[tilespmem:s25+$0x13D90] =	vst v9  }
0x147: {  	[tilespmem:s25+$0x13DA0] =	vst v11  }
0x148: {  	[tilespmem:s25+$0x13DB0] =	vst v12  }
0x149: {  	s4 =	simm.s32 $0x80;
	[tilespmem:s25+$0x13DC0] =	vst v13  }
0x14a: {  	v9 =	vld [tilespmem:s4+$0x6D80];
	[tilespmem:s25+$0x13DD0] =	vst v15  }
0x14b: {  	v3 =	vld [tilespmem:s4+$0x6D90];
	[tilespmem:s25+$0x13DE0] =	vst v16  }
0x14c: {  	v4 =	vld [tilespmem:s4+$0x6DA0];
	[tilespmem:s25+$0x13DF0] =	vst v17  }
0x14d: {  	v5 =	vld [tilespmem:s4+$0x6DB0];
	[tilespmem:s25+$0x17180] =	vst v2  }
0x14e: {  	v2 =	vld [tilespmem:s4+$0x6DC0];
	[tilespmem:s25+$0x17190] =	vst v18  }
0x14f: {  	v7 =	vld [tilespmem:s4+$0x6DD0];
	[tilespmem:s25+$0x171A0] =	vst v19;
	v11 =	vadd.s32 v1, v9  }
0x150: {  	v6 =	vld [tilespmem:s4+$0x6DE0];
	[tilespmem:s25+$0x171B0] =	vst v20;
	v13 =	vadd.s32 v1, v3  }
0x151: {  	v10 =	vld [tilespmem:s4+$0x6DF0];
	[tilespmem:s25+$0x171C0] =	vst v21;
	v14 =	vadd.s32 v1, v4  }
0x152: {  	s6 =	simm.s32 $0x400;
	[tilespmem:s25+$0x171D0] =	vst v22;
	v12 =	vadd.s32 v1, v5  }
.LBB2_11:
0x153: {  	p0 =	sne.s32 s6, $0xBE00;
	v15 =	vadd.s32 v1, v2;
	[tilespmem:s25+$0x171E0] =	vst v8;
	s25 =	smov.u32 s4  }
0x154: {  	v11 =	vld.idx.msk [tilespmem:v11+s3+$0x0], $0xffff;
	v8 =	vadd.s32 v1, v7  }
0x155: {  	v13 =	vld.idx.msk [tilespmem:v13+s3+$0x0], $0xffff;
	v16 =	vadd.s32 v1, v6  }
0x156: {  	v14 =	vld.idx.msk [tilespmem:v14+s3+$0x0], $0xffff;
	v17 =	vadd.s32 v1, v10  }
0x157: {  	v9 =	vadd.s32 v0, v9;
	v12 =	vld.idx.msk [tilespmem:v12+s3+$0x0], $0xffff  }
0x158: {  	v10 =	vadd.s32 v0, v10;
	v15 =	vld.idx.msk [tilespmem:v15+s3+$0x0], $0xffff  }
0x159: {  	v3 =	vadd.s32 v0, v3;
	v18 =	vld.idx.msk [tilespmem:v8+s3+$0x0], $0xffff  }
0x15a: {  	v4 =	vadd.s32 v0, v4;
	v16 =	vld.idx.msk [tilespmem:v16+s3+$0x0], $0xffff  }
0x15b: {  	v5 =	vadd.s32 v0, v5;
	v17 =	vld.idx.msk [tilespmem:v17+s3+$0x0], $0xffff  }
0x15c: {  	v2 =	vadd.s32 v0, v2;
	v19 =	vld.idx.msk [tilespmem:v9+s3+$0x0], $0xffff  }
0x15d: {  	v7 =	vadd.s32 v0, v7;
	v9 =	vld.idx.msk [tilespmem:v10+s3+$0x0], $0xffff  }
0x15e: {  	v10 =	vld.idx.msk [tilespmem:v3+s3+$0x0], $0xffff;
	v3 =	vadd.s32 v0, v6  }
0x15f: {  	v6 =	vld.idx.msk [tilespmem:v4+s3+$0x0], $0xffff  }
0x160: {  	v20 =	vld.idx.msk [tilespmem:v5+s3+$0x0], $0xffff  }
0x161: {  	v21 =	vld.idx.msk [tilespmem:v2+s3+$0x0], $0xffff  }
0x162: {  	v22 =	vld.idx.msk [tilespmem:v7+s3+$0x0], $0xffff  }
0x163: {  	v8 =	vld.idx.msk [tilespmem:v3+s3+$0x0], $0xffff;
	[tilespmem:s25+$0x171F0] =	vst v9  }
0x164: {  	[tilespmem:s25+$0x13D80] =	vst v11  }
0x165: {  	[tilespmem:s25+$0x13D90] =	vst v13  }
0x166: {  	[tilespmem:s25+$0x13DA0] =	vst v14  }
0x167: {  	[tilespmem:s25+$0x13DB0] =	vst v12  }
0x168: {  	s4 =	sshra.s32 s6, $0x2;
	[tilespmem:s25+$0x13DC0] =	vst v15  }
0x169: {  	v9 =	vld [tilespmem:s4+$0x6D80];
	[tilespmem:s25+$0x13DD0] =	vst v18  }
0x16a: {  	v3 =	vld [tilespmem:s4+$0x6D90];
	[tilespmem:s25+$0x13DE0] =	vst v16  }
0x16b: {  	v4 =	vld [tilespmem:s4+$0x6DA0];
	[tilespmem:s25+$0x13DF0] =	vst v17  }
0x16c: {  	v5 =	vld [tilespmem:s4+$0x6DB0];
	[tilespmem:s25+$0x17180] =	vst v19  }
.Ltmp4:
0x16d: {  	v2 =	vld [tilespmem:s4+$0x6DC0];
	[tilespmem:s25+$0x17190] =	vst v10;
	(pc) =	sbr.rel @p0 .LBB2_11-.Ltmp4, $4  }
0x16e: {  	v7 =	vld [tilespmem:s4+$0x6DD0];
	v11 =	vadd.s32 v1, v9;
	[tilespmem:s25+$0x171A0] =	vst v6  }
0x16f: {  	v6 =	vld [tilespmem:s4+$0x6DE0];
	v13 =	vadd.s32 v1, v3;
	[tilespmem:s25+$0x171B0] =	vst v20  }
0x170: {  	v10 =	vld [tilespmem:s4+$0x6DF0];
	v14 =	vadd.s32 v1, v4;
	[tilespmem:s25+$0x171C0] =	vst v21  }
0x171: {  	s6 =	sadd.s32 $0x200, s6;
	v12 =	vadd.s32 v1, v5;
	[tilespmem:s25+$0x171D0] =	vst v22  }
0x172: {  	_ =	sdelay $0x2  }
0x173: {  	v15 =	vadd.s32 v1, v2;
	[tilespmem:s25+$0x171E0] =	vst v8  }
0x174: {  	v9 =	vadd.s32 v0, v9;
	v8 =	vld.idx.msk [tilespmem:v11+s3+$0x0], $0xffff  }
0x175: {  	v3 =	vadd.s32 v0, v3;
	v13 =	vld.idx.msk [tilespmem:v13+s3+$0x0], $0xffff  }
0x176: {  	v4 =	vadd.s32 v0, v4;
	v14 =	vld.idx.msk [tilespmem:v14+s3+$0x0], $0xffff  }
0x177: {  	v5 =	vadd.s32 v0, v5;
	v12 =	vld.idx.msk [tilespmem:v12+s3+$0x0], $0xffff  }
0x178: {  	v60 =	vadd.s32 v0, v2;
	v15 =	vld.idx.msk [tilespmem:v15+s3+$0x0], $0xffff  }
0x179: {  	v57 =	vadd.s32 v1, v7;
	v9 =	vld.idx.msk [tilespmem:v9+s3+$0x0], $0xffff  }
0x17a: {  	v61 =	vadd.s32 v0, v7;
	v3 =	vld.idx.msk [tilespmem:v3+s3+$0x0], $0xffff  }
0x17b: {  	v16 =	vadd.s32 v1, v6;
	v4 =	vld.idx.msk [tilespmem:v4+s3+$0x0], $0xffff  }
0x17c: {  	v62 =	vadd.s32 v0, v6;
	v5 =	vld.idx.msk [tilespmem:v5+s3+$0x0], $0xffff  }
0x17d: {  	v58 =	vadd.s32 v1, v10;
	v2 =	vld.idx.msk [tilespmem:v60+s3+$0x0], $0xffff  }
0x17e: {  	v59 =	vadd.s32 v0, v10;
	v11 =	vld.idx.msk [tilespmem:v57+s3+$0x0], $0xffff  }
0x17f: {  	v63 =	vld.idx.msk [tilespmem:v61+s3+$0x0], $0xffff  }
0x180: {  	v16 =	vld.idx.msk [tilespmem:v16+s3+$0x0], $0xffff  }
0x181: {  	v0 =	vld.idx.msk [tilespmem:v62+s3+$0x0], $0xffff  }
0x182: {  	v1 =	vld.idx.msk [tilespmem:v58+s3+$0x0], $0xffff  }
0x183: {  	v10 =	vld.idx.msk [tilespmem:v59+s3+$0x0], $0xffff;
	[tilespmem:s4+$0x13D80] =	vst v8  }
0x184: {  	[tilespmem:s4+$0x13D90] =	vst v13  }
0x185: {  	[tilespmem:s4+$0x13DA0] =	vst v14  }
0x186: {  	[tilespmem:s4+$0x13DB0] =	vst v12  }
0x187: {  	[tilespmem:s4+$0x13DC0] =	vst v15  }
0x188: {  	[tilespmem:s4+$0x17180] =	vst v9  }
0x189: {  	[tilespmem:s4+$0x17190] =	vst v3  }
0x18a: {  	[tilespmem:s4+$0x171A0] =	vst v4  }
0x18b: {  	[tilespmem:s4+$0x171B0] =	vst v5  }
0x18c: {  	[tilespmem:s4+$0x171C0] =	vst v2  }
0x18d: {  	[tilespmem:s4+$0x13DD0] =	vst v11  }
0x18e: {  	s6 =	smul.u32 $0x190000, s24;
	[tilespmem:s4+$0x171D0] =	vst v63  }
0x18f: {  	s23 =	sadd.s32 $0x1, s23;
	[tilespmem:s4+$0x13DE0] =	vst v16  }
0x190: {  	p0 =	sne.s32 s23, $0x10;
	s6 =	sadd.s32 s10, s6;
	[tilespmem:s4+$0x171E0] =	vst v0  }
.Ltmp5:
0x191: {  	s6 =	sshrl.u32 s6, $0x3;
	[tilespmem:s4+$0x171F0] =	vst v10;
	(pc) =	sbr.rel @p0 .LBB2_8-.Ltmp5, $4  }
0x192: {  	s25 =	sadd.s32 s1, s6;
	[tilespmem:s4+$0x13DF0] =	vst v1  }
0x193: {  	[hbm4b:s25+s21] =	stream.strided.scatter [tilespmem:s29], [sflag:$0x2], $0x3000, s22, s21, $0x38;
	[tilespmem:$0x1A580] =	vst v63  }
0x194: {  	s4 =	sadd.s32 $0x19000, s25  }
0x195: {  	[hbm4b:s4+s21] =	stream.strided.scatter [tilespmem:s30], [sflag:$0x2], $0x3000, s22, s21, $0x38;
	[tilespmem:$0x1A580] =	vst v63  }
0x196: {  	_ =	swait.ge [sflag:s31], $0x6000  }
0x197: {  	[sflag:s31] =	ssyncset.done $0x0  }
0x198: {  	[sflag:s31] =	ssyncadd.s32 $0xFFFFA000  }
0x199: {  	_ =	swait.ge [sflag:s0], $0x6000  }
0x19a: {  	[sflag:s0] =	ssyncset.done $0x0  }
0x19b: {  	s23 =	simm.s32 $0x0;
	[sflag:s0] =	ssyncadd.s32 $0xFFFFA000  }
.LBB2_14:
0x19c: {  	p0 =	seq.s32 s23, $0x0  }
0x19d: {  	s4 =	simm.s32 @!p0 $0x1  }
0x19e: {  	_ =	swait.ge @!p0 [sflag:s4], $0x6000  }
0x19f: {  	[sflag:s4] =	ssyncset.done @!p0 $0x0  }
0x1a0: {  	s24 =	simm.s32 $0x0;
	[sflag:s4] =	ssyncadd.s32 @!p0 $0xFFFFA000  }
0x1a1: {  	v2 =	vld [tilespmem:s24+$0xA180]  }
0x1a2: {  	v3 =	vld [tilespmem:s24+$0xA190]  }
0x1a3: {  	s25 =	sshll.u32 s23, $0x9;
	v4 =	vld [tilespmem:s24+$0xA1A0]  }
0x1a4: {  	s6 =	sadd.s32 $0x1900, s25;
	v5 =	vld [tilespmem:s24+$0xA1B0]  }
0x1a5: {  	v1 =	vmov s6;
	v6 =	vld [tilespmem:s24+$0xA1C0]  }
0x1a6: {  	v7 =	vld [tilespmem:s24+$0xA1D0];
	v0 =	vadd.s32 v1, v2  }
0x1a7: {  	v8 =	vld [tilespmem:s24+$0xA1E0];
	v9 =	vadd.s32 v1, v3  }
0x1a8: {  	v10 =	vld [tilespmem:s24+$0xA1F0];
	v11 =	vadd.s32 v1, v4  }
0x1a9: {  	v12 =	vadd.s32 v1, v5  }
0x1aa: {  	v13 =	vadd.s32 v1, v6  }
0x1ab: {  	v15 =	vadd.s32 v1, v7;
	v14 =	vld.idx.msk [tilespmem:v0+s3+$0x0], $0xffff  }
0x1ac: {  	s4 =	sadd.s32 $0x1980, s25;
	v16 =	vadd.s32 v1, v8;
	v9 =	vld.idx.msk [tilespmem:v9+s3+$0x0], $0xffff  }
0x1ad: {  	v17 =	vadd.s32 v1, v10;
	v0 =	vmov s4;
	v11 =	vld.idx.msk [tilespmem:v11+s3+$0x0], $0xffff  }
0x1ae: {  	v12 =	vld.idx.msk [tilespmem:v12+s3+$0x0], $0xffff;
	v2 =	vadd.s32 v0, v2  }
0x1af: {  	v13 =	vld.idx.msk [tilespmem:v13+s3+$0x0], $0xffff;
	v10 =	vadd.s32 v0, v10  }
0x1b0: {  	v15 =	vld.idx.msk [tilespmem:v15+s3+$0x0], $0xffff;
	v3 =	vadd.s32 v0, v3  }
0x1b1: {  	v16 =	vld.idx.msk [tilespmem:v16+s3+$0x0], $0xffff;
	v4 =	vadd.s32 v0, v4  }
0x1b2: {  	v17 =	vld.idx.msk [tilespmem:v17+s3+$0x0], $0xffff;
	v5 =	vadd.s32 v0, v5  }
0x1b3: {  	v6 =	vadd.s32 v0, v6;
	v2 =	vld.idx.msk [tilespmem:v2+s3+$0x0], $0xffff  }
0x1b4: {  	v7 =	vadd.s32 v0, v7;
	v10 =	vld.idx.msk [tilespmem:v10+s3+$0x0], $0xffff  }
0x1b5: {  	v18 =	vld.idx.msk [tilespmem:v3+s3+$0x0], $0xffff;
	v3 =	vadd.s32 v0, v8  }
0x1b6: {  	v19 =	vld.idx.msk [tilespmem:v4+s3+$0x0], $0xffff  }
0x1b7: {  	v20 =	vld.idx.msk [tilespmem:v5+s3+$0x0], $0xffff  }
0x1b8: {  	v21 =	vld.idx.msk [tilespmem:v6+s3+$0x0], $0xffff  }
0x1b9: {  	v22 =	vld.idx.msk [tilespmem:v7+s3+$0x0], $0xffff  }
0x1ba: {  	v8 =	vld.idx.msk [tilespmem:v3+s3+$0x0], $0xffff;
	[tilespmem:s24+$0x109F0] =	vst v10  }
0x1bb: {  	[tilespmem:s24+$0xD580] =	vst v14  }
0x1bc: {  	[tilespmem:s24+$0xD590] =	vst v9  }
0x1bd: {  	[tilespmem:s24+$0xD5A0] =	vst v11  }
0x1be: {  	[tilespmem:s24+$0xD5B0] =	vst v12  }
0x1bf: {  	s25 =	simm.s32 $0x80;
	[tilespmem:s24+$0xD5C0] =	vst v13  }
0x1c0: {  	v9 =	vld [tilespmem:s25+$0xA180];
	[tilespmem:s24+$0xD5D0] =	vst v15  }
0x1c1: {  	v3 =	vld [tilespmem:s25+$0xA190];
	[tilespmem:s24+$0xD5E0] =	vst v16  }
0x1c2: {  	v4 =	vld [tilespmem:s25+$0xA1A0];
	[tilespmem:s24+$0xD5F0] =	vst v17  }
0x1c3: {  	v5 =	vld [tilespmem:s25+$0xA1B0];
	[tilespmem:s24+$0x10980] =	vst v2  }
0x1c4: {  	v2 =	vld [tilespmem:s25+$0xA1C0];
	[tilespmem:s24+$0x10990] =	vst v18  }
0x1c5: {  	v7 =	vld [tilespmem:s25+$0xA1D0];
	[tilespmem:s24+$0x109A0] =	vst v19;
	v11 =	vadd.s32 v1, v9  }
0x1c6: {  	v6 =	vld [tilespmem:s25+$0xA1E0];
	[tilespmem:s24+$0x109B0] =	vst v20;
	v13 =	vadd.s32 v1, v3  }
0x1c7: {  	v10 =	vld [tilespmem:s25+$0xA1F0];
	[tilespmem:s24+$0x109C0] =	vst v21;
	v14 =	vadd.s32 v1, v4  }
0x1c8: {  	s6 =	simm.s32 $0x400;
	s4 =	sshll.u32 s23, $0x1;
	[tilespmem:s24+$0x109D0] =	vst v22;
	v12 =	vadd.s32 v1, v5  }
.LBB2_15:
0x1c9: {  	p1 =	sne.s32 s6, $0xBE00;
	v15 =	vadd.s32 v1, v2;
	[tilespmem:s24+$0x109E0] =	vst v8;
	s24 =	smov.u32 s25  }
0x1ca: {  	v11 =	vld.idx.msk [tilespmem:v11+s3+$0x0], $0xffff;
	v8 =	vadd.s32 v1, v7  }
0x1cb: {  	v13 =	vld.idx.msk [tilespmem:v13+s3+$0x0], $0xffff;
	v16 =	vadd.s32 v1, v6  }
0x1cc: {  	v14 =	vld.idx.msk [tilespmem:v14+s3+$0x0], $0xffff;
	v17 =	vadd.s32 v1, v10  }
0x1cd: {  	v9 =	vadd.s32 v0, v9;
	v12 =	vld.idx.msk [tilespmem:v12+s3+$0x0], $0xffff  }
0x1ce: {  	v10 =	vadd.s32 v0, v10;
	v15 =	vld.idx.msk [tilespmem:v15+s3+$0x0], $0xffff  }
0x1cf: {  	v3 =	vadd.s32 v0, v3;
	v18 =	vld.idx.msk [tilespmem:v8+s3+$0x0], $0xffff  }
0x1d0: {  	v4 =	vadd.s32 v0, v4;
	v16 =	vld.idx.msk [tilespmem:v16+s3+$0x0], $0xffff  }
0x1d1: {  	v5 =	vadd.s32 v0, v5;
	v17 =	vld.idx.msk [tilespmem:v17+s3+$0x0], $0xffff  }
0x1d2: {  	v2 =	vadd.s32 v0, v2;
	v19 =	vld.idx.msk [tilespmem:v9+s3+$0x0], $0xffff  }
0x1d3: {  	v7 =	vadd.s32 v0, v7;
	v9 =	vld.idx.msk [tilespmem:v10+s3+$0x0], $0xffff  }
0x1d4: {  	v10 =	vld.idx.msk [tilespmem:v3+s3+$0x0], $0xffff;
	v3 =	vadd.s32 v0, v6  }
0x1d5: {  	v6 =	vld.idx.msk [tilespmem:v4+s3+$0x0], $0xffff  }
0x1d6: {  	v20 =	vld.idx.msk [tilespmem:v5+s3+$0x0], $0xffff  }
0x1d7: {  	v21 =	vld.idx.msk [tilespmem:v2+s3+$0x0], $0xffff  }
0x1d8: {  	v22 =	vld.idx.msk [tilespmem:v7+s3+$0x0], $0xffff  }
0x1d9: {  	v8 =	vld.idx.msk [tilespmem:v3+s3+$0x0], $0xffff;
	[tilespmem:s24+$0x109F0] =	vst v9  }
0x1da: {  	[tilespmem:s24+$0xD580] =	vst v11  }
0x1db: {  	[tilespmem:s24+$0xD590] =	vst v13  }
0x1dc: {  	[tilespmem:s24+$0xD5A0] =	vst v14  }
0x1dd: {  	[tilespmem:s24+$0xD5B0] =	vst v12  }
0x1de: {  	s25 =	sshra.s32 s6, $0x2;
	[tilespmem:s24+$0xD5C0] =	vst v15  }
0x1df: {  	v9 =	vld [tilespmem:s25+$0xA180];
	[tilespmem:s24+$0xD5D0] =	vst v18  }
0x1e0: {  	v3 =	vld [tilespmem:s25+$0xA190];
	[tilespmem:s24+$0xD5E0] =	vst v16  }
0x1e1: {  	v4 =	vld [tilespmem:s25+$0xA1A0];
	[tilespmem:s24+$0xD5F0] =	vst v17  }
0x1e2: {  	v5 =	vld [tilespmem:s25+$0xA1B0];
	[tilespmem:s24+$0x10980] =	vst v19  }
.Ltmp6:
0x1e3: {  	v2 =	vld [tilespmem:s25+$0xA1C0];
	[tilespmem:s24+$0x10990] =	vst v10;
	(pc) =	sbr.rel @p1 .LBB2_15-.Ltmp6, $4  }
0x1e4: {  	v7 =	vld [tilespmem:s25+$0xA1D0];
	v11 =	vadd.s32 v1, v9;
	[tilespmem:s24+$0x109A0] =	vst v6  }
0x1e5: {  	v6 =	vld [tilespmem:s25+$0xA1E0];
	v13 =	vadd.s32 v1, v3;
	[tilespmem:s24+$0x109B0] =	vst v20  }
0x1e6: {  	v10 =	vld [tilespmem:s25+$0xA1F0];
	v14 =	vadd.s32 v1, v4;
	[tilespmem:s24+$0x109C0] =	vst v21  }
0x1e7: {  	s6 =	sadd.s32 $0x200, s6;
	v12 =	vadd.s32 v1, v5;
	[tilespmem:s24+$0x109D0] =	vst v22  }
0x1e8: {  	_ =	sdelay $0x2  }
0x1e9: {  	v15 =	vadd.s32 v1, v2;
	[tilespmem:s24+$0x109E0] =	vst v8  }
0x1ea: {  	v9 =	vadd.s32 v0, v9;
	v8 =	vld.idx.msk [tilespmem:v11+s3+$0x0], $0xffff  }
0x1eb: {  	v3 =	vadd.s32 v0, v3;
	v13 =	vld.idx.msk [tilespmem:v13+s3+$0x0], $0xffff  }
0x1ec: {  	v4 =	vadd.s32 v0, v4;
	v14 =	vld.idx.msk [tilespmem:v14+s3+$0x0], $0xffff  }
0x1ed: {  	v5 =	vadd.s32 v0, v5;
	v12 =	vld.idx.msk [tilespmem:v12+s3+$0x0], $0xffff  }
0x1ee: {  	v2 =	vadd.s32 v0, v2;
	v15 =	vld.idx.msk [tilespmem:v15+s3+$0x0], $0xffff  }
0x1ef: {  	v11 =	vadd.s32 v1, v7;
	v9 =	vld.idx.msk [tilespmem:v9+s3+$0x0], $0xffff  }
0x1f0: {  	v7 =	vadd.s32 v0, v7;
	v3 =	vld.idx.msk [tilespmem:v3+s3+$0x0], $0xffff  }
0x1f1: {  	v16 =	vadd.s32 v1, v6;
	v4 =	vld.idx.msk [tilespmem:v4+s3+$0x0], $0xffff  }
0x1f2: {  	v1 =	vadd.s32 v1, v10;
	v5 =	vld.idx.msk [tilespmem:v5+s3+$0x0], $0xffff  }
0x1f3: {  	v10 =	vadd.s32 v0, v10;
	v2 =	vld.idx.msk [tilespmem:v2+s3+$0x0], $0xffff  }
0x1f4: {  	v0 =	vadd.s32 v0, v6;
	v11 =	vld.idx.msk [tilespmem:v11+s3+$0x0], $0xffff  }
0x1f5: {  	v6 =	vld.idx.msk [tilespmem:v7+s3+$0x0], $0xffff  }
0x1f6: {  	v16 =	vld.idx.msk [tilespmem:v16+s3+$0x0], $0xffff  }
0x1f7: {  	v1 =	vld.idx.msk [tilespmem:v1+s3+$0x0], $0xffff  }
0x1f8: {  	v10 =	vld.idx.msk [tilespmem:v10+s3+$0x0], $0xffff  }
0x1f9: {  	v0 =	vld.idx.msk [tilespmem:v0+s3+$0x0], $0xffff;
	[tilespmem:s25+$0xD580] =	vst v8  }
0x1fa: {  	[tilespmem:s25+$0xD590] =	vst v13  }
0x1fb: {  	[tilespmem:s25+$0xD5A0] =	vst v14  }
0x1fc: {  	[tilespmem:s25+$0xD5B0] =	vst v12  }
0x1fd: {  	[tilespmem:s25+$0xD5C0] =	vst v15  }
0x1fe: {  	[tilespmem:s25+$0x10980] =	vst v9  }
0x1ff: {  	[tilespmem:s25+$0x10990] =	vst v3  }
0x200: {  	[tilespmem:s25+$0x109A0] =	vst v4  }
0x201: {  	[tilespmem:s25+$0x109B0] =	vst v5  }
0x202: {  	[tilespmem:s25+$0x109C0] =	vst v2  }
0x203: {  	[tilespmem:s25+$0xD5D0] =	vst v11  }
0x204: {  	s6 =	smul.u32 $0x320000, s23;
	[tilespmem:s25+$0x109D0] =	vst v6  }
0x205: {  	[tilespmem:s25+$0xD5E0] =	vst v16  }
0x206: {  	s6 =	sadd.s32 s11, s6;
	[tilespmem:s25+$0x109F0] =	vst v10  }
0x207: {  	s6 =	sshrl.u32 s6, $0x3;
	[tilespmem:s25+$0xD5F0] =	vst v1  }
0x208: {  	s6 =	sadd.s32 s1, s6;
	[tilespmem:s25+$0x109E0] =	vst v0  }
0x209: {  	[hbm4b:s6+s21] =	stream.strided.scatter [tilespmem:s26], [sflag:$0x1], $0x3000, s22, s21, $0x38;
	[tilespmem:$0x1A580] =	vst v63  }
0x20a: {  	s6 =	sadd.s32 $0x19000, s6  }
0x20b: {  	[hbm4b:s6+s21] =	stream.strided.scatter [tilespmem:s28], [sflag:$0x1], $0x3000, s22, s21, $0x38;
	[tilespmem:$0x1A580] =	vst v63  }
0x20c: {  	s6 =	simm.s32 @!p0 $0x2  }
0x20d: {  	_ =	swait.ge @!p0 [sflag:s6], $0x6000  }
0x20e: {  	[sflag:s6] =	ssyncset.done @!p0 $0x0  }
0x20f: {  	s25 =	simm.s32 $0x0;
	[sflag:s6] =	ssyncadd.s32 @!p0 $0xFFFFA000  }
0x210: {  	v2 =	vld [tilespmem:s25+$0xA180]  }
0x211: {  	s24 =	sor.u32 $0x1, s4;
	v3 =	vld [tilespmem:s25+$0xA190]  }
0x212: {  	s4 =	sshll.u32 s24, $0x8;
	v4 =	vld [tilespmem:s25+$0xA1A0]  }
0x213: {  	s6 =	sadd.s32 $0x1900, s4;
	v5 =	vld [tilespmem:s25+$0xA1B0]  }
0x214: {  	v1 =	vmov s6;
	v6 =	vld [tilespmem:s25+$0xA1C0]  }
0x215: {  	v7 =	vld [tilespmem:s25+$0xA1D0];
	v0 =	vadd.s32 v1, v2  }
0x216: {  	v8 =	vld [tilespmem:s25+$0xA1E0];
	v9 =	vadd.s32 v1, v3  }
0x217: {  	v10 =	vld [tilespmem:s25+$0xA1F0];
	v11 =	vadd.s32 v1, v4  }
0x218: {  	v12 =	vadd.s32 v1, v5  }
0x219: {  	v13 =	vadd.s32 v1, v6  }
0x21a: {  	v15 =	vadd.s32 v1, v7;
	v14 =	vld.idx.msk [tilespmem:v0+s3+$0x0], $0xffff  }
0x21b: {  	s4 =	sadd.s32 $0x1980, s4;
	v63 =	vadd.s32 v1, v8;
	v9 =	vld.idx.msk [tilespmem:v9+s3+$0x0], $0xffff  }
0x21c: {  	v17 =	vadd.s32 v1, v10;
	v0 =	vmov s4;
	v11 =	vld.idx.msk [tilespmem:v11+s3+$0x0], $0xffff  }
0x21d: {  	v12 =	vld.idx.msk [tilespmem:v12+s3+$0x0], $0xffff;
	v2 =	vadd.s32 v0, v2  }
0x21e: {  	v13 =	vld.idx.msk [tilespmem:v13+s3+$0x0], $0xffff;
	v10 =	vadd.s32 v0, v10  }
0x21f: {  	v15 =	vld.idx.msk [tilespmem:v15+s3+$0x0], $0xffff;
	v3 =	vadd.s32 v0, v3  }
0x220: {  	v16 =	vld.idx.msk [tilespmem:v63+s3+$0x0], $0xffff;
	v4 =	vadd.s32 v0, v4  }
0x221: {  	v17 =	vld.idx.msk [tilespmem:v17+s3+$0x0], $0xffff;
	v5 =	vadd.s32 v0, v5  }
0x222: {  	v6 =	vadd.s32 v0, v6;
	v2 =	vld.idx.msk [tilespmem:v2+s3+$0x0], $0xffff  }
0x223: {  	v7 =	vadd.s32 v0, v7;
	v10 =	vld.idx.msk [tilespmem:v10+s3+$0x0], $0xffff  }
0x224: {  	v18 =	vld.idx.msk [tilespmem:v3+s3+$0x0], $0xffff;
	v3 =	vadd.s32 v0, v8  }
0x225: {  	v19 =	vld.idx.msk [tilespmem:v4+s3+$0x0], $0xffff  }
0x226: {  	v20 =	vld.idx.msk [tilespmem:v5+s3+$0x0], $0xffff  }
0x227: {  	v21 =	vld.idx.msk [tilespmem:v6+s3+$0x0], $0xffff  }
0x228: {  	v22 =	vld.idx.msk [tilespmem:v7+s3+$0x0], $0xffff  }
0x229: {  	v8 =	vld.idx.msk [tilespmem:v3+s3+$0x0], $0xffff;
	[tilespmem:s25+$0x171F0] =	vst v10  }
0x22a: {  	[tilespmem:s25+$0x13D80] =	vst v14  }
0x22b: {  	[tilespmem:s25+$0x13D90] =	vst v9  }
0x22c: {  	[tilespmem:s25+$0x13DA0] =	vst v11  }
0x22d: {  	[tilespmem:s25+$0x13DB0] =	vst v12  }
0x22e: {  	s4 =	simm.s32 $0x80;
	[tilespmem:s25+$0x13DC0] =	vst v13  }
0x22f: {  	v9 =	vld [tilespmem:s4+$0xA180];
	[tilespmem:s25+$0x13DD0] =	vst v15  }
0x230: {  	v3 =	vld [tilespmem:s4+$0xA190];
	[tilespmem:s25+$0x13DE0] =	vst v16  }
0x231: {  	v4 =	vld [tilespmem:s4+$0xA1A0];
	[tilespmem:s25+$0x13DF0] =	vst v17  }
0x232: {  	v5 =	vld [tilespmem:s4+$0xA1B0];
	[tilespmem:s25+$0x17180] =	vst v2  }
0x233: {  	v2 =	vld [tilespmem:s4+$0xA1C0];
	[tilespmem:s25+$0x17190] =	vst v18  }
0x234: {  	v7 =	vld [tilespmem:s4+$0xA1D0];
	[tilespmem:s25+$0x171A0] =	vst v19;
	v11 =	vadd.s32 v1, v9  }
0x235: {  	v6 =	vld [tilespmem:s4+$0xA1E0];
	[tilespmem:s25+$0x171B0] =	vst v20;
	v13 =	vadd.s32 v1, v3  }
0x236: {  	v10 =	vld [tilespmem:s4+$0xA1F0];
	[tilespmem:s25+$0x171C0] =	vst v21;
	v14 =	vadd.s32 v1, v4  }
0x237: {  	s6 =	simm.s32 $0x400;
	[tilespmem:s25+$0x171D0] =	vst v22;
	v12 =	vadd.s32 v1, v5  }
.LBB2_17:
0x238: {  	p0 =	sne.s32 s6, $0xBE00;
	v15 =	vadd.s32 v1, v2;
	[tilespmem:s25+$0x171E0] =	vst v8;
	s25 =	smov.u32 s4  }
0x239: {  	v11 =	vld.idx.msk [tilespmem:v11+s3+$0x0], $0xffff;
	v8 =	vadd.s32 v1, v7  }
0x23a: {  	v13 =	vld.idx.msk [tilespmem:v13+s3+$0x0], $0xffff;
	v16 =	vadd.s32 v1, v6  }
0x23b: {  	v14 =	vld.idx.msk [tilespmem:v14+s3+$0x0], $0xffff;
	v17 =	vadd.s32 v1, v10  }
0x23c: {  	v9 =	vadd.s32 v0, v9;
	v12 =	vld.idx.msk [tilespmem:v12+s3+$0x0], $0xffff  }
0x23d: {  	v10 =	vadd.s32 v0, v10;
	v15 =	vld.idx.msk [tilespmem:v15+s3+$0x0], $0xffff  }
0x23e: {  	v3 =	vadd.s32 v0, v3;
	v18 =	vld.idx.msk [tilespmem:v8+s3+$0x0], $0xffff  }
0x23f: {  	v4 =	vadd.s32 v0, v4;
	v16 =	vld.idx.msk [tilespmem:v16+s3+$0x0], $0xffff  }
0x240: {  	v5 =	vadd.s32 v0, v5;
	v17 =	vld.idx.msk [tilespmem:v17+s3+$0x0], $0xffff  }
0x241: {  	v2 =	vadd.s32 v0, v2;
	v19 =	vld.idx.msk [tilespmem:v9+s3+$0x0], $0xffff  }
0x242: {  	v7 =	vadd.s32 v0, v7;
	v9 =	vld.idx.msk [tilespmem:v10+s3+$0x0], $0xffff  }
0x243: {  	v10 =	vld.idx.msk [tilespmem:v3+s3+$0x0], $0xffff;
	v3 =	vadd.s32 v0, v6  }
0x244: {  	v6 =	vld.idx.msk [tilespmem:v4+s3+$0x0], $0xffff  }
0x245: {  	v20 =	vld.idx.msk [tilespmem:v5+s3+$0x0], $0xffff  }
0x246: {  	v21 =	vld.idx.msk [tilespmem:v2+s3+$0x0], $0xffff  }
0x247: {  	v22 =	vld.idx.msk [tilespmem:v7+s3+$0x0], $0xffff  }
0x248: {  	v8 =	vld.idx.msk [tilespmem:v3+s3+$0x0], $0xffff;
	[tilespmem:s25+$0x171F0] =	vst v9  }
0x249: {  	[tilespmem:s25+$0x13D80] =	vst v11  }
0x24a: {  	[tilespmem:s25+$0x13D90] =	vst v13  }
0x24b: {  	[tilespmem:s25+$0x13DA0] =	vst v14  }
0x24c: {  	[tilespmem:s25+$0x13DB0] =	vst v12  }
0x24d: {  	s4 =	sshra.s32 s6, $0x2;
	[tilespmem:s25+$0x13DC0] =	vst v15  }
0x24e: {  	v9 =	vld [tilespmem:s4+$0xA180];
	[tilespmem:s25+$0x13DD0] =	vst v18  }
0x24f: {  	v3 =	vld [tilespmem:s4+$0xA190];
	[tilespmem:s25+$0x13DE0] =	vst v16  }
0x250: {  	v4 =	vld [tilespmem:s4+$0xA1A0];
	[tilespmem:s25+$0x13DF0] =	vst v17  }
0x251: {  	v5 =	vld [tilespmem:s4+$0xA1B0];
	[tilespmem:s25+$0x17180] =	vst v19  }
.Ltmp7:
0x252: {  	v2 =	vld [tilespmem:s4+$0xA1C0];
	[tilespmem:s25+$0x17190] =	vst v10;
	(pc) =	sbr.rel @p0 .LBB2_17-.Ltmp7, $4  }
0x253: {  	v7 =	vld [tilespmem:s4+$0xA1D0];
	v11 =	vadd.s32 v1, v9;
	[tilespmem:s25+$0x171A0] =	vst v6  }
0x254: {  	v6 =	vld [tilespmem:s4+$0xA1E0];
	v13 =	vadd.s32 v1, v3;
	[tilespmem:s25+$0x171B0] =	vst v20  }
0x255: {  	v10 =	vld [tilespmem:s4+$0xA1F0];
	v14 =	vadd.s32 v1, v4;
	[tilespmem:s25+$0x171C0] =	vst v21  }
0x256: {  	s6 =	sadd.s32 $0x200, s6;
	v12 =	vadd.s32 v1, v5;
	[tilespmem:s25+$0x171D0] =	vst v22  }
0x257: {  	_ =	sdelay $0x2  }
0x258: {  	v15 =	vadd.s32 v1, v2;
	[tilespmem:s25+$0x171E0] =	vst v8  }
0x259: {  	v9 =	vadd.s32 v0, v9;
	v8 =	vld.idx.msk [tilespmem:v11+s3+$0x0], $0xffff  }
0x25a: {  	v3 =	vadd.s32 v0, v3;
	v13 =	vld.idx.msk [tilespmem:v13+s3+$0x0], $0xffff  }
0x25b: {  	v4 =	vadd.s32 v0, v4;
	v14 =	vld.idx.msk [tilespmem:v14+s3+$0x0], $0xffff  }
0x25c: {  	v5 =	vadd.s32 v0, v5;
	v12 =	vld.idx.msk [tilespmem:v12+s3+$0x0], $0xffff  }
0x25d: {  	v60 =	vadd.s32 v0, v2;
	v15 =	vld.idx.msk [tilespmem:v15+s3+$0x0], $0xffff  }
0x25e: {  	v57 =	vadd.s32 v1, v7;
	v9 =	vld.idx.msk [tilespmem:v9+s3+$0x0], $0xffff  }
0x25f: {  	v61 =	vadd.s32 v0, v7;
	v3 =	vld.idx.msk [tilespmem:v3+s3+$0x0], $0xffff  }
0x260: {  	v16 =	vadd.s32 v1, v6;
	v4 =	vld.idx.msk [tilespmem:v4+s3+$0x0], $0xffff  }
0x261: {  	v62 =	vadd.s32 v0, v6;
	v5 =	vld.idx.msk [tilespmem:v5+s3+$0x0], $0xffff  }
0x262: {  	v58 =	vadd.s32 v1, v10;
	v2 =	vld.idx.msk [tilespmem:v60+s3+$0x0], $0xffff  }
0x263: {  	v59 =	vadd.s32 v0, v10;
	v11 =	vld.idx.msk [tilespmem:v57+s3+$0x0], $0xffff  }
0x264: {  	v63 =	vld.idx.msk [tilespmem:v61+s3+$0x0], $0xffff  }
0x265: {  	v16 =	vld.idx.msk [tilespmem:v16+s3+$0x0], $0xffff  }
0x266: {  	v0 =	vld.idx.msk [tilespmem:v62+s3+$0x0], $0xffff  }
0x267: {  	v1 =	vld.idx.msk [tilespmem:v58+s3+$0x0], $0xffff  }
0x268: {  	v10 =	vld.idx.msk [tilespmem:v59+s3+$0x0], $0xffff;
	[tilespmem:s4+$0x13D80] =	vst v8  }
0x269: {  	[tilespmem:s4+$0x13D90] =	vst v13  }
0x26a: {  	[tilespmem:s4+$0x13DA0] =	vst v14  }
0x26b: {  	[tilespmem:s4+$0x13DB0] =	vst v12  }
0x26c: {  	[tilespmem:s4+$0x13DC0] =	vst v15  }
0x26d: {  	[tilespmem:s4+$0x17180] =	vst v9  }
0x26e: {  	[tilespmem:s4+$0x17190] =	vst v3  }
0x26f: {  	[tilespmem:s4+$0x171A0] =	vst v4  }
0x270: {  	[tilespmem:s4+$0x171B0] =	vst v5  }
0x271: {  	[tilespmem:s4+$0x171C0] =	vst v2  }
0x272: {  	[tilespmem:s4+$0x13DD0] =	vst v11  }
0x273: {  	s6 =	smul.u32 $0x190000, s24;
	[tilespmem:s4+$0x171D0] =	vst v63  }
0x274: {  	s23 =	sadd.s32 $0x1, s23;
	[tilespmem:s4+$0x13DE0] =	vst v16  }
0x275: {  	p0 =	sne.s32 s23, $0x10;
	s6 =	sadd.s32 s11, s6;
	[tilespmem:s4+$0x171E0] =	vst v0  }
.Ltmp8:
0x276: {  	s6 =	sshrl.u32 s6, $0x3;
	[tilespmem:s4+$0x171F0] =	vst v10;
	(pc) =	sbr.rel @p0 .LBB2_14-.Ltmp8, $4  }
0x277: {  	s25 =	sadd.s32 s1, s6;
	[tilespmem:s4+$0x13DF0] =	vst v1  }
0x278: {  	[hbm4b:s25+s21] =	stream.strided.scatter [tilespmem:s29], [sflag:$0x2], $0x3000, s22, s21, $0x38;
	[tilespmem:$0x1A580] =	vst v63  }
0x279: {  	s4 =	sadd.s32 $0x19000, s25  }
0x27a: {  	[hbm4b:s4+s21] =	stream.strided.scatter [tilespmem:s30], [sflag:$0x2], $0x3000, s22, s21, $0x38;
	[tilespmem:$0x1A580] =	vst v63  }
0x27b: {  	_ =	swait.ge [sflag:s31], $0x6000  }
0x27c: {  	[sflag:s31] =	ssyncset.done $0x0  }
0x27d: {  	[sflag:s31] =	ssyncadd.s32 $0xFFFFA000  }
0x27e: {  	_ =	swait.ge [sflag:s0], $0x6000  }
0x27f: {  	[sflag:s0] =	ssyncset.done $0x0  }
0x280: {  	s4 =	simm.s32 $0x3980;
	[sflag:s0] =	ssyncadd.s32 $0xFFFFA000  }
0x281: {  	[tilespmem:s4], [sflag:$0x3] =	stream.strided.gather [hbm4b:s12+s21], $0x3400, s22, s21, $0x38;
	[tilespmem:$0x1A580] =	vst v63  }
0x282: {  	_ =	swait.ge [sflag:s19], $0x3400  }
0x283: {  	[sflag:s19] =	ssyncset.done $0x0  }
0x284: {  	s24 =	simm.s32 $0x6D80;
	[sflag:s19] =	ssyncadd.s32 $0xFFFFCC00  }
0x285: {  	[tilespmem:s24], [sflag:$0x3] =	stream.strided.gather [hbm4b:s13+s21], $0x3400, s22, s21, $0x38;
	[tilespmem:$0x1A580] =	vst v63  }
0x286: {  	_ =	swait.ge [sflag:s19], $0x3400  }
0x287: {  	[sflag:s19] =	ssyncset.done $0x0  }
0x288: {  	s25 =	simm.s32 $0xA180;
	[sflag:s19] =	ssyncadd.s32 $0xFFFFCC00  }
0x289: {  	[tilespmem:s25], [sflag:$0x3] =	stream.strided.gather [hbm4b:s14+s21], $0x3400, s22, s21, $0x38;
	[tilespmem:$0x1A580] =	vst v63  }
0x28a: {  	_ =	swait.ge [sflag:s19], $0x3400  }
0x28b: {  	[sflag:s19] =	ssyncset.done $0x0  }
0x28c: {  	s23 =	simm.s32 $0x0;
	[sflag:s19] =	ssyncadd.s32 $0xFFFFCC00  }
.LBB2_20:
0x28d: {  	s24 =	sshll.u32 s23, $0x2;
	p0 =	seq.s32 s23, $0x0  }
0x28e: {  	v0 =	vmov s24;
	s4 =	simm.s32 @!p0 $0x1  }
0x28f: {  	s6 =	sor.u32 $0x1, s24;
	v1 =	vor.u32 $0x40, v0;
	_ =	swait.ge @!p0 [sflag:s4], $0x6800  }
0x290: {  	v4 =	vmov s6;
	[sflag:s4] =	ssyncset.done @!p0 $0x0  }
0x291: {  	[sflag:s4] =	ssyncadd.s32 @!p0 $0xFFFF9800;
	s4 =	simm.s32 $0x0  }
0x292: {  	v5 =	vor.u32 $0x40, v4;
	v6 =	vld [tilespmem:s4+$0x3990]  }
0x293: {  	v3 =	vld.idx.msk [tilespmem:v0+s20+$0x0], $0xffff  }
0x294: {  	v2 =	vld.idx.msk [tilespmem:v1+s20+$0x0], $0xffff  }
0x295: {  	v1 =	vld.idx.msk [tilespmem:v4+s20+$0x0], $0xffff  }
0x296: {  	v4 =	vld [tilespmem:s4+$0x39F0]  }
0x297: {  	v0 =	vld.idx.msk [tilespmem:v5+s20+$0x0], $0xffff  }
0x298: {  	v5 =	vld [tilespmem:s4+$0x3980]  }
0x299: {  	v8 =	vld [tilespmem:s4+$0x39B0]  }
0x29a: {  	v7 =	vld [tilespmem:s4+$0x39A0];
	_ =	sdelay $0x1  }
0x29b: {  	v9 =	vld [tilespmem:s4+$0x39C0];
	v14 =	vmul.f32 v6, v3;
	v10 =	vmul.f32 v4, v1  }
0x29c: {  	v11 =	vld [tilespmem:s4+$0x39D0];
	v15 =	vmul.f32 v4, v3;
	v12 =	vmul.f32 v5, v3  }
0x29d: {  	v13 =	vld [tilespmem:s4+$0x39E0];
	v16 =	vmul.f32 v5, v1;
	v5 =	vadd.f32 v14, v2;
	v14 =	vmul.f32 v8, v3  }
0x29e: {  	v10 =	vadd.f32 v10, v0;
	v4 =	vadd.f32 v12, v2;
	v12 =	vmul.f32 v7, v3  }
0x29f: {  	v17 =	vmul.f32 v7, v1;
	[tilespmem:s4+$0xD590] =	vst v5;
	v7 =	vadd.f32 v14, v2  }
0x2a0: {  	[tilespmem:s4+$0x109F0] =	vst v10;
	v10 =	vmul.f32 v6, v1;
	v6 =	vadd.f32 v12, v2;
	v12 =	vmul.f32 v9, v3  }
0x2a1: {  	v14 =	vmul.f32 v11, v3;
	[tilespmem:s4+$0xD580] =	vst v4  }
0x2a2: {  	v18 =	vmul.f32 v13, v3;
	v5 =	vmul.f32 v9, v1;
	[tilespmem:s4+$0xD5B0] =	vst v7;
	v12 =	vadd.f32 v12, v2  }
0x2a3: {  	v4 =	vmul.f32 v8, v1;
	v14 =	vadd.f32 v14, v2;
	v8 =	vadd.f32 v15, v2;
	[tilespmem:s4+$0xD5A0] =	vst v6  }
0x2a4: {  	v9 =	vadd.f32 v16, v0;
	v7 =	vmul.f32 v13, v1;
	[tilespmem:s4+$0xD5C0] =	vst v12;
	v12 =	vadd.f32 v18, v2  }
0x2a5: {  	s25 =	simm.s32 $0x80;
	s6 =	simm.s32 $0x400;
	v6 =	vmul.f32 v11, v1;
	[tilespmem:s4+$0xD5D0] =	vst v14;
	v11 =	vadd.f32 v10, v0;
	v10 =	vadd.f32 v17, v0  }
.LBB2_21:
0x2a6: {  	p1 =	sne.s32 s6, $0xCE00;
	v13 =	vld [tilespmem:s25+$0x39F0];
	[tilespmem:s4+$0xD5E0] =	vst v12;
	v4 =	vadd.f32 v4, v0;
	v5 =	vadd.f32 v5, v0  }
0x2a7: {  	v6 =	vadd.f32 v6, v0;
	v7 =	vadd.f32 v7, v0;
	v12 =	vld [tilespmem:s25+$0x3980];
	[tilespmem:s4+$0xD5F0] =	vst v8  }
0x2a8: {  	v8 =	vld [tilespmem:s25+$0x3990];
	[tilespmem:s4+$0x10980] =	vst v9  }
0x2a9: {  	v9 =	vld [tilespmem:s25+$0x39A0];
	[tilespmem:s4+$0x10990] =	vst v11  }
0x2aa: {  	v11 =	vld [tilespmem:s25+$0x39B0];
	[tilespmem:s4+$0x109A0] =	vst v10  }
0x2ab: {  	v10 =	vld [tilespmem:s25+$0x39C0];
	v14 =	vmul.f32 v13, v3;
	v13 =	vmul.f32 v13, v1;
	[tilespmem:s4+$0x109B0] =	vst v4  }
0x2ac: {  	v15 =	vld [tilespmem:s25+$0x39D0];
	v4 =	vmul.f32 v12, v3;
	v16 =	vmul.f32 v12, v1;
	[tilespmem:s4+$0x109C0] =	vst v5  }
0x2ad: {  	v12 =	vld [tilespmem:s25+$0x39E0];
	v5 =	vmul.f32 v8, v3;
	v17 =	vmul.f32 v8, v1;
	v8 =	vadd.f32 v13, v0;
	[tilespmem:s4+$0x109D0] =	vst v6  }
0x2ae: {  	v6 =	vadd.f32 v4, v2;
	v13 =	vmul.f32 v9, v3;
	v18 =	vmul.f32 v9, v1;
	[tilespmem:s4+$0x109E0] =	vst v7;
	s4 =	smov.u32 s25  }
0x2af: {  	v7 =	vadd.f32 v5, v2;
	v9 =	vmul.f32 v11, v3;
	v4 =	vmul.f32 v11, v1;
	[tilespmem:s4+$0x109F0] =	vst v8  }
0x2b0: {  	[tilespmem:s4+$0xD580] =	vst v6;
	v8 =	vadd.f32 v13, v2;
	v11 =	vmul.f32 v10, v3;
	v5 =	vmul.f32 v10, v1  }
.Ltmp9:
0x2b1: {  	[tilespmem:s4+$0xD590] =	vst v7;
	v9 =	vadd.f32 v9, v2;
	v10 =	vmul.f32 v15, v3;
	v6 =	vmul.f32 v15, v1;
	(pc) =	sbr.rel @p1 .LBB2_21-.Ltmp9, $4  }
0x2b2: {  	[tilespmem:s4+$0xD5A0] =	vst v8;
	v11 =	vadd.f32 v11, v2;
	v13 =	vmul.f32 v12, v3;
	v7 =	vmul.f32 v12, v1  }
0x2b3: {  	v8 =	vadd.f32 v14, v2;
	[tilespmem:s4+$0xD5B0] =	vst v9;
	v10 =	vadd.f32 v10, v2  }
0x2b4: {  	v9 =	vadd.f32 v16, v0;
	[tilespmem:s4+$0xD5C0] =	vst v11;
	v12 =	vadd.f32 v13, v2  }
0x2b5: {  	s25 =	sshra.s32 s6, $0x2;
	s6 =	sadd.s32 $0x200, s6;
	v11 =	vadd.f32 v17, v0;
	[tilespmem:s4+$0xD5D0] =	vst v10;
	v10 =	vadd.f32 v18, v0  }
0x2b6: {  	v13 =	vld [tilespmem:s25+$0x39F0];
	[tilespmem:s4+$0xD5E0] =	vst v12  }
0x2b7: {  	v12 =	vld [tilespmem:s25+$0x3980];
	[tilespmem:s4+$0xD5F0] =	vst v8  }
0x2b8: {  	v8 =	vld [tilespmem:s25+$0x3990];
	[tilespmem:s4+$0x10980] =	vst v9  }
0x2b9: {  	v4 =	vadd.f32 v4, v0;
	v9 =	vld [tilespmem:s25+$0x39A0];
	[tilespmem:s4+$0x10990] =	vst v11  }
0x2ba: {  	v5 =	vadd.f32 v5, v0;
	v11 =	vld [tilespmem:s25+$0x39B0];
	[tilespmem:s4+$0x109A0] =	vst v10  }
0x2bb: {  	v6 =	vadd.f32 v6, v0;
	v10 =	vld [tilespmem:s25+$0x39C0];
	[tilespmem:s4+$0x109B0] =	vst v4;
	v14 =	vmul.f32 v13, v1  }
0x2bc: {  	v4 =	vld [tilespmem:s25+$0x39D0];
	[tilespmem:s4+$0x109C0] =	vst v5;
	v5 =	vadd.f32 v7, v0;
	v7 =	vmul.f32 v12, v3  }
0x2bd: {  	v15 =	vld [tilespmem:s25+$0x39E0];
	v16 =	vmul.f32 v8, v3;
	v14 =	vadd.f32 v14, v0;
	[tilespmem:s4+$0x109D0] =	vst v6  }
0x2be: {  	v6 =	vadd.f32 v7, v2;
	v7 =	vmul.f32 v9, v3;
	[tilespmem:s4+$0x109E0] =	vst v5  }
0x2bf: {  	v5 =	vadd.f32 v16, v2;
	v62 =	vmul.f32 v11, v3;
	[tilespmem:s25+$0x109F0] =	vst v14  }
0x2c0: {  	[tilespmem:s25+$0xD580] =	vst v6;
	v6 =	vadd.f32 v7, v2;
	v7 =	vmul.f32 v10, v3  }
0x2c1: {  	[tilespmem:s25+$0xD590] =	vst v5;
	v5 =	vadd.f32 v62, v2;
	v14 =	vmul.f32 v4, v3  }
0x2c2: {  	[tilespmem:s25+$0xD5A0] =	vst v6;
	v6 =	vadd.f32 v7, v2;
	v7 =	vmul.f32 v15, v3  }
0x2c3: {  	v3 =	vmul.f32 v13, v3;
	[tilespmem:s25+$0xD5B0] =	vst v5;
	v5 =	vadd.f32 v14, v2  }
0x2c4: {  	v12 =	vmul.f32 v12, v1;
	[tilespmem:s25+$0xD5C0] =	vst v6;
	v6 =	vadd.f32 v7, v2  }
0x2c5: {  	v7 =	vmul.f32 v8, v1;
	v2 =	vadd.f32 v3, v2;
	[tilespmem:s25+$0xD5D0] =	vst v5  }
0x2c6: {  	v3 =	vmul.f32 v9, v1;
	v5 =	vadd.f32 v12, v0;
	[tilespmem:s25+$0xD5E0] =	vst v6  }
0x2c7: {  	v6 =	vmul.f32 v11, v1;
	v7 =	vadd.f32 v7, v0;
	[tilespmem:s25+$0xD5F0] =	vst v2  }
0x2c8: {  	v2 =	vmul.f32 v10, v1;
	v3 =	vadd.f32 v3, v0;
	[tilespmem:s25+$0x10980] =	vst v5  }
0x2c9: {  	v4 =	vmul.f32 v4, v1;
	v5 =	vadd.f32 v6, v0;
	[tilespmem:s25+$0x10990] =	vst v7  }
0x2ca: {  	s6 =	smul.u32 $0x320000, s23;
	v1 =	vmul.f32 v15, v1;
	v2 =	vadd.f32 v2, v0;
	[tilespmem:s25+$0x109A0] =	vst v3  }
0x2cb: {  	v3 =	vadd.f32 v4, v0;
	[tilespmem:s25+$0x109B0] =	vst v5  }
0x2cc: {  	s4 =	sadd.s32 s6, s15;
	v0 =	vadd.f32 v1, v0;
	[tilespmem:s25+$0x109C0] =	vst v2  }
0x2cd: {  	s4 =	sshrl.u32 s4, $0x3;
	[tilespmem:s25+$0x109D0] =	vst v3  }
0x2ce: {  	s4 =	sadd.s32 s1, s4;
	[tilespmem:s25+$0x109E0] =	vst v0  }
0x2cf: {  	[hbm4b:s4+s21] =	stream.strided.scatter [tilespmem:s26], [sflag:$0x1], $0x3400, s22, s21, $0x38;
	[tilespmem:$0x1A580] =	vst v63  }
0x2d0: {  	s25 =	sor.u32 $0x2, s24;
	s4 =	sadd.s32 $0x19000, s4  }
0x2d1: {  	v0 =	vmov s25;
	[hbm4b:s4+s21] =	stream.strided.scatter [tilespmem:s28], [sflag:$0x1], $0x3400, s22, s21, $0x38;
	[tilespmem:$0x1A580] =	vst v63  }
0x2d2: {  	s6 =	sor.u32 $0x3, s24;
	v1 =	vor.u32 $0x40, v0;
	s4 =	simm.s32 @!p0 $0x2  }
0x2d3: {  	v4 =	vmov s6;
	_ =	swait.ge @!p0 [sflag:s4], $0x6800  }
0x2d4: {  	v5 =	vor.u32 $0x40, v4;
	[sflag:s4] =	ssyncset.done @!p0 $0x0  }
0x2d5: {  	[sflag:s4] =	ssyncadd.s32 @!p0 $0xFFFF9800  }
0x2d6: {  	v3 =	vld.idx.msk [tilespmem:v0+s20+$0x0], $0xffff  }
0x2d7: {  	v2 =	vld.idx.msk [tilespmem:v1+s20+$0x0], $0xffff  }
0x2d8: {  	v1 =	vld.idx.msk [tilespmem:v4+s20+$0x0], $0xffff  }
0x2d9: {  	s4 =	simm.s32 $0x0;
	v0 =	vld.idx.msk [tilespmem:v5+s20+$0x0], $0xffff  }
0x2da: {  	v4 =	vld [tilespmem:s4+$0x39F0]  }
0x2db: {  	v5 =	vld [tilespmem:s4+$0x3980]  }
0x2dc: {  	v6 =	vld [tilespmem:s4+$0x3990]  }
0x2dd: {  	v7 =	vld [tilespmem:s4+$0x39A0]  }
0x2de: {  	v8 =	vld [tilespmem:s4+$0x39B0]  }
0x2df: {  	v9 =	vld [tilespmem:s4+$0x39C0];
	v10 =	vmul.f32 v4, v1  }
0x2e0: {  	v11 =	vld [tilespmem:s4+$0x39D0];
	v12 =	vmul.f32 v5, v3  }
0x2e1: {  	v13 =	vld [tilespmem:s4+$0x39E0];
	v14 =	vmul.f32 v6, v3;
	v10 =	vadd.f32 v10, v0  }
0x2e2: {  	v15 =	vmul.f32 v4, v3;
	v4 =	vadd.f32 v12, v2;
	v12 =	vmul.f32 v7, v3  }
0x2e3: {  	v63 =	vmul.f32 v5, v1;
	v5 =	vadd.f32 v14, v2;
	v14 =	vmul.f32 v8, v3;
	[tilespmem:s4+$0x171F0] =	vst v10  }
0x2e4: {  	v10 =	vmul.f32 v6, v1;
	[tilespmem:s4+$0x13D80] =	vst v4;
	v6 =	vadd.f32 v12, v2;
	v12 =	vmul.f32 v9, v3  }
0x2e5: {  	v17 =	vmul.f32 v7, v1;
	[tilespmem:s4+$0x13D90] =	vst v5;
	v7 =	vadd.f32 v14, v2;
	v14 =	vmul.f32 v11, v3  }
0x2e6: {  	v18 =	vmul.f32 v13, v3;
	v4 =	vmul.f32 v8, v1;
	[tilespmem:s4+$0x13DA0] =	vst v6;
	v12 =	vadd.f32 v12, v2  }
0x2e7: {  	v5 =	vmul.f32 v9, v1;
	v8 =	vadd.f32 v15, v2;
	[tilespmem:s4+$0x13DB0] =	vst v7;
	v14 =	vadd.f32 v14, v2  }
0x2e8: {  	v9 =	vadd.f32 v63, v0;
	v6 =	vmul.f32 v11, v1;
	[tilespmem:s4+$0x13DC0] =	vst v12;
	v12 =	vadd.f32 v18, v2  }
0x2e9: {  	s6 =	simm.s32 $0x400;
	s24 =	simm.s32 $0x80;
	v7 =	vmul.f32 v13, v1;
	v11 =	vadd.f32 v10, v0;
	v10 =	vadd.f32 v17, v0;
	[tilespmem:s4+$0x13DD0] =	vst v14  }
.LBB2_23:
0x2ea: {  	p0 =	sne.s32 s6, $0xCE00;
	v13 =	vld [tilespmem:s24+$0x39F0];
	[tilespmem:s4+$0x13DE0] =	vst v12;
	v4 =	vadd.f32 v4, v0;
	v5 =	vadd.f32 v5, v0  }
0x2eb: {  	v6 =	vadd.f32 v6, v0;
	v7 =	vadd.f32 v7, v0;
	v12 =	vld [tilespmem:s24+$0x3980];
	[tilespmem:s4+$0x13DF0] =	vst v8  }
0x2ec: {  	v8 =	vld [tilespmem:s24+$0x3990];
	[tilespmem:s4+$0x17180] =	vst v9  }
0x2ed: {  	v9 =	vld [tilespmem:s24+$0x39A0];
	[tilespmem:s4+$0x17190] =	vst v11  }
0x2ee: {  	v11 =	vld [tilespmem:s24+$0x39B0];
	[tilespmem:s4+$0x171A0] =	vst v10  }
0x2ef: {  	v10 =	vld [tilespmem:s24+$0x39C0];
	v14 =	vmul.f32 v13, v3;
	v13 =	vmul.f32 v13, v1;
	[tilespmem:s4+$0x171B0] =	vst v4  }
0x2f0: {  	v15 =	vld [tilespmem:s24+$0x39D0];
	v4 =	vmul.f32 v12, v3;
	v16 =	vmul.f32 v12, v1;
	[tilespmem:s4+$0x171C0] =	vst v5  }
0x2f1: {  	v12 =	vld [tilespmem:s24+$0x39E0];
	v5 =	vmul.f32 v8, v3;
	v17 =	vmul.f32 v8, v1;
	v8 =	vadd.f32 v13, v0;
	[tilespmem:s4+$0x171D0] =	vst v6  }
0x2f2: {  	v6 =	vadd.f32 v4, v2;
	v13 =	vmul.f32 v9, v3;
	v18 =	vmul.f32 v9, v1;
	[tilespmem:s4+$0x171E0] =	vst v7;
	s4 =	smov.u32 s24  }
0x2f3: {  	v7 =	vadd.f32 v5, v2;
	v9 =	vmul.f32 v11, v3;
	v4 =	vmul.f32 v11, v1;
	[tilespmem:s4+$0x171F0] =	vst v8  }
0x2f4: {  	[tilespmem:s4+$0x13D80] =	vst v6;
	v8 =	vadd.f32 v13, v2;
	v11 =	vmul.f32 v10, v3;
	v5 =	vmul.f32 v10, v1  }
.Ltmp10:
0x2f5: {  	[tilespmem:s4+$0x13D90] =	vst v7;
	v9 =	vadd.f32 v9, v2;
	v10 =	vmul.f32 v15, v3;
	v6 =	vmul.f32 v15, v1;
	(pc) =	sbr.rel @p0 .LBB2_23-.Ltmp10, $4  }
0x2f6: {  	[tilespmem:s4+$0x13DA0] =	vst v8;
	v11 =	vadd.f32 v11, v2;
	v13 =	vmul.f32 v12, v3;
	v7 =	vmul.f32 v12, v1  }
0x2f7: {  	v8 =	vadd.f32 v14, v2;
	[tilespmem:s4+$0x13DB0] =	vst v9;
	v10 =	vadd.f32 v10, v2  }
0x2f8: {  	v9 =	vadd.f32 v16, v0;
	[tilespmem:s4+$0x13DC0] =	vst v11;
	v12 =	vadd.f32 v13, v2  }
0x2f9: {  	s24 =	sshra.s32 s6, $0x2;
	s6 =	sadd.s32 $0x200, s6;
	v11 =	vadd.f32 v17, v0;
	[tilespmem:s4+$0x13DD0] =	vst v10;
	v10 =	vadd.f32 v18, v0  }
0x2fa: {  	v13 =	vld [tilespmem:s24+$0x39F0];
	[tilespmem:s4+$0x13DE0] =	vst v12  }
0x2fb: {  	v12 =	vld [tilespmem:s24+$0x3980];
	[tilespmem:s4+$0x13DF0] =	vst v8  }
0x2fc: {  	v8 =	vld [tilespmem:s24+$0x3990];
	[tilespmem:s4+$0x17180] =	vst v9  }
0x2fd: {  	v4 =	vadd.f32 v4, v0;
	v9 =	vld [tilespmem:s24+$0x39A0];
	[tilespmem:s4+$0x17190] =	vst v11  }
0x2fe: {  	v5 =	vadd.f32 v5, v0;
	v11 =	vld [tilespmem:s24+$0x39B0];
	[tilespmem:s4+$0x171A0] =	vst v10  }
0x2ff: {  	v6 =	vadd.f32 v6, v0;
	v10 =	vld [tilespmem:s24+$0x39C0];
	[tilespmem:s4+$0x171B0] =	vst v4;
	v14 =	vmul.f32 v13, v1  }
0x300: {  	v39 =	vadd.f32 v7, v0;
	v51 =	vmul.f32 v13, v3;
	v4 =	vld [tilespmem:s24+$0x39D0];
	[tilespmem:s4+$0x171C0] =	vst v5  }
0x301: {  	v40 =	vmul.f32 v12, v3;
	v15 =	vld [tilespmem:s24+$0x39E0];
	v14 =	vadd.f32 v14, v0;
	[tilespmem:s4+$0x171D0] =	vst v6  }
0x302: {  	v12 =	vmul.f32 v12, v1;
	[tilespmem:s4+$0x171E0] =	vst v39;
	v55 =	vadd.f32 v51, v2  }
0x303: {  	v16 =	vmul.f32 v8, v3;
	v41 =	vadd.f32 v40, v2;
	[tilespmem:s24+$0x171F0] =	vst v14  }
0x304: {  	v54 =	vmul.f32 v8, v1;
	v57 =	vadd.f32 v12, v0;
	[tilespmem:s24+$0x13DF0] =	vst v55  }
0x305: {  	v42 =	vmul.f32 v9, v3;
	v43 =	vadd.f32 v16, v2;
	[tilespmem:s24+$0x13D80] =	vst v41  }
0x306: {  	v44 =	vmul.f32 v11, v3;
	v7 =	vadd.f32 v54, v0;
	[tilespmem:s24+$0x17180] =	vst v57  }
0x307: {  	v58 =	vmul.f32 v11, v1;
	v45 =	vadd.f32 v42, v2;
	[tilespmem:s24+$0x13D90] =	vst v43  }
0x308: {  	v46 =	vmul.f32 v10, v3;
	v47 =	vadd.f32 v44, v2;
	[tilespmem:s24+$0x17190] =	vst v7  }
0x309: {  	v56 =	vmul.f32 v9, v1;
	v60 =	vadd.f32 v58, v0;
	[tilespmem:s24+$0x13DA0] =	vst v45  }
0x30a: {  	v48 =	vmul.f32 v4, v3;
	v49 =	vadd.f32 v46, v2;
	[tilespmem:s24+$0x13DB0] =	vst v47  }
0x30b: {  	v4 =	vmul.f32 v4, v1;
	v50 =	vmul.f32 v15, v3;
	v3 =	vadd.f32 v56, v0;
	[tilespmem:s24+$0x171B0] =	vst v60  }
0x30c: {  	v52 =	vadd.f32 v48, v2;
	[tilespmem:s24+$0x13DC0] =	vst v49  }
0x30d: {  	v59 =	vmul.f32 v10, v1;
	v62 =	vadd.f32 v4, v0;
	[tilespmem:s24+$0x171A0] =	vst v3  }
0x30e: {  	s25 =	smul.u32 $0xC8000, s25;
	v61 =	vmul.f32 v15, v1;
	v53 =	vadd.f32 v50, v2;
	[tilespmem:s24+$0x13DD0] =	vst v52  }
0x30f: {  	s23 =	sadd.s32 $0x1, s23;
	v2 =	vadd.f32 v59, v0;
	[tilespmem:s24+$0x171D0] =	vst v62  }
0x310: {  	p0 =	sne.s32 s23, $0x10;
	s4 =	sadd.s32 s25, s15;
	v63 =	vadd.f32 v61, v0;
	[tilespmem:s24+$0x13DE0] =	vst v53  }
.Ltmp11:
0x311: {  	s4 =	sshrl.u32 s4, $0x3;
	[tilespmem:s24+$0x171C0] =	vst v2;
	(pc) =	sbr.rel @p0 .LBB2_20-.Ltmp11, $4  }
0x312: {  	s4 =	sadd.s32 s1, s4;
	[tilespmem:s24+$0x171E0] =	vst v63  }
0x313: {  	[hbm4b:s4+s21] =	stream.strided.scatter [tilespmem:s29], [sflag:$0x2], $0x3400, s22, s21, $0x38;
	[tilespmem:$0x1A580] =	vst v63  }
0x314: {  	s4 =	sadd.s32 $0x19000, s4  }
0x315: {  	[hbm4b:s4+s21] =	stream.strided.scatter [tilespmem:s30], [sflag:$0x2], $0x3400, s22, s21, $0x38;
	[tilespmem:$0x1A580] =	vst v63  }
0x316: {  	_ =	swait.ge [sflag:s31], $0x6800  }
0x317: {  	[sflag:s31] =	ssyncset.done $0x0  }
0x318: {  	[sflag:s31] =	ssyncadd.s32 $0xFFFF9800  }
0x319: {  	_ =	swait.ge [sflag:s0], $0x6800  }
0x31a: {  	[sflag:s0] =	ssyncset.done $0x0  }
0x31b: {  	s23 =	simm.s32 $0x0;
	[sflag:s0] =	ssyncadd.s32 $0xFFFF9800  }
.LBB2_26:
0x31c: {  	p0 =	seq.s32 s23, $0x0  }
0x31d: {  	s4 =	simm.s32 @!p0 $0x1  }
0x31e: {  	_ =	swait.ge @!p0 [sflag:s4], $0x6800  }
0x31f: {  	[sflag:s4] =	ssyncset.done @!p0 $0x0  }
0x320: {  	s24 =	simm.s32 $0x0;
	[sflag:s4] =	ssyncadd.s32 @!p0 $0xFFFF9800  }
0x321: {  	v2 =	vld [tilespmem:s24+$0x6D80]  }
0x322: {  	v3 =	vld [tilespmem:s24+$0x6D90]  }
0x323: {  	s25 =	smul.u32 $0x190, s23;
	v4 =	vld [tilespmem:s24+$0x6DA0]  }
0x324: {  	v5 =	vld [tilespmem:s24+$0x6DB0]  }
0x325: {  	v1 =	vmov s25;
	v6 =	vld [tilespmem:s24+$0x6DC0]  }
0x326: {  	v7 =	vld [tilespmem:s24+$0x6DD0];
	v0 =	vadd.s32 v1, v2  }
0x327: {  	v8 =	vld [tilespmem:s24+$0x6DE0];
	v9 =	vadd.s32 v1, v3  }
0x328: {  	v10 =	vld [tilespmem:s24+$0x6DF0];
	v11 =	vadd.s32 v1, v4  }
0x329: {  	v12 =	vadd.s32 v1, v5  }
0x32a: {  	v13 =	vadd.s32 v1, v6  }
0x32b: {  	v15 =	vadd.s32 v1, v7;
	v14 =	vld.idx.msk [tilespmem:v0+s3+$0x0], $0xffff  }
0x32c: {  	s4 =	sadd.s32 $0x64, s25;
	v16 =	vadd.s32 v1, v8;
	v9 =	vld.idx.msk [tilespmem:v9+s3+$0x0], $0xffff  }
0x32d: {  	v17 =	vadd.s32 v1, v10;
	v0 =	vmov s4;
	v11 =	vld.idx.msk [tilespmem:v11+s3+$0x0], $0xffff  }
0x32e: {  	v12 =	vld.idx.msk [tilespmem:v12+s3+$0x0], $0xffff;
	v2 =	vadd.s32 v0, v2  }
0x32f: {  	v13 =	vld.idx.msk [tilespmem:v13+s3+$0x0], $0xffff;
	v10 =	vadd.s32 v0, v10  }
0x330: {  	v15 =	vld.idx.msk [tilespmem:v15+s3+$0x0], $0xffff;
	v3 =	vadd.s32 v0, v3  }
0x331: {  	v16 =	vld.idx.msk [tilespmem:v16+s3+$0x0], $0xffff;
	v4 =	vadd.s32 v0, v4  }
0x332: {  	v17 =	vld.idx.msk [tilespmem:v17+s3+$0x0], $0xffff;
	v5 =	vadd.s32 v0, v5  }
0x333: {  	v6 =	vadd.s32 v0, v6;
	v2 =	vld.idx.msk [tilespmem:v2+s3+$0x0], $0xffff  }
0x334: {  	v7 =	vadd.s32 v0, v7;
	v10 =	vld.idx.msk [tilespmem:v10+s3+$0x0], $0xffff  }
0x335: {  	v18 =	vld.idx.msk [tilespmem:v3+s3+$0x0], $0xffff;
	v3 =	vadd.s32 v0, v8  }
0x336: {  	v19 =	vld.idx.msk [tilespmem:v4+s3+$0x0], $0xffff  }
0x337: {  	v20 =	vld.idx.msk [tilespmem:v5+s3+$0x0], $0xffff  }
0x338: {  	v21 =	vld.idx.msk [tilespmem:v6+s3+$0x0], $0xffff  }
0x339: {  	v22 =	vld.idx.msk [tilespmem:v7+s3+$0x0], $0xffff  }
0x33a: {  	v8 =	vld.idx.msk [tilespmem:v3+s3+$0x0], $0xffff;
	[tilespmem:s24+$0x109F0] =	vst v10  }
0x33b: {  	[tilespmem:s24+$0xD580] =	vst v14  }
0x33c: {  	[tilespmem:s24+$0xD590] =	vst v9  }
0x33d: {  	[tilespmem:s24+$0xD5A0] =	vst v11  }
0x33e: {  	[tilespmem:s24+$0xD5B0] =	vst v12  }
0x33f: {  	s25 =	simm.s32 $0x80;
	[tilespmem:s24+$0xD5C0] =	vst v13  }
0x340: {  	v9 =	vld [tilespmem:s25+$0x6D80];
	[tilespmem:s24+$0xD5D0] =	vst v15  }
0x341: {  	v3 =	vld [tilespmem:s25+$0x6D90];
	[tilespmem:s24+$0xD5E0] =	vst v16  }
0x342: {  	v4 =	vld [tilespmem:s25+$0x6DA0];
	[tilespmem:s24+$0xD5F0] =	vst v17  }
0x343: {  	v5 =	vld [tilespmem:s25+$0x6DB0];
	[tilespmem:s24+$0x10980] =	vst v2  }
0x344: {  	v2 =	vld [tilespmem:s25+$0x6DC0];
	[tilespmem:s24+$0x10990] =	vst v18  }
0x345: {  	v7 =	vld [tilespmem:s25+$0x6DD0];
	[tilespmem:s24+$0x109A0] =	vst v19;
	v11 =	vadd.s32 v1, v9  }
0x346: {  	v6 =	vld [tilespmem:s25+$0x6DE0];
	[tilespmem:s24+$0x109B0] =	vst v20;
	v13 =	vadd.s32 v1, v3  }
0x347: {  	v10 =	vld [tilespmem:s25+$0x6DF0];
	[tilespmem:s24+$0x109C0] =	vst v21;
	v14 =	vadd.s32 v1, v4  }
0x348: {  	s6 =	simm.s32 $0x400;
	s4 =	sshll.u32 s23, $0x1;
	[tilespmem:s24+$0x109D0] =	vst v22;
	v12 =	vadd.s32 v1, v5  }
.LBB2_27:
0x349: {  	p1 =	sne.s32 s6, $0xCE00;
	v15 =	vadd.s32 v1, v2;
	[tilespmem:s24+$0x109E0] =	vst v8;
	s24 =	smov.u32 s25  }
0x34a: {  	v11 =	vld.idx.msk [tilespmem:v11+s3+$0x0], $0xffff;
	v8 =	vadd.s32 v1, v7  }
0x34b: {  	v13 =	vld.idx.msk [tilespmem:v13+s3+$0x0], $0xffff;
	v16 =	vadd.s32 v1, v6  }
0x34c: {  	v14 =	vld.idx.msk [tilespmem:v14+s3+$0x0], $0xffff;
	v17 =	vadd.s32 v1, v10  }
0x34d: {  	v9 =	vadd.s32 v0, v9;
	v12 =	vld.idx.msk [tilespmem:v12+s3+$0x0], $0xffff  }
0x34e: {  	v10 =	vadd.s32 v0, v10;
	v15 =	vld.idx.msk [tilespmem:v15+s3+$0x0], $0xffff  }
0x34f: {  	v3 =	vadd.s32 v0, v3;
	v18 =	vld.idx.msk [tilespmem:v8+s3+$0x0], $0xffff  }
0x350: {  	v4 =	vadd.s32 v0, v4;
	v16 =	vld.idx.msk [tilespmem:v16+s3+$0x0], $0xffff  }
0x351: {  	v5 =	vadd.s32 v0, v5;
	v17 =	vld.idx.msk [tilespmem:v17+s3+$0x0], $0xffff  }
0x352: {  	v2 =	vadd.s32 v0, v2;
	v19 =	vld.idx.msk [tilespmem:v9+s3+$0x0], $0xffff  }
0x353: {  	v7 =	vadd.s32 v0, v7;
	v9 =	vld.idx.msk [tilespmem:v10+s3+$0x0], $0xffff  }
0x354: {  	v10 =	vld.idx.msk [tilespmem:v3+s3+$0x0], $0xffff;
	v3 =	vadd.s32 v0, v6  }
0x355: {  	v6 =	vld.idx.msk [tilespmem:v4+s3+$0x0], $0xffff  }
0x356: {  	v20 =	vld.idx.msk [tilespmem:v5+s3+$0x0], $0xffff  }
0x357: {  	v21 =	vld.idx.msk [tilespmem:v2+s3+$0x0], $0xffff  }
0x358: {  	v22 =	vld.idx.msk [tilespmem:v7+s3+$0x0], $0xffff  }
0x359: {  	v8 =	vld.idx.msk [tilespmem:v3+s3+$0x0], $0xffff;
	[tilespmem:s24+$0x109F0] =	vst v9  }
0x35a: {  	[tilespmem:s24+$0xD580] =	vst v11  }
0x35b: {  	[tilespmem:s24+$0xD590] =	vst v13  }
0x35c: {  	[tilespmem:s24+$0xD5A0] =	vst v14  }
0x35d: {  	[tilespmem:s24+$0xD5B0] =	vst v12  }
0x35e: {  	s25 =	sshra.s32 s6, $0x2;
	[tilespmem:s24+$0xD5C0] =	vst v15  }
0x35f: {  	v9 =	vld [tilespmem:s25+$0x6D80];
	[tilespmem:s24+$0xD5D0] =	vst v18  }
0x360: {  	v3 =	vld [tilespmem:s25+$0x6D90];
	[tilespmem:s24+$0xD5E0] =	vst v16  }
0x361: {  	v4 =	vld [tilespmem:s25+$0x6DA0];
	[tilespmem:s24+$0xD5F0] =	vst v17  }
0x362: {  	v5 =	vld [tilespmem:s25+$0x6DB0];
	[tilespmem:s24+$0x10980] =	vst v19  }
.Ltmp12:
0x363: {  	v2 =	vld [tilespmem:s25+$0x6DC0];
	[tilespmem:s24+$0x10990] =	vst v10;
	(pc) =	sbr.rel @p1 .LBB2_27-.Ltmp12, $4  }
0x364: {  	v7 =	vld [tilespmem:s25+$0x6DD0];
	v11 =	vadd.s32 v1, v9;
	[tilespmem:s24+$0x109A0] =	vst v6  }
0x365: {  	v6 =	vld [tilespmem:s25+$0x6DE0];
	v13 =	vadd.s32 v1, v3;
	[tilespmem:s24+$0x109B0] =	vst v20  }
0x366: {  	v10 =	vld [tilespmem:s25+$0x6DF0];
	v14 =	vadd.s32 v1, v4;
	[tilespmem:s24+$0x109C0] =	vst v21  }
0x367: {  	s6 =	sadd.s32 $0x200, s6;
	v12 =	vadd.s32 v1, v5;
	[tilespmem:s24+$0x109D0] =	vst v22  }
0x368: {  	_ =	sdelay $0x2  }
0x369: {  	v15 =	vadd.s32 v1, v2;
	[tilespmem:s24+$0x109E0] =	vst v8  }
0x36a: {  	v9 =	vadd.s32 v0, v9;
	v8 =	vld.idx.msk [tilespmem:v11+s3+$0x0], $0xffff  }
0x36b: {  	v3 =	vadd.s32 v0, v3;
	v13 =	vld.idx.msk [tilespmem:v13+s3+$0x0], $0xffff  }
0x36c: {  	v4 =	vadd.s32 v0, v4;
	v14 =	vld.idx.msk [tilespmem:v14+s3+$0x0], $0xffff  }
0x36d: {  	v5 =	vadd.s32 v0, v5;
	v12 =	vld.idx.msk [tilespmem:v12+s3+$0x0], $0xffff  }
0x36e: {  	v2 =	vadd.s32 v0, v2;
	v15 =	vld.idx.msk [tilespmem:v15+s3+$0x0], $0xffff  }
0x36f: {  	v11 =	vadd.s32 v1, v7;
	v9 =	vld.idx.msk [tilespmem:v9+s3+$0x0], $0xffff  }
0x370: {  	v7 =	vadd.s32 v0, v7;
	v3 =	vld.idx.msk [tilespmem:v3+s3+$0x0], $0xffff  }
0x371: {  	v16 =	vadd.s32 v1, v6;
	v4 =	vld.idx.msk [tilespmem:v4+s3+$0x0], $0xffff  }
0x372: {  	v1 =	vadd.s32 v1, v10;
	v5 =	vld.idx.msk [tilespmem:v5+s3+$0x0], $0xffff  }
0x373: {  	v10 =	vadd.s32 v0, v10;
	v2 =	vld.idx.msk [tilespmem:v2+s3+$0x0], $0xffff  }
0x374: {  	v0 =	vadd.s32 v0, v6;
	v11 =	vld.idx.msk [tilespmem:v11+s3+$0x0], $0xffff  }
0x375: {  	v6 =	vld.idx.msk [tilespmem:v7+s3+$0x0], $0xffff  }
0x376: {  	v16 =	vld.idx.msk [tilespmem:v16+s3+$0x0], $0xffff  }
0x377: {  	v1 =	vld.idx.msk [tilespmem:v1+s3+$0x0], $0xffff  }
0x378: {  	v10 =	vld.idx.msk [tilespmem:v10+s3+$0x0], $0xffff  }
0x379: {  	v0 =	vld.idx.msk [tilespmem:v0+s3+$0x0], $0xffff;
	[tilespmem:s25+$0xD580] =	vst v8  }
0x37a: {  	[tilespmem:s25+$0xD590] =	vst v13  }
0x37b: {  	[tilespmem:s25+$0xD5A0] =	vst v14  }
0x37c: {  	[tilespmem:s25+$0xD5B0] =	vst v12  }
0x37d: {  	[tilespmem:s25+$0xD5C0] =	vst v15  }
0x37e: {  	[tilespmem:s25+$0x10980] =	vst v9  }
0x37f: {  	[tilespmem:s25+$0x10990] =	vst v3  }
0x380: {  	[tilespmem:s25+$0x109A0] =	vst v4  }
0x381: {  	[tilespmem:s25+$0x109B0] =	vst v5  }
0x382: {  	[tilespmem:s25+$0x109C0] =	vst v2  }
0x383: {  	[tilespmem:s25+$0xD5D0] =	vst v11  }
0x384: {  	s6 =	smul.u32 $0x320000, s23;
	[tilespmem:s25+$0x109D0] =	vst v6  }
0x385: {  	[tilespmem:s25+$0xD5E0] =	vst v16  }
0x386: {  	s6 =	sadd.s32 s6, s16;
	[tilespmem:s25+$0x109F0] =	vst v10  }
0x387: {  	s6 =	sshrl.u32 s6, $0x3;
	[tilespmem:s25+$0xD5F0] =	vst v1  }
0x388: {  	s6 =	sadd.s32 s1, s6;
	[tilespmem:s25+$0x109E0] =	vst v0  }
0x389: {  	[hbm4b:s6+s21] =	stream.strided.scatter [tilespmem:s26], [sflag:$0x1], $0x3400, s22, s21, $0x38;
	[tilespmem:$0x1A580] =	vst v63  }
0x38a: {  	s6 =	sadd.s32 $0x19000, s6  }
0x38b: {  	[hbm4b:s6+s21] =	stream.strided.scatter [tilespmem:s28], [sflag:$0x1], $0x3400, s22, s21, $0x38;
	[tilespmem:$0x1A580] =	vst v63  }
0x38c: {  	s6 =	simm.s32 @!p0 $0x2  }
0x38d: {  	_ =	swait.ge @!p0 [sflag:s6], $0x6800  }
0x38e: {  	[sflag:s6] =	ssyncset.done @!p0 $0x0  }
0x38f: {  	s25 =	simm.s32 $0x0;
	[sflag:s6] =	ssyncadd.s32 @!p0 $0xFFFF9800  }
0x390: {  	v2 =	vld [tilespmem:s25+$0x6D80]  }
0x391: {  	s24 =	sor.u32 $0x1, s4;
	v3 =	vld [tilespmem:s25+$0x6D90]  }
0x392: {  	s4 =	smul.u32 $0xC8, s24;
	v4 =	vld [tilespmem:s25+$0x6DA0]  }
0x393: {  	v5 =	vld [tilespmem:s25+$0x6DB0]  }
0x394: {  	v1 =	vmov s4;
	v6 =	vld [tilespmem:s25+$0x6DC0]  }
0x395: {  	v7 =	vld [tilespmem:s25+$0x6DD0];
	v0 =	vadd.s32 v1, v2  }
0x396: {  	v8 =	vld [tilespmem:s25+$0x6DE0];
	v9 =	vadd.s32 v1, v3  }
0x397: {  	v10 =	vld [tilespmem:s25+$0x6DF0];
	v11 =	vadd.s32 v1, v4  }
0x398: {  	v12 =	vadd.s32 v1, v5  }
0x399: {  	v13 =	vadd.s32 v1, v6  }
0x39a: {  	v15 =	vadd.s32 v1, v7;
	v14 =	vld.idx.msk [tilespmem:v0+s3+$0x0], $0xffff  }
0x39b: {  	s4 =	sadd.s32 $0x64, s4;
	v63 =	vadd.s32 v1, v8;
	v9 =	vld.idx.msk [tilespmem:v9+s3+$0x0], $0xffff  }
0x39c: {  	v17 =	vadd.s32 v1, v10;
	v0 =	vmov s4;
	v11 =	vld.idx.msk [tilespmem:v11+s3+$0x0], $0xffff  }
0x39d: {  	v12 =	vld.idx.msk [tilespmem:v12+s3+$0x0], $0xffff;
	v2 =	vadd.s32 v0, v2  }
0x39e: {  	v13 =	vld.idx.msk [tilespmem:v13+s3+$0x0], $0xffff;
	v10 =	vadd.s32 v0, v10  }
0x39f: {  	v15 =	vld.idx.msk [tilespmem:v15+s3+$0x0], $0xffff;
	v3 =	vadd.s32 v0, v3  }
0x3a0: {  	v16 =	vld.idx.msk [tilespmem:v63+s3+$0x0], $0xffff;
	v4 =	vadd.s32 v0, v4  }
0x3a1: {  	v17 =	vld.idx.msk [tilespmem:v17+s3+$0x0], $0xffff;
	v5 =	vadd.s32 v0, v5  }
0x3a2: {  	v6 =	vadd.s32 v0, v6;
	v2 =	vld.idx.msk [tilespmem:v2+s3+$0x0], $0xffff  }
0x3a3: {  	v7 =	vadd.s32 v0, v7;
	v10 =	vld.idx.msk [tilespmem:v10+s3+$0x0], $0xffff  }
0x3a4: {  	v18 =	vld.idx.msk [tilespmem:v3+s3+$0x0], $0xffff;
	v3 =	vadd.s32 v0, v8  }
0x3a5: {  	v19 =	vld.idx.msk [tilespmem:v4+s3+$0x0], $0xffff  }
0x3a6: {  	v20 =	vld.idx.msk [tilespmem:v5+s3+$0x0], $0xffff  }
0x3a7: {  	v21 =	vld.idx.msk [tilespmem:v6+s3+$0x0], $0xffff  }
0x3a8: {  	v22 =	vld.idx.msk [tilespmem:v7+s3+$0x0], $0xffff  }
0x3a9: {  	v8 =	vld.idx.msk [tilespmem:v3+s3+$0x0], $0xffff;
	[tilespmem:s25+$0x171F0] =	vst v10  }
0x3aa: {  	[tilespmem:s25+$0x13D80] =	vst v14  }
0x3ab: {  	[tilespmem:s25+$0x13D90] =	vst v9  }
0x3ac: {  	[tilespmem:s25+$0x13DA0] =	vst v11  }
0x3ad: {  	[tilespmem:s25+$0x13DB0] =	vst v12  }
0x3ae: {  	s4 =	simm.s32 $0x80;
	[tilespmem:s25+$0x13DC0] =	vst v13  }
0x3af: {  	v9 =	vld [tilespmem:s4+$0x6D80];
	[tilespmem:s25+$0x13DD0] =	vst v15  }
0x3b0: {  	v3 =	vld [tilespmem:s4+$0x6D90];
	[tilespmem:s25+$0x13DE0] =	vst v16  }
0x3b1: {  	v4 =	vld [tilespmem:s4+$0x6DA0];
	[tilespmem:s25+$0x13DF0] =	vst v17  }
0x3b2: {  	v5 =	vld [tilespmem:s4+$0x6DB0];
	[tilespmem:s25+$0x17180] =	vst v2  }
0x3b3: {  	v2 =	vld [tilespmem:s4+$0x6DC0];
	[tilespmem:s25+$0x17190] =	vst v18  }
0x3b4: {  	v7 =	vld [tilespmem:s4+$0x6DD0];
	[tilespmem:s25+$0x171A0] =	vst v19;
	v11 =	vadd.s32 v1, v9  }
0x3b5: {  	v6 =	vld [tilespmem:s4+$0x6DE0];
	[tilespmem:s25+$0x171B0] =	vst v20;
	v13 =	vadd.s32 v1, v3  }
0x3b6: {  	v10 =	vld [tilespmem:s4+$0x6DF0];
	[tilespmem:s25+$0x171C0] =	vst v21;
	v14 =	vadd.s32 v1, v4  }
0x3b7: {  	s6 =	simm.s32 $0x400;
	[tilespmem:s25+$0x171D0] =	vst v22;
	v12 =	vadd.s32 v1, v5  }
.LBB2_29:
0x3b8: {  	p0 =	sne.s32 s6, $0xCE00;
	v15 =	vadd.s32 v1, v2;
	[tilespmem:s25+$0x171E0] =	vst v8;
	s25 =	smov.u32 s4  }
0x3b9: {  	v11 =	vld.idx.msk [tilespmem:v11+s3+$0x0], $0xffff;
	v8 =	vadd.s32 v1, v7  }
0x3ba: {  	v13 =	vld.idx.msk [tilespmem:v13+s3+$0x0], $0xffff;
	v16 =	vadd.s32 v1, v6  }
0x3bb: {  	v14 =	vld.idx.msk [tilespmem:v14+s3+$0x0], $0xffff;
	v17 =	vadd.s32 v1, v10  }
0x3bc: {  	v9 =	vadd.s32 v0, v9;
	v12 =	vld.idx.msk [tilespmem:v12+s3+$0x0], $0xffff  }
0x3bd: {  	v10 =	vadd.s32 v0, v10;
	v15 =	vld.idx.msk [tilespmem:v15+s3+$0x0], $0xffff  }
0x3be: {  	v3 =	vadd.s32 v0, v3;
	v18 =	vld.idx.msk [tilespmem:v8+s3+$0x0], $0xffff  }
0x3bf: {  	v4 =	vadd.s32 v0, v4;
	v16 =	vld.idx.msk [tilespmem:v16+s3+$0x0], $0xffff  }
0x3c0: {  	v5 =	vadd.s32 v0, v5;
	v17 =	vld.idx.msk [tilespmem:v17+s3+$0x0], $0xffff  }
0x3c1: {  	v2 =	vadd.s32 v0, v2;
	v19 =	vld.idx.msk [tilespmem:v9+s3+$0x0], $0xffff  }
0x3c2: {  	v7 =	vadd.s32 v0, v7;
	v9 =	vld.idx.msk [tilespmem:v10+s3+$0x0], $0xffff  }
0x3c3: {  	v10 =	vld.idx.msk [tilespmem:v3+s3+$0x0], $0xffff;
	v3 =	vadd.s32 v0, v6  }
0x3c4: {  	v6 =	vld.idx.msk [tilespmem:v4+s3+$0x0], $0xffff  }
0x3c5: {  	v20 =	vld.idx.msk [tilespmem:v5+s3+$0x0], $0xffff  }
0x3c6: {  	v21 =	vld.idx.msk [tilespmem:v2+s3+$0x0], $0xffff  }
0x3c7: {  	v22 =	vld.idx.msk [tilespmem:v7+s3+$0x0], $0xffff  }
0x3c8: {  	v8 =	vld.idx.msk [tilespmem:v3+s3+$0x0], $0xffff;
	[tilespmem:s25+$0x171F0] =	vst v9  }
0x3c9: {  	[tilespmem:s25+$0x13D80] =	vst v11  }
0x3ca: {  	[tilespmem:s25+$0x13D90] =	vst v13  }
0x3cb: {  	[tilespmem:s25+$0x13DA0] =	vst v14  }
0x3cc: {  	[tilespmem:s25+$0x13DB0] =	vst v12  }
0x3cd: {  	s4 =	sshra.s32 s6, $0x2;
	[tilespmem:s25+$0x13DC0] =	vst v15  }
0x3ce: {  	v9 =	vld [tilespmem:s4+$0x6D80];
	[tilespmem:s25+$0x13DD0] =	vst v18  }
0x3cf: {  	v3 =	vld [tilespmem:s4+$0x6D90];
	[tilespmem:s25+$0x13DE0] =	vst v16  }
0x3d0: {  	v4 =	vld [tilespmem:s4+$0x6DA0];
	[tilespmem:s25+$0x13DF0] =	vst v17  }
0x3d1: {  	v5 =	vld [tilespmem:s4+$0x6DB0];
	[tilespmem:s25+$0x17180] =	vst v19  }
.Ltmp13:
0x3d2: {  	v2 =	vld [tilespmem:s4+$0x6DC0];
	[tilespmem:s25+$0x17190] =	vst v10;
	(pc) =	sbr.rel @p0 .LBB2_29-.Ltmp13, $4  }
0x3d3: {  	v7 =	vld [tilespmem:s4+$0x6DD0];
	v11 =	vadd.s32 v1, v9;
	[tilespmem:s25+$0x171A0] =	vst v6  }
0x3d4: {  	v6 =	vld [tilespmem:s4+$0x6DE0];
	v13 =	vadd.s32 v1, v3;
	[tilespmem:s25+$0x171B0] =	vst v20  }
0x3d5: {  	v10 =	vld [tilespmem:s4+$0x6DF0];
	v14 =	vadd.s32 v1, v4;
	[tilespmem:s25+$0x171C0] =	vst v21  }
0x3d6: {  	s6 =	sadd.s32 $0x200, s6;
	v12 =	vadd.s32 v1, v5;
	[tilespmem:s25+$0x171D0] =	vst v22  }
0x3d7: {  	_ =	sdelay $0x2  }
0x3d8: {  	v15 =	vadd.s32 v1, v2;
	[tilespmem:s25+$0x171E0] =	vst v8  }
0x3d9: {  	v9 =	vadd.s32 v0, v9;
	v8 =	vld.idx.msk [tilespmem:v11+s3+$0x0], $0xffff  }
0x3da: {  	v3 =	vadd.s32 v0, v3;
	v13 =	vld.idx.msk [tilespmem:v13+s3+$0x0], $0xffff  }
0x3db: {  	v4 =	vadd.s32 v0, v4;
	v14 =	vld.idx.msk [tilespmem:v14+s3+$0x0], $0xffff  }
0x3dc: {  	v5 =	vadd.s32 v0, v5;
	v12 =	vld.idx.msk [tilespmem:v12+s3+$0x0], $0xffff  }
0x3dd: {  	v60 =	vadd.s32 v0, v2;
	v15 =	vld.idx.msk [tilespmem:v15+s3+$0x0], $0xffff  }
0x3de: {  	v57 =	vadd.s32 v1, v7;
	v9 =	vld.idx.msk [tilespmem:v9+s3+$0x0], $0xffff  }
0x3df: {  	v61 =	vadd.s32 v0, v7;
	v3 =	vld.idx.msk [tilespmem:v3+s3+$0x0], $0xffff  }
0x3e0: {  	v16 =	vadd.s32 v1, v6;
	v4 =	vld.idx.msk [tilespmem:v4+s3+$0x0], $0xffff  }
0x3e1: {  	v62 =	vadd.s32 v0, v6;
	v5 =	vld.idx.msk [tilespmem:v5+s3+$0x0], $0xffff  }
0x3e2: {  	v58 =	vadd.s32 v1, v10;
	v2 =	vld.idx.msk [tilespmem:v60+s3+$0x0], $0xffff  }
0x3e3: {  	v59 =	vadd.s32 v0, v10;
	v11 =	vld.idx.msk [tilespmem:v57+s3+$0x0], $0xffff  }
0x3e4: {  	v63 =	vld.idx.msk [tilespmem:v61+s3+$0x0], $0xffff  }
0x3e5: {  	v16 =	vld.idx.msk [tilespmem:v16+s3+$0x0], $0xffff  }
0x3e6: {  	v0 =	vld.idx.msk [tilespmem:v62+s3+$0x0], $0xffff  }
0x3e7: {  	v1 =	vld.idx.msk [tilespmem:v58+s3+$0x0], $0xffff  }
0x3e8: {  	v10 =	vld.idx.msk [tilespmem:v59+s3+$0x0], $0xffff;
	[tilespmem:s4+$0x13D80] =	vst v8  }
0x3e9: {  	[tilespmem:s4+$0x13D90] =	vst v13  }
0x3ea: {  	[tilespmem:s4+$0x13DA0] =	vst v14  }
0x3eb: {  	[tilespmem:s4+$0x13DB0] =	vst v12  }
0x3ec: {  	[tilespmem:s4+$0x13DC0] =	vst v15  }
0x3ed: {  	[tilespmem:s4+$0x17180] =	vst v9  }
0x3ee: {  	[tilespmem:s4+$0x17190] =	vst v3  }
0x3ef: {  	[tilespmem:s4+$0x171A0] =	vst v4  }
0x3f0: {  	[tilespmem:s4+$0x171B0] =	vst v5  }
0x3f1: {  	[tilespmem:s4+$0x171C0] =	vst v2  }
0x3f2: {  	[tilespmem:s4+$0x13DD0] =	vst v11  }
0x3f3: {  	s6 =	smul.u32 $0x190000, s24;
	[tilespmem:s4+$0x171D0] =	vst v63  }
0x3f4: {  	s23 =	sadd.s32 $0x1, s23;
	[tilespmem:s4+$0x13DE0] =	vst v16  }
0x3f5: {  	p0 =	sne.s32 s23, $0x10;
	s6 =	sadd.s32 s6, s16;
	[tilespmem:s4+$0x171E0] =	vst v0  }
.Ltmp14:
0x3f6: {  	s6 =	sshrl.u32 s6, $0x3;
	[tilespmem:s4+$0x171F0] =	vst v10;
	(pc) =	sbr.rel @p0 .LBB2_26-.Ltmp14, $4  }
0x3f7: {  	s25 =	sadd.s32 s1, s6;
	[tilespmem:s4+$0x13DF0] =	vst v1  }
0x3f8: {  	[hbm4b:s25+s21] =	stream.strided.scatter [tilespmem:s29], [sflag:$0x2], $0x3400, s22, s21, $0x38;
	[tilespmem:$0x1A580] =	vst v63  }
0x3f9: {  	s4 =	sadd.s32 $0x19000, s25  }
0x3fa: {  	[hbm4b:s4+s21] =	stream.strided.scatter [tilespmem:s30], [sflag:$0x2], $0x3400, s22, s21, $0x38;
	[tilespmem:$0x1A580] =	vst v63  }
0x3fb: {  	_ =	swait.ge [sflag:s31], $0x6800  }
0x3fc: {  	[sflag:s31] =	ssyncset.done $0x0  }
0x3fd: {  	[sflag:s31] =	ssyncadd.s32 $0xFFFF9800  }
0x3fe: {  	_ =	swait.ge [sflag:s0], $0x6800  }
0x3ff: {  	[sflag:s0] =	ssyncset.done $0x0  }
0x400: {  	s23 =	simm.s32 $0x0;
	[sflag:s0] =	ssyncadd.s32 $0xFFFF9800  }
.LBB2_32:
0x401: {  	p0 =	seq.s32 s23, $0x0  }
0x402: {  	s4 =	simm.s32 @!p0 $0x1  }
0x403: {  	_ =	swait.ge @!p0 [sflag:s4], $0x6800  }
0x404: {  	[sflag:s4] =	ssyncset.done @!p0 $0x0  }
0x405: {  	s24 =	simm.s32 $0x0;
	[sflag:s4] =	ssyncadd.s32 @!p0 $0xFFFF9800  }
0x406: {  	v2 =	vld [tilespmem:s24+$0xA180]  }
0x407: {  	v3 =	vld [tilespmem:s24+$0xA190]  }
0x408: {  	s25 =	sshll.u32 s23, $0x9;
	v4 =	vld [tilespmem:s24+$0xA1A0]  }
0x409: {  	s6 =	sadd.s32 $0x1900, s25;
	v5 =	vld [tilespmem:s24+$0xA1B0]  }
0x40a: {  	v1 =	vmov s6;
	v6 =	vld [tilespmem:s24+$0xA1C0]  }
0x40b: {  	v7 =	vld [tilespmem:s24+$0xA1D0];
	v0 =	vadd.s32 v1, v2  }
0x40c: {  	v8 =	vld [tilespmem:s24+$0xA1E0];
	v9 =	vadd.s32 v1, v3  }
0x40d: {  	v10 =	vld [tilespmem:s24+$0xA1F0];
	v11 =	vadd.s32 v1, v4  }
0x40e: {  	v12 =	vadd.s32 v1, v5  }
0x40f: {  	v13 =	vadd.s32 v1, v6  }
0x410: {  	v15 =	vadd.s32 v1, v7;
	v14 =	vld.idx.msk [tilespmem:v0+s3+$0x0], $0xffff  }
0x411: {  	s4 =	sadd.s32 $0x1980, s25;
	v16 =	vadd.s32 v1, v8;
	v9 =	vld.idx.msk [tilespmem:v9+s3+$0x0], $0xffff  }
0x412: {  	v17 =	vadd.s32 v1, v10;
	v0 =	vmov s4;
	v11 =	vld.idx.msk [tilespmem:v11+s3+$0x0], $0xffff  }
0x413: {  	v12 =	vld.idx.msk [tilespmem:v12+s3+$0x0], $0xffff;
	v2 =	vadd.s32 v0, v2  }
0x414: {  	v13 =	vld.idx.msk [tilespmem:v13+s3+$0x0], $0xffff;
	v10 =	vadd.s32 v0, v10  }
0x415: {  	v15 =	vld.idx.msk [tilespmem:v15+s3+$0x0], $0xffff;
	v3 =	vadd.s32 v0, v3  }
0x416: {  	v16 =	vld.idx.msk [tilespmem:v16+s3+$0x0], $0xffff;
	v4 =	vadd.s32 v0, v4  }
0x417: {  	v17 =	vld.idx.msk [tilespmem:v17+s3+$0x0], $0xffff;
	v5 =	vadd.s32 v0, v5  }
0x418: {  	v6 =	vadd.s32 v0, v6;
	v2 =	vld.idx.msk [tilespmem:v2+s3+$0x0], $0xffff  }
0x419: {  	v7 =	vadd.s32 v0, v7;
	v10 =	vld.idx.msk [tilespmem:v10+s3+$0x0], $0xffff  }
0x41a: {  	v18 =	vld.idx.msk [tilespmem:v3+s3+$0x0], $0xffff;
	v3 =	vadd.s32 v0, v8  }
0x41b: {  	v19 =	vld.idx.msk [tilespmem:v4+s3+$0x0], $0xffff  }
0x41c: {  	v20 =	vld.idx.msk [tilespmem:v5+s3+$0x0], $0xffff  }
0x41d: {  	v21 =	vld.idx.msk [tilespmem:v6+s3+$0x0], $0xffff  }
0x41e: {  	v22 =	vld.idx.msk [tilespmem:v7+s3+$0x0], $0xffff  }
0x41f: {  	v8 =	vld.idx.msk [tilespmem:v3+s3+$0x0], $0xffff;
	[tilespmem:s24+$0x109F0] =	vst v10  }
0x420: {  	[tilespmem:s24+$0xD580] =	vst v14  }
0x421: {  	[tilespmem:s24+$0xD590] =	vst v9  }
0x422: {  	[tilespmem:s24+$0xD5A0] =	vst v11  }
0x423: {  	[tilespmem:s24+$0xD5B0] =	vst v12  }
0x424: {  	s25 =	simm.s32 $0x80;
	[tilespmem:s24+$0xD5C0] =	vst v13  }
0x425: {  	v9 =	vld [tilespmem:s25+$0xA180];
	[tilespmem:s24+$0xD5D0] =	vst v15  }
0x426: {  	v3 =	vld [tilespmem:s25+$0xA190];
	[tilespmem:s24+$0xD5E0] =	vst v16  }
0x427: {  	v4 =	vld [tilespmem:s25+$0xA1A0];
	[tilespmem:s24+$0xD5F0] =	vst v17  }
0x428: {  	v5 =	vld [tilespmem:s25+$0xA1B0];
	[tilespmem:s24+$0x10980] =	vst v2  }
0x429: {  	v2 =	vld [tilespmem:s25+$0xA1C0];
	[tilespmem:s24+$0x10990] =	vst v18  }
0x42a: {  	v7 =	vld [tilespmem:s25+$0xA1D0];
	[tilespmem:s24+$0x109A0] =	vst v19;
	v11 =	vadd.s32 v1, v9  }
0x42b: {  	v6 =	vld [tilespmem:s25+$0xA1E0];
	[tilespmem:s24+$0x109B0] =	vst v20;
	v13 =	vadd.s32 v1, v3  }
0x42c: {  	v10 =	vld [tilespmem:s25+$0xA1F0];
	[tilespmem:s24+$0x109C0] =	vst v21;
	v14 =	vadd.s32 v1, v4  }
0x42d: {  	s6 =	simm.s32 $0x400;
	s4 =	sshll.u32 s23, $0x1;
	[tilespmem:s24+$0x109D0] =	vst v22;
	v12 =	vadd.s32 v1, v5  }
.LBB2_33:
0x42e: {  	p1 =	sne.s32 s6, $0xCE00;
	v15 =	vadd.s32 v1, v2;
	[tilespmem:s24+$0x109E0] =	vst v8;
	s24 =	smov.u32 s25  }
0x42f: {  	v11 =	vld.idx.msk [tilespmem:v11+s3+$0x0], $0xffff;
	v8 =	vadd.s32 v1, v7  }
0x430: {  	v13 =	vld.idx.msk [tilespmem:v13+s3+$0x0], $0xffff;
	v16 =	vadd.s32 v1, v6  }
0x431: {  	v14 =	vld.idx.msk [tilespmem:v14+s3+$0x0], $0xffff;
	v17 =	vadd.s32 v1, v10  }
0x432: {  	v9 =	vadd.s32 v0, v9;
	v12 =	vld.idx.msk [tilespmem:v12+s3+$0x0], $0xffff  }
0x433: {  	v10 =	vadd.s32 v0, v10;
	v15 =	vld.idx.msk [tilespmem:v15+s3+$0x0], $0xffff  }
0x434: {  	v3 =	vadd.s32 v0, v3;
	v18 =	vld.idx.msk [tilespmem:v8+s3+$0x0], $0xffff  }
0x435: {  	v4 =	vadd.s32 v0, v4;
	v16 =	vld.idx.msk [tilespmem:v16+s3+$0x0], $0xffff  }
0x436: {  	v5 =	vadd.s32 v0, v5;
	v17 =	vld.idx.msk [tilespmem:v17+s3+$0x0], $0xffff  }
0x437: {  	v2 =	vadd.s32 v0, v2;
	v19 =	vld.idx.msk [tilespmem:v9+s3+$0x0], $0xffff  }
0x438: {  	v7 =	vadd.s32 v0, v7;
	v9 =	vld.idx.msk [tilespmem:v10+s3+$0x0], $0xffff  }
0x439: {  	v10 =	vld.idx.msk [tilespmem:v3+s3+$0x0], $0xffff;
	v3 =	vadd.s32 v0, v6  }
0x43a: {  	v6 =	vld.idx.msk [tilespmem:v4+s3+$0x0], $0xffff  }
0x43b: {  	v20 =	vld.idx.msk [tilespmem:v5+s3+$0x0], $0xffff  }
0x43c: {  	v21 =	vld.idx.msk [tilespmem:v2+s3+$0x0], $0xffff  }
0x43d: {  	v22 =	vld.idx.msk [tilespmem:v7+s3+$0x0], $0xffff  }
0x43e: {  	v8 =	vld.idx.msk [tilespmem:v3+s3+$0x0], $0xffff;
	[tilespmem:s24+$0x109F0] =	vst v9  }
0x43f: {  	[tilespmem:s24+$0xD580] =	vst v11  }
0x440: {  	[tilespmem:s24+$0xD590] =	vst v13  }
0x441: {  	[tilespmem:s24+$0xD5A0] =	vst v14  }
0x442: {  	[tilespmem:s24+$0xD5B0] =	vst v12  }
0x443: {  	s25 =	sshra.s32 s6, $0x2;
	[tilespmem:s24+$0xD5C0] =	vst v15  }
0x444: {  	v9 =	vld [tilespmem:s25+$0xA180];
	[tilespmem:s24+$0xD5D0] =	vst v18  }
0x445: {  	v3 =	vld [tilespmem:s25+$0xA190];
	[tilespmem:s24+$0xD5E0] =	vst v16  }
0x446: {  	v4 =	vld [tilespmem:s25+$0xA1A0];
	[tilespmem:s24+$0xD5F0] =	vst v17  }
0x447: {  	v5 =	vld [tilespmem:s25+$0xA1B0];
	[tilespmem:s24+$0x10980] =	vst v19  }
.Ltmp15:
0x448: {  	v2 =	vld [tilespmem:s25+$0xA1C0];
	[tilespmem:s24+$0x10990] =	vst v10;
	(pc) =	sbr.rel @p1 .LBB2_33-.Ltmp15, $4  }
0x449: {  	v7 =	vld [tilespmem:s25+$0xA1D0];
	v11 =	vadd.s32 v1, v9;
	[tilespmem:s24+$0x109A0] =	vst v6  }
0x44a: {  	v6 =	vld [tilespmem:s25+$0xA1E0];
	v13 =	vadd.s32 v1, v3;
	[tilespmem:s24+$0x109B0] =	vst v20  }
0x44b: {  	v10 =	vld [tilespmem:s25+$0xA1F0];
	v14 =	vadd.s32 v1, v4;
	[tilespmem:s24+$0x109C0] =	vst v21  }
0x44c: {  	s6 =	sadd.s32 $0x200, s6;
	v12 =	vadd.s32 v1, v5;
	[tilespmem:s24+$0x109D0] =	vst v22  }
0x44d: {  	_ =	sdelay $0x2  }
0x44e: {  	v15 =	vadd.s32 v1, v2;
	[tilespmem:s24+$0x109E0] =	vst v8  }
0x44f: {  	v9 =	vadd.s32 v0, v9;
	v8 =	vld.idx.msk [tilespmem:v11+s3+$0x0], $0xffff  }
0x450: {  	v3 =	vadd.s32 v0, v3;
	v13 =	vld.idx.msk [tilespmem:v13+s3+$0x0], $0xffff  }
0x451: {  	v4 =	vadd.s32 v0, v4;
	v14 =	vld.idx.msk [tilespmem:v14+s3+$0x0], $0xffff  }
0x452: {  	v5 =	vadd.s32 v0, v5;
	v12 =	vld.idx.msk [tilespmem:v12+s3+$0x0], $0xffff  }
0x453: {  	v2 =	vadd.s32 v0, v2;
	v15 =	vld.idx.msk [tilespmem:v15+s3+$0x0], $0xffff  }
0x454: {  	v11 =	vadd.s32 v1, v7;
	v9 =	vld.idx.msk [tilespmem:v9+s3+$0x0], $0xffff  }
0x455: {  	v7 =	vadd.s32 v0, v7;
	v3 =	vld.idx.msk [tilespmem:v3+s3+$0x0], $0xffff  }
0x456: {  	v16 =	vadd.s32 v1, v6;
	v4 =	vld.idx.msk [tilespmem:v4+s3+$0x0], $0xffff  }
0x457: {  	v1 =	vadd.s32 v1, v10;
	v5 =	vld.idx.msk [tilespmem:v5+s3+$0x0], $0xffff  }
0x458: {  	v10 =	vadd.s32 v0, v10;
	v2 =	vld.idx.msk [tilespmem:v2+s3+$0x0], $0xffff  }
0x459: {  	v0 =	vadd.s32 v0, v6;
	v11 =	vld.idx.msk [tilespmem:v11+s3+$0x0], $0xffff  }
0x45a: {  	v6 =	vld.idx.msk [tilespmem:v7+s3+$0x0], $0xffff  }
0x45b: {  	v16 =	vld.idx.msk [tilespmem:v16+s3+$0x0], $0xffff  }
0x45c: {  	v1 =	vld.idx.msk [tilespmem:v1+s3+$0x0], $0xffff  }
0x45d: {  	v10 =	vld.idx.msk [tilespmem:v10+s3+$0x0], $0xffff  }
0x45e: {  	v0 =	vld.idx.msk [tilespmem:v0+s3+$0x0], $0xffff;
	[tilespmem:s25+$0xD580] =	vst v8  }
0x45f: {  	[tilespmem:s25+$0xD590] =	vst v13  }
0x460: {  	[tilespmem:s25+$0xD5A0] =	vst v14  }
0x461: {  	[tilespmem:s25+$0xD5B0] =	vst v12  }
0x462: {  	[tilespmem:s25+$0xD5C0] =	vst v15  }
0x463: {  	[tilespmem:s25+$0x10980] =	vst v9  }
0x464: {  	[tilespmem:s25+$0x10990] =	vst v3  }
0x465: {  	[tilespmem:s25+$0x109A0] =	vst v4  }
0x466: {  	[tilespmem:s25+$0x109B0] =	vst v5  }
0x467: {  	[tilespmem:s25+$0x109C0] =	vst v2  }
0x468: {  	[tilespmem:s25+$0xD5D0] =	vst v11  }
0x469: {  	s6 =	smul.u32 $0x320000, s23;
	[tilespmem:s25+$0x109D0] =	vst v6  }
0x46a: {  	[tilespmem:s25+$0xD5E0] =	vst v16  }
0x46b: {  	s6 =	sadd.s32 s6, s17;
	[tilespmem:s25+$0x109F0] =	vst v10  }
0x46c: {  	s6 =	sshrl.u32 s6, $0x3;
	[tilespmem:s25+$0xD5F0] =	vst v1  }
0x46d: {  	s6 =	sadd.s32 s1, s6;
	[tilespmem:s25+$0x109E0] =	vst v0  }
0x46e: {  	[hbm4b:s6+s21] =	stream.strided.scatter [tilespmem:s26], [sflag:$0x1], $0x3400, s22, s21, $0x38;
	[tilespmem:$0x1A580] =	vst v63  }
0x46f: {  	s6 =	sadd.s32 $0x19000, s6  }
0x470: {  	[hbm4b:s6+s21] =	stream.strided.scatter [tilespmem:s28], [sflag:$0x1], $0x3400, s22, s21, $0x38;
	[tilespmem:$0x1A580] =	vst v63  }
0x471: {  	s6 =	simm.s32 @!p0 $0x2  }
0x472: {  	_ =	swait.ge @!p0 [sflag:s6], $0x6800  }
0x473: {  	[sflag:s6] =	ssyncset.done @!p0 $0x0  }
0x474: {  	s25 =	simm.s32 $0x0;
	[sflag:s6] =	ssyncadd.s32 @!p0 $0xFFFF9800  }
0x475: {  	v2 =	vld [tilespmem:s25+$0xA180]  }
0x476: {  	s24 =	sor.u32 $0x1, s4;
	v3 =	vld [tilespmem:s25+$0xA190]  }
0x477: {  	s4 =	sshll.u32 s24, $0x8;
	v4 =	vld [tilespmem:s25+$0xA1A0]  }
0x478: {  	s6 =	sadd.s32 $0x1900, s4;
	v5 =	vld [tilespmem:s25+$0xA1B0]  }
0x479: {  	v1 =	vmov s6;
	v6 =	vld [tilespmem:s25+$0xA1C0]  }
0x47a: {  	v7 =	vld [tilespmem:s25+$0xA1D0];
	v0 =	vadd.s32 v1, v2  }
0x47b: {  	v8 =	vld [tilespmem:s25+$0xA1E0];
	v9 =	vadd.s32 v1, v3  }
0x47c: {  	v10 =	vld [tilespmem:s25+$0xA1F0];
	v11 =	vadd.s32 v1, v4  }
0x47d: {  	v12 =	vadd.s32 v1, v5  }
0x47e: {  	v13 =	vadd.s32 v1, v6  }
0x47f: {  	v15 =	vadd.s32 v1, v7;
	v14 =	vld.idx.msk [tilespmem:v0+s3+$0x0], $0xffff  }
0x480: {  	s4 =	sadd.s32 $0x1980, s4;
	v63 =	vadd.s32 v1, v8;
	v9 =	vld.idx.msk [tilespmem:v9+s3+$0x0], $0xffff  }
0x481: {  	v17 =	vadd.s32 v1, v10;
	v0 =	vmov s4;
	v11 =	vld.idx.msk [tilespmem:v11+s3+$0x0], $0xffff  }
0x482: {  	v12 =	vld.idx.msk [tilespmem:v12+s3+$0x0], $0xffff;
	v2 =	vadd.s32 v0, v2  }
0x483: {  	v13 =	vld.idx.msk [tilespmem:v13+s3+$0x0], $0xffff;
	v10 =	vadd.s32 v0, v10  }
0x484: {  	v15 =	vld.idx.msk [tilespmem:v15+s3+$0x0], $0xffff;
	v3 =	vadd.s32 v0, v3  }
0x485: {  	v16 =	vld.idx.msk [tilespmem:v63+s3+$0x0], $0xffff;
	v4 =	vadd.s32 v0, v4  }
0x486: {  	v17 =	vld.idx.msk [tilespmem:v17+s3+$0x0], $0xffff;
	v5 =	vadd.s32 v0, v5  }
0x487: {  	v6 =	vadd.s32 v0, v6;
	v2 =	vld.idx.msk [tilespmem:v2+s3+$0x0], $0xffff  }
0x488: {  	v7 =	vadd.s32 v0, v7;
	v10 =	vld.idx.msk [tilespmem:v10+s3+$0x0], $0xffff  }
0x489: {  	v18 =	vld.idx.msk [tilespmem:v3+s3+$0x0], $0xffff;
	v3 =	vadd.s32 v0, v8  }
0x48a: {  	v19 =	vld.idx.msk [tilespmem:v4+s3+$0x0], $0xffff  }
0x48b: {  	v20 =	vld.idx.msk [tilespmem:v5+s3+$0x0], $0xffff  }
0x48c: {  	v21 =	vld.idx.msk [tilespmem:v6+s3+$0x0], $0xffff  }
0x48d: {  	v22 =	vld.idx.msk [tilespmem:v7+s3+$0x0], $0xffff  }
0x48e: {  	v8 =	vld.idx.msk [tilespmem:v3+s3+$0x0], $0xffff;
	[tilespmem:s25+$0x171F0] =	vst v10  }
0x48f: {  	[tilespmem:s25+$0x13D80] =	vst v14  }
0x490: {  	[tilespmem:s25+$0x13D90] =	vst v9  }
0x491: {  	[tilespmem:s25+$0x13DA0] =	vst v11  }
0x492: {  	[tilespmem:s25+$0x13DB0] =	vst v12  }
0x493: {  	s4 =	simm.s32 $0x80;
	[tilespmem:s25+$0x13DC0] =	vst v13  }
0x494: {  	v9 =	vld [tilespmem:s4+$0xA180];
	[tilespmem:s25+$0x13DD0] =	vst v15  }
0x495: {  	v3 =	vld [tilespmem:s4+$0xA190];
	[tilespmem:s25+$0x13DE0] =	vst v16  }
0x496: {  	v4 =	vld [tilespmem:s4+$0xA1A0];
	[tilespmem:s25+$0x13DF0] =	vst v17  }
0x497: {  	v5 =	vld [tilespmem:s4+$0xA1B0];
	[tilespmem:s25+$0x17180] =	vst v2  }
0x498: {  	v2 =	vld [tilespmem:s4+$0xA1C0];
	[tilespmem:s25+$0x17190] =	vst v18  }
0x499: {  	v7 =	vld [tilespmem:s4+$0xA1D0];
	[tilespmem:s25+$0x171A0] =	vst v19;
	v11 =	vadd.s32 v1, v9  }
0x49a: {  	v6 =	vld [tilespmem:s4+$0xA1E0];
	[tilespmem:s25+$0x171B0] =	vst v20;
	v13 =	vadd.s32 v1, v3  }
0x49b: {  	v10 =	vld [tilespmem:s4+$0xA1F0];
	[tilespmem:s25+$0x171C0] =	vst v21;
	v14 =	vadd.s32 v1, v4  }
0x49c: {  	s6 =	simm.s32 $0x400;
	[tilespmem:s25+$0x171D0] =	vst v22;
	v12 =	vadd.s32 v1, v5  }
.LBB2_35:
0x49d: {  	p0 =	sne.s32 s6, $0xCE00;
	v15 =	vadd.s32 v1, v2;
	[tilespmem:s25+$0x171E0] =	vst v8;
	s25 =	smov.u32 s4  }
0x49e: {  	v11 =	vld.idx.msk [tilespmem:v11+s3+$0x0], $0xffff;
	v8 =	vadd.s32 v1, v7  }
0x49f: {  	v13 =	vld.idx.msk [tilespmem:v13+s3+$0x0], $0xffff;
	v16 =	vadd.s32 v1, v6  }
0x4a0: {  	v14 =	vld.idx.msk [tilespmem:v14+s3+$0x0], $0xffff;
	v17 =	vadd.s32 v1, v10  }
0x4a1: {  	v9 =	vadd.s32 v0, v9;
	v12 =	vld.idx.msk [tilespmem:v12+s3+$0x0], $0xffff  }
0x4a2: {  	v10 =	vadd.s32 v0, v10;
	v15 =	vld.idx.msk [tilespmem:v15+s3+$0x0], $0xffff  }
0x4a3: {  	v3 =	vadd.s32 v0, v3;
	v18 =	vld.idx.msk [tilespmem:v8+s3+$0x0], $0xffff  }
0x4a4: {  	v4 =	vadd.s32 v0, v4;
	v16 =	vld.idx.msk [tilespmem:v16+s3+$0x0], $0xffff  }
0x4a5: {  	v5 =	vadd.s32 v0, v5;
	v17 =	vld.idx.msk [tilespmem:v17+s3+$0x0], $0xffff  }
0x4a6: {  	v2 =	vadd.s32 v0, v2;
	v19 =	vld.idx.msk [tilespmem:v9+s3+$0x0], $0xffff  }
0x4a7: {  	v7 =	vadd.s32 v0, v7;
	v9 =	vld.idx.msk [tilespmem:v10+s3+$0x0], $0xffff  }
0x4a8: {  	v10 =	vld.idx.msk [tilespmem:v3+s3+$0x0], $0xffff;
	v3 =	vadd.s32 v0, v6  }
0x4a9: {  	v6 =	vld.idx.msk [tilespmem:v4+s3+$0x0], $0xffff  }
0x4aa: {  	v20 =	vld.idx.msk [tilespmem:v5+s3+$0x0], $0xffff  }
0x4ab: {  	v21 =	vld.idx.msk [tilespmem:v2+s3+$0x0], $0xffff  }
0x4ac: {  	v22 =	vld.idx.msk [tilespmem:v7+s3+$0x0], $0xffff  }
0x4ad: {  	v8 =	vld.idx.msk [tilespmem:v3+s3+$0x0], $0xffff;
	[tilespmem:s25+$0x171F0] =	vst v9  }
0x4ae: {  	[tilespmem:s25+$0x13D80] =	vst v11  }
0x4af: {  	[tilespmem:s25+$0x13D90] =	vst v13  }
0x4b0: {  	[tilespmem:s25+$0x13DA0] =	vst v14  }
0x4b1: {  	[tilespmem:s25+$0x13DB0] =	vst v12  }
0x4b2: {  	s4 =	sshra.s32 s6, $0x2;
	[tilespmem:s25+$0x13DC0] =	vst v15  }
0x4b3: {  	v9 =	vld [tilespmem:s4+$0xA180];
	[tilespmem:s25+$0x13DD0] =	vst v18  }
0x4b4: {  	v3 =	vld [tilespmem:s4+$0xA190];
	[tilespmem:s25+$0x13DE0] =	vst v16  }
0x4b5: {  	v4 =	vld [tilespmem:s4+$0xA1A0];
	[tilespmem:s25+$0x13DF0] =	vst v17  }
0x4b6: {  	v5 =	vld [tilespmem:s4+$0xA1B0];
	[tilespmem:s25+$0x17180] =	vst v19  }
.Ltmp16:
0x4b7: {  	v2 =	vld [tilespmem:s4+$0xA1C0];
	[tilespmem:s25+$0x17190] =	vst v10;
	(pc) =	sbr.rel @p0 .LBB2_35-.Ltmp16, $4  }
0x4b8: {  	v7 =	vld [tilespmem:s4+$0xA1D0];
	v11 =	vadd.s32 v1, v9;
	[tilespmem:s25+$0x171A0] =	vst v6  }
0x4b9: {  	v6 =	vld [tilespmem:s4+$0xA1E0];
	v13 =	vadd.s32 v1, v3;
	[tilespmem:s25+$0x171B0] =	vst v20  }
0x4ba: {  	v10 =	vld [tilespmem:s4+$0xA1F0];
	v14 =	vadd.s32 v1, v4;
	[tilespmem:s25+$0x171C0] =	vst v21  }
0x4bb: {  	s6 =	sadd.s32 $0x200, s6;
	v12 =	vadd.s32 v1, v5;
	[tilespmem:s25+$0x171D0] =	vst v22  }
0x4bc: {  	_ =	sdelay $0x2  }
0x4bd: {  	v15 =	vadd.s32 v1, v2;
	[tilespmem:s25+$0x171E0] =	vst v8  }
0x4be: {  	v9 =	vadd.s32 v0, v9;
	v8 =	vld.idx.msk [tilespmem:v11+s3+$0x0], $0xffff  }
0x4bf: {  	v3 =	vadd.s32 v0, v3;
	v13 =	vld.idx.msk [tilespmem:v13+s3+$0x0], $0xffff  }
0x4c0: {  	v4 =	vadd.s32 v0, v4;
	v14 =	vld.idx.msk [tilespmem:v14+s3+$0x0], $0xffff  }
0x4c1: {  	v5 =	vadd.s32 v0, v5;
	v12 =	vld.idx.msk [tilespmem:v12+s3+$0x0], $0xffff  }
0x4c2: {  	v60 =	vadd.s32 v0, v2;
	v15 =	vld.idx.msk [tilespmem:v15+s3+$0x0], $0xffff  }
0x4c3: {  	v57 =	vadd.s32 v1, v7;
	v9 =	vld.idx.msk [tilespmem:v9+s3+$0x0], $0xffff  }
0x4c4: {  	v61 =	vadd.s32 v0, v7;
	v3 =	vld.idx.msk [tilespmem:v3+s3+$0x0], $0xffff  }
0x4c5: {  	v16 =	vadd.s32 v1, v6;
	v4 =	vld.idx.msk [tilespmem:v4+s3+$0x0], $0xffff  }
0x4c6: {  	v62 =	vadd.s32 v0, v6;
	v5 =	vld.idx.msk [tilespmem:v5+s3+$0x0], $0xffff  }
0x4c7: {  	v58 =	vadd.s32 v1, v10;
	v2 =	vld.idx.msk [tilespmem:v60+s3+$0x0], $0xffff  }
0x4c8: {  	v59 =	vadd.s32 v0, v10;
	v11 =	vld.idx.msk [tilespmem:v57+s3+$0x0], $0xffff  }
0x4c9: {  	v63 =	vld.idx.msk [tilespmem:v61+s3+$0x0], $0xffff  }
0x4ca: {  	v16 =	vld.idx.msk [tilespmem:v16+s3+$0x0], $0xffff  }
0x4cb: {  	v0 =	vld.idx.msk [tilespmem:v62+s3+$0x0], $0xffff  }
0x4cc: {  	v1 =	vld.idx.msk [tilespmem:v58+s3+$0x0], $0xffff  }
0x4cd: {  	v10 =	vld.idx.msk [tilespmem:v59+s3+$0x0], $0xffff;
	[tilespmem:s4+$0x13D80] =	vst v8  }
0x4ce: {  	[tilespmem:s4+$0x13D90] =	vst v13  }
0x4cf: {  	[tilespmem:s4+$0x13DA0] =	vst v14  }
0x4d0: {  	[tilespmem:s4+$0x13DB0] =	vst v12  }
0x4d1: {  	[tilespmem:s4+$0x13DC0] =	vst v15  }
0x4d2: {  	[tilespmem:s4+$0x17180] =	vst v9  }
0x4d3: {  	[tilespmem:s4+$0x17190] =	vst v3  }
0x4d4: {  	[tilespmem:s4+$0x171A0] =	vst v4  }
0x4d5: {  	[tilespmem:s4+$0x171B0] =	vst v5  }
0x4d6: {  	[tilespmem:s4+$0x171C0] =	vst v2  }
0x4d7: {  	[tilespmem:s4+$0x13DD0] =	vst v11  }
0x4d8: {  	s6 =	smul.u32 $0x190000, s24;
	[tilespmem:s4+$0x171D0] =	vst v63  }
0x4d9: {  	s23 =	sadd.s32 $0x1, s23;
	[tilespmem:s4+$0x13DE0] =	vst v16  }
0x4da: {  	p0 =	sne.s32 s23, $0x10;
	s6 =	sadd.s32 s6, s17;
	[tilespmem:s4+$0x171E0] =	vst v0  }
.Ltmp17:
0x4db: {  	s6 =	sshrl.u32 s6, $0x3;
	[tilespmem:s4+$0x171F0] =	vst v10;
	(pc) =	sbr.rel @p0 .LBB2_32-.Ltmp17, $4  }
0x4dc: {  	s25 =	sadd.s32 s1, s6;
	[tilespmem:s4+$0x13DF0] =	vst v1  }
0x4dd: {  	[hbm4b:s25+s21] =	stream.strided.scatter [tilespmem:s29], [sflag:$0x2], $0x3400, s22, s21, $0x38;
	[tilespmem:$0x1A580] =	vst v63  }
0x4de: {  	s4 =	sadd.s32 $0x19000, s25  }
0x4df: {  	[hbm4b:s4+s21] =	stream.strided.scatter [tilespmem:s30], [sflag:$0x2], $0x3400, s22, s21, $0x38;
	[tilespmem:$0x1A580] =	vst v63  }
0x4e0: {  	s2 =	sadd.s32 $0x1, s2  }
0x4e1: {  	_ =	swait.ge [sflag:s31], $0x6800;
	p0 =	sne.s32 s2, s18  }
.Ltmp18:
0x4e2: {  	[sflag:s31] =	ssyncset.done $0x0;
	(pc) =	sbr.rel @p0 .LBB2_1-.Ltmp18, $4  }
0x4e3: {  	[sflag:s31] =	ssyncadd.s32 $0xFFFF9800  }
0x4e4: {  	_ =	swait.ge [sflag:s0], $0x6800  }
0x4e5: {  	[sflag:s0] =	ssyncset.done $0x0  }
0x4e6: {  	[sflag:s0] =	ssyncadd.s32 $0xFFFF9800  }
0x4e7: {  	_ =	sfence.sel $0x180000  }
0x4e8: {  	[bflag:$0x0] =	sbarrier.arrive $0xFFFF  }
0x4e9: {  	_ =	strace $0x90000047  }
0x4ea: {  	s0 =	stileid.u32;
	[bflag:$0x2] =	sbarrier.arrive $0xFFFF  }
0x4eb: {  	p0 =	sne.s32 s0, $0x0;
	s0 =	rddreg [dreg:$0x5]  }
0x4ec: {  	s0 =	sadd.s32 @!p0 $0x100000, s0  }
0x4ed: {  	[sflag:s0] =	ssyncadd.tile.s32 @!p0 $0x1;
	_ =	shalt  }
.Lfunc_end2:
_tile_overlayer_lowered:
.L_overlay_start_2:
0x4ee: {  	(tag) =	ssettag $0x2  }
0x4ef: {  	s0 =	rddreg [dreg:$0x0];
	s2 =	stileid.u32  }
0x4f0: {  	s1 =	rddreg [dreg:$0x1];
	p0 =	sne.s32 s2, $0x0  }
0x4f1: {  	s3 =	rddreg [dreg:$0x2];
	[bflag:$0x3] =	sbarrier.arrive $0xFFFF;
	s2 =	simm.s32 @!p0 $0x1C03  }
0x4f2: {  	[timem:s3], [sflag:s2] =	dma.local @!p0 [hbm:s0], s1  }
0x4f3: {  	s0 =	simm.s32 @!p0 $0x3  }
0x4f4: {  	_ =	swait.ge @!p0 [sflag:s0], s1  }
0x4f5: {  	s1 =	ssub.s32 @!p0 $0x0, s1;
	[sflag:s0] =	ssyncset.done @!p0 $0x0  }
0x4f6: {  	[sflag:s0] =	ssyncadd.s32 @!p0 s1  }
0x4f7: {  	[bflag:$0x3] =	sbarrier.arrive $0xFFFF  }
0x4f8: {  	_ =	shalt  }

</sc_bundles>
